<compile_context>
chip_gen: v7x
topology: tpu7x:2x2x1
jax: 0.10.2.dev20260603
libtpu: 0.0.44.dev20260713+nightly
codegen_flags: <defaults>
</compile_context>

<pallas_src>
import functools

import jax
import jax.numpy as jnp
from jax import lax
from jax.experimental import pallas as pl
from jax.experimental.pallas import tpu as pltpu
from jax.experimental.pallas import tpu_sc as plsc

N_NODES = 10000
IN_DIM = 128
H = 4
DH = 32
NEG_SLOPE = 0.2
N_EDGES = 320000

BLK = 128
NBLK = N_EDGES // BLK
NUM_WORKERS = 32
BASE_BLOCKS = NBLK // NUM_WORKERS
EXTRA_TILES = NBLK - BASE_BLOCKS * NUM_WORKERS
CB = 13
NUM_CHUNKS = BASE_BLOCKS // CB

ROW_BLOCK = 2048


def _tc_body(hs_ref, hd_ref, wq_ref, wk_ref, a_ref, elr_ref):
    rows_q = []
    rows_k = []
    for h in range(H):
        al = a_ref[h:h + 1, :DH]
        ar = a_ref[h:h + 1, DH:]
        rows_q.append(jnp.dot(al, wq_ref[h * DH:(h + 1) * DH, :],
                              preferred_element_type=jnp.float32))
        rows_k.append(jnp.dot(ar, wk_ref[h * DH:(h + 1) * DH, :],
                              preferred_element_type=jnp.float32))
    cqt = jnp.concatenate(rows_q, axis=0)
    ckt = jnp.concatenate(rows_k, axis=0)
    elr_ref[:H, :] = lax.dot_general(cqt, hs_ref[...],
                                     (((1,), (1,)), ((), ())),
                                     preferred_element_type=jnp.float32)
    elr_ref[H:, :] = lax.dot_general(ckt, hd_ref[...],
                                     (((1,), (1,)), ((), ())),
                                     preferred_element_type=jnp.float32)


def _node_scores(h_src, h_dst, Wq, Wk, a):
    grid = (N_NODES + ROW_BLOCK - 1) // ROW_BLOCK
    return pl.pallas_call(
        _tc_body,
        grid=(grid,),
        in_specs=[
            pl.BlockSpec((ROW_BLOCK, IN_DIM), lambda i: (i, 0)),
            pl.BlockSpec((ROW_BLOCK, IN_DIM), lambda i: (i, 0)),
            pl.BlockSpec((IN_DIM, IN_DIM), lambda i: (0, 0)),
            pl.BlockSpec((IN_DIM, IN_DIM), lambda i: (0, 0)),
            pl.BlockSpec((H, 2 * DH), lambda i: (0, 0)),
        ],
        out_specs=pl.BlockSpec((2 * H, ROW_BLOCK), lambda i: (0, i)),
        out_shape=jax.ShapeDtypeStruct((2 * H, N_NODES), jnp.float32),
    )(h_src, h_dst, Wq, Wk, a)


_SC_MESH = plsc.VectorSubcoreMesh(core_axis_name="c", subcore_axis_name="s")


@functools.partial(
    pl.kernel,
    out_type=jax.ShapeDtypeStruct((N_EDGES * H,), jnp.float32),
    mesh=_SC_MESH,
    compiler_params=pltpu.CompilerParams(needs_layout_passes=False),
    scratch_types=[
        pltpu.VMEM((2 * H, N_NODES), jnp.float32),
        pltpu.VMEM((2, CB * BLK), jnp.int32),
        pltpu.VMEM((2, CB * BLK), jnp.int32),
        pltpu.VMEM((2, CB * H * BLK), jnp.float32),
        pltpu.VMEM((BLK,), jnp.int32),
        pltpu.VMEM((BLK,), jnp.int32),
        pltpu.VMEM((H * BLK,), jnp.float32),
        pltpu.SemaphoreType.DMA,
        pltpu.SemaphoreType.DMA,
        pltpu.SemaphoreType.DMA,
        pltpu.SemaphoreType.DMA,
        pltpu.SemaphoreType.DMA,
        pltpu.SemaphoreType.DMA,
        pltpu.SemaphoreType.DMA,
    ],
)
def _sc_gather(elr_hbm, ei_hbm, out_hbm, elr_v, src_v, dst_v,
               out_v, tsrc_v, tdst_v, tout_v, sem_tab, sem_i0, sem_i1,
               sem_o0, sem_o1, sem_ti, sem_to):
    cid = lax.axis_index("c")
    sid = lax.axis_index("s")
    wid = sid * 2 + cid
    start_blk = BASE_BLOCKS * wid + jnp.minimum(wid, EXTRA_TILES)

    t_tabs = []
    for i in range(2 * H):
        r = lax.rem(wid + i, 2 * H)
        t_tabs.append(pltpu.async_copy(elr_hbm.at[r], elr_v.at[r], sem_tab))

    def issue_idx(cb_blk, buf, sem):
        e0 = pl.multiple_of(cb_blk * BLK, 8)
        a = pltpu.async_copy(ei_hbm.at[0, pl.ds(e0, CB * BLK)],
                             src_v.at[buf], sem)
        b = pltpu.async_copy(ei_hbm.at[1, pl.ds(e0, CB * BLK)],
                             dst_v.at[buf], sem)
        return a, b

    i0 = issue_idx(start_blk, 0, sem_i0)
    i1 = issue_idx(start_blk + CB, 1, sem_i1)
    eb = start_blk + BASE_BLOCKS

    @pl.when(wid < EXTRA_TILES)
    def _():
        te0 = pl.multiple_of(eb * BLK, 8)
        pltpu.async_copy(ei_hbm.at[0, pl.ds(te0, BLK)], tsrc_v, sem_ti)
        pltpu.async_copy(ei_hbm.at[1, pl.ds(te0, BLK)], tdst_v, sem_ti)
    for t in t_tabs:
        t.wait()

    def do_block_g(load_s, load_d, store_y, j, base512):
        for gp in range(BLK // 128):
            vals = []
            for g in range(8 * gp, 8 * gp + 8):
                s = load_s(j * BLK + 16 * g)
                d = load_d(j * BLK + 16 * g)
                for h in range(H):
                    hv = jnp.full((16,), h, jnp.int32)
                    hv2 = jnp.full((16,), h + H, jnp.int32)
                    vals.append((g, h,
                                 plsc.load_gather(elr_v, [hv, s]),
                                 plsc.load_gather(elr_v, [hv2, d])))
            for g, h, a, b in vals:
                x = a + b
                y = jnp.maximum(x, NEG_SLOPE * x)
                store_y(base512 + h * BLK + 16 * g, y)

    def do_block(j, buf, base512):
        do_block_g(
            lambda o: src_v[buf, pl.ds(pl.multiple_of(o, 16), 16)],
            lambda o: dst_v[buf, pl.ds(pl.multiple_of(o, 16), 16)],
            lambda o, y: out_v.__setitem__(
                (buf, pl.ds(pl.multiple_of(o, 16), 16)), y),
            j, base512)

    @pl.when(wid < EXTRA_TILES)
    def _():
        pltpu.make_async_copy(ei_hbm.at[0, pl.ds(0, BLK)], tsrc_v,
                              sem_ti).wait()
        pltpu.make_async_copy(ei_hbm.at[1, pl.ds(0, BLK)], tdst_v,
                              sem_ti).wait()
        do_block_g(
            lambda o: tsrc_v[pl.ds(pl.multiple_of(o, 16), 16)],
            lambda o: tdst_v[pl.ds(pl.multiple_of(o, 16), 16)],
            lambda o, y: tout_v.__setitem__(
                pl.ds(pl.multiple_of(o, 16), 16), y),
            0, 0)
        pltpu.async_copy(
            tout_v,
            out_hbm.at[pl.ds(pl.multiple_of(eb * H * BLK, 8), H * BLK)],
            sem_to)

    def compute_chunk(buf):
        @plsc.parallel_loop(0, CB)
        def blk_body(j):
            do_block(j, buf, j * H * BLK)

    def issue_out(cb_blk, buf, sem):
        return pltpu.async_copy(
            out_v.at[buf],
            out_hbm.at[pl.ds(pl.multiple_of(cb_blk * H * BLK, 8), CB * H * BLK)],
            sem)

    def drain_out(buf, sem):
        pltpu.make_async_copy(
            out_v.at[buf],
            out_hbm.at[pl.ds(0, CB * H * BLK)],
            sem).wait()

    def wait_idx(buf, sem):
        pltpu.make_async_copy(ei_hbm.at[0, pl.ds(0, CB * BLK)],
                              src_v.at[buf], sem).wait()
        pltpu.make_async_copy(ei_hbm.at[1, pl.ds(0, CB * BLK)],
                              dst_v.at[buf], sem).wait()

    NPAIRS = NUM_CHUNKS // 2

    def pair_body(k, carry):
        c0 = start_blk + (2 * k) * CB
        c1 = c0 + CB

        wait_idx(0, sem_i0)

        @pl.when(k > 0)
        def _():
            drain_out(0, sem_o0)
        compute_chunk(0)
        issue_out(c0, 0, sem_o0)

        @pl.when(k + 1 < NPAIRS)
        def _():
            issue_idx(c0 + 2 * CB, 0, sem_i0)

        wait_idx(1, sem_i1)

        @pl.when(k > 0)
        def _():
            drain_out(1, sem_o1)
        compute_chunk(1)
        issue_out(c1, 1, sem_o1)

        @pl.when(k + 1 < NPAIRS)
        def _():
            issue_idx(c1 + 2 * CB, 1, sem_i1)
        return carry

    lax.fori_loop(0, NPAIRS, pair_body, 0)
    drain_out(0, sem_o0)
    drain_out(1, sem_o1)

    @pl.when(wid < EXTRA_TILES)
    def _():
        pltpu.make_async_copy(
            tout_v,
            out_hbm.at[pl.ds(0, H * BLK)],
            sem_to).wait()


def kernel(h_src, h_dst, edge_index, Wq, Wk, a):
    elr = _node_scores(h_src, h_dst, Wq, Wk, a)
    out_flat = _sc_gather(elr, edge_index.astype(jnp.int32))
    return (out_flat.reshape(NBLK, H, BLK).transpose(0, 2, 1)
            .reshape(N_EDGES, H))

# --- scband reference (transcript-rebuilt; emitter-appended) ---
"""Pipeline reference for scband-edge-score-dot-product-gat-4698694221870 (READ-ONLY COPY).

The authoritative reference and input builder live on the scoring server;
editing this copy changes nothing except your own understanding.
"""

import jax, jax.numpy as jnp
import numpy as np

N_NODES = 10000
IN_SRC = 128
IN_DST = 128
H = 4
DH = 32
NEG_SLOPE = 0.2
N_EDGES = 320000


def setup_inputs(seed: int = 0) -> dict:
    key = jax.random.key(seed)
    k1, k2, k3, k4, k5, k6 = jax.random.split(key, 6)
    h_src = jax.random.normal(k1, (N_NODES, IN_SRC), dtype=jnp.float32)
    h_dst = jax.random.normal(k2, (N_NODES, IN_DST), dtype=jnp.float32)
    edge_index = jax.random.randint(k3, (2, N_EDGES), 0, N_NODES, dtype=jnp.int64)
    # Learned parameters (torch nn.Linear stores weight as [out, in]; y = x @ W.T)
    gain = 1.414
    std_q = gain * np.sqrt(2.0 / (IN_SRC + H * DH))
    std_k = gain * np.sqrt(2.0 / (IN_DST + H * DH))
    std_a = gain * np.sqrt(2.0 / (H + 2 * DH))
    Wq = jax.random.normal(k4, (H * DH, IN_SRC), dtype=jnp.float32) * std_q
    Wk = jax.random.normal(k5, (H * DH, IN_DST), dtype=jnp.float32) * std_k
    a = jax.random.normal(k6, (H, 2 * DH), dtype=jnp.float32) * std_a
    return {"h_src": h_src, "h_dst": h_dst, "edge_index": edge_index, "Wq": Wq, "Wk": Wk, "a": a}


def reference(h_src, h_dst, edge_index, Wq, Wk, a):
    # z = Linear(h) reshaped to [N, H, Dh]
    z_src = (h_src @ Wq.T).reshape(-1, H, DH)
    z_dst = (h_dst @ Wk.T).reshape(-1, H, DH)
    a_l = a[:, :DH]
    a_r = a[:, DH:]
    el = (z_src * a_l[None, :, :]).sum(axis=-1)  # [N, H]
    er = (z_dst * a_r[None, :, :]).sum(axis=-1)  # [N, H]
    src = edge_index[0]
    dst = edge_index[1]
    # apply_edges(fn.u_add_v): gather el at src nodes, er at dst nodes, add per edge
    e = jnp.take(el, src, axis=0) + jnp.take(er, dst, axis=0)  # [E, H]
    e = jnp.where(e >= 0, e, NEG_SLOPE * e)  # LeakyReLU
    return e

if __name__ == "__main__":
    import jax
    _d = setup_inputs()
    print(jax.jit(kernel)(*tuple(_d.values())))

</pallas_src>

<mosaic_0001>
#map = affine_map<(d0, d1) -> (0, 0)>
#map1 = affine_map<(d0, d1) -> (0)>
module attributes {stable_mosaic.version = 14 : i64} {
  func.func @_sc_gather(%arg0: i32, %arg1: i32, %arg2: memref<8x10000xf32, #tpu.memory_space<hbm>>, %arg3: memref<2x320000xi32, #tpu.memory_space<hbm>>, %arg4: memref<1280000xf32, #tpu.memory_space<hbm>>, %arg5: memref<8x10000xf32, #tpu.memory_space<vmem>>, %arg6: memref<2x1664xi32, #tpu.memory_space<vmem>>, %arg7: memref<2x1664xi32, #tpu.memory_space<vmem>>, %arg8: memref<2x6656xf32, #tpu.memory_space<vmem>>, %arg9: memref<128xi32, #tpu.memory_space<vmem>>, %arg10: memref<128xi32, #tpu.memory_space<vmem>>, %arg11: memref<512xf32, #tpu.memory_space<vmem>>, %arg12: memref<!tpu.dma_semaphore, #tpu.memory_space<semaphore_mem>>, %arg13: memref<!tpu.dma_semaphore, #tpu.memory_space<semaphore_mem>>, %arg14: memref<!tpu.dma_semaphore, #tpu.memory_space<semaphore_mem>>, %arg15: memref<!tpu.dma_semaphore, #tpu.memory_space<semaphore_mem>>, %arg16: memref<!tpu.dma_semaphore, #tpu.memory_space<semaphore_mem>>, %arg17: memref<!tpu.dma_semaphore, #tpu.memory_space<semaphore_mem>>, %arg18: memref<!tpu.dma_semaphore, #tpu.memory_space<semaphore_mem>>) attributes {dimension_semantics = [#tpu.dimension_semantics<core_parallel>, #tpu.dimension_semantics<subcore_parallel>], iteration_bounds = array<i64: 2, 16>, scalar_prefetch = 0 : i64, scratch_operands = 14 : i64, tpu.core_type = #tpu.core_type<sc_vector_subcore>, window_params = [{transform_indices = #map}, {transform_indices = #map}, {transform_indices = #map1}]} {
    %mul3A = arith.constant 2 : i32
    %mul3A_0 = arith.muli %arg1, %mul3A : i32
    %add3A = arith.addi %mul3A_0, %arg0 : i32
    %mul3A_1 = arith.constant 78 : i32
    %mul3A_2 = arith.muli %mul3A_1, %add3A : i32
    %min3A = arith.constant 4 : i32
    %min3A_3 = arith.minsi %add3A, %min3A : i32
    %add3A_4 = arith.addi %mul3A_2, %min3A_3 : i32
    %add3A_5 = arith.constant 0 : i32
    %add3A_6 = arith.addi %add3A, %add3A_5 : i32
    %rem3A = arith.constant 8 : i32
    %rem3A_7 = arith.remsi %add3A_6, %rem3A : i32
    %dma_start3A = arith.constant 0 : i32
    %dma_start3A_8 = tpu.memref_slice %arg5[%rem3A_7, %dma_start3A] : memref<8x10000xf32, #tpu.memory_space<vmem>> -> memref<1x10000xf32, #tpu.memory_space<vmem>>
    %dma_start3A_9 = tpu.memref_squeeze %dma_start3A_8 : memref<1x10000xf32, #tpu.memory_space<vmem>> -> memref<10000xf32, #tpu.memory_space<vmem>>
    %dma_start3A_10 = arith.constant 0 : i32
    %dma_start3A_11 = tpu.memref_slice %arg2[%rem3A_7, %dma_start3A_10] : memref<8x10000xf32, #tpu.memory_space<hbm>> -> memref<1x10000xf32, #tpu.memory_space<hbm>>
    %dma_start3A_12 = tpu.memref_squeeze %dma_start3A_11 : memref<1x10000xf32, #tpu.memory_space<hbm>> -> memref<10000xf32, #tpu.memory_space<hbm>>
    %dma_start3A_13 = arith.constant 0 : i32
    %dma_start3A_14 = tpu.memref_slice %arg5[%rem3A_7, %dma_start3A_13] : memref<8x10000xf32, #tpu.memory_space<vmem>> -> memref<1x10000xf32, #tpu.memory_space<vmem>>
    %dma_start3A_15 = tpu.memref_squeeze %dma_start3A_14 : memref<1x10000xf32, #tpu.memory_space<vmem>> -> memref<10000xf32, #tpu.memory_space<vmem>>
    %dma_start3A_16 = arith.constant 0 : i32
    %dma_start3A_17 = tpu.memref_slice %arg2[%rem3A_7, %dma_start3A_16] : memref<8x10000xf32, #tpu.memory_space<hbm>> -> memref<1x10000xf32, #tpu.memory_space<hbm>>
    %dma_start3A_18 = tpu.memref_squeeze %dma_start3A_17 : memref<1x10000xf32, #tpu.memory_space<hbm>> -> memref<10000xf32, #tpu.memory_space<hbm>>
    tpu.enqueue_dma source(%dma_start3A_18 : memref<10000xf32, #tpu.memory_space<hbm>>) target(%dma_start3A_15 : memref<10000xf32, #tpu.memory_space<vmem>>) target_semaphore(%arg12 : memref<!tpu.dma_semaphore, #tpu.memory_space<semaphore_mem>>)
    %add3A_19 = arith.constant 1 : i32
    %add3A_20 = arith.addi %add3A, %add3A_19 : i32
    %rem3A_21 = arith.constant 8 : i32
    %rem3A_22 = arith.remsi %add3A_20, %rem3A_21 : i32
    %dma_start3A_23 = arith.constant 0 : i32
    %dma_start3A_24 = tpu.memref_slice %arg5[%rem3A_22, %dma_start3A_23] : memref<8x10000xf32, #tpu.memory_space<vmem>> -> memref<1x10000xf32, #tpu.memory_space<vmem>>
    %dma_start3A_25 = tpu.memref_squeeze %dma_start3A_24 : memref<1x10000xf32, #tpu.memory_space<vmem>> -> memref<10000xf32, #tpu.memory_space<vmem>>
    %dma_start3A_26 = arith.constant 0 : i32
    %dma_start3A_27 = tpu.memref_slice %arg2[%rem3A_22, %dma_start3A_26] : memref<8x10000xf32, #tpu.memory_space<hbm>> -> memref<1x10000xf32, #tpu.memory_space<hbm>>
    %dma_start3A_28 = tpu.memref_squeeze %dma_start3A_27 : memref<1x10000xf32, #tpu.memory_space<hbm>> -> memref<10000xf32, #tpu.memory_space<hbm>>
    %dma_start3A_29 = arith.constant 0 : i32
    %dma_start3A_30 = tpu.memref_slice %arg5[%rem3A_22, %dma_start3A_29] : memref<8x10000xf32, #tpu.memory_space<vmem>> -> memref<1x10000xf32, #tpu.memory_space<vmem>>
    %dma_start3A_31 = tpu.memref_squeeze %dma_start3A_30 : memref<1x10000xf32, #tpu.memory_space<vmem>> -> memref<10000xf32, #tpu.memory_space<vmem>>
    %dma_start3A_32 = arith.constant 0 : i32
    %dma_start3A_33 = tpu.memref_slice %arg2[%rem3A_22, %dma_start3A_32] : memref<8x10000xf32, #tpu.memory_space<hbm>> -> memref<1x10000xf32, #tpu.memory_space<hbm>>
    %dma_start3A_34 = tpu.memref_squeeze %dma_start3A_33 : memref<1x10000xf32, #tpu.memory_space<hbm>> -> memref<10000xf32, #tpu.memory_space<hbm>>
    tpu.enqueue_dma source(%dma_start3A_34 : memref<10000xf32, #tpu.memory_space<hbm>>) target(%dma_start3A_31 : memref<10000xf32, #tpu.memory_space<vmem>>) target_semaphore(%arg12 : memref<!tpu.dma_semaphore, #tpu.memory_space<semaphore_mem>>)
    %add3A_35 = arith.constant 2 : i32
    %add3A_36 = arith.addi %add3A, %add3A_35 : i32
    %rem3A_37 = arith.constant 8 : i32
    %rem3A_38 = arith.remsi %add3A_36, %rem3A_37 : i32
    %dma_start3A_39 = arith.constant 0 : i32
    %dma_start3A_40 = tpu.memref_slice %arg5[%rem3A_38, %dma_start3A_39] : memref<8x10000xf32, #tpu.memory_space<vmem>> -> memref<1x10000xf32, #tpu.memory_space<vmem>>
    %dma_start3A_41 = tpu.memref_squeeze %dma_start3A_40 : memref<1x10000xf32, #tpu.memory_space<vmem>> -> memref<10000xf32, #tpu.memory_space<vmem>>
    %dma_start3A_42 = arith.constant 0 : i32
    %dma_start3A_43 = tpu.memref_slice %arg2[%rem3A_38, %dma_start3A_42] : memref<8x10000xf32, #tpu.memory_space<hbm>> -> memref<1x10000xf32, #tpu.memory_space<hbm>>
    %dma_start3A_44 = tpu.memref_squeeze %dma_start3A_43 : memref<1x10000xf32, #tpu.memory_space<hbm>> -> memref<10000xf32, #tpu.memory_space<hbm>>
    %dma_start3A_45 = arith.constant 0 : i32
    %dma_start3A_46 = tpu.memref_slice %arg5[%rem3A_38, %dma_start3A_45] : memref<8x10000xf32, #tpu.memory_space<vmem>> -> memref<1x10000xf32, #tpu.memory_space<vmem>>
    %dma_start3A_47 = tpu.memref_squeeze %dma_start3A_46 : memref<1x10000xf32, #tpu.memory_space<vmem>> -> memref<10000xf32, #tpu.memory_space<vmem>>
    %dma_start3A_48 = arith.constant 0 : i32
    %dma_start3A_49 = tpu.memref_slice %arg2[%rem3A_38, %dma_start3A_48] : memref<8x10000xf32, #tpu.memory_space<hbm>> -> memref<1x10000xf32, #tpu.memory_space<hbm>>
    %dma_start3A_50 = tpu.memref_squeeze %dma_start3A_49 : memref<1x10000xf32, #tpu.memory_space<hbm>> -> memref<10000xf32, #tpu.memory_space<hbm>>
    tpu.enqueue_dma source(%dma_start3A_50 : memref<10000xf32, #tpu.memory_space<hbm>>) target(%dma_start3A_47 : memref<10000xf32, #tpu.memory_space<vmem>>) target_semaphore(%arg12 : memref<!tpu.dma_semaphore, #tpu.memory_space<semaphore_mem>>)
    %add3A_51 = arith.constant 3 : i32
    %add3A_52 = arith.addi %add3A, %add3A_51 : i32
    %rem3A_53 = arith.constant 8 : i32
    %rem3A_54 = arith.remsi %add3A_52, %rem3A_53 : i32
    %dma_start3A_55 = arith.constant 0 : i32
    %dma_start3A_56 = tpu.memref_slice %arg5[%rem3A_54, %dma_start3A_55] : memref<8x10000xf32, #tpu.memory_space<vmem>> -> memref<1x10000xf32, #tpu.memory_space<vmem>>
    %dma_start3A_57 = tpu.memref_squeeze %dma_start3A_56 : memref<1x10000xf32, #tpu.memory_space<vmem>> -> memref<10000xf32, #tpu.memory_space<vmem>>
    %dma_start3A_58 = arith.constant 0 : i32
    %dma_start3A_59 = tpu.memref_slice %arg2[%rem3A_54, %dma_start3A_58] : memref<8x10000xf32, #tpu.memory_space<hbm>> -> memref<1x10000xf32, #tpu.memory_space<hbm>>
    %dma_start3A_60 = tpu.memref_squeeze %dma_start3A_59 : memref<1x10000xf32, #tpu.memory_space<hbm>> -> memref<10000xf32, #tpu.memory_space<hbm>>
    %dma_start3A_61 = arith.constant 0 : i32
    %dma_start3A_62 = tpu.memref_slice %arg5[%rem3A_54, %dma_start3A_61] : memref<8x10000xf32, #tpu.memory_space<vmem>> -> memref<1x10000xf32, #tpu.memory_space<vmem>>
    %dma_start3A_63 = tpu.memref_squeeze %dma_start3A_62 : memref<1x10000xf32, #tpu.memory_space<vmem>> -> memref<10000xf32, #tpu.memory_space<vmem>>
    %dma_start3A_64 = arith.constant 0 : i32
    %dma_start3A_65 = tpu.memref_slice %arg2[%rem3A_54, %dma_start3A_64] : memref<8x10000xf32, #tpu.memory_space<hbm>> -> memref<1x10000xf32, #tpu.memory_space<hbm>>
    %dma_start3A_66 = tpu.memref_squeeze %dma_start3A_65 : memref<1x10000xf32, #tpu.memory_space<hbm>> -> memref<10000xf32, #tpu.memory_space<hbm>>
    tpu.enqueue_dma source(%dma_start3A_66 : memref<10000xf32, #tpu.memory_space<hbm>>) target(%dma_start3A_63 : memref<10000xf32, #tpu.memory_space<vmem>>) target_semaphore(%arg12 : memref<!tpu.dma_semaphore, #tpu.memory_space<semaphore_mem>>)
    %add3A_67 = arith.constant 4 : i32
    %add3A_68 = arith.addi %add3A, %add3A_67 : i32
    %rem3A_69 = arith.constant 8 : i32
    %rem3A_70 = arith.remsi %add3A_68, %rem3A_69 : i32
    %dma_start3A_71 = arith.constant 0 : i32
    %dma_start3A_72 = tpu.memref_slice %arg5[%rem3A_70, %dma_start3A_71] : memref<8x10000xf32, #tpu.memory_space<vmem>> -> memref<1x10000xf32, #tpu.memory_space<vmem>>
    %dma_start3A_73 = tpu.memref_squeeze %dma_start3A_72 : memref<1x10000xf32, #tpu.memory_space<vmem>> -> memref<10000xf32, #tpu.memory_space<vmem>>
    %dma_start3A_74 = arith.constant 0 : i32
    %dma_start3A_75 = tpu.memref_slice %arg2[%rem3A_70, %dma_start3A_74] : memref<8x10000xf32, #tpu.memory_space<hbm>> -> memref<1x10000xf32, #tpu.memory_space<hbm>>
    %dma_start3A_76 = tpu.memref_squeeze %dma_start3A_75 : memref<1x10000xf32, #tpu.memory_space<hbm>> -> memref<10000xf32, #tpu.memory_space<hbm>>
    %dma_start3A_77 = arith.constant 0 : i32
    %dma_start3A_78 = tpu.memref_slice %arg5[%rem3A_70, %dma_start3A_77] : memref<8x10000xf32, #tpu.memory_space<vmem>> -> memref<1x10000xf32, #tpu.memory_space<vmem>>
    %dma_start3A_79 = tpu.memref_squeeze %dma_start3A_78 : memref<1x10000xf32, #tpu.memory_space<vmem>> -> memref<10000xf32, #tpu.memory_space<vmem>>
    %dma_start3A_80 = arith.constant 0 : i32
    %dma_start3A_81 = tpu.memref_slice %arg2[%rem3A_70, %dma_start3A_80] : memref<8x10000xf32, #tpu.memory_space<hbm>> -> memref<1x10000xf32, #tpu.memory_space<hbm>>
    %dma_start3A_82 = tpu.memref_squeeze %dma_start3A_81 : memref<1x10000xf32, #tpu.memory_space<hbm>> -> memref<10000xf32, #tpu.memory_space<hbm>>
    tpu.enqueue_dma source(%dma_start3A_82 : memref<10000xf32, #tpu.memory_space<hbm>>) target(%dma_start3A_79 : memref<10000xf32, #tpu.memory_space<vmem>>) target_semaphore(%arg12 : memref<!tpu.dma_semaphore, #tpu.memory_space<semaphore_mem>>)
    %add3A_83 = arith.constant 5 : i32
    %add3A_84 = arith.addi %add3A, %add3A_83 : i32
    %rem3A_85 = arith.constant 8 : i32
    %rem3A_86 = arith.remsi %add3A_84, %rem3A_85 : i32
    %dma_start3A_87 = arith.constant 0 : i32
    %dma_start3A_88 = tpu.memref_slice %arg5[%rem3A_86, %dma_start3A_87] : memref<8x10000xf32, #tpu.memory_space<vmem>> -> memref<1x10000xf32, #tpu.memory_space<vmem>>
    %dma_start3A_89 = tpu.memref_squeeze %dma_start3A_88 : memref<1x10000xf32, #tpu.memory_space<vmem>> -> memref<10000xf32, #tpu.memory_space<vmem>>
    %dma_start3A_90 = arith.constant 0 : i32
    %dma_start3A_91 = tpu.memref_slice %arg2[%rem3A_86, %dma_start3A_90] : memref<8x10000xf32, #tpu.memory_space<hbm>> -> memref<1x10000xf32, #tpu.memory_space<hbm>>
    %dma_start3A_92 = tpu.memref_squeeze %dma_start3A_91 : memref<1x10000xf32, #tpu.memory_space<hbm>> -> memref<10000xf32, #tpu.memory_space<hbm>>
    %dma_start3A_93 = arith.constant 0 : i32
    %dma_start3A_94 = tpu.memref_slice %arg5[%rem3A_86, %dma_start3A_93] : memref<8x10000xf32, #tpu.memory_space<vmem>> -> memref<1x10000xf32, #tpu.memory_space<vmem>>
    %dma_start3A_95 = tpu.memref_squeeze %dma_start3A_94 : memref<1x10000xf32, #tpu.memory_space<vmem>> -> memref<10000xf32, #tpu.memory_space<vmem>>
    %dma_start3A_96 = arith.constant 0 : i32
    %dma_start3A_97 = tpu.memref_slice %arg2[%rem3A_86, %dma_start3A_96] : memref<8x10000xf32, #tpu.memory_space<hbm>> -> memref<1x10000xf32, #tpu.memory_space<hbm>>
    %dma_start3A_98 = tpu.memref_squeeze %dma_start3A_97 : memref<1x10000xf32, #tpu.memory_space<hbm>> -> memref<10000xf32, #tpu.memory_space<hbm>>
    tpu.enqueue_dma source(%dma_start3A_98 : memref<10000xf32, #tpu.memory_space<hbm>>) target(%dma_start3A_95 : memref<10000xf32, #tpu.memory_space<vmem>>) target_semaphore(%arg12 : memref<!tpu.dma_semaphore, #tpu.memory_space<semaphore_mem>>)
    %add3A_99 = arith.constant 6 : i32
    %add3A_100 = arith.addi %add3A, %add3A_99 : i32
    %rem3A_101 = arith.constant 8 : i32
    %rem3A_102 = arith.remsi %add3A_100, %rem3A_101 : i32
    %dma_start3A_103 = arith.constant 0 : i32
    %dma_start3A_104 = tpu.memref_slice %arg5[%rem3A_102, %dma_start3A_103] : memref<8x10000xf32, #tpu.memory_space<vmem>> -> memref<1x10000xf32, #tpu.memory_space<vmem>>
    %dma_start3A_105 = tpu.memref_squeeze %dma_start3A_104 : memref<1x10000xf32, #tpu.memory_space<vmem>> -> memref<10000xf32, #tpu.memory_space<vmem>>
    %dma_start3A_106 = arith.constant 0 : i32
    %dma_start3A_107 = tpu.memref_slice %arg2[%rem3A_102, %dma_start3A_106] : memref<8x10000xf32, #tpu.memory_space<hbm>> -> memref<1x10000xf32, #tpu.memory_space<hbm>>
    %dma_start3A_108 = tpu.memref_squeeze %dma_start3A_107 : memref<1x10000xf32, #tpu.memory_space<hbm>> -> memref<10000xf32, #tpu.memory_space<hbm>>
    %dma_start3A_109 = arith.constant 0 : i32
    %dma_start3A_110 = tpu.memref_slice %arg5[%rem3A_102, %dma_start3A_109] : memref<8x10000xf32, #tpu.memory_space<vmem>> -> memref<1x10000xf32, #tpu.memory_space<vmem>>
    %dma_start3A_111 = tpu.memref_squeeze %dma_start3A_110 : memref<1x10000xf32, #tpu.memory_space<vmem>> -> memref<10000xf32, #tpu.memory_space<vmem>>
    %dma_start3A_112 = arith.constant 0 : i32
    %dma_start3A_113 = tpu.memref_slice %arg2[%rem3A_102, %dma_start3A_112] : memref<8x10000xf32, #tpu.memory_space<hbm>> -> memref<1x10000xf32, #tpu.memory_space<hbm>>
    %dma_start3A_114 = tpu.memref_squeeze %dma_start3A_113 : memref<1x10000xf32, #tpu.memory_space<hbm>> -> memref<10000xf32, #tpu.memory_space<hbm>>
    tpu.enqueue_dma source(%dma_start3A_114 : memref<10000xf32, #tpu.memory_space<hbm>>) target(%dma_start3A_111 : memref<10000xf32, #tpu.memory_space<vmem>>) target_semaphore(%arg12 : memref<!tpu.dma_semaphore, #tpu.memory_space<semaphore_mem>>)
    %add3A_115 = arith.constant 7 : i32
    %add3A_116 = arith.addi %add3A, %add3A_115 : i32
    %rem3A_117 = arith.constant 8 : i32
    %rem3A_118 = arith.remsi %add3A_116, %rem3A_117 : i32
    %dma_start3A_119 = arith.constant 0 : i32
    %dma_start3A_120 = tpu.memref_slice %arg5[%rem3A_118, %dma_start3A_119] : memref<8x10000xf32, #tpu.memory_space<vmem>> -> memref<1x10000xf32, #tpu.memory_space<vmem>>
    %dma_start3A_121 = tpu.memref_squeeze %dma_start3A_120 : memref<1x10000xf32, #tpu.memory_space<vmem>> -> memref<10000xf32, #tpu.memory_space<vmem>>
    %dma_start3A_122 = arith.constant 0 : i32
    %dma_start3A_123 = tpu.memref_slice %arg2[%rem3A_118, %dma_start3A_122] : memref<8x10000xf32, #tpu.memory_space<hbm>> -> memref<1x10000xf32, #tpu.memory_space<hbm>>
    %dma_start3A_124 = tpu.memref_squeeze %dma_start3A_123 : memref<1x10000xf32, #tpu.memory_space<hbm>> -> memref<10000xf32, #tpu.memory_space<hbm>>
    %dma_start3A_125 = arith.constant 0 : i32
    %dma_start3A_126 = tpu.memref_slice %arg5[%rem3A_118, %dma_start3A_125] : memref<8x10000xf32, #tpu.memory_space<vmem>> -> memref<1x10000xf32, #tpu.memory_space<vmem>>
    %dma_start3A_127 = tpu.memref_squeeze %dma_start3A_126 : memref<1x10000xf32, #tpu.memory_space<vmem>> -> memref<10000xf32, #tpu.memory_space<vmem>>
    %dma_start3A_128 = arith.constant 0 : i32
    %dma_start3A_129 = tpu.memref_slice %arg2[%rem3A_118, %dma_start3A_128] : memref<8x10000xf32, #tpu.memory_space<hbm>> -> memref<1x10000xf32, #tpu.memory_space<hbm>>
    %dma_start3A_130 = tpu.memref_squeeze %dma_start3A_129 : memref<1x10000xf32, #tpu.memory_space<hbm>> -> memref<10000xf32, #tpu.memory_space<hbm>>
    tpu.enqueue_dma source(%dma_start3A_130 : memref<10000xf32, #tpu.memory_space<hbm>>) target(%dma_start3A_127 : memref<10000xf32, #tpu.memory_space<vmem>>) target_semaphore(%arg12 : memref<!tpu.dma_semaphore, #tpu.memory_space<semaphore_mem>>)
    %mul3A_131 = arith.constant 128 : i32
    %mul3A_132 = arith.muli %add3A_4, %mul3A_131 : i32
    %multiple_of3A = tpu.assume_multiple %mul3A_132, 8 : i32
    %dma_start3A_133 = arith.constant 0 : i32
    %dma_start3A_134 = arith.constant 0 : i32
    %dma_start3A_135 = arith.constant 0 : i32
    %dma_start3A_136 = tpu.memref_slice %arg6[%dma_start3A_134, %dma_start3A_135] : memref<2x1664xi32, #tpu.memory_space<vmem>> -> memref<1x1664xi32, #tpu.memory_space<vmem>>
    %dma_start3A_137 = tpu.memref_squeeze %dma_start3A_136 : memref<1x1664xi32, #tpu.memory_space<vmem>> -> memref<1664xi32, #tpu.memory_space<vmem>>
    %dma_start3A_138 = tpu.memref_slice %arg3[%dma_start3A_133, %multiple_of3A] : memref<2x320000xi32, #tpu.memory_space<hbm>> -> memref<1x1664xi32, #tpu.memory_space<hbm>>
    %dma_start3A_139 = tpu.memref_squeeze %dma_start3A_138 : memref<1x1664xi32, #tpu.memory_space<hbm>> -> memref<1664xi32, #tpu.memory_space<hbm>>
    %dma_start3A_140 = arith.constant 0 : i32
    %dma_start3A_141 = tpu.memref_slice %arg6[%dma_start3A_134, %dma_start3A_140] : memref<2x1664xi32, #tpu.memory_space<vmem>> -> memref<1x1664xi32, #tpu.memory_space<vmem>>
    %dma_start3A_142 = tpu.memref_squeeze %dma_start3A_141 : memref<1x1664xi32, #tpu.memory_space<vmem>> -> memref<1664xi32, #tpu.memory_space<vmem>>
    %dma_start3A_143 = tpu.memref_slice %arg3[%dma_start3A_133, %multiple_of3A] : memref<2x320000xi32, #tpu.memory_space<hbm>> -> memref<1x1664xi32, #tpu.memory_space<hbm>>
    %dma_start3A_144 = tpu.memref_squeeze %dma_start3A_143 : memref<1x1664xi32, #tpu.memory_space<hbm>> -> memref<1664xi32, #tpu.memory_space<hbm>>
    tpu.enqueue_dma source(%dma_start3A_144 : memref<1664xi32, #tpu.memory_space<hbm>>) target(%dma_start3A_142 : memref<1664xi32, #tpu.memory_space<vmem>>) target_semaphore(%arg13 : memref<!tpu.dma_semaphore, #tpu.memory_space<semaphore_mem>>)
    %dma_start3A_145 = arith.constant 1 : i32
    %dma_start3A_146 = arith.constant 0 : i32
    %dma_start3A_147 = arith.constant 0 : i32
    %dma_start3A_148 = tpu.memref_slice %arg7[%dma_start3A_146, %dma_start3A_147] : memref<2x1664xi32, #tpu.memory_space<vmem>> -> memref<1x1664xi32, #tpu.memory_space<vmem>>
    %dma_start3A_149 = tpu.memref_squeeze %dma_start3A_148 : memref<1x1664xi32, #tpu.memory_space<vmem>> -> memref<1664xi32, #tpu.memory_space<vmem>>
    %dma_start3A_150 = tpu.memref_slice %arg3[%dma_start3A_145, %multiple_of3A] : memref<2x320000xi32, #tpu.memory_space<hbm>> -> memref<1x1664xi32, #tpu.memory_space<hbm>>
    %dma_start3A_151 = tpu.memref_squeeze %dma_start3A_150 : memref<1x1664xi32, #tpu.memory_space<hbm>> -> memref<1664xi32, #tpu.memory_space<hbm>>
    %dma_start3A_152 = arith.constant 0 : i32
    %dma_start3A_153 = tpu.memref_slice %arg7[%dma_start3A_146, %dma_start3A_152] : memref<2x1664xi32, #tpu.memory_space<vmem>> -> memref<1x1664xi32, #tpu.memory_space<vmem>>
    %dma_start3A_154 = tpu.memref_squeeze %dma_start3A_153 : memref<1x1664xi32, #tpu.memory_space<vmem>> -> memref<1664xi32, #tpu.memory_space<vmem>>
    %dma_start3A_155 = tpu.memref_slice %arg3[%dma_start3A_145, %multiple_of3A] : memref<2x320000xi32, #tpu.memory_space<hbm>> -> memref<1x1664xi32, #tpu.memory_space<hbm>>
    %dma_start3A_156 = tpu.memref_squeeze %dma_start3A_155 : memref<1x1664xi32, #tpu.memory_space<hbm>> -> memref<1664xi32, #tpu.memory_space<hbm>>
    tpu.enqueue_dma source(%dma_start3A_156 : memref<1664xi32, #tpu.memory_space<hbm>>) target(%dma_start3A_154 : memref<1664xi32, #tpu.memory_space<vmem>>) target_semaphore(%arg13 : memref<!tpu.dma_semaphore, #tpu.memory_space<semaphore_mem>>)
    %add3A_157 = arith.constant 13 : i32
    %add3A_158 = arith.addi %add3A_4, %add3A_157 : i32
    %mul3A_159 = arith.constant 128 : i32
    %mul3A_160 = arith.muli %add3A_158, %mul3A_159 : i32
    %multiple_of3A_161 = tpu.assume_multiple %mul3A_160, 8 : i32
    %dma_start3A_162 = arith.constant 0 : i32
    %dma_start3A_163 = arith.constant 1 : i32
    %dma_start3A_164 = arith.constant 0 : i32
    %dma_start3A_165 = tpu.memref_slice %arg6[%dma_start3A_163, %dma_start3A_164] : memref<2x1664xi32, #tpu.memory_space<vmem>> -> memref<1x1664xi32, #tpu.memory_space<vmem>>
    %dma_start3A_166 = tpu.memref_squeeze %dma_start3A_165 : memref<1x1664xi32, #tpu.memory_space<vmem>> -> memref<1664xi32, #tpu.memory_space<vmem>>
    %dma_start3A_167 = tpu.memref_slice %arg3[%dma_start3A_162, %multiple_of3A_161] : memref<2x320000xi32, #tpu.memory_space<hbm>> -> memref<1x1664xi32, #tpu.memory_space<hbm>>
    %dma_start3A_168 = tpu.memref_squeeze %dma_start3A_167 : memref<1x1664xi32, #tpu.memory_space<hbm>> -> memref<1664xi32, #tpu.memory_space<hbm>>
    %dma_start3A_169 = arith.constant 0 : i32
    %dma_start3A_170 = tpu.memref_slice %arg6[%dma_start3A_163, %dma_start3A_169] : memref<2x1664xi32, #tpu.memory_space<vmem>> -> memref<1x1664xi32, #tpu.memory_space<vmem>>
    %dma_start3A_171 = tpu.memref_squeeze %dma_start3A_170 : memref<1x1664xi32, #tpu.memory_space<vmem>> -> memref<1664xi32, #tpu.memory_space<vmem>>
    %dma_start3A_172 = tpu.memref_slice %arg3[%dma_start3A_162, %multiple_of3A_161] : memref<2x320000xi32, #tpu.memory_space<hbm>> -> memref<1x1664xi32, #tpu.memory_space<hbm>>
    %dma_start3A_173 = tpu.memref_squeeze %dma_start3A_172 : memref<1x1664xi32, #tpu.memory_space<hbm>> -> memref<1664xi32, #tpu.memory_space<hbm>>
    tpu.enqueue_dma source(%dma_start3A_173 : memref<1664xi32, #tpu.memory_space<hbm>>) target(%dma_start3A_171 : memref<1664xi32, #tpu.memory_space<vmem>>) target_semaphore(%arg14 : memref<!tpu.dma_semaphore, #tpu.memory_space<semaphore_mem>>)
    %dma_start3A_174 = arith.constant 1 : i32
    %dma_start3A_175 = arith.constant 1 : i32
    %dma_start3A_176 = arith.constant 0 : i32
    %dma_start3A_177 = tpu.memref_slice %arg7[%dma_start3A_175, %dma_start3A_176] : memref<2x1664xi32, #tpu.memory_space<vmem>> -> memref<1x1664xi32, #tpu.memory_space<vmem>>
    %dma_start3A_178 = tpu.memref_squeeze %dma_start3A_177 : memref<1x1664xi32, #tpu.memory_space<vmem>> -> memref<1664xi32, #tpu.memory_space<vmem>>
    %dma_start3A_179 = tpu.memref_slice %arg3[%dma_start3A_174, %multiple_of3A_161] : memref<2x320000xi32, #tpu.memory_space<hbm>> -> memref<1x1664xi32, #tpu.memory_space<hbm>>
    %dma_start3A_180 = tpu.memref_squeeze %dma_start3A_179 : memref<1x1664xi32, #tpu.memory_space<hbm>> -> memref<1664xi32, #tpu.memory_space<hbm>>
    %dma_start3A_181 = arith.constant 0 : i32
    %dma_start3A_182 = tpu.memref_slice %arg7[%dma_start3A_175, %dma_start3A_181] : memref<2x1664xi32, #tpu.memory_space<vmem>> -> memref<1x1664xi32, #tpu.memory_space<vmem>>
    %dma_start3A_183 = tpu.memref_squeeze %dma_start3A_182 : memref<1x1664xi32, #tpu.memory_space<vmem>> -> memref<1664xi32, #tpu.memory_space<vmem>>
    %dma_start3A_184 = tpu.memref_slice %arg3[%dma_start3A_174, %multiple_of3A_161] : memref<2x320000xi32, #tpu.memory_space<hbm>> -> memref<1x1664xi32, #tpu.memory_space<hbm>>
    %dma_start3A_185 = tpu.memref_squeeze %dma_start3A_184 : memref<1x1664xi32, #tpu.memory_space<hbm>> -> memref<1664xi32, #tpu.memory_space<hbm>>
    tpu.enqueue_dma source(%dma_start3A_185 : memref<1664xi32, #tpu.memory_space<hbm>>) target(%dma_start3A_183 : memref<1664xi32, #tpu.memory_space<vmem>>) target_semaphore(%arg14 : memref<!tpu.dma_semaphore, #tpu.memory_space<semaphore_mem>>)
    %add3A_186 = arith.constant 78 : i32
    %add3A_187 = arith.addi %add3A_4, %add3A_186 : i32
    %lt3A = arith.constant 4 : i32
    %lt3A_188 = arith.cmpi slt, %add3A, %lt3A : i32
    %convert_element_type3A = arith.extui %lt3A_188 : i1 to i32
    %cond3A = arith.constant 0 : i32
    %cond3A_189 = arith.cmpi ne, %convert_element_type3A, %cond3A : i32
    scf.if %cond3A_189 {
      %mul3A_322 = arith.constant 128 : i32
      %mul3A_323 = arith.muli %add3A_187, %mul3A_322 : i32
      %multiple_of3A_324 = tpu.assume_multiple %mul3A_323, 8 : i32
      %dma_start3A_325 = arith.constant 0 : i32
      %dma_start3A_326 = tpu.memref_slice %arg3[%dma_start3A_325, %multiple_of3A_324] : memref<2x320000xi32, #tpu.memory_space<hbm>> -> memref<1x128xi32, #tpu.memory_space<hbm>>
      %dma_start3A_327 = tpu.memref_squeeze %dma_start3A_326 : memref<1x128xi32, #tpu.memory_space<hbm>> -> memref<128xi32, #tpu.memory_space<hbm>>
      %dma_start3A_328 = tpu.memref_slice %arg3[%dma_start3A_325, %multiple_of3A_324] : memref<2x320000xi32, #tpu.memory_space<hbm>> -> memref<1x128xi32, #tpu.memory_space<hbm>>
      %dma_start3A_329 = tpu.memref_squeeze %dma_start3A_328 : memref<1x128xi32, #tpu.memory_space<hbm>> -> memref<128xi32, #tpu.memory_space<hbm>>
      tpu.enqueue_dma source(%dma_start3A_329 : memref<128xi32, #tpu.memory_space<hbm>>) target(%arg9 : memref<128xi32, #tpu.memory_space<vmem>>) target_semaphore(%arg17 : memref<!tpu.dma_semaphore, #tpu.memory_space<semaphore_mem>>)
      %dma_start3A_330 = arith.constant 1 : i32
      %dma_start3A_331 = tpu.memref_slice %arg3[%dma_start3A_330, %multiple_of3A_324] : memref<2x320000xi32, #tpu.memory_space<hbm>> -> memref<1x128xi32, #tpu.memory_space<hbm>>
      %dma_start3A_332 = tpu.memref_squeeze %dma_start3A_331 : memref<1x128xi32, #tpu.memory_space<hbm>> -> memref<128xi32, #tpu.memory_space<hbm>>
      %dma_start3A_333 = tpu.memref_slice %arg3[%dma_start3A_330, %multiple_of3A_324] : memref<2x320000xi32, #tpu.memory_space<hbm>> -> memref<1x128xi32, #tpu.memory_space<hbm>>
      %dma_start3A_334 = tpu.memref_squeeze %dma_start3A_333 : memref<1x128xi32, #tpu.memory_space<hbm>> -> memref<128xi32, #tpu.memory_space<hbm>>
      tpu.enqueue_dma source(%dma_start3A_334 : memref<128xi32, #tpu.memory_space<hbm>>) target(%arg10 : memref<128xi32, #tpu.memory_space<vmem>>) target_semaphore(%arg17 : memref<!tpu.dma_semaphore, #tpu.memory_space<semaphore_mem>>)
    } else {
    }
    %dma_wait3A = arith.constant 0 : i32
    %dma_wait3A_190 = tpu.memref_slice %arg5[%rem3A_7, %dma_wait3A] : memref<8x10000xf32, #tpu.memory_space<vmem>> -> memref<1x10000xf32, #tpu.memory_space<vmem>>
    %dma_wait3A_191 = tpu.memref_squeeze %dma_wait3A_190 : memref<1x10000xf32, #tpu.memory_space<vmem>> -> memref<10000xf32, #tpu.memory_space<vmem>>
    %dma_wait3A_192 = arith.constant 0 : i32
    %dma_wait3A_193 = tpu.memref_slice %arg2[%rem3A_7, %dma_wait3A_192] : memref<8x10000xf32, #tpu.memory_space<hbm>> -> memref<1x10000xf32, #tpu.memory_space<hbm>>
    %dma_wait3A_194 = tpu.memref_squeeze %dma_wait3A_193 : memref<1x10000xf32, #tpu.memory_space<hbm>> -> memref<10000xf32, #tpu.memory_space<hbm>>
    %dma_wait3A_195 = arith.constant 0 : i32
    %dma_wait3A_196 = tpu.memref_slice %arg5[%rem3A_7, %dma_wait3A_195] : memref<8x10000xf32, #tpu.memory_space<vmem>> -> memref<1x10000xf32, #tpu.memory_space<vmem>>
    %dma_wait3A_197 = tpu.memref_squeeze %dma_wait3A_196 : memref<1x10000xf32, #tpu.memory_space<vmem>> -> memref<10000xf32, #tpu.memory_space<vmem>>
    %dma_wait3A_198 = arith.constant 0 : i32
    %dma_wait3A_199 = tpu.memref_slice %arg2[%rem3A_7, %dma_wait3A_198] : memref<8x10000xf32, #tpu.memory_space<hbm>> -> memref<1x10000xf32, #tpu.memory_space<hbm>>
    %dma_wait3A_200 = tpu.memref_squeeze %dma_wait3A_199 : memref<1x10000xf32, #tpu.memory_space<hbm>> -> memref<10000xf32, #tpu.memory_space<hbm>>
    tpu.wait_dma2 semaphore(%arg12 : memref<!tpu.dma_semaphore, #tpu.memory_space<semaphore_mem>>) src(%dma_wait3A_200 : memref<10000xf32, #tpu.memory_space<hbm>>) dst(%dma_wait3A_197 : memref<10000xf32, #tpu.memory_space<vmem>>)
    %dma_wait3A_201 = arith.constant 0 : i32
    %dma_wait3A_202 = tpu.memref_slice %arg5[%rem3A_22, %dma_wait3A_201] : memref<8x10000xf32, #tpu.memory_space<vmem>> -> memref<1x10000xf32, #tpu.memory_space<vmem>>
    %dma_wait3A_203 = tpu.memref_squeeze %dma_wait3A_202 : memref<1x10000xf32, #tpu.memory_space<vmem>> -> memref<10000xf32, #tpu.memory_space<vmem>>
    %dma_wait3A_204 = arith.constant 0 : i32
    %dma_wait3A_205 = tpu.memref_slice %arg2[%rem3A_22, %dma_wait3A_204] : memref<8x10000xf32, #tpu.memory_space<hbm>> -> memref<1x10000xf32, #tpu.memory_space<hbm>>
    %dma_wait3A_206 = tpu.memref_squeeze %dma_wait3A_205 : memref<1x10000xf32, #tpu.memory_space<hbm>> -> memref<10000xf32, #tpu.memory_space<hbm>>
    %dma_wait3A_207 = arith.constant 0 : i32
    %dma_wait3A_208 = tpu.memref_slice %arg5[%rem3A_22, %dma_wait3A_207] : memref<8x10000xf32, #tpu.memory_space<vmem>> -> memref<1x10000xf32, #tpu.memory_space<vmem>>
    %dma_wait3A_209 = tpu.memref_squeeze %dma_wait3A_208 : memref<1x10000xf32, #tpu.memory_space<vmem>> -> memref<10000xf32, #tpu.memory_space<vmem>>
    %dma_wait3A_210 = arith.constant 0 : i32
    %dma_wait3A_211 = tpu.memref_slice %arg2[%rem3A_22, %dma_wait3A_210] : memref<8x10000xf32, #tpu.memory_space<hbm>> -> memref<1x10000xf32, #tpu.memory_space<hbm>>
    %dma_wait3A_212 = tpu.memref_squeeze %dma_wait3A_211 : memref<1x10000xf32, #tpu.memory_space<hbm>> -> memref<10000xf32, #tpu.memory_space<hbm>>
    tpu.wait_dma2 semaphore(%arg12 : memref<!tpu.dma_semaphore, #tpu.memory_space<semaphore_mem>>) src(%dma_wait3A_212 : memref<10000xf32, #tpu.memory_space<hbm>>) dst(%dma_wait3A_209 : memref<10000xf32, #tpu.memory_space<vmem>>)
    %dma_wait3A_213 = arith.constant 0 : i32
    %dma_wait3A_214 = tpu.memref_slice %arg5[%rem3A_38, %dma_wait3A_213] : memref<8x10000xf32, #tpu.memory_space<vmem>> -> memref<1x10000xf32, #tpu.memory_space<vmem>>
    %dma_wait3A_215 = tpu.memref_squeeze %dma_wait3A_214 : memref<1x10000xf32, #tpu.memory_space<vmem>> -> memref<10000xf32, #tpu.memory_space<vmem>>
    %dma_wait3A_216 = arith.constant 0 : i32
    %dma_wait3A_217 = tpu.memref_slice %arg2[%rem3A_38, %dma_wait3A_216] : memref<8x10000xf32, #tpu.memory_space<hbm>> -> memref<1x10000xf32, #tpu.memory_space<hbm>>
    %dma_wait3A_218 = tpu.memref_squeeze %dma_wait3A_217 : memref<1x10000xf32, #tpu.memory_space<hbm>> -> memref<10000xf32, #tpu.memory_space<hbm>>
    %dma_wait3A_219 = arith.constant 0 : i32
    %dma_wait3A_220 = tpu.memref_slice %arg5[%rem3A_38, %dma_wait3A_219] : memref<8x10000xf32, #tpu.memory_space<vmem>> -> memref<1x10000xf32, #tpu.memory_space<vmem>>
    %dma_wait3A_221 = tpu.memref_squeeze %dma_wait3A_220 : memref<1x10000xf32, #tpu.memory_space<vmem>> -> memref<10000xf32, #tpu.memory_space<vmem>>
    %dma_wait3A_222 = arith.constant 0 : i32
    %dma_wait3A_223 = tpu.memref_slice %arg2[%rem3A_38, %dma_wait3A_222] : memref<8x10000xf32, #tpu.memory_space<hbm>> -> memref<1x10000xf32, #tpu.memory_space<hbm>>
    %dma_wait3A_224 = tpu.memref_squeeze %dma_wait3A_223 : memref<1x10000xf32, #tpu.memory_space<hbm>> -> memref<10000xf32, #tpu.memory_space<hbm>>
    tpu.wait_dma2 semaphore(%arg12 : memref<!tpu.dma_semaphore, #tpu.memory_space<semaphore_mem>>) src(%dma_wait3A_224 : memref<10000xf32, #tpu.memory_space<hbm>>) dst(%dma_wait3A_221 : memref<10000xf32, #tpu.memory_space<vmem>>)
    %dma_wait3A_225 = arith.constant 0 : i32
    %dma_wait3A_226 = tpu.memref_slice %arg5[%rem3A_54, %dma_wait3A_225] : memref<8x10000xf32, #tpu.memory_space<vmem>> -> memref<1x10000xf32, #tpu.memory_space<vmem>>
    %dma_wait3A_227 = tpu.memref_squeeze %dma_wait3A_226 : memref<1x10000xf32, #tpu.memory_space<vmem>> -> memref<10000xf32, #tpu.memory_space<vmem>>
    %dma_wait3A_228 = arith.constant 0 : i32
    %dma_wait3A_229 = tpu.memref_slice %arg2[%rem3A_54, %dma_wait3A_228] : memref<8x10000xf32, #tpu.memory_space<hbm>> -> memref<1x10000xf32, #tpu.memory_space<hbm>>
    %dma_wait3A_230 = tpu.memref_squeeze %dma_wait3A_229 : memref<1x10000xf32, #tpu.memory_space<hbm>> -> memref<10000xf32, #tpu.memory_space<hbm>>
    %dma_wait3A_231 = arith.constant 0 : i32
    %dma_wait3A_232 = tpu.memref_slice %arg5[%rem3A_54, %dma_wait3A_231] : memref<8x10000xf32, #tpu.memory_space<vmem>> -> memref<1x10000xf32, #tpu.memory_space<vmem>>
    %dma_wait3A_233 = tpu.memref_squeeze %dma_wait3A_232 : memref<1x10000xf32, #tpu.memory_space<vmem>> -> memref<10000xf32, #tpu.memory_space<vmem>>
    %dma_wait3A_234 = arith.constant 0 : i32
    %dma_wait3A_235 = tpu.memref_slice %arg2[%rem3A_54, %dma_wait3A_234] : memref<8x10000xf32, #tpu.memory_space<hbm>> -> memref<1x10000xf32, #tpu.memory_space<hbm>>
    %dma_wait3A_236 = tpu.memref_squeeze %dma_wait3A_235 : memref<1x10000xf32, #tpu.memory_space<hbm>> -> memref<10000xf32, #tpu.memory_space<hbm>>
    tpu.wait_dma2 semaphore(%arg12 : memref<!tpu.dma_semaphore, #tpu.memory_space<semaphore_mem>>) src(%dma_wait3A_236 : memref<10000xf32, #tpu.memory_space<hbm>>) dst(%dma_wait3A_233 : memref<10000xf32, #tpu.memory_space<vmem>>)
    %dma_wait3A_237 = arith.constant 0 : i32
    %dma_wait3A_238 = tpu.memref_slice %arg5[%rem3A_70, %dma_wait3A_237] : memref<8x10000xf32, #tpu.memory_space<vmem>> -> memref<1x10000xf32, #tpu.memory_space<vmem>>
    %dma_wait3A_239 = tpu.memref_squeeze %dma_wait3A_238 : memref<1x10000xf32, #tpu.memory_space<vmem>> -> memref<10000xf32, #tpu.memory_space<vmem>>
    %dma_wait3A_240 = arith.constant 0 : i32
    %dma_wait3A_241 = tpu.memref_slice %arg2[%rem3A_70, %dma_wait3A_240] : memref<8x10000xf32, #tpu.memory_space<hbm>> -> memref<1x10000xf32, #tpu.memory_space<hbm>>
    %dma_wait3A_242 = tpu.memref_squeeze %dma_wait3A_241 : memref<1x10000xf32, #tpu.memory_space<hbm>> -> memref<10000xf32, #tpu.memory_space<hbm>>
    %dma_wait3A_243 = arith.constant 0 : i32
    %dma_wait3A_244 = tpu.memref_slice %arg5[%rem3A_70, %dma_wait3A_243] : memref<8x10000xf32, #tpu.memory_space<vmem>> -> memref<1x10000xf32, #tpu.memory_space<vmem>>
    %dma_wait3A_245 = tpu.memref_squeeze %dma_wait3A_244 : memref<1x10000xf32, #tpu.memory_space<vmem>> -> memref<10000xf32, #tpu.memory_space<vmem>>
    %dma_wait3A_246 = arith.constant 0 : i32
    %dma_wait3A_247 = tpu.memref_slice %arg2[%rem3A_70, %dma_wait3A_246] : memref<8x10000xf32, #tpu.memory_space<hbm>> -> memref<1x10000xf32, #tpu.memory_space<hbm>>
    %dma_wait3A_248 = tpu.memref_squeeze %dma_wait3A_247 : memref<1x10000xf32, #tpu.memory_space<hbm>> -> memref<10000xf32, #tpu.memory_space<hbm>>
    tpu.wait_dma2 semaphore(%arg12 : memref<!tpu.dma_semaphore, #tpu.memory_space<semaphore_mem>>) src(%dma_wait3A_248 : memref<10000xf32, #tpu.memory_space<hbm>>) dst(%dma_wait3A_245 : memref<10000xf32, #tpu.memory_space<vmem>>)
    %dma_wait3A_249 = arith.constant 0 : i32
    %dma_wait3A_250 = tpu.memref_slice %arg5[%rem3A_86, %dma_wait3A_249] : memref<8x10000xf32, #tpu.memory_space<vmem>> -> memref<1x10000xf32, #tpu.memory_space<vmem>>
    %dma_wait3A_251 = tpu.memref_squeeze %dma_wait3A_250 : memref<1x10000xf32, #tpu.memory_space<vmem>> -> memref<10000xf32, #tpu.memory_space<vmem>>
    %dma_wait3A_252 = arith.constant 0 : i32
    %dma_wait3A_253 = tpu.memref_slice %arg2[%rem3A_86, %dma_wait3A_252] : memref<8x10000xf32, #tpu.memory_space<hbm>> -> memref<1x10000xf32, #tpu.memory_space<hbm>>
    %dma_wait3A_254 = tpu.memref_squeeze %dma_wait3A_253 : memref<1x10000xf32, #tpu.memory_space<hbm>> -> memref<10000xf32, #tpu.memory_space<hbm>>
    %dma_wait3A_255 = arith.constant 0 : i32
    %dma_wait3A_256 = tpu.memref_slice %arg5[%rem3A_86, %dma_wait3A_255] : memref<8x10000xf32, #tpu.memory_space<vmem>> -> memref<1x10000xf32, #tpu.memory_space<vmem>>
    %dma_wait3A_257 = tpu.memref_squeeze %dma_wait3A_256 : memref<1x10000xf32, #tpu.memory_space<vmem>> -> memref<10000xf32, #tpu.memory_space<vmem>>
    %dma_wait3A_258 = arith.constant 0 : i32
    %dma_wait3A_259 = tpu.memref_slice %arg2[%rem3A_86, %dma_wait3A_258] : memref<8x10000xf32, #tpu.memory_space<hbm>> -> memref<1x10000xf32, #tpu.memory_space<hbm>>
    %dma_wait3A_260 = tpu.memref_squeeze %dma_wait3A_259 : memref<1x10000xf32, #tpu.memory_space<hbm>> -> memref<10000xf32, #tpu.memory_space<hbm>>
    tpu.wait_dma2 semaphore(%arg12 : memref<!tpu.dma_semaphore, #tpu.memory_space<semaphore_mem>>) src(%dma_wait3A_260 : memref<10000xf32, #tpu.memory_space<hbm>>) dst(%dma_wait3A_257 : memref<10000xf32, #tpu.memory_space<vmem>>)
    %dma_wait3A_261 = arith.constant 0 : i32
    %dma_wait3A_262 = tpu.memref_slice %arg5[%rem3A_102, %dma_wait3A_261] : memref<8x10000xf32, #tpu.memory_space<vmem>> -> memref<1x10000xf32, #tpu.memory_space<vmem>>
    %dma_wait3A_263 = tpu.memref_squeeze %dma_wait3A_262 : memref<1x10000xf32, #tpu.memory_space<vmem>> -> memref<10000xf32, #tpu.memory_space<vmem>>
    %dma_wait3A_264 = arith.constant 0 : i32
    %dma_wait3A_265 = tpu.memref_slice %arg2[%rem3A_102, %dma_wait3A_264] : memref<8x10000xf32, #tpu.memory_space<hbm>> -> memref<1x10000xf32, #tpu.memory_space<hbm>>
    %dma_wait3A_266 = tpu.memref_squeeze %dma_wait3A_265 : memref<1x10000xf32, #tpu.memory_space<hbm>> -> memref<10000xf32, #tpu.memory_space<hbm>>
    %dma_wait3A_267 = arith.constant 0 : i32
    %dma_wait3A_268 = tpu.memref_slice %arg5[%rem3A_102, %dma_wait3A_267] : memref<8x10000xf32, #tpu.memory_space<vmem>> -> memref<1x10000xf32, #tpu.memory_space<vmem>>
    %dma_wait3A_269 = tpu.memref_squeeze %dma_wait3A_268 : memref<1x10000xf32, #tpu.memory_space<vmem>> -> memref<10000xf32, #tpu.memory_space<vmem>>
    %dma_wait3A_270 = arith.constant 0 : i32
    %dma_wait3A_271 = tpu.memref_slice %arg2[%rem3A_102, %dma_wait3A_270] : memref<8x10000xf32, #tpu.memory_space<hbm>> -> memref<1x10000xf32, #tpu.memory_space<hbm>>
    %dma_wait3A_272 = tpu.memref_squeeze %dma_wait3A_271 : memref<1x10000xf32, #tpu.memory_space<hbm>> -> memref<10000xf32, #tpu.memory_space<hbm>>
    tpu.wait_dma2 semaphore(%arg12 : memref<!tpu.dma_semaphore, #tpu.memory_space<semaphore_mem>>) src(%dma_wait3A_272 : memref<10000xf32, #tpu.memory_space<hbm>>) dst(%dma_wait3A_269 : memref<10000xf32, #tpu.memory_space<vmem>>)
    %dma_wait3A_273 = arith.constant 0 : i32
    %dma_wait3A_274 = tpu.memref_slice %arg5[%rem3A_118, %dma_wait3A_273] : memref<8x10000xf32, #tpu.memory_space<vmem>> -> memref<1x10000xf32, #tpu.memory_space<vmem>>
    %dma_wait3A_275 = tpu.memref_squeeze %dma_wait3A_274 : memref<1x10000xf32, #tpu.memory_space<vmem>> -> memref<10000xf32, #tpu.memory_space<vmem>>
    %dma_wait3A_276 = arith.constant 0 : i32
    %dma_wait3A_277 = tpu.memref_slice %arg2[%rem3A_118, %dma_wait3A_276] : memref<8x10000xf32, #tpu.memory_space<hbm>> -> memref<1x10000xf32, #tpu.memory_space<hbm>>
    %dma_wait3A_278 = tpu.memref_squeeze %dma_wait3A_277 : memref<1x10000xf32, #tpu.memory_space<hbm>> -> memref<10000xf32, #tpu.memory_space<hbm>>
    %dma_wait3A_279 = arith.constant 0 : i32
    %dma_wait3A_280 = tpu.memref_slice %arg5[%rem3A_118, %dma_wait3A_279] : memref<8x10000xf32, #tpu.memory_space<vmem>> -> memref<1x10000xf32, #tpu.memory_space<vmem>>
    %dma_wait3A_281 = tpu.memref_squeeze %dma_wait3A_280 : memref<1x10000xf32, #tpu.memory_space<vmem>> -> memref<10000xf32, #tpu.memory_space<vmem>>
    %dma_wait3A_282 = arith.constant 0 : i32
    %dma_wait3A_283 = tpu.memref_slice %arg2[%rem3A_118, %dma_wait3A_282] : memref<8x10000xf32, #tpu.memory_space<hbm>> -> memref<1x10000xf32, #tpu.memory_space<hbm>>
    %dma_wait3A_284 = tpu.memref_squeeze %dma_wait3A_283 : memref<1x10000xf32, #tpu.memory_space<hbm>> -> memref<10000xf32, #tpu.memory_space<hbm>>
    tpu.wait_dma2 semaphore(%arg12 : memref<!tpu.dma_semaphore, #tpu.memory_space<semaphore_mem>>) src(%dma_wait3A_284 : memref<10000xf32, #tpu.memory_space<hbm>>) dst(%dma_wait3A_281 : memref<10000xf32, #tpu.memory_space<vmem>>)
    %lt3A_285 = arith.constant 4 : i32
    %lt3A_286 = arith.cmpi slt, %add3A, %lt3A_285 : i32
    %convert_element_type3A_287 = arith.extui %lt3A_286 : i1 to i32
    %cond3A_288 = arith.constant 0 : i32
    %cond3A_289 = arith.cmpi ne, %convert_element_type3A_287, %cond3A_288 : i32
    scf.if %cond3A_289 {
      %dma_wait3A_322 = arith.constant 0 : i32
      %dma_wait3A_323 = arith.constant 0 : i32
      %dma_wait3A_324 = tpu.memref_slice %arg3[%dma_wait3A_322, %dma_wait3A_323] : memref<2x320000xi32, #tpu.memory_space<hbm>> -> memref<1x128xi32, #tpu.memory_space<hbm>>
      %dma_wait3A_325 = tpu.memref_squeeze %dma_wait3A_324 : memref<1x128xi32, #tpu.memory_space<hbm>> -> memref<128xi32, #tpu.memory_space<hbm>>
      %dma_wait3A_326 = arith.constant 0 : i32
      %dma_wait3A_327 = tpu.memref_slice %arg3[%dma_wait3A_322, %dma_wait3A_326] : memref<2x320000xi32, #tpu.memory_space<hbm>> -> memref<1x128xi32, #tpu.memory_space<hbm>>
      %dma_wait3A_328 = tpu.memref_squeeze %dma_wait3A_327 : memref<1x128xi32, #tpu.memory_space<hbm>> -> memref<128xi32, #tpu.memory_space<hbm>>
      tpu.wait_dma2 semaphore(%arg17 : memref<!tpu.dma_semaphore, #tpu.memory_space<semaphore_mem>>) src(%dma_wait3A_328 : memref<128xi32, #tpu.memory_space<hbm>>) dst(%arg9 : memref<128xi32, #tpu.memory_space<vmem>>)
      %dma_wait3A_329 = arith.constant 1 : i32
      %dma_wait3A_330 = arith.constant 0 : i32
      %dma_wait3A_331 = tpu.memref_slice %arg3[%dma_wait3A_329, %dma_wait3A_330] : memref<2x320000xi32, #tpu.memory_space<hbm>> -> memref<1x128xi32, #tpu.memory_space<hbm>>
      %dma_wait3A_332 = tpu.memref_squeeze %dma_wait3A_331 : memref<1x128xi32, #tpu.memory_space<hbm>> -> memref<128xi32, #tpu.memory_space<hbm>>
      %dma_wait3A_333 = arith.constant 0 : i32
      %dma_wait3A_334 = tpu.memref_slice %arg3[%dma_wait3A_329, %dma_wait3A_333] : memref<2x320000xi32, #tpu.memory_space<hbm>> -> memref<1x128xi32, #tpu.memory_space<hbm>>
      %dma_wait3A_335 = tpu.memref_squeeze %dma_wait3A_334 : memref<1x128xi32, #tpu.memory_space<hbm>> -> memref<128xi32, #tpu.memory_space<hbm>>
      tpu.wait_dma2 semaphore(%arg17 : memref<!tpu.dma_semaphore, #tpu.memory_space<semaphore_mem>>) src(%dma_wait3A_335 : memref<128xi32, #tpu.memory_space<hbm>>) dst(%arg10 : memref<128xi32, #tpu.memory_space<vmem>>)
      %multiple_of3A_336 = arith.constant 0 : i32
      %multiple_of3A_337 = tpu.assume_multiple %multiple_of3A_336, 16 : i32
      %get3A = arith.index_cast %multiple_of3A_337 : i32 to index
      %get3A_338 = tpu.vector_load %arg9[%get3A] {strides = array<i32>} : memref<128xi32, #tpu.memory_space<vmem>>, vector<16xi32>,
      %multiple_of3A_339 = arith.constant 0 : i32
      %multiple_of3A_340 = tpu.assume_multiple %multiple_of3A_339, 16 : i32
      %get3A_341 = arith.index_cast %multiple_of3A_340 : i32 to index
      %get3A_342 = tpu.vector_load %arg10[%get3A_341] {strides = array<i32>} : memref<128xi32, #tpu.memory_space<vmem>>, vector<16xi32>,
      %broadcast_in_dim3A = arith.constant 0 : i32
      %broadcast_in_dim3A_343 = vector.broadcast %broadcast_in_dim3A : i32 to vector<16xi32>
      %broadcast_in_dim3A_344 = arith.constant 4 : i32
      %broadcast_in_dim3A_345 = vector.broadcast %broadcast_in_dim3A_344 : i32 to vector<16xi32>
      %gather3A = tpu.vector_load_idx %arg5[%broadcast_in_dim3A_343, %get3A_338] : memref<8x10000xf32, #tpu.memory_space<vmem>>[vector<16xi32>, vector<16xi32>], vector<16xf32>,
      %gather3A_346 = tpu.vector_load_idx %arg5[%broadcast_in_dim3A_345, %get3A_342] : memref<8x10000xf32, #tpu.memory_space<vmem>>[vector<16xi32>, vector<16xi32>], vector<16xf32>,
      %broadcast_in_dim3A_347 = arith.constant 1 : i32
      %broadcast_in_dim3A_348 = vector.broadcast %broadcast_in_dim3A_347 : i32 to vector<16xi32>
      %broadcast_in_dim3A_349 = arith.constant 5 : i32
      %broadcast_in_dim3A_350 = vector.broadcast %broadcast_in_dim3A_349 : i32 to vector<16xi32>
      %gather3A_351 = tpu.vector_load_idx %arg5[%broadcast_in_dim3A_348, %get3A_338] : memref<8x10000xf32, #tpu.memory_space<vmem>>[vector<16xi32>, vector<16xi32>], vector<16xf32>,
      %gather3A_352 = tpu.vector_load_idx %arg5[%broadcast_in_dim3A_350, %get3A_342] : memref<8x10000xf32, #tpu.memory_space<vmem>>[vector<16xi32>, vector<16xi32>], vector<16xf32>,
      %broadcast_in_dim3A_353 = arith.constant 2 : i32
      %broadcast_in_dim3A_354 = vector.broadcast %broadcast_in_dim3A_353 : i32 to vector<16xi32>
      %broadcast_in_dim3A_355 = arith.constant 6 : i32
      %broadcast_in_dim3A_356 = vector.broadcast %broadcast_in_dim3A_355 : i32 to vector<16xi32>
      %gather3A_357 = tpu.vector_load_idx %arg5[%broadcast_in_dim3A_354, %get3A_338] : memref<8x10000xf32, #tpu.memory_space<vmem>>[vector<16xi32>, vector<16xi32>], vector<16xf32>,
      %gather3A_358 = tpu.vector_load_idx %arg5[%broadcast_in_dim3A_356, %get3A_342] : memref<8x10000xf32, #tpu.memory_space<vmem>>[vector<16xi32>, vector<16xi32>], vector<16xf32>,
      %broadcast_in_dim3A_359 = arith.constant 3 : i32
      %broadcast_in_dim3A_360 = vector.broadcast %broadcast_in_dim3A_359 : i32 to vector<16xi32>
      %broadcast_in_dim3A_361 = arith.constant 7 : i32
      %broadcast_in_dim3A_362 = vector.broadcast %broadcast_in_dim3A_361 : i32 to vector<16xi32>
      %gather3A_363 = tpu.vector_load_idx %arg5[%broadcast_in_dim3A_360, %get3A_338] : memref<8x10000xf32, #tpu.memory_space<vmem>>[vector<16xi32>, vector<16xi32>], vector<16xf32>,
      %gather3A_364 = tpu.vector_load_idx %arg5[%broadcast_in_dim3A_362, %get3A_342] : memref<8x10000xf32, #tpu.memory_space<vmem>>[vector<16xi32>, vector<16xi32>], vector<16xf32>,
      %multiple_of3A_365 = arith.constant 16 : i32
      %multiple_of3A_366 = tpu.assume_multiple %multiple_of3A_365, 16 : i32
      %get3A_367 = arith.index_cast %multiple_of3A_366 : i32 to index
      %get3A_368 = tpu.vector_load %arg9[%get3A_367] {strides = array<i32>} : memref<128xi32, #tpu.memory_space<vmem>>, vector<16xi32>,
      %multiple_of3A_369 = arith.constant 16 : i32
      %multiple_of3A_370 = tpu.assume_multiple %multiple_of3A_369, 16 : i32
      %get3A_371 = arith.index_cast %multiple_of3A_370 : i32 to index
      %get3A_372 = tpu.vector_load %arg10[%get3A_371] {strides = array<i32>} : memref<128xi32, #tpu.memory_space<vmem>>, vector<16xi32>,
      %broadcast_in_dim3A_373 = arith.constant 0 : i32
      %broadcast_in_dim3A_374 = vector.broadcast %broadcast_in_dim3A_373 : i32 to vector<16xi32>
      %broadcast_in_dim3A_375 = arith.constant 4 : i32
      %broadcast_in_dim3A_376 = vector.broadcast %broadcast_in_dim3A_375 : i32 to vector<16xi32>
      %gather3A_377 = tpu.vector_load_idx %arg5[%broadcast_in_dim3A_374, %get3A_368] : memref<8x10000xf32, #tpu.memory_space<vmem>>[vector<16xi32>, vector<16xi32>], vector<16xf32>,
      %gather3A_378 = tpu.vector_load_idx %arg5[%broadcast_in_dim3A_376, %get3A_372] : memref<8x10000xf32, #tpu.memory_space<vmem>>[vector<16xi32>, vector<16xi32>], vector<16xf32>,
      %broadcast_in_dim3A_379 = arith.constant 1 : i32
      %broadcast_in_dim3A_380 = vector.broadcast %broadcast_in_dim3A_379 : i32 to vector<16xi32>
      %broadcast_in_dim3A_381 = arith.constant 5 : i32
      %broadcast_in_dim3A_382 = vector.broadcast %broadcast_in_dim3A_381 : i32 to vector<16xi32>
      %gather3A_383 = tpu.vector_load_idx %arg5[%broadcast_in_dim3A_380, %get3A_368] : memref<8x10000xf32, #tpu.memory_space<vmem>>[vector<16xi32>, vector<16xi32>], vector<16xf32>,
      %gather3A_384 = tpu.vector_load_idx %arg5[%broadcast_in_dim3A_382, %get3A_372] : memref<8x10000xf32, #tpu.memory_space<vmem>>[vector<16xi32>, vector<16xi32>], vector<16xf32>,
      %broadcast_in_dim3A_385 = arith.constant 2 : i32
      %broadcast_in_dim3A_386 = vector.broadcast %broadcast_in_dim3A_385 : i32 to vector<16xi32>
      %broadcast_in_dim3A_387 = arith.constant 6 : i32
      %broadcast_in_dim3A_388 = vector.broadcast %broadcast_in_dim3A_387 : i32 to vector<16xi32>
      %gather3A_389 = tpu.vector_load_idx %arg5[%broadcast_in_dim3A_386, %get3A_368] : memref<8x10000xf32, #tpu.memory_space<vmem>>[vector<16xi32>, vector<16xi32>], vector<16xf32>,
      %gather3A_390 = tpu.vector_load_idx %arg5[%broadcast_in_dim3A_388, %get3A_372] : memref<8x10000xf32, #tpu.memory_space<vmem>>[vector<16xi32>, vector<16xi32>], vector<16xf32>,
      %broadcast_in_dim3A_391 = arith.constant 3 : i32
      %broadcast_in_dim3A_392 = vector.broadcast %broadcast_in_dim3A_391 : i32 to vector<16xi32>
      %broadcast_in_dim3A_393 = arith.constant 7 : i32
      %broadcast_in_dim3A_394 = vector.broadcast %broadcast_in_dim3A_393 : i32 to vector<16xi32>
      %gather3A_395 = tpu.vector_load_idx %arg5[%broadcast_in_dim3A_392, %get3A_368] : memref<8x10000xf32, #tpu.memory_space<vmem>>[vector<16xi32>, vector<16xi32>], vector<16xf32>,
      %gather3A_396 = tpu.vector_load_idx %arg5[%broadcast_in_dim3A_394, %get3A_372] : memref<8x10000xf32, #tpu.memory_space<vmem>>[vector<16xi32>, vector<16xi32>], vector<16xf32>,
      %multiple_of3A_397 = arith.constant 32 : i32
      %multiple_of3A_398 = tpu.assume_multiple %multiple_of3A_397, 16 : i32
      %get3A_399 = arith.index_cast %multiple_of3A_398 : i32 to index
      %get3A_400 = tpu.vector_load %arg9[%get3A_399] {strides = array<i32>} : memref<128xi32, #tpu.memory_space<vmem>>, vector<16xi32>,
      %multiple_of3A_401 = arith.constant 32 : i32
      %multiple_of3A_402 = tpu.assume_multiple %multiple_of3A_401, 16 : i32
      %get3A_403 = arith.index_cast %multiple_of3A_402 : i32 to index
      %get3A_404 = tpu.vector_load %arg10[%get3A_403] {strides = array<i32>} : memref<128xi32, #tpu.memory_space<vmem>>, vector<16xi32>,
      %broadcast_in_dim3A_405 = arith.constant 0 : i32
      %broadcast_in_dim3A_406 = vector.broadcast %broadcast_in_dim3A_405 : i32 to vector<16xi32>
      %broadcast_in_dim3A_407 = arith.constant 4 : i32
      %broadcast_in_dim3A_408 = vector.broadcast %broadcast_in_dim3A_407 : i32 to vector<16xi32>
      %gather3A_409 = tpu.vector_load_idx %arg5[%broadcast_in_dim3A_406, %get3A_400] : memref<8x10000xf32, #tpu.memory_space<vmem>>[vector<16xi32>, vector<16xi32>], vector<16xf32>,
      %gather3A_410 = tpu.vector_load_idx %arg5[%broadcast_in_dim3A_408, %get3A_404] : memref<8x10000xf32, #tpu.memory_space<vmem>>[vector<16xi32>, vector<16xi32>], vector<16xf32>,
      %broadcast_in_dim3A_411 = arith.constant 1 : i32
      %broadcast_in_dim3A_412 = vector.broadcast %broadcast_in_dim3A_411 : i32 to vector<16xi32>
      %broadcast_in_dim3A_413 = arith.constant 5 : i32
      %broadcast_in_dim3A_414 = vector.broadcast %broadcast_in_dim3A_413 : i32 to vector<16xi32>
      %gather3A_415 = tpu.vector_load_idx %arg5[%broadcast_in_dim3A_412, %get3A_400] : memref<8x10000xf32, #tpu.memory_space<vmem>>[vector<16xi32>, vector<16xi32>], vector<16xf32>,
      %gather3A_416 = tpu.vector_load_idx %arg5[%broadcast_in_dim3A_414, %get3A_404] : memref<8x10000xf32, #tpu.memory_space<vmem>>[vector<16xi32>, vector<16xi32>], vector<16xf32>,
      %broadcast_in_dim3A_417 = arith.constant 2 : i32
      %broadcast_in_dim3A_418 = vector.broadcast %broadcast_in_dim3A_417 : i32 to vector<16xi32>
      %broadcast_in_dim3A_419 = arith.constant 6 : i32
      %broadcast_in_dim3A_420 = vector.broadcast %broadcast_in_dim3A_419 : i32 to vector<16xi32>
      %gather3A_421 = tpu.vector_load_idx %arg5[%broadcast_in_dim3A_418, %get3A_400] : memref<8x10000xf32, #tpu.memory_space<vmem>>[vector<16xi32>, vector<16xi32>], vector<16xf32>,
      %gather3A_422 = tpu.vector_load_idx %arg5[%broadcast_in_dim3A_420, %get3A_404] : memref<8x10000xf32, #tpu.memory_space<vmem>>[vector<16xi32>, vector<16xi32>], vector<16xf32>,
      %broadcast_in_dim3A_423 = arith.constant 3 : i32
      %broadcast_in_dim3A_424 = vector.broadcast %broadcast_in_dim3A_423 : i32 to vector<16xi32>
      %broadcast_in_dim3A_425 = arith.constant 7 : i32
      %broadcast_in_dim3A_426 = vector.broadcast %broadcast_in_dim3A_425 : i32 to vector<16xi32>
      %gather3A_427 = tpu.vector_load_idx %arg5[%broadcast_in_dim3A_424, %get3A_400] : memref<8x10000xf32, #tpu.memory_space<vmem>>[vector<16xi32>, vector<16xi32>], vector<16xf32>,
      %gather3A_428 = tpu.vector_load_idx %arg5[%broadcast_in_dim3A_426, %get3A_404] : memref<8x10000xf32, #tpu.memory_space<vmem>>[vector<16xi32>, vector<16xi32>], vector<16xf32>,
      %multiple_of3A_429 = arith.constant 48 : i32
      %multiple_of3A_430 = tpu.assume_multiple %multiple_of3A_429, 16 : i32
      %get3A_431 = arith.index_cast %multiple_of3A_430 : i32 to index
      %get3A_432 = tpu.vector_load %arg9[%get3A_431] {strides = array<i32>} : memref<128xi32, #tpu.memory_space<vmem>>, vector<16xi32>,
      %multiple_of3A_433 = arith.constant 48 : i32
      %multiple_of3A_434 = tpu.assume_multiple %multiple_of3A_433, 16 : i32
      %get3A_435 = arith.index_cast %multiple_of3A_434 : i32 to index
      %get3A_436 = tpu.vector_load %arg10[%get3A_435] {strides = array<i32>} : memref<128xi32, #tpu.memory_space<vmem>>, vector<16xi32>,
      %broadcast_in_dim3A_437 = arith.constant 0 : i32
      %broadcast_in_dim3A_438 = vector.broadcast %broadcast_in_dim3A_437 : i32 to vector<16xi32>
      %broadcast_in_dim3A_439 = arith.constant 4 : i32
      %broadcast_in_dim3A_440 = vector.broadcast %broadcast_in_dim3A_439 : i32 to vector<16xi32>
      %gather3A_441 = tpu.vector_load_idx %arg5[%broadcast_in_dim3A_438, %get3A_432] : memref<8x10000xf32, #tpu.memory_space<vmem>>[vector<16xi32>, vector<16xi32>], vector<16xf32>,
      %gather3A_442 = tpu.vector_load_idx %arg5[%broadcast_in_dim3A_440, %get3A_436] : memref<8x10000xf32, #tpu.memory_space<vmem>>[vector<16xi32>, vector<16xi32>], vector<16xf32>,
      %broadcast_in_dim3A_443 = arith.constant 1 : i32
      %broadcast_in_dim3A_444 = vector.broadcast %broadcast_in_dim3A_443 : i32 to vector<16xi32>
      %broadcast_in_dim3A_445 = arith.constant 5 : i32
      %broadcast_in_dim3A_446 = vector.broadcast %broadcast_in_dim3A_445 : i32 to vector<16xi32>
      %gather3A_447 = tpu.vector_load_idx %arg5[%broadcast_in_dim3A_444, %get3A_432] : memref<8x10000xf32, #tpu.memory_space<vmem>>[vector<16xi32>, vector<16xi32>], vector<16xf32>,
      %gather3A_448 = tpu.vector_load_idx %arg5[%broadcast_in_dim3A_446, %get3A_436] : memref<8x10000xf32, #tpu.memory_space<vmem>>[vector<16xi32>, vector<16xi32>], vector<16xf32>,
      %broadcast_in_dim3A_449 = arith.constant 2 : i32
      %broadcast_in_dim3A_450 = vector.broadcast %broadcast_in_dim3A_449 : i32 to vector<16xi32>
      %broadcast_in_dim3A_451 = arith.constant 6 : i32
      %broadcast_in_dim3A_452 = vector.broadcast %broadcast_in_dim3A_451 : i32 to vector<16xi32>
      %gather3A_453 = tpu.vector_load_idx %arg5[%broadcast_in_dim3A_450, %get3A_432] : memref<8x10000xf32, #tpu.memory_space<vmem>>[vector<16xi32>, vector<16xi32>], vector<16xf32>,
      %gather3A_454 = tpu.vector_load_idx %arg5[%broadcast_in_dim3A_452, %get3A_436] : memref<8x10000xf32, #tpu.memory_space<vmem>>[vector<16xi32>, vector<16xi32>], vector<16xf32>,
      %broadcast_in_dim3A_455 = arith.constant 3 : i32
      %broadcast_in_dim3A_456 = vector.broadcast %broadcast_in_dim3A_455 : i32 to vector<16xi32>
      %broadcast_in_dim3A_457 = arith.constant 7 : i32
      %broadcast_in_dim3A_458 = vector.broadcast %broadcast_in_dim3A_457 : i32 to vector<16xi32>
      %gather3A_459 = tpu.vector_load_idx %arg5[%broadcast_in_dim3A_456, %get3A_432] : memref<8x10000xf32, #tpu.memory_space<vmem>>[vector<16xi32>, vector<16xi32>], vector<16xf32>,
      %gather3A_460 = tpu.vector_load_idx %arg5[%broadcast_in_dim3A_458, %get3A_436] : memref<8x10000xf32, #tpu.memory_space<vmem>>[vector<16xi32>, vector<16xi32>], vector<16xf32>,
      %multiple_of3A_461 = arith.constant 64 : i32
      %multiple_of3A_462 = tpu.assume_multiple %multiple_of3A_461, 16 : i32
      %get3A_463 = arith.index_cast %multiple_of3A_462 : i32 to index
      %get3A_464 = tpu.vector_load %arg9[%get3A_463] {strides = array<i32>} : memref<128xi32, #tpu.memory_space<vmem>>, vector<16xi32>,
      %multiple_of3A_465 = arith.constant 64 : i32
      %multiple_of3A_466 = tpu.assume_multiple %multiple_of3A_465, 16 : i32
      %get3A_467 = arith.index_cast %multiple_of3A_466 : i32 to index
      %get3A_468 = tpu.vector_load %arg10[%get3A_467] {strides = array<i32>} : memref<128xi32, #tpu.memory_space<vmem>>, vector<16xi32>,
      %broadcast_in_dim3A_469 = arith.constant 0 : i32
      %broadcast_in_dim3A_470 = vector.broadcast %broadcast_in_dim3A_469 : i32 to vector<16xi32>
      %broadcast_in_dim3A_471 = arith.constant 4 : i32
      %broadcast_in_dim3A_472 = vector.broadcast %broadcast_in_dim3A_471 : i32 to vector<16xi32>
      %gather3A_473 = tpu.vector_load_idx %arg5[%broadcast_in_dim3A_470, %get3A_464] : memref<8x10000xf32, #tpu.memory_space<vmem>>[vector<16xi32>, vector<16xi32>], vector<16xf32>,
      %gather3A_474 = tpu.vector_load_idx %arg5[%broadcast_in_dim3A_472, %get3A_468] : memref<8x10000xf32, #tpu.memory_space<vmem>>[vector<16xi32>, vector<16xi32>], vector<16xf32>,
      %broadcast_in_dim3A_475 = arith.constant 1 : i32
      %broadcast_in_dim3A_476 = vector.broadcast %broadcast_in_dim3A_475 : i32 to vector<16xi32>
      %broadcast_in_dim3A_477 = arith.constant 5 : i32
      %broadcast_in_dim3A_478 = vector.broadcast %broadcast_in_dim3A_477 : i32 to vector<16xi32>
      %gather3A_479 = tpu.vector_load_idx %arg5[%broadcast_in_dim3A_476, %get3A_464] : memref<8x10000xf32, #tpu.memory_space<vmem>>[vector<16xi32>, vector<16xi32>], vector<16xf32>,
      %gather3A_480 = tpu.vector_load_idx %arg5[%broadcast_in_dim3A_478, %get3A_468] : memref<8x10000xf32, #tpu.memory_space<vmem>>[vector<16xi32>, vector<16xi32>], vector<16xf32>,
      %broadcast_in_dim3A_481 = arith.constant 2 : i32
      %broadcast_in_dim3A_482 = vector.broadcast %broadcast_in_dim3A_481 : i32 to vector<16xi32>
      %broadcast_in_dim3A_483 = arith.constant 6 : i32
      %broadcast_in_dim3A_484 = vector.broadcast %broadcast_in_dim3A_483 : i32 to vector<16xi32>
      %gather3A_485 = tpu.vector_load_idx %arg5[%broadcast_in_dim3A_482, %get3A_464] : memref<8x10000xf32, #tpu.memory_space<vmem>>[vector<16xi32>, vector<16xi32>], vector<16xf32>,
      %gather3A_486 = tpu.vector_load_idx %arg5[%broadcast_in_dim3A_484, %get3A_468] : memref<8x10000xf32, #tpu.memory_space<vmem>>[vector<16xi32>, vector<16xi32>], vector<16xf32>,
      %broadcast_in_dim3A_487 = arith.constant 3 : i32
      %broadcast_in_dim3A_488 = vector.broadcast %broadcast_in_dim3A_487 : i32 to vector<16xi32>
      %broadcast_in_dim3A_489 = arith.constant 7 : i32
      %broadcast_in_dim3A_490 = vector.broadcast %broadcast_in_dim3A_489 : i32 to vector<16xi32>
      %gather3A_491 = tpu.vector_load_idx %arg5[%broadcast_in_dim3A_488, %get3A_464] : memref<8x10000xf32, #tpu.memory_space<vmem>>[vector<16xi32>, vector<16xi32>], vector<16xf32>,
      %gather3A_492 = tpu.vector_load_idx %arg5[%broadcast_in_dim3A_490, %get3A_468] : memref<8x10000xf32, #tpu.memory_space<vmem>>[vector<16xi32>, vector<16xi32>], vector<16xf32>,
      %multiple_of3A_493 = arith.constant 80 : i32
      %multiple_of3A_494 = tpu.assume_multiple %multiple_of3A_493, 16 : i32
      %get3A_495 = arith.index_cast %multiple_of3A_494 : i32 to index
      %get3A_496 = tpu.vector_load %arg9[%get3A_495] {strides = array<i32>} : memref<128xi32, #tpu.memory_space<vmem>>, vector<16xi32>,
      %multiple_of3A_497 = arith.constant 80 : i32
      %multiple_of3A_498 = tpu.assume_multiple %multiple_of3A_497, 16 : i32
      %get3A_499 = arith.index_cast %multiple_of3A_498 : i32 to index
      %get3A_500 = tpu.vector_load %arg10[%get3A_499] {strides = array<i32>} : memref<128xi32, #tpu.memory_space<vmem>>, vector<16xi32>,
      %broadcast_in_dim3A_501 = arith.constant 0 : i32
      %broadcast_in_dim3A_502 = vector.broadcast %broadcast_in_dim3A_501 : i32 to vector<16xi32>
      %broadcast_in_dim3A_503 = arith.constant 4 : i32
      %broadcast_in_dim3A_504 = vector.broadcast %broadcast_in_dim3A_503 : i32 to vector<16xi32>
      %gather3A_505 = tpu.vector_load_idx %arg5[%broadcast_in_dim3A_502, %get3A_496] : memref<8x10000xf32, #tpu.memory_space<vmem>>[vector<16xi32>, vector<16xi32>], vector<16xf32>,
      %gather3A_506 = tpu.vector_load_idx %arg5[%broadcast_in_dim3A_504, %get3A_500] : memref<8x10000xf32, #tpu.memory_space<vmem>>[vector<16xi32>, vector<16xi32>], vector<16xf32>,
      %broadcast_in_dim3A_507 = arith.constant 1 : i32
      %broadcast_in_dim3A_508 = vector.broadcast %broadcast_in_dim3A_507 : i32 to vector<16xi32>
      %broadcast_in_dim3A_509 = arith.constant 5 : i32
      %broadcast_in_dim3A_510 = vector.broadcast %broadcast_in_dim3A_509 : i32 to vector<16xi32>
      %gather3A_511 = tpu.vector_load_idx %arg5[%broadcast_in_dim3A_508, %get3A_496] : memref<8x10000xf32, #tpu.memory_space<vmem>>[vector<16xi32>, vector<16xi32>], vector<16xf32>,
      %gather3A_512 = tpu.vector_load_idx %arg5[%broadcast_in_dim3A_510, %get3A_500] : memref<8x10000xf32, #tpu.memory_space<vmem>>[vector<16xi32>, vector<16xi32>], vector<16xf32>,
      %broadcast_in_dim3A_513 = arith.constant 2 : i32
      %broadcast_in_dim3A_514 = vector.broadcast %broadcast_in_dim3A_513 : i32 to vector<16xi32>
      %broadcast_in_dim3A_515 = arith.constant 6 : i32
      %broadcast_in_dim3A_516 = vector.broadcast %broadcast_in_dim3A_515 : i32 to vector<16xi32>
      %gather3A_517 = tpu.vector_load_idx %arg5[%broadcast_in_dim3A_514, %get3A_496] : memref<8x10000xf32, #tpu.memory_space<vmem>>[vector<16xi32>, vector<16xi32>], vector<16xf32>,
      %gather3A_518 = tpu.vector_load_idx %arg5[%broadcast_in_dim3A_516, %get3A_500] : memref<8x10000xf32, #tpu.memory_space<vmem>>[vector<16xi32>, vector<16xi32>], vector<16xf32>,
      %broadcast_in_dim3A_519 = arith.constant 3 : i32
      %broadcast_in_dim3A_520 = vector.broadcast %broadcast_in_dim3A_519 : i32 to vector<16xi32>
      %broadcast_in_dim3A_521 = arith.constant 7 : i32
      %broadcast_in_dim3A_522 = vector.broadcast %broadcast_in_dim3A_521 : i32 to vector<16xi32>
      %gather3A_523 = tpu.vector_load_idx %arg5[%broadcast_in_dim3A_520, %get3A_496] : memref<8x10000xf32, #tpu.memory_space<vmem>>[vector<16xi32>, vector<16xi32>], vector<16xf32>,
      %gather3A_524 = tpu.vector_load_idx %arg5[%broadcast_in_dim3A_522, %get3A_500] : memref<8x10000xf32, #tpu.memory_space<vmem>>[vector<16xi32>, vector<16xi32>], vector<16xf32>,
      %multiple_of3A_525 = arith.constant 96 : i32
      %multiple_of3A_526 = tpu.assume_multiple %multiple_of3A_525, 16 : i32
      %get3A_527 = arith.index_cast %multiple_of3A_526 : i32 to index
      %get3A_528 = tpu.vector_load %arg9[%get3A_527] {strides = array<i32>} : memref<128xi32, #tpu.memory_space<vmem>>, vector<16xi32>,
      %multiple_of3A_529 = arith.constant 96 : i32
      %multiple_of3A_530 = tpu.assume_multiple %multiple_of3A_529, 16 : i32
      %get3A_531 = arith.index_cast %multiple_of3A_530 : i32 to index
      %get3A_532 = tpu.vector_load %arg10[%get3A_531] {strides = array<i32>} : memref<128xi32, #tpu.memory_space<vmem>>, vector<16xi32>,
      %broadcast_in_dim3A_533 = arith.constant 0 : i32
      %broadcast_in_dim3A_534 = vector.broadcast %broadcast_in_dim3A_533 : i32 to vector<16xi32>
      %broadcast_in_dim3A_535 = arith.constant 4 : i32
      %broadcast_in_dim3A_536 = vector.broadcast %broadcast_in_dim3A_535 : i32 to vector<16xi32>
      %gather3A_537 = tpu.vector_load_idx %arg5[%broadcast_in_dim3A_534, %get3A_528] : memref<8x10000xf32, #tpu.memory_space<vmem>>[vector<16xi32>, vector<16xi32>], vector<16xf32>,
      %gather3A_538 = tpu.vector_load_idx %arg5[%broadcast_in_dim3A_536, %get3A_532] : memref<8x10000xf32, #tpu.memory_space<vmem>>[vector<16xi32>, vector<16xi32>], vector<16xf32>,
      %broadcast_in_dim3A_539 = arith.constant 1 : i32
      %broadcast_in_dim3A_540 = vector.broadcast %broadcast_in_dim3A_539 : i32 to vector<16xi32>
      %broadcast_in_dim3A_541 = arith.constant 5 : i32
      %broadcast_in_dim3A_542 = vector.broadcast %broadcast_in_dim3A_541 : i32 to vector<16xi32>
      %gather3A_543 = tpu.vector_load_idx %arg5[%broadcast_in_dim3A_540, %get3A_528] : memref<8x10000xf32, #tpu.memory_space<vmem>>[vector<16xi32>, vector<16xi32>], vector<16xf32>,
      %gather3A_544 = tpu.vector_load_idx %arg5[%broadcast_in_dim3A_542, %get3A_532] : memref<8x10000xf32, #tpu.memory_space<vmem>>[vector<16xi32>, vector<16xi32>], vector<16xf32>,
      %broadcast_in_dim3A_545 = arith.constant 2 : i32
      %broadcast_in_dim3A_546 = vector.broadcast %broadcast_in_dim3A_545 : i32 to vector<16xi32>
      %broadcast_in_dim3A_547 = arith.constant 6 : i32
      %broadcast_in_dim3A_548 = vector.broadcast %broadcast_in_dim3A_547 : i32 to vector<16xi32>
      %gather3A_549 = tpu.vector_load_idx %arg5[%broadcast_in_dim3A_546, %get3A_528] : memref<8x10000xf32, #tpu.memory_space<vmem>>[vector<16xi32>, vector<16xi32>], vector<16xf32>,
      %gather3A_550 = tpu.vector_load_idx %arg5[%broadcast_in_dim3A_548, %get3A_532] : memref<8x10000xf32, #tpu.memory_space<vmem>>[vector<16xi32>, vector<16xi32>], vector<16xf32>,
      %broadcast_in_dim3A_551 = arith.constant 3 : i32
      %broadcast_in_dim3A_552 = vector.broadcast %broadcast_in_dim3A_551 : i32 to vector<16xi32>
      %broadcast_in_dim3A_553 = arith.constant 7 : i32
      %broadcast_in_dim3A_554 = vector.broadcast %broadcast_in_dim3A_553 : i32 to vector<16xi32>
      %gather3A_555 = tpu.vector_load_idx %arg5[%broadcast_in_dim3A_552, %get3A_528] : memref<8x10000xf32, #tpu.memory_space<vmem>>[vector<16xi32>, vector<16xi32>], vector<16xf32>,
      %gather3A_556 = tpu.vector_load_idx %arg5[%broadcast_in_dim3A_554, %get3A_532] : memref<8x10000xf32, #tpu.memory_space<vmem>>[vector<16xi32>, vector<16xi32>], vector<16xf32>,
      %multiple_of3A_557 = arith.constant 112 : i32
      %multiple_of3A_558 = tpu.assume_multiple %multiple_of3A_557, 16 : i32
      %get3A_559 = arith.index_cast %multiple_of3A_558 : i32 to index
      %get3A_560 = tpu.vector_load %arg9[%get3A_559] {strides = array<i32>} : memref<128xi32, #tpu.memory_space<vmem>>, vector<16xi32>,
      %multiple_of3A_561 = arith.constant 112 : i32
      %multiple_of3A_562 = tpu.assume_multiple %multiple_of3A_561, 16 : i32
      %get3A_563 = arith.index_cast %multiple_of3A_562 : i32 to index
      %get3A_564 = tpu.vector_load %arg10[%get3A_563] {strides = array<i32>} : memref<128xi32, #tpu.memory_space<vmem>>, vector<16xi32>,
      %broadcast_in_dim3A_565 = arith.constant 0 : i32
      %broadcast_in_dim3A_566 = vector.broadcast %broadcast_in_dim3A_565 : i32 to vector<16xi32>
      %broadcast_in_dim3A_567 = arith.constant 4 : i32
      %broadcast_in_dim3A_568 = vector.broadcast %broadcast_in_dim3A_567 : i32 to vector<16xi32>
      %gather3A_569 = tpu.vector_load_idx %arg5[%broadcast_in_dim3A_566, %get3A_560] : memref<8x10000xf32, #tpu.memory_space<vmem>>[vector<16xi32>, vector<16xi32>], vector<16xf32>,
      %gather3A_570 = tpu.vector_load_idx %arg5[%broadcast_in_dim3A_568, %get3A_564] : memref<8x10000xf32, #tpu.memory_space<vmem>>[vector<16xi32>, vector<16xi32>], vector<16xf32>,
      %broadcast_in_dim3A_571 = arith.constant 1 : i32
      %broadcast_in_dim3A_572 = vector.broadcast %broadcast_in_dim3A_571 : i32 to vector<16xi32>
      %broadcast_in_dim3A_573 = arith.constant 5 : i32
      %broadcast_in_dim3A_574 = vector.broadcast %broadcast_in_dim3A_573 : i32 to vector<16xi32>
      %gather3A_575 = tpu.vector_load_idx %arg5[%broadcast_in_dim3A_572, %get3A_560] : memref<8x10000xf32, #tpu.memory_space<vmem>>[vector<16xi32>, vector<16xi32>], vector<16xf32>,
      %gather3A_576 = tpu.vector_load_idx %arg5[%broadcast_in_dim3A_574, %get3A_564] : memref<8x10000xf32, #tpu.memory_space<vmem>>[vector<16xi32>, vector<16xi32>], vector<16xf32>,
      %broadcast_in_dim3A_577 = arith.constant 2 : i32
      %broadcast_in_dim3A_578 = vector.broadcast %broadcast_in_dim3A_577 : i32 to vector<16xi32>
      %broadcast_in_dim3A_579 = arith.constant 6 : i32
      %broadcast_in_dim3A_580 = vector.broadcast %broadcast_in_dim3A_579 : i32 to vector<16xi32>
      %gather3A_581 = tpu.vector_load_idx %arg5[%broadcast_in_dim3A_578, %get3A_560] : memref<8x10000xf32, #tpu.memory_space<vmem>>[vector<16xi32>, vector<16xi32>], vector<16xf32>,
      %gather3A_582 = tpu.vector_load_idx %arg5[%broadcast_in_dim3A_580, %get3A_564] : memref<8x10000xf32, #tpu.memory_space<vmem>>[vector<16xi32>, vector<16xi32>], vector<16xf32>,
      %broadcast_in_dim3A_583 = arith.constant 3 : i32
      %broadcast_in_dim3A_584 = vector.broadcast %broadcast_in_dim3A_583 : i32 to vector<16xi32>
      %broadcast_in_dim3A_585 = arith.constant 7 : i32
      %broadcast_in_dim3A_586 = vector.broadcast %broadcast_in_dim3A_585 : i32 to vector<16xi32>
      %gather3A_587 = tpu.vector_load_idx %arg5[%broadcast_in_dim3A_584, %get3A_560] : memref<8x10000xf32, #tpu.memory_space<vmem>>[vector<16xi32>, vector<16xi32>], vector<16xf32>,
      %gather3A_588 = tpu.vector_load_idx %arg5[%broadcast_in_dim3A_586, %get3A_564] : memref<8x10000xf32, #tpu.memory_space<vmem>>[vector<16xi32>, vector<16xi32>], vector<16xf32>,
      %add3A_589 = arith.addf %gather3A, %gather3A_346 : vector<16xf32>
      %mul3A_590 = arith.constant 2.000000e-01 : f32
      %mul3A_591 = vector.broadcast %mul3A_590 : f32 to vector<16xf32>
      %mul3A_592 = arith.mulf %mul3A_591, %add3A_589 : vector<16xf32>
      %max3A = arith.maximumf %add3A_589, %mul3A_592 : vector<16xf32>
      %multiple_of3A_593 = arith.constant 0 : i32
      %multiple_of3A_594 = tpu.assume_multiple %multiple_of3A_593, 16 : i32
      %swap3A = arith.index_cast %multiple_of3A_594 : i32 to index
      %swap3A_595 = tpu.vector_load %arg11[%swap3A] {strides = array<i32>} : memref<512xf32, #tpu.memory_space<vmem>>, vector<16xf32>,
      tpu.vector_store %arg11[%swap3A], %max3A {strides = array<i32>} : memref<512xf32, #tpu.memory_space<vmem>>, vector<16xf32>,
      %add3A_596 = arith.addf %gather3A_351, %gather3A_352 : vector<16xf32>
      %mul3A_597 = arith.constant 2.000000e-01 : f32
      %mul3A_598 = vector.broadcast %mul3A_597 : f32 to vector<16xf32>
      %mul3A_599 = arith.mulf %mul3A_598, %add3A_596 : vector<16xf32>
      %max3A_600 = arith.maximumf %add3A_596, %mul3A_599 : vector<16xf32>
      %multiple_of3A_601 = arith.constant 128 : i32
      %multiple_of3A_602 = tpu.assume_multiple %multiple_of3A_601, 16 : i32
      %swap3A_603 = arith.index_cast %multiple_of3A_602 : i32 to index
      %swap3A_604 = tpu.vector_load %arg11[%swap3A_603] {strides = array<i32>} : memref<512xf32, #tpu.memory_space<vmem>>, vector<16xf32>,
      tpu.vector_store %arg11[%swap3A_603], %max3A_600 {strides = array<i32>} : memref<512xf32, #tpu.memory_space<vmem>>, vector<16xf32>,
      %add3A_605 = arith.addf %gather3A_357, %gather3A_358 : vector<16xf32>
      %mul3A_606 = arith.constant 2.000000e-01 : f32
      %mul3A_607 = vector.broadcast %mul3A_606 : f32 to vector<16xf32>
      %mul3A_608 = arith.mulf %mul3A_607, %add3A_605 : vector<16xf32>
      %max3A_609 = arith.maximumf %add3A_605, %mul3A_608 : vector<16xf32>
      %multiple_of3A_610 = arith.constant 256 : i32
      %multiple_of3A_611 = tpu.assume_multiple %multiple_of3A_610, 16 : i32
      %swap3A_612 = arith.index_cast %multiple_of3A_611 : i32 to index
      %swap3A_613 = tpu.vector_load %arg11[%swap3A_612] {strides = array<i32>} : memref<512xf32, #tpu.memory_space<vmem>>, vector<16xf32>,
      tpu.vector_store %arg11[%swap3A_612], %max3A_609 {strides = array<i32>} : memref<512xf32, #tpu.memory_space<vmem>>, vector<16xf32>,
      %add3A_614 = arith.addf %gather3A_363, %gather3A_364 : vector<16xf32>
      %mul3A_615 = arith.constant 2.000000e-01 : f32
      %mul3A_616 = vector.broadcast %mul3A_615 : f32 to vector<16xf32>
      %mul3A_617 = arith.mulf %mul3A_616, %add3A_614 : vector<16xf32>
      %max3A_618 = arith.maximumf %add3A_614, %mul3A_617 : vector<16xf32>
      %multiple_of3A_619 = arith.constant 384 : i32
      %multiple_of3A_620 = tpu.assume_multiple %multiple_of3A_619, 16 : i32
      %swap3A_621 = arith.index_cast %multiple_of3A_620 : i32 to index
      %swap3A_622 = tpu.vector_load %arg11[%swap3A_621] {strides = array<i32>} : memref<512xf32, #tpu.memory_space<vmem>>, vector<16xf32>,
      tpu.vector_store %arg11[%swap3A_621], %max3A_618 {strides = array<i32>} : memref<512xf32, #tpu.memory_space<vmem>>, vector<16xf32>,
      %add3A_623 = arith.addf %gather3A_377, %gather3A_378 : vector<16xf32>
      %mul3A_624 = arith.constant 2.000000e-01 : f32
      %mul3A_625 = vector.broadcast %mul3A_624 : f32 to vector<16xf32>
      %mul3A_626 = arith.mulf %mul3A_625, %add3A_623 : vector<16xf32>
      %max3A_627 = arith.maximumf %add3A_623, %mul3A_626 : vector<16xf32>
      %multiple_of3A_628 = arith.constant 16 : i32
      %multiple_of3A_629 = tpu.assume_multiple %multiple_of3A_628, 16 : i32
      %swap3A_630 = arith.index_cast %multiple_of3A_629 : i32 to index
      %swap3A_631 = tpu.vector_load %arg11[%swap3A_630] {strides = array<i32>} : memref<512xf32, #tpu.memory_space<vmem>>, vector<16xf32>,
      tpu.vector_store %arg11[%swap3A_630], %max3A_627 {strides = array<i32>} : memref<512xf32, #tpu.memory_space<vmem>>, vector<16xf32>,
      %add3A_632 = arith.addf %gather3A_383, %gather3A_384 : vector<16xf32>
      %mul3A_633 = arith.constant 2.000000e-01 : f32
      %mul3A_634 = vector.broadcast %mul3A_633 : f32 to vector<16xf32>
      %mul3A_635 = arith.mulf %mul3A_634, %add3A_632 : vector<16xf32>
      %max3A_636 = arith.maximumf %add3A_632, %mul3A_635 : vector<16xf32>
      %multiple_of3A_637 = arith.constant 144 : i32
      %multiple_of3A_638 = tpu.assume_multiple %multiple_of3A_637, 16 : i32
      %swap3A_639 = arith.index_cast %multiple_of3A_638 : i32 to index
      %swap3A_640 = tpu.vector_load %arg11[%swap3A_639] {strides = array<i32>} : memref<512xf32, #tpu.memory_space<vmem>>, vector<16xf32>,
      tpu.vector_store %arg11[%swap3A_639], %max3A_636 {strides = array<i32>} : memref<512xf32, #tpu.memory_space<vmem>>, vector<16xf32>,
      %add3A_641 = arith.addf %gather3A_389, %gather3A_390 : vector<16xf32>
      %mul3A_642 = arith.constant 2.000000e-01 : f32
      %mul3A_643 = vector.broadcast %mul3A_642 : f32 to vector<16xf32>
      %mul3A_644 = arith.mulf %mul3A_643, %add3A_641 : vector<16xf32>
      %max3A_645 = arith.maximumf %add3A_641, %mul3A_644 : vector<16xf32>
      %multiple_of3A_646 = arith.constant 272 : i32
      %multiple_of3A_647 = tpu.assume_multiple %multiple_of3A_646, 16 : i32
      %swap3A_648 = arith.index_cast %multiple_of3A_647 : i32 to index
      %swap3A_649 = tpu.vector_load %arg11[%swap3A_648] {strides = array<i32>} : memref<512xf32, #tpu.memory_space<vmem>>, vector<16xf32>,
      tpu.vector_store %arg11[%swap3A_648], %max3A_645 {strides = array<i32>} : memref<512xf32, #tpu.memory_space<vmem>>, vector<16xf32>,
      %add3A_650 = arith.addf %gather3A_395, %gather3A_396 : vector<16xf32>
      %mul3A_651 = arith.constant 2.000000e-01 : f32
      %mul3A_652 = vector.broadcast %mul3A_651 : f32 to vector<16xf32>
      %mul3A_653 = arith.mulf %mul3A_652, %add3A_650 : vector<16xf32>
      %max3A_654 = arith.maximumf %add3A_650, %mul3A_653 : vector<16xf32>
      %multiple_of3A_655 = arith.constant 400 : i32
      %multiple_of3A_656 = tpu.assume_multiple %multiple_of3A_655, 16 : i32
      %swap3A_657 = arith.index_cast %multiple_of3A_656 : i32 to index
      %swap3A_658 = tpu.vector_load %arg11[%swap3A_657] {strides = array<i32>} : memref<512xf32, #tpu.memory_space<vmem>>, vector<16xf32>,
      tpu.vector_store %arg11[%swap3A_657], %max3A_654 {strides = array<i32>} : memref<512xf32, #tpu.memory_space<vmem>>, vector<16xf32>,
      %add3A_659 = arith.addf %gather3A_409, %gather3A_410 : vector<16xf32>
      %mul3A_660 = arith.constant 2.000000e-01 : f32
      %mul3A_661 = vector.broadcast %mul3A_660 : f32 to vector<16xf32>
      %mul3A_662 = arith.mulf %mul3A_661, %add3A_659 : vector<16xf32>
      %max3A_663 = arith.maximumf %add3A_659, %mul3A_662 : vector<16xf32>
      %multiple_of3A_664 = arith.constant 32 : i32
      %multiple_of3A_665 = tpu.assume_multiple %multiple_of3A_664, 16 : i32
      %swap3A_666 = arith.index_cast %multiple_of3A_665 : i32 to index
      %swap3A_667 = tpu.vector_load %arg11[%swap3A_666] {strides = array<i32>} : memref<512xf32, #tpu.memory_space<vmem>>, vector<16xf32>,
      tpu.vector_store %arg11[%swap3A_666], %max3A_663 {strides = array<i32>} : memref<512xf32, #tpu.memory_space<vmem>>, vector<16xf32>,
      %add3A_668 = arith.addf %gather3A_415, %gather3A_416 : vector<16xf32>
      %mul3A_669 = arith.constant 2.000000e-01 : f32
      %mul3A_670 = vector.broadcast %mul3A_669 : f32 to vector<16xf32>
      %mul3A_671 = arith.mulf %mul3A_670, %add3A_668 : vector<16xf32>
      %max3A_672 = arith.maximumf %add3A_668, %mul3A_671 : vector<16xf32>
      %multiple_of3A_673 = arith.constant 160 : i32
      %multiple_of3A_674 = tpu.assume_multiple %multiple_of3A_673, 16 : i32
      %swap3A_675 = arith.index_cast %multiple_of3A_674 : i32 to index
      %swap3A_676 = tpu.vector_load %arg11[%swap3A_675] {strides = array<i32>} : memref<512xf32, #tpu.memory_space<vmem>>, vector<16xf32>,
      tpu.vector_store %arg11[%swap3A_675], %max3A_672 {strides = array<i32>} : memref<512xf32, #tpu.memory_space<vmem>>, vector<16xf32>,
      %add3A_677 = arith.addf %gather3A_421, %gather3A_422 : vector<16xf32>
      %mul3A_678 = arith.constant 2.000000e-01 : f32
      %mul3A_679 = vector.broadcast %mul3A_678 : f32 to vector<16xf32>
      %mul3A_680 = arith.mulf %mul3A_679, %add3A_677 : vector<16xf32>
      %max3A_681 = arith.maximumf %add3A_677, %mul3A_680 : vector<16xf32>
      %multiple_of3A_682 = arith.constant 288 : i32
      %multiple_of3A_683 = tpu.assume_multiple %multiple_of3A_682, 16 : i32
      %swap3A_684 = arith.index_cast %multiple_of3A_683 : i32 to index
      %swap3A_685 = tpu.vector_load %arg11[%swap3A_684] {strides = array<i32>} : memref<512xf32, #tpu.memory_space<vmem>>, vector<16xf32>,
      tpu.vector_store %arg11[%swap3A_684], %max3A_681 {strides = array<i32>} : memref<512xf32, #tpu.memory_space<vmem>>, vector<16xf32>,
      %add3A_686 = arith.addf %gather3A_427, %gather3A_428 : vector<16xf32>
      %mul3A_687 = arith.constant 2.000000e-01 : f32
      %mul3A_688 = vector.broadcast %mul3A_687 : f32 to vector<16xf32>
      %mul3A_689 = arith.mulf %mul3A_688, %add3A_686 : vector<16xf32>
      %max3A_690 = arith.maximumf %add3A_686, %mul3A_689 : vector<16xf32>
      %multiple_of3A_691 = arith.constant 416 : i32
      %multiple_of3A_692 = tpu.assume_multiple %multiple_of3A_691, 16 : i32
      %swap3A_693 = arith.index_cast %multiple_of3A_692 : i32 to index
      %swap3A_694 = tpu.vector_load %arg11[%swap3A_693] {strides = array<i32>} : memref<512xf32, #tpu.memory_space<vmem>>, vector<16xf32>,
      tpu.vector_store %arg11[%swap3A_693], %max3A_690 {strides = array<i32>} : memref<512xf32, #tpu.memory_space<vmem>>, vector<16xf32>,
      %add3A_695 = arith.addf %gather3A_441, %gather3A_442 : vector<16xf32>
      %mul3A_696 = arith.constant 2.000000e-01 : f32
      %mul3A_697 = vector.broadcast %mul3A_696 : f32 to vector<16xf32>
      %mul3A_698 = arith.mulf %mul3A_697, %add3A_695 : vector<16xf32>
      %max3A_699 = arith.maximumf %add3A_695, %mul3A_698 : vector<16xf32>
      %multiple_of3A_700 = arith.constant 48 : i32
      %multiple_of3A_701 = tpu.assume_multiple %multiple_of3A_700, 16 : i32
      %swap3A_702 = arith.index_cast %multiple_of3A_701 : i32 to index
      %swap3A_703 = tpu.vector_load %arg11[%swap3A_702] {strides = array<i32>} : memref<512xf32, #tpu.memory_space<vmem>>, vector<16xf32>,
      tpu.vector_store %arg11[%swap3A_702], %max3A_699 {strides = array<i32>} : memref<512xf32, #tpu.memory_space<vmem>>, vector<16xf32>,
      %add3A_704 = arith.addf %gather3A_447, %gather3A_448 : vector<16xf32>
      %mul3A_705 = arith.constant 2.000000e-01 : f32
      %mul3A_706 = vector.broadcast %mul3A_705 : f32 to vector<16xf32>
      %mul3A_707 = arith.mulf %mul3A_706, %add3A_704 : vector<16xf32>
      %max3A_708 = arith.maximumf %add3A_704, %mul3A_707 : vector<16xf32>
      %multiple_of3A_709 = arith.constant 176 : i32
      %multiple_of3A_710 = tpu.assume_multiple %multiple_of3A_709, 16 : i32
      %swap3A_711 = arith.index_cast %multiple_of3A_710 : i32 to index
      %swap3A_712 = tpu.vector_load %arg11[%swap3A_711] {strides = array<i32>} : memref<512xf32, #tpu.memory_space<vmem>>, vector<16xf32>,
      tpu.vector_store %arg11[%swap3A_711], %max3A_708 {strides = array<i32>} : memref<512xf32, #tpu.memory_space<vmem>>, vector<16xf32>,
      %add3A_713 = arith.addf %gather3A_453, %gather3A_454 : vector<16xf32>
      %mul3A_714 = arith.constant 2.000000e-01 : f32
      %mul3A_715 = vector.broadcast %mul3A_714 : f32 to vector<16xf32>
      %mul3A_716 = arith.mulf %mul3A_715, %add3A_713 : vector<16xf32>
      %max3A_717 = arith.maximumf %add3A_713, %mul3A_716 : vector<16xf32>
      %multiple_of3A_718 = arith.constant 304 : i32
      %multiple_of3A_719 = tpu.assume_multiple %multiple_of3A_718, 16 : i32
      %swap3A_720 = arith.index_cast %multiple_of3A_719 : i32 to index
      %swap3A_721 = tpu.vector_load %arg11[%swap3A_720] {strides = array<i32>} : memref<512xf32, #tpu.memory_space<vmem>>, vector<16xf32>,
      tpu.vector_store %arg11[%swap3A_720], %max3A_717 {strides = array<i32>} : memref<512xf32, #tpu.memory_space<vmem>>, vector<16xf32>,
      %add3A_722 = arith.addf %gather3A_459, %gather3A_460 : vector<16xf32>
      %mul3A_723 = arith.constant 2.000000e-01 : f32
      %mul3A_724 = vector.broadcast %mul3A_723 : f32 to vector<16xf32>
      %mul3A_725 = arith.mulf %mul3A_724, %add3A_722 : vector<16xf32>
      %max3A_726 = arith.maximumf %add3A_722, %mul3A_725 : vector<16xf32>
      %multiple_of3A_727 = arith.constant 432 : i32
      %multiple_of3A_728 = tpu.assume_multiple %multiple_of3A_727, 16 : i32
      %swap3A_729 = arith.index_cast %multiple_of3A_728 : i32 to index
      %swap3A_730 = tpu.vector_load %arg11[%swap3A_729] {strides = array<i32>} : memref<512xf32, #tpu.memory_space<vmem>>, vector<16xf32>,
      tpu.vector_store %arg11[%swap3A_729], %max3A_726 {strides = array<i32>} : memref<512xf32, #tpu.memory_space<vmem>>, vector<16xf32>,
      %add3A_731 = arith.addf %gather3A_473, %gather3A_474 : vector<16xf32>
      %mul3A_732 = arith.constant 2.000000e-01 : f32
      %mul3A_733 = vector.broadcast %mul3A_732 : f32 to vector<16xf32>
      %mul3A_734 = arith.mulf %mul3A_733, %add3A_731 : vector<16xf32>
      %max3A_735 = arith.maximumf %add3A_731, %mul3A_734 : vector<16xf32>
      %multiple_of3A_736 = arith.constant 64 : i32
      %multiple_of3A_737 = tpu.assume_multiple %multiple_of3A_736, 16 : i32
      %swap3A_738 = arith.index_cast %multiple_of3A_737 : i32 to index
      %swap3A_739 = tpu.vector_load %arg11[%swap3A_738] {strides = array<i32>} : memref<512xf32, #tpu.memory_space<vmem>>, vector<16xf32>,
      tpu.vector_store %arg11[%swap3A_738], %max3A_735 {strides = array<i32>} : memref<512xf32, #tpu.memory_space<vmem>>, vector<16xf32>,
      %add3A_740 = arith.addf %gather3A_479, %gather3A_480 : vector<16xf32>
      %mul3A_741 = arith.constant 2.000000e-01 : f32
      %mul3A_742 = vector.broadcast %mul3A_741 : f32 to vector<16xf32>
      %mul3A_743 = arith.mulf %mul3A_742, %add3A_740 : vector<16xf32>
      %max3A_744 = arith.maximumf %add3A_740, %mul3A_743 : vector<16xf32>
      %multiple_of3A_745 = arith.constant 192 : i32
      %multiple_of3A_746 = tpu.assume_multiple %multiple_of3A_745, 16 : i32
      %swap3A_747 = arith.index_cast %multiple_of3A_746 : i32 to index
      %swap3A_748 = tpu.vector_load %arg11[%swap3A_747] {strides = array<i32>} : memref<512xf32, #tpu.memory_space<vmem>>, vector<16xf32>,
      tpu.vector_store %arg11[%swap3A_747], %max3A_744 {strides = array<i32>} : memref<512xf32, #tpu.memory_space<vmem>>, vector<16xf32>,
      %add3A_749 = arith.addf %gather3A_485, %gather3A_486 : vector<16xf32>
      %mul3A_750 = arith.constant 2.000000e-01 : f32
      %mul3A_751 = vector.broadcast %mul3A_750 : f32 to vector<16xf32>
      %mul3A_752 = arith.mulf %mul3A_751, %add3A_749 : vector<16xf32>
      %max3A_753 = arith.maximumf %add3A_749, %mul3A_752 : vector<16xf32>
      %multiple_of3A_754 = arith.constant 320 : i32
      %multiple_of3A_755 = tpu.assume_multiple %multiple_of3A_754, 16 : i32
      %swap3A_756 = arith.index_cast %multiple_of3A_755 : i32 to index
      %swap3A_757 = tpu.vector_load %arg11[%swap3A_756] {strides = array<i32>} : memref<512xf32, #tpu.memory_space<vmem>>, vector<16xf32>,
      tpu.vector_store %arg11[%swap3A_756], %max3A_753 {strides = array<i32>} : memref<512xf32, #tpu.memory_space<vmem>>, vector<16xf32>,
      %add3A_758 = arith.addf %gather3A_491, %gather3A_492 : vector<16xf32>
      %mul3A_759 = arith.constant 2.000000e-01 : f32
      %mul3A_760 = vector.broadcast %mul3A_759 : f32 to vector<16xf32>
      %mul3A_761 = arith.mulf %mul3A_760, %add3A_758 : vector<16xf32>
      %max3A_762 = arith.maximumf %add3A_758, %mul3A_761 : vector<16xf32>
      %multiple_of3A_763 = arith.constant 448 : i32
      %multiple_of3A_764 = tpu.assume_multiple %multiple_of3A_763, 16 : i32
      %swap3A_765 = arith.index_cast %multiple_of3A_764 : i32 to index
      %swap3A_766 = tpu.vector_load %arg11[%swap3A_765] {strides = array<i32>} : memref<512xf32, #tpu.memory_space<vmem>>, vector<16xf32>,
      tpu.vector_store %arg11[%swap3A_765], %max3A_762 {strides = array<i32>} : memref<512xf32, #tpu.memory_space<vmem>>, vector<16xf32>,
      %add3A_767 = arith.addf %gather3A_505, %gather3A_506 : vector<16xf32>
      %mul3A_768 = arith.constant 2.000000e-01 : f32
      %mul3A_769 = vector.broadcast %mul3A_768 : f32 to vector<16xf32>
      %mul3A_770 = arith.mulf %mul3A_769, %add3A_767 : vector<16xf32>
      %max3A_771 = arith.maximumf %add3A_767, %mul3A_770 : vector<16xf32>
      %multiple_of3A_772 = arith.constant 80 : i32
      %multiple_of3A_773 = tpu.assume_multiple %multiple_of3A_772, 16 : i32
      %swap3A_774 = arith.index_cast %multiple_of3A_773 : i32 to index
      %swap3A_775 = tpu.vector_load %arg11[%swap3A_774] {strides = array<i32>} : memref<512xf32, #tpu.memory_space<vmem>>, vector<16xf32>,
      tpu.vector_store %arg11[%swap3A_774], %max3A_771 {strides = array<i32>} : memref<512xf32, #tpu.memory_space<vmem>>, vector<16xf32>,
      %add3A_776 = arith.addf %gather3A_511, %gather3A_512 : vector<16xf32>
      %mul3A_777 = arith.constant 2.000000e-01 : f32
      %mul3A_778 = vector.broadcast %mul3A_777 : f32 to vector<16xf32>
      %mul3A_779 = arith.mulf %mul3A_778, %add3A_776 : vector<16xf32>
      %max3A_780 = arith.maximumf %add3A_776, %mul3A_779 : vector<16xf32>
      %multiple_of3A_781 = arith.constant 208 : i32
      %multiple_of3A_782 = tpu.assume_multiple %multiple_of3A_781, 16 : i32
      %swap3A_783 = arith.index_cast %multiple_of3A_782 : i32 to index
      %swap3A_784 = tpu.vector_load %arg11[%swap3A_783] {strides = array<i32>} : memref<512xf32, #tpu.memory_space<vmem>>, vector<16xf32>,
      tpu.vector_store %arg11[%swap3A_783], %max3A_780 {strides = array<i32>} : memref<512xf32, #tpu.memory_space<vmem>>, vector<16xf32>,
      %add3A_785 = arith.addf %gather3A_517, %gather3A_518 : vector<16xf32>
      %mul3A_786 = arith.constant 2.000000e-01 : f32
      %mul3A_787 = vector.broadcast %mul3A_786 : f32 to vector<16xf32>
      %mul3A_788 = arith.mulf %mul3A_787, %add3A_785 : vector<16xf32>
      %max3A_789 = arith.maximumf %add3A_785, %mul3A_788 : vector<16xf32>
      %multiple_of3A_790 = arith.constant 336 : i32
      %multiple_of3A_791 = tpu.assume_multiple %multiple_of3A_790, 16 : i32
      %swap3A_792 = arith.index_cast %multiple_of3A_791 : i32 to index
      %swap3A_793 = tpu.vector_load %arg11[%swap3A_792] {strides = array<i32>} : memref<512xf32, #tpu.memory_space<vmem>>, vector<16xf32>,
      tpu.vector_store %arg11[%swap3A_792], %max3A_789 {strides = array<i32>} : memref<512xf32, #tpu.memory_space<vmem>>, vector<16xf32>,
      %add3A_794 = arith.addf %gather3A_523, %gather3A_524 : vector<16xf32>
      %mul3A_795 = arith.constant 2.000000e-01 : f32
      %mul3A_796 = vector.broadcast %mul3A_795 : f32 to vector<16xf32>
      %mul3A_797 = arith.mulf %mul3A_796, %add3A_794 : vector<16xf32>
      %max3A_798 = arith.maximumf %add3A_794, %mul3A_797 : vector<16xf32>
      %multiple_of3A_799 = arith.constant 464 : i32
      %multiple_of3A_800 = tpu.assume_multiple %multiple_of3A_799, 16 : i32
      %swap3A_801 = arith.index_cast %multiple_of3A_800 : i32 to index
      %swap3A_802 = tpu.vector_load %arg11[%swap3A_801] {strides = array<i32>} : memref<512xf32, #tpu.memory_space<vmem>>, vector<16xf32>,
      tpu.vector_store %arg11[%swap3A_801], %max3A_798 {strides = array<i32>} : memref<512xf32, #tpu.memory_space<vmem>>, vector<16xf32>,
      %add3A_803 = arith.addf %gather3A_537, %gather3A_538 : vector<16xf32>
      %mul3A_804 = arith.constant 2.000000e-01 : f32
      %mul3A_805 = vector.broadcast %mul3A_804 : f32 to vector<16xf32>
      %mul3A_806 = arith.mulf %mul3A_805, %add3A_803 : vector<16xf32>
      %max3A_807 = arith.maximumf %add3A_803, %mul3A_806 : vector<16xf32>
      %multiple_of3A_808 = arith.constant 96 : i32
      %multiple_of3A_809 = tpu.assume_multiple %multiple_of3A_808, 16 : i32
      %swap3A_810 = arith.index_cast %multiple_of3A_809 : i32 to index
      %swap3A_811 = tpu.vector_load %arg11[%swap3A_810] {strides = array<i32>} : memref<512xf32, #tpu.memory_space<vmem>>, vector<16xf32>,
      tpu.vector_store %arg11[%swap3A_810], %max3A_807 {strides = array<i32>} : memref<512xf32, #tpu.memory_space<vmem>>, vector<16xf32>,
      %add3A_812 = arith.addf %gather3A_543, %gather3A_544 : vector<16xf32>
      %mul3A_813 = arith.constant 2.000000e-01 : f32
      %mul3A_814 = vector.broadcast %mul3A_813 : f32 to vector<16xf32>
      %mul3A_815 = arith.mulf %mul3A_814, %add3A_812 : vector<16xf32>
      %max3A_816 = arith.maximumf %add3A_812, %mul3A_815 : vector<16xf32>
      %multiple_of3A_817 = arith.constant 224 : i32
      %multiple_of3A_818 = tpu.assume_multiple %multiple_of3A_817, 16 : i32
      %swap3A_819 = arith.index_cast %multiple_of3A_818 : i32 to index
      %swap3A_820 = tpu.vector_load %arg11[%swap3A_819] {strides = array<i32>} : memref<512xf32, #tpu.memory_space<vmem>>, vector<16xf32>,
      tpu.vector_store %arg11[%swap3A_819], %max3A_816 {strides = array<i32>} : memref<512xf32, #tpu.memory_space<vmem>>, vector<16xf32>,
      %add3A_821 = arith.addf %gather3A_549, %gather3A_550 : vector<16xf32>
      %mul3A_822 = arith.constant 2.000000e-01 : f32
      %mul3A_823 = vector.broadcast %mul3A_822 : f32 to vector<16xf32>
      %mul3A_824 = arith.mulf %mul3A_823, %add3A_821 : vector<16xf32>
      %max3A_825 = arith.maximumf %add3A_821, %mul3A_824 : vector<16xf32>
      %multiple_of3A_826 = arith.constant 352 : i32
      %multiple_of3A_827 = tpu.assume_multiple %multiple_of3A_826, 16 : i32
      %swap3A_828 = arith.index_cast %multiple_of3A_827 : i32 to index
      %swap3A_829 = tpu.vector_load %arg11[%swap3A_828] {strides = array<i32>} : memref<512xf32, #tpu.memory_space<vmem>>, vector<16xf32>,
      tpu.vector_store %arg11[%swap3A_828], %max3A_825 {strides = array<i32>} : memref<512xf32, #tpu.memory_space<vmem>>, vector<16xf32>,
      %add3A_830 = arith.addf %gather3A_555, %gather3A_556 : vector<16xf32>
      %mul3A_831 = arith.constant 2.000000e-01 : f32
      %mul3A_832 = vector.broadcast %mul3A_831 : f32 to vector<16xf32>
      %mul3A_833 = arith.mulf %mul3A_832, %add3A_830 : vector<16xf32>
      %max3A_834 = arith.maximumf %add3A_830, %mul3A_833 : vector<16xf32>
      %multiple_of3A_835 = arith.constant 480 : i32
      %multiple_of3A_836 = tpu.assume_multiple %multiple_of3A_835, 16 : i32
      %swap3A_837 = arith.index_cast %multiple_of3A_836 : i32 to index
      %swap3A_838 = tpu.vector_load %arg11[%swap3A_837] {strides = array<i32>} : memref<512xf32, #tpu.memory_space<vmem>>, vector<16xf32>,
      tpu.vector_store %arg11[%swap3A_837], %max3A_834 {strides = array<i32>} : memref<512xf32, #tpu.memory_space<vmem>>, vector<16xf32>,
      %add3A_839 = arith.addf %gather3A_569, %gather3A_570 : vector<16xf32>
      %mul3A_840 = arith.constant 2.000000e-01 : f32
      %mul3A_841 = vector.broadcast %mul3A_840 : f32 to vector<16xf32>
      %mul3A_842 = arith.mulf %mul3A_841, %add3A_839 : vector<16xf32>
      %max3A_843 = arith.maximumf %add3A_839, %mul3A_842 : vector<16xf32>
      %multiple_of3A_844 = arith.constant 112 : i32
      %multiple_of3A_845 = tpu.assume_multiple %multiple_of3A_844, 16 : i32
      %swap3A_846 = arith.index_cast %multiple_of3A_845 : i32 to index
      %swap3A_847 = tpu.vector_load %arg11[%swap3A_846] {strides = array<i32>} : memref<512xf32, #tpu.memory_space<vmem>>, vector<16xf32>,
      tpu.vector_store %arg11[%swap3A_846], %max3A_843 {strides = array<i32>} : memref<512xf32, #tpu.memory_space<vmem>>, vector<16xf32>,
      %add3A_848 = arith.addf %gather3A_575, %gather3A_576 : vector<16xf32>
      %mul3A_849 = arith.constant 2.000000e-01 : f32
      %mul3A_850 = vector.broadcast %mul3A_849 : f32 to vector<16xf32>
      %mul3A_851 = arith.mulf %mul3A_850, %add3A_848 : vector<16xf32>
      %max3A_852 = arith.maximumf %add3A_848, %mul3A_851 : vector<16xf32>
      %multiple_of3A_853 = arith.constant 240 : i32
      %multiple_of3A_854 = tpu.assume_multiple %multiple_of3A_853, 16 : i32
      %swap3A_855 = arith.index_cast %multiple_of3A_854 : i32 to index
      %swap3A_856 = tpu.vector_load %arg11[%swap3A_855] {strides = array<i32>} : memref<512xf32, #tpu.memory_space<vmem>>, vector<16xf32>,
      tpu.vector_store %arg11[%swap3A_855], %max3A_852 {strides = array<i32>} : memref<512xf32, #tpu.memory_space<vmem>>, vector<16xf32>,
      %add3A_857 = arith.addf %gather3A_581, %gather3A_582 : vector<16xf32>
      %mul3A_858 = arith.constant 2.000000e-01 : f32
      %mul3A_859 = vector.broadcast %mul3A_858 : f32 to vector<16xf32>
      %mul3A_860 = arith.mulf %mul3A_859, %add3A_857 : vector<16xf32>
      %max3A_861 = arith.maximumf %add3A_857, %mul3A_860 : vector<16xf32>
      %multiple_of3A_862 = arith.constant 368 : i32
      %multiple_of3A_863 = tpu.assume_multiple %multiple_of3A_862, 16 : i32
      %swap3A_864 = arith.index_cast %multiple_of3A_863 : i32 to index
      %swap3A_865 = tpu.vector_load %arg11[%swap3A_864] {strides = array<i32>} : memref<512xf32, #tpu.memory_space<vmem>>, vector<16xf32>,
      tpu.vector_store %arg11[%swap3A_864], %max3A_861 {strides = array<i32>} : memref<512xf32, #tpu.memory_space<vmem>>, vector<16xf32>,
      %add3A_866 = arith.addf %gather3A_587, %gather3A_588 : vector<16xf32>
      %mul3A_867 = arith.constant 2.000000e-01 : f32
      %mul3A_868 = vector.broadcast %mul3A_867 : f32 to vector<16xf32>
      %mul3A_869 = arith.mulf %mul3A_868, %add3A_866 : vector<16xf32>
      %max3A_870 = arith.maximumf %add3A_866, %mul3A_869 : vector<16xf32>
      %multiple_of3A_871 = arith.constant 496 : i32
      %multiple_of3A_872 = tpu.assume_multiple %multiple_of3A_871, 16 : i32
      %swap3A_873 = arith.index_cast %multiple_of3A_872 : i32 to index
      %swap3A_874 = tpu.vector_load %arg11[%swap3A_873] {strides = array<i32>} : memref<512xf32, #tpu.memory_space<vmem>>, vector<16xf32>,
      tpu.vector_store %arg11[%swap3A_873], %max3A_870 {strides = array<i32>} : memref<512xf32, #tpu.memory_space<vmem>>, vector<16xf32>,
      %mul3A_875 = arith.constant 4 : i32
      %mul3A_876 = arith.muli %add3A_187, %mul3A_875 : i32
      %mul3A_877 = arith.constant 128 : i32
      %mul3A_878 = arith.muli %mul3A_876, %mul3A_877 : i32
      %multiple_of3A_879 = tpu.assume_multiple %mul3A_878, 8 : i32
      %dma_start3A_880 = tpu.memref_slice %arg4[%multiple_of3A_879] : memref<1280000xf32, #tpu.memory_space<hbm>> -> memref<512xf32, #tpu.memory_space<hbm>>
      %dma_start3A_881 = tpu.memref_slice %arg4[%multiple_of3A_879] : memref<1280000xf32, #tpu.memory_space<hbm>> -> memref<512xf32, #tpu.memory_space<hbm>>
      tpu.enqueue_dma source(%arg11 : memref<512xf32, #tpu.memory_space<vmem>>) target(%dma_start3A_881 : memref<512xf32, #tpu.memory_space<hbm>>) target_semaphore(%arg18 : memref<!tpu.dma_semaphore, #tpu.memory_space<semaphore_mem>>)
    } else {
    }
    %scan3A = arith.constant 0 : i32
    %scan3A_290 = arith.constant 0 : i32
    %scan3A_291 = arith.constant 3 : i32
    %scan3A_292 = arith.addi %scan3A_290, %scan3A_291 : i32
    %scan3A_293 = arith.constant 1 : i32
    scf.for %scan3A_322 = %scan3A_290 to %scan3A_292 step %scan3A_293  : i32 {
      %mul3A_323 = arith.constant 2 : i32
      %mul3A_324 = arith.muli %mul3A_323, %scan3A_322 : i32
      %mul3A_325 = arith.constant 13 : i32
      %mul3A_326 = arith.muli %mul3A_324, %mul3A_325 : i32
      %add3A_327 = arith.addi %add3A_4, %mul3A_326 : i32
      %add3A_328 = arith.constant 13 : i32
      %add3A_329 = arith.addi %add3A_327, %add3A_328 : i32
      %dma_wait3A_330 = arith.constant 0 : i32
      %dma_wait3A_331 = arith.constant 0 : i32
      %dma_wait3A_332 = arith.constant 0 : i32
      %dma_wait3A_333 = tpu.memref_slice %arg6[%dma_wait3A_331, %dma_wait3A_332] : memref<2x1664xi32, #tpu.memory_space<vmem>> -> memref<1x1664xi32, #tpu.memory_space<vmem>>
      %dma_wait3A_334 = tpu.memref_squeeze %dma_wait3A_333 : memref<1x1664xi32, #tpu.memory_space<vmem>> -> memref<1664xi32, #tpu.memory_space<vmem>>
      %dma_wait3A_335 = arith.constant 0 : i32
      %dma_wait3A_336 = tpu.memref_slice %arg3[%dma_wait3A_330, %dma_wait3A_335] : memref<2x320000xi32, #tpu.memory_space<hbm>> -> memref<1x1664xi32, #tpu.memory_space<hbm>>
      %dma_wait3A_337 = tpu.memref_squeeze %dma_wait3A_336 : memref<1x1664xi32, #tpu.memory_space<hbm>> -> memref<1664xi32, #tpu.memory_space<hbm>>
      %dma_wait3A_338 = arith.constant 0 : i32
      %dma_wait3A_339 = tpu.memref_slice %arg6[%dma_wait3A_331, %dma_wait3A_338] : memref<2x1664xi32, #tpu.memory_space<vmem>> -> memref<1x1664xi32, #tpu.memory_space<vmem>>
      %dma_wait3A_340 = tpu.memref_squeeze %dma_wait3A_339 : memref<1x1664xi32, #tpu.memory_space<vmem>> -> memref<1664xi32, #tpu.memory_space<vmem>>
      %dma_wait3A_341 = arith.constant 0 : i32
      %dma_wait3A_342 = tpu.memref_slice %arg3[%dma_wait3A_330, %dma_wait3A_341] : memref<2x320000xi32, #tpu.memory_space<hbm>> -> memref<1x1664xi32, #tpu.memory_space<hbm>>
      %dma_wait3A_343 = tpu.memref_squeeze %dma_wait3A_342 : memref<1x1664xi32, #tpu.memory_space<hbm>> -> memref<1664xi32, #tpu.memory_space<hbm>>
      tpu.wait_dma2 semaphore(%arg13 : memref<!tpu.dma_semaphore, #tpu.memory_space<semaphore_mem>>) src(%dma_wait3A_343 : memref<1664xi32, #tpu.memory_space<hbm>>) dst(%dma_wait3A_340 : memref<1664xi32, #tpu.memory_space<vmem>>)
      %dma_wait3A_344 = arith.constant 1 : i32
      %dma_wait3A_345 = arith.constant 0 : i32
      %dma_wait3A_346 = arith.constant 0 : i32
      %dma_wait3A_347 = tpu.memref_slice %arg7[%dma_wait3A_345, %dma_wait3A_346] : memref<2x1664xi32, #tpu.memory_space<vmem>> -> memref<1x1664xi32, #tpu.memory_space<vmem>>
      %dma_wait3A_348 = tpu.memref_squeeze %dma_wait3A_347 : memref<1x1664xi32, #tpu.memory_space<vmem>> -> memref<1664xi32, #tpu.memory_space<vmem>>
      %dma_wait3A_349 = arith.constant 0 : i32
      %dma_wait3A_350 = tpu.memref_slice %arg3[%dma_wait3A_344, %dma_wait3A_349] : memref<2x320000xi32, #tpu.memory_space<hbm>> -> memref<1x1664xi32, #tpu.memory_space<hbm>>
      %dma_wait3A_351 = tpu.memref_squeeze %dma_wait3A_350 : memref<1x1664xi32, #tpu.memory_space<hbm>> -> memref<1664xi32, #tpu.memory_space<hbm>>
      %dma_wait3A_352 = arith.constant 0 : i32
      %dma_wait3A_353 = tpu.memref_slice %arg7[%dma_wait3A_345, %dma_wait3A_352] : memref<2x1664xi32, #tpu.memory_space<vmem>> -> memref<1x1664xi32, #tpu.memory_space<vmem>>
      %dma_wait3A_354 = tpu.memref_squeeze %dma_wait3A_353 : memref<1x1664xi32, #tpu.memory_space<vmem>> -> memref<1664xi32, #tpu.memory_space<vmem>>
      %dma_wait3A_355 = arith.constant 0 : i32
      %dma_wait3A_356 = tpu.memref_slice %arg3[%dma_wait3A_344, %dma_wait3A_355] : memref<2x320000xi32, #tpu.memory_space<hbm>> -> memref<1x1664xi32, #tpu.memory_space<hbm>>
      %dma_wait3A_357 = tpu.memref_squeeze %dma_wait3A_356 : memref<1x1664xi32, #tpu.memory_space<hbm>> -> memref<1664xi32, #tpu.memory_space<hbm>>
      tpu.wait_dma2 semaphore(%arg13 : memref<!tpu.dma_semaphore, #tpu.memory_space<semaphore_mem>>) src(%dma_wait3A_357 : memref<1664xi32, #tpu.memory_space<hbm>>) dst(%dma_wait3A_354 : memref<1664xi32, #tpu.memory_space<vmem>>)
      %gt3A = arith.constant 0 : i32
      %gt3A_358 = arith.cmpi sgt, %scan3A_322, %gt3A : i32
      %convert_element_type3A_359 = arith.extui %gt3A_358 : i1 to i32
      %cond3A_360 = arith.constant 0 : i32
      %cond3A_361 = arith.cmpi ne, %convert_element_type3A_359, %cond3A_360 : i32
      scf.if %cond3A_361 {
        %dma_wait3A_442 = arith.constant 0 : i32
        %dma_wait3A_443 = arith.constant 0 : i32
        %dma_wait3A_444 = tpu.memref_slice %arg8[%dma_wait3A_442, %dma_wait3A_443] : memref<2x6656xf32, #tpu.memory_space<vmem>> -> memref<1x6656xf32, #tpu.memory_space<vmem>>
        %dma_wait3A_445 = tpu.memref_squeeze %dma_wait3A_444 : memref<1x6656xf32, #tpu.memory_space<vmem>> -> memref<6656xf32, #tpu.memory_space<vmem>>
        %dma_wait3A_446 = arith.constant 0 : i32
        %dma_wait3A_447 = tpu.memref_slice %arg4[%dma_wait3A_446] : memref<1280000xf32, #tpu.memory_space<hbm>> -> memref<6656xf32, #tpu.memory_space<hbm>>
        %dma_wait3A_448 = arith.constant 0 : i32
        %dma_wait3A_449 = tpu.memref_slice %arg4[%dma_wait3A_448] : memref<1280000xf32, #tpu.memory_space<hbm>> -> memref<6656xf32, #tpu.memory_space<hbm>>
        %dma_wait3A_450 = arith.constant 0 : i32
        %dma_wait3A_451 = tpu.memref_slice %arg8[%dma_wait3A_442, %dma_wait3A_450] : memref<2x6656xf32, #tpu.memory_space<vmem>> -> memref<1x6656xf32, #tpu.memory_space<vmem>>
        %dma_wait3A_452 = tpu.memref_squeeze %dma_wait3A_451 : memref<1x6656xf32, #tpu.memory_space<vmem>> -> memref<6656xf32, #tpu.memory_space<vmem>>
        tpu.wait_dma2 semaphore(%arg15 : memref<!tpu.dma_semaphore, #tpu.memory_space<semaphore_mem>>) src(%dma_wait3A_452 : memref<6656xf32, #tpu.memory_space<vmem>>) dst(%dma_wait3A_449 : memref<6656xf32, #tpu.memory_space<hbm>>)
      } else {
      }
      %parallel_loop3A = arith.constant 0 : i32
      %parallel_loop3A_362 = arith.constant 13 : i32
      %parallel_loop3A_363 = arith.constant 1 : i32
      scf.for %parallel_loop3A_442 = %parallel_loop3A to %parallel_loop3A_362 step %parallel_loop3A_363  : i32 {
        %parallel_loop3A_443 = arith.constant 4 : i32
        %parallel_loop3A_444 = arith.muli %parallel_loop3A_442, %parallel_loop3A_443 : i32
        %parallel_loop3A_445 = arith.constant 128 : i32
        %parallel_loop3A_446 = arith.muli %parallel_loop3A_444, %parallel_loop3A_445 : i32
        %parallel_loop3A_447 = arith.constant 128 : i32
        %parallel_loop3A_448 = arith.muli %parallel_loop3A_442, %parallel_loop3A_447 : i32
        %parallel_loop3A_449 = arith.constant 0 : i32
        %parallel_loop3A_450 = arith.addi %parallel_loop3A_448, %parallel_loop3A_449 : i32
        %parallel_loop3A_451 = tpu.assume_multiple %parallel_loop3A_450, 16 : i32
        %parallel_loop3A_452 = arith.constant 0 : i32
        %parallel_loop3A_453 = arith.index_cast %parallel_loop3A_452 : i32 to index
        %parallel_loop3A_454 = arith.index_cast %parallel_loop3A_451 : i32 to index
        %parallel_loop3A_455 = tpu.vector_load %arg6[%parallel_loop3A_453, %parallel_loop3A_454] {strides = array<i32>} : memref<2x1664xi32, #tpu.memory_space<vmem>>, vector<16xi32>,
        %parallel_loop3A_456 = arith.constant 128 : i32
        %parallel_loop3A_457 = arith.muli %parallel_loop3A_442, %parallel_loop3A_456 : i32
        %parallel_loop3A_458 = arith.constant 0 : i32
        %parallel_loop3A_459 = arith.addi %parallel_loop3A_457, %parallel_loop3A_458 : i32
        %parallel_loop3A_460 = tpu.assume_multiple %parallel_loop3A_459, 16 : i32
        %parallel_loop3A_461 = arith.constant 0 : i32
        %parallel_loop3A_462 = arith.index_cast %parallel_loop3A_461 : i32 to index
        %parallel_loop3A_463 = arith.index_cast %parallel_loop3A_460 : i32 to index
        %parallel_loop3A_464 = tpu.vector_load %arg7[%parallel_loop3A_462, %parallel_loop3A_463] {strides = array<i32>} : memref<2x1664xi32, #tpu.memory_space<vmem>>, vector<16xi32>,
        %parallel_loop3A_465 = arith.constant 0 : i32
        %parallel_loop3A_466 = vector.broadcast %parallel_loop3A_465 : i32 to vector<16xi32>
        %parallel_loop3A_467 = arith.constant 4 : i32
        %parallel_loop3A_468 = vector.broadcast %parallel_loop3A_467 : i32 to vector<16xi32>
        %parallel_loop3A_469 = tpu.vector_load_idx %arg5[%parallel_loop3A_466, %parallel_loop3A_455] : memref<8x10000xf32, #tpu.memory_space<vmem>>[vector<16xi32>, vector<16xi32>], vector<16xf32>,
        %parallel_loop3A_470 = tpu.vector_load_idx %arg5[%parallel_loop3A_468, %parallel_loop3A_464] : memref<8x10000xf32, #tpu.memory_space<vmem>>[vector<16xi32>, vector<16xi32>], vector<16xf32>,
        %parallel_loop3A_471 = arith.constant 1 : i32
        %parallel_loop3A_472 = vector.broadcast %parallel_loop3A_471 : i32 to vector<16xi32>
        %parallel_loop3A_473 = arith.constant 5 : i32
        %parallel_loop3A_474 = vector.broadcast %parallel_loop3A_473 : i32 to vector<16xi32>
        %parallel_loop3A_475 = tpu.vector_load_idx %arg5[%parallel_loop3A_472, %parallel_loop3A_455] : memref<8x10000xf32, #tpu.memory_space<vmem>>[vector<16xi32>, vector<16xi32>], vector<16xf32>,
        %parallel_loop3A_476 = tpu.vector_load_idx %arg5[%parallel_loop3A_474, %parallel_loop3A_464] : memref<8x10000xf32, #tpu.memory_space<vmem>>[vector<16xi32>, vector<16xi32>], vector<16xf32>,
        %parallel_loop3A_477 = arith.constant 2 : i32
        %parallel_loop3A_478 = vector.broadcast %parallel_loop3A_477 : i32 to vector<16xi32>
        %parallel_loop3A_479 = arith.constant 6 : i32
        %parallel_loop3A_480 = vector.broadcast %parallel_loop3A_479 : i32 to vector<16xi32>
        %parallel_loop3A_481 = tpu.vector_load_idx %arg5[%parallel_loop3A_478, %parallel_loop3A_455] : memref<8x10000xf32, #tpu.memory_space<vmem>>[vector<16xi32>, vector<16xi32>], vector<16xf32>,
        %parallel_loop3A_482 = tpu.vector_load_idx %arg5[%parallel_loop3A_480, %parallel_loop3A_464] : memref<8x10000xf32, #tpu.memory_space<vmem>>[vector<16xi32>, vector<16xi32>], vector<16xf32>,
        %parallel_loop3A_483 = arith.constant 3 : i32
        %parallel_loop3A_484 = vector.broadcast %parallel_loop3A_483 : i32 to vector<16xi32>
        %parallel_loop3A_485 = arith.constant 7 : i32
        %parallel_loop3A_486 = vector.broadcast %parallel_loop3A_485 : i32 to vector<16xi32>
        %parallel_loop3A_487 = tpu.vector_load_idx %arg5[%parallel_loop3A_484, %parallel_loop3A_455] : memref<8x10000xf32, #tpu.memory_space<vmem>>[vector<16xi32>, vector<16xi32>], vector<16xf32>,
        %parallel_loop3A_488 = tpu.vector_load_idx %arg5[%parallel_loop3A_486, %parallel_loop3A_464] : memref<8x10000xf32, #tpu.memory_space<vmem>>[vector<16xi32>, vector<16xi32>], vector<16xf32>,
        %parallel_loop3A_489 = arith.constant 128 : i32
        %parallel_loop3A_490 = arith.muli %parallel_loop3A_442, %parallel_loop3A_489 : i32
        %parallel_loop3A_491 = arith.constant 16 : i32
        %parallel_loop3A_492 = arith.addi %parallel_loop3A_490, %parallel_loop3A_491 : i32
        %parallel_loop3A_493 = tpu.assume_multiple %parallel_loop3A_492, 16 : i32
        %parallel_loop3A_494 = arith.constant 0 : i32
        %parallel_loop3A_495 = arith.index_cast %parallel_loop3A_494 : i32 to index
        %parallel_loop3A_496 = arith.index_cast %parallel_loop3A_493 : i32 to index
        %parallel_loop3A_497 = tpu.vector_load %arg6[%parallel_loop3A_495, %parallel_loop3A_496] {strides = array<i32>} : memref<2x1664xi32, #tpu.memory_space<vmem>>, vector<16xi32>,
        %parallel_loop3A_498 = arith.constant 128 : i32
        %parallel_loop3A_499 = arith.muli %parallel_loop3A_442, %parallel_loop3A_498 : i32
        %parallel_loop3A_500 = arith.constant 16 : i32
        %parallel_loop3A_501 = arith.addi %parallel_loop3A_499, %parallel_loop3A_500 : i32
        %parallel_loop3A_502 = tpu.assume_multiple %parallel_loop3A_501, 16 : i32
        %parallel_loop3A_503 = arith.constant 0 : i32
        %parallel_loop3A_504 = arith.index_cast %parallel_loop3A_503 : i32 to index
        %parallel_loop3A_505 = arith.index_cast %parallel_loop3A_502 : i32 to index
        %parallel_loop3A_506 = tpu.vector_load %arg7[%parallel_loop3A_504, %parallel_loop3A_505] {strides = array<i32>} : memref<2x1664xi32, #tpu.memory_space<vmem>>, vector<16xi32>,
        %parallel_loop3A_507 = arith.constant 0 : i32
        %parallel_loop3A_508 = vector.broadcast %parallel_loop3A_507 : i32 to vector<16xi32>
        %parallel_loop3A_509 = arith.constant 4 : i32
        %parallel_loop3A_510 = vector.broadcast %parallel_loop3A_509 : i32 to vector<16xi32>
        %parallel_loop3A_511 = tpu.vector_load_idx %arg5[%parallel_loop3A_508, %parallel_loop3A_497] : memref<8x10000xf32, #tpu.memory_space<vmem>>[vector<16xi32>, vector<16xi32>], vector<16xf32>,
        %parallel_loop3A_512 = tpu.vector_load_idx %arg5[%parallel_loop3A_510, %parallel_loop3A_506] : memref<8x10000xf32, #tpu.memory_space<vmem>>[vector<16xi32>, vector<16xi32>], vector<16xf32>,
        %parallel_loop3A_513 = arith.constant 1 : i32
        %parallel_loop3A_514 = vector.broadcast %parallel_loop3A_513 : i32 to vector<16xi32>
        %parallel_loop3A_515 = arith.constant 5 : i32
        %parallel_loop3A_516 = vector.broadcast %parallel_loop3A_515 : i32 to vector<16xi32>
        %parallel_loop3A_517 = tpu.vector_load_idx %arg5[%parallel_loop3A_514, %parallel_loop3A_497] : memref<8x10000xf32, #tpu.memory_space<vmem>>[vector<16xi32>, vector<16xi32>], vector<16xf32>,
        %parallel_loop3A_518 = tpu.vector_load_idx %arg5[%parallel_loop3A_516, %parallel_loop3A_506] : memref<8x10000xf32, #tpu.memory_space<vmem>>[vector<16xi32>, vector<16xi32>], vector<16xf32>,
        %parallel_loop3A_519 = arith.constant 2 : i32
        %parallel_loop3A_520 = vector.broadcast %parallel_loop3A_519 : i32 to vector<16xi32>
        %parallel_loop3A_521 = arith.constant 6 : i32
        %parallel_loop3A_522 = vector.broadcast %parallel_loop3A_521 : i32 to vector<16xi32>
        %parallel_loop3A_523 = tpu.vector_load_idx %arg5[%parallel_loop3A_520, %parallel_loop3A_497] : memref<8x10000xf32, #tpu.memory_space<vmem>>[vector<16xi32>, vector<16xi32>], vector<16xf32>,
        %parallel_loop3A_524 = tpu.vector_load_idx %arg5[%parallel_loop3A_522, %parallel_loop3A_506] : memref<8x10000xf32, #tpu.memory_space<vmem>>[vector<16xi32>, vector<16xi32>], vector<16xf32>,
        %parallel_loop3A_525 = arith.constant 3 : i32
        %parallel_loop3A_526 = vector.broadcast %parallel_loop3A_525 : i32 to vector<16xi32>
        %parallel_loop3A_527 = arith.constant 7 : i32
        %parallel_loop3A_528 = vector.broadcast %parallel_loop3A_527 : i32 to vector<16xi32>
        %parallel_loop3A_529 = tpu.vector_load_idx %arg5[%parallel_loop3A_526, %parallel_loop3A_497] : memref<8x10000xf32, #tpu.memory_space<vmem>>[vector<16xi32>, vector<16xi32>], vector<16xf32>,
        %parallel_loop3A_530 = tpu.vector_load_idx %arg5[%parallel_loop3A_528, %parallel_loop3A_506] : memref<8x10000xf32, #tpu.memory_space<vmem>>[vector<16xi32>, vector<16xi32>], vector<16xf32>,
        %parallel_loop3A_531 = arith.constant 128 : i32
        %parallel_loop3A_532 = arith.muli %parallel_loop3A_442, %parallel_loop3A_531 : i32
        %parallel_loop3A_533 = arith.constant 32 : i32
        %parallel_loop3A_534 = arith.addi %parallel_loop3A_532, %parallel_loop3A_533 : i32
        %parallel_loop3A_535 = tpu.assume_multiple %parallel_loop3A_534, 16 : i32
        %parallel_loop3A_536 = arith.constant 0 : i32
        %parallel_loop3A_537 = arith.index_cast %parallel_loop3A_536 : i32 to index
        %parallel_loop3A_538 = arith.index_cast %parallel_loop3A_535 : i32 to index
        %parallel_loop3A_539 = tpu.vector_load %arg6[%parallel_loop3A_537, %parallel_loop3A_538] {strides = array<i32>} : memref<2x1664xi32, #tpu.memory_space<vmem>>, vector<16xi32>,
        %parallel_loop3A_540 = arith.constant 128 : i32
        %parallel_loop3A_541 = arith.muli %parallel_loop3A_442, %parallel_loop3A_540 : i32
        %parallel_loop3A_542 = arith.constant 32 : i32
        %parallel_loop3A_543 = arith.addi %parallel_loop3A_541, %parallel_loop3A_542 : i32
        %parallel_loop3A_544 = tpu.assume_multiple %parallel_loop3A_543, 16 : i32
        %parallel_loop3A_545 = arith.constant 0 : i32
        %parallel_loop3A_546 = arith.index_cast %parallel_loop3A_545 : i32 to index
        %parallel_loop3A_547 = arith.index_cast %parallel_loop3A_544 : i32 to index
        %parallel_loop3A_548 = tpu.vector_load %arg7[%parallel_loop3A_546, %parallel_loop3A_547] {strides = array<i32>} : memref<2x1664xi32, #tpu.memory_space<vmem>>, vector<16xi32>,
        %parallel_loop3A_549 = arith.constant 0 : i32
        %parallel_loop3A_550 = vector.broadcast %parallel_loop3A_549 : i32 to vector<16xi32>
        %parallel_loop3A_551 = arith.constant 4 : i32
        %parallel_loop3A_552 = vector.broadcast %parallel_loop3A_551 : i32 to vector<16xi32>
        %parallel_loop3A_553 = tpu.vector_load_idx %arg5[%parallel_loop3A_550, %parallel_loop3A_539] : memref<8x10000xf32, #tpu.memory_space<vmem>>[vector<16xi32>, vector<16xi32>], vector<16xf32>,
        %parallel_loop3A_554 = tpu.vector_load_idx %arg5[%parallel_loop3A_552, %parallel_loop3A_548] : memref<8x10000xf32, #tpu.memory_space<vmem>>[vector<16xi32>, vector<16xi32>], vector<16xf32>,
        %parallel_loop3A_555 = arith.constant 1 : i32
        %parallel_loop3A_556 = vector.broadcast %parallel_loop3A_555 : i32 to vector<16xi32>
        %parallel_loop3A_557 = arith.constant 5 : i32
        %parallel_loop3A_558 = vector.broadcast %parallel_loop3A_557 : i32 to vector<16xi32>
        %parallel_loop3A_559 = tpu.vector_load_idx %arg5[%parallel_loop3A_556, %parallel_loop3A_539] : memref<8x10000xf32, #tpu.memory_space<vmem>>[vector<16xi32>, vector<16xi32>], vector<16xf32>,
        %parallel_loop3A_560 = tpu.vector_load_idx %arg5[%parallel_loop3A_558, %parallel_loop3A_548] : memref<8x10000xf32, #tpu.memory_space<vmem>>[vector<16xi32>, vector<16xi32>], vector<16xf32>,
        %parallel_loop3A_561 = arith.constant 2 : i32
        %parallel_loop3A_562 = vector.broadcast %parallel_loop3A_561 : i32 to vector<16xi32>
        %parallel_loop3A_563 = arith.constant 6 : i32
        %parallel_loop3A_564 = vector.broadcast %parallel_loop3A_563 : i32 to vector<16xi32>
        %parallel_loop3A_565 = tpu.vector_load_idx %arg5[%parallel_loop3A_562, %parallel_loop3A_539] : memref<8x10000xf32, #tpu.memory_space<vmem>>[vector<16xi32>, vector<16xi32>], vector<16xf32>,
        %parallel_loop3A_566 = tpu.vector_load_idx %arg5[%parallel_loop3A_564, %parallel_loop3A_548] : memref<8x10000xf32, #tpu.memory_space<vmem>>[vector<16xi32>, vector<16xi32>], vector<16xf32>,
        %parallel_loop3A_567 = arith.constant 3 : i32
        %parallel_loop3A_568 = vector.broadcast %parallel_loop3A_567 : i32 to vector<16xi32>
        %parallel_loop3A_569 = arith.constant 7 : i32
        %parallel_loop3A_570 = vector.broadcast %parallel_loop3A_569 : i32 to vector<16xi32>
        %parallel_loop3A_571 = tpu.vector_load_idx %arg5[%parallel_loop3A_568, %parallel_loop3A_539] : memref<8x10000xf32, #tpu.memory_space<vmem>>[vector<16xi32>, vector<16xi32>], vector<16xf32>,
        %parallel_loop3A_572 = tpu.vector_load_idx %arg5[%parallel_loop3A_570, %parallel_loop3A_548] : memref<8x10000xf32, #tpu.memory_space<vmem>>[vector<16xi32>, vector<16xi32>], vector<16xf32>,
        %parallel_loop3A_573 = arith.constant 128 : i32
        %parallel_loop3A_574 = arith.muli %parallel_loop3A_442, %parallel_loop3A_573 : i32
        %parallel_loop3A_575 = arith.constant 48 : i32
        %parallel_loop3A_576 = arith.addi %parallel_loop3A_574, %parallel_loop3A_575 : i32
        %parallel_loop3A_577 = tpu.assume_multiple %parallel_loop3A_576, 16 : i32
        %parallel_loop3A_578 = arith.constant 0 : i32
        %parallel_loop3A_579 = arith.index_cast %parallel_loop3A_578 : i32 to index
        %parallel_loop3A_580 = arith.index_cast %parallel_loop3A_577 : i32 to index
        %parallel_loop3A_581 = tpu.vector_load %arg6[%parallel_loop3A_579, %parallel_loop3A_580] {strides = array<i32>} : memref<2x1664xi32, #tpu.memory_space<vmem>>, vector<16xi32>,
        %parallel_loop3A_582 = arith.constant 128 : i32
        %parallel_loop3A_583 = arith.muli %parallel_loop3A_442, %parallel_loop3A_582 : i32
        %parallel_loop3A_584 = arith.constant 48 : i32
        %parallel_loop3A_585 = arith.addi %parallel_loop3A_583, %parallel_loop3A_584 : i32
        %parallel_loop3A_586 = tpu.assume_multiple %parallel_loop3A_585, 16 : i32
        %parallel_loop3A_587 = arith.constant 0 : i32
        %parallel_loop3A_588 = arith.index_cast %parallel_loop3A_587 : i32 to index
        %parallel_loop3A_589 = arith.index_cast %parallel_loop3A_586 : i32 to index
        %parallel_loop3A_590 = tpu.vector_load %arg7[%parallel_loop3A_588, %parallel_loop3A_589] {strides = array<i32>} : memref<2x1664xi32, #tpu.memory_space<vmem>>, vector<16xi32>,
        %parallel_loop3A_591 = arith.constant 0 : i32
        %parallel_loop3A_592 = vector.broadcast %parallel_loop3A_591 : i32 to vector<16xi32>
        %parallel_loop3A_593 = arith.constant 4 : i32
        %parallel_loop3A_594 = vector.broadcast %parallel_loop3A_593 : i32 to vector<16xi32>
        %parallel_loop3A_595 = tpu.vector_load_idx %arg5[%parallel_loop3A_592, %parallel_loop3A_581] : memref<8x10000xf32, #tpu.memory_space<vmem>>[vector<16xi32>, vector<16xi32>], vector<16xf32>,
        %parallel_loop3A_596 = tpu.vector_load_idx %arg5[%parallel_loop3A_594, %parallel_loop3A_590] : memref<8x10000xf32, #tpu.memory_space<vmem>>[vector<16xi32>, vector<16xi32>], vector<16xf32>,
        %parallel_loop3A_597 = arith.constant 1 : i32
        %parallel_loop3A_598 = vector.broadcast %parallel_loop3A_597 : i32 to vector<16xi32>
        %parallel_loop3A_599 = arith.constant 5 : i32
        %parallel_loop3A_600 = vector.broadcast %parallel_loop3A_599 : i32 to vector<16xi32>
        %parallel_loop3A_601 = tpu.vector_load_idx %arg5[%parallel_loop3A_598, %parallel_loop3A_581] : memref<8x10000xf32, #tpu.memory_space<vmem>>[vector<16xi32>, vector<16xi32>], vector<16xf32>,
        %parallel_loop3A_602 = tpu.vector_load_idx %arg5[%parallel_loop3A_600, %parallel_loop3A_590] : memref<8x10000xf32, #tpu.memory_space<vmem>>[vector<16xi32>, vector<16xi32>], vector<16xf32>,
        %parallel_loop3A_603 = arith.constant 2 : i32
        %parallel_loop3A_604 = vector.broadcast %parallel_loop3A_603 : i32 to vector<16xi32>
        %parallel_loop3A_605 = arith.constant 6 : i32
        %parallel_loop3A_606 = vector.broadcast %parallel_loop3A_605 : i32 to vector<16xi32>
        %parallel_loop3A_607 = tpu.vector_load_idx %arg5[%parallel_loop3A_604, %parallel_loop3A_581] : memref<8x10000xf32, #tpu.memory_space<vmem>>[vector<16xi32>, vector<16xi32>], vector<16xf32>,
        %parallel_loop3A_608 = tpu.vector_load_idx %arg5[%parallel_loop3A_606, %parallel_loop3A_590] : memref<8x10000xf32, #tpu.memory_space<vmem>>[vector<16xi32>, vector<16xi32>], vector<16xf32>,
        %parallel_loop3A_609 = arith.constant 3 : i32
        %parallel_loop3A_610 = vector.broadcast %parallel_loop3A_609 : i32 to vector<16xi32>
        %parallel_loop3A_611 = arith.constant 7 : i32
        %parallel_loop3A_612 = vector.broadcast %parallel_loop3A_611 : i32 to vector<16xi32>
        %parallel_loop3A_613 = tpu.vector_load_idx %arg5[%parallel_loop3A_610, %parallel_loop3A_581] : memref<8x10000xf32, #tpu.memory_space<vmem>>[vector<16xi32>, vector<16xi32>], vector<16xf32>,
        %parallel_loop3A_614 = tpu.vector_load_idx %arg5[%parallel_loop3A_612, %parallel_loop3A_590] : memref<8x10000xf32, #tpu.memory_space<vmem>>[vector<16xi32>, vector<16xi32>], vector<16xf32>,
        %parallel_loop3A_615 = arith.constant 128 : i32
        %parallel_loop3A_616 = arith.muli %parallel_loop3A_442, %parallel_loop3A_615 : i32
        %parallel_loop3A_617 = arith.constant 64 : i32
        %parallel_loop3A_618 = arith.addi %parallel_loop3A_616, %parallel_loop3A_617 : i32
        %parallel_loop3A_619 = tpu.assume_multiple %parallel_loop3A_618, 16 : i32
        %parallel_loop3A_620 = arith.constant 0 : i32
        %parallel_loop3A_621 = arith.index_cast %parallel_loop3A_620 : i32 to index
        %parallel_loop3A_622 = arith.index_cast %parallel_loop3A_619 : i32 to index
        %parallel_loop3A_623 = tpu.vector_load %arg6[%parallel_loop3A_621, %parallel_loop3A_622] {strides = array<i32>} : memref<2x1664xi32, #tpu.memory_space<vmem>>, vector<16xi32>,
        %parallel_loop3A_624 = arith.constant 128 : i32
        %parallel_loop3A_625 = arith.muli %parallel_loop3A_442, %parallel_loop3A_624 : i32
        %parallel_loop3A_626 = arith.constant 64 : i32
        %parallel_loop3A_627 = arith.addi %parallel_loop3A_625, %parallel_loop3A_626 : i32
        %parallel_loop3A_628 = tpu.assume_multiple %parallel_loop3A_627, 16 : i32
        %parallel_loop3A_629 = arith.constant 0 : i32
        %parallel_loop3A_630 = arith.index_cast %parallel_loop3A_629 : i32 to index
        %parallel_loop3A_631 = arith.index_cast %parallel_loop3A_628 : i32 to index
        %parallel_loop3A_632 = tpu.vector_load %arg7[%parallel_loop3A_630, %parallel_loop3A_631] {strides = array<i32>} : memref<2x1664xi32, #tpu.memory_space<vmem>>, vector<16xi32>,
        %parallel_loop3A_633 = arith.constant 0 : i32
        %parallel_loop3A_634 = vector.broadcast %parallel_loop3A_633 : i32 to vector<16xi32>
        %parallel_loop3A_635 = arith.constant 4 : i32
        %parallel_loop3A_636 = vector.broadcast %parallel_loop3A_635 : i32 to vector<16xi32>
        %parallel_loop3A_637 = tpu.vector_load_idx %arg5[%parallel_loop3A_634, %parallel_loop3A_623] : memref<8x10000xf32, #tpu.memory_space<vmem>>[vector<16xi32>, vector<16xi32>], vector<16xf32>,
        %parallel_loop3A_638 = tpu.vector_load_idx %arg5[%parallel_loop3A_636, %parallel_loop3A_632] : memref<8x10000xf32, #tpu.memory_space<vmem>>[vector<16xi32>, vector<16xi32>], vector<16xf32>,
        %parallel_loop3A_639 = arith.constant 1 : i32
        %parallel_loop3A_640 = vector.broadcast %parallel_loop3A_639 : i32 to vector<16xi32>
        %parallel_loop3A_641 = arith.constant 5 : i32
        %parallel_loop3A_642 = vector.broadcast %parallel_loop3A_641 : i32 to vector<16xi32>
        %parallel_loop3A_643 = tpu.vector_load_idx %arg5[%parallel_loop3A_640, %parallel_loop3A_623] : memref<8x10000xf32, #tpu.memory_space<vmem>>[vector<16xi32>, vector<16xi32>], vector<16xf32>,
        %parallel_loop3A_644 = tpu.vector_load_idx %arg5[%parallel_loop3A_642, %parallel_loop3A_632] : memref<8x10000xf32, #tpu.memory_space<vmem>>[vector<16xi32>, vector<16xi32>], vector<16xf32>,
        %parallel_loop3A_645 = arith.constant 2 : i32
        %parallel_loop3A_646 = vector.broadcast %parallel_loop3A_645 : i32 to vector<16xi32>
        %parallel_loop3A_647 = arith.constant 6 : i32
        %parallel_loop3A_648 = vector.broadcast %parallel_loop3A_647 : i32 to vector<16xi32>
        %parallel_loop3A_649 = tpu.vector_load_idx %arg5[%parallel_loop3A_646, %parallel_loop3A_623] : memref<8x10000xf32, #tpu.memory_space<vmem>>[vector<16xi32>, vector<16xi32>], vector<16xf32>,
        %parallel_loop3A_650 = tpu.vector_load_idx %arg5[%parallel_loop3A_648, %parallel_loop3A_632] : memref<8x10000xf32, #tpu.memory_space<vmem>>[vector<16xi32>, vector<16xi32>], vector<16xf32>,
        %parallel_loop3A_651 = arith.constant 3 : i32
        %parallel_loop3A_652 = vector.broadcast %parallel_loop3A_651 : i32 to vector<16xi32>
        %parallel_loop3A_653 = arith.constant 7 : i32
        %parallel_loop3A_654 = vector.broadcast %parallel_loop3A_653 : i32 to vector<16xi32>
        %parallel_loop3A_655 = tpu.vector_load_idx %arg5[%parallel_loop3A_652, %parallel_loop3A_623] : memref<8x10000xf32, #tpu.memory_space<vmem>>[vector<16xi32>, vector<16xi32>], vector<16xf32>,
        %parallel_loop3A_656 = tpu.vector_load_idx %arg5[%parallel_loop3A_654, %parallel_loop3A_632] : memref<8x10000xf32, #tpu.memory_space<vmem>>[vector<16xi32>, vector<16xi32>], vector<16xf32>,
        %parallel_loop3A_657 = arith.constant 128 : i32
        %parallel_loop3A_658 = arith.muli %parallel_loop3A_442, %parallel_loop3A_657 : i32
        %parallel_loop3A_659 = arith.constant 80 : i32
        %parallel_loop3A_660 = arith.addi %parallel_loop3A_658, %parallel_loop3A_659 : i32
        %parallel_loop3A_661 = tpu.assume_multiple %parallel_loop3A_660, 16 : i32
        %parallel_loop3A_662 = arith.constant 0 : i32
        %parallel_loop3A_663 = arith.index_cast %parallel_loop3A_662 : i32 to index
        %parallel_loop3A_664 = arith.index_cast %parallel_loop3A_661 : i32 to index
        %parallel_loop3A_665 = tpu.vector_load %arg6[%parallel_loop3A_663, %parallel_loop3A_664] {strides = array<i32>} : memref<2x1664xi32, #tpu.memory_space<vmem>>, vector<16xi32>,
        %parallel_loop3A_666 = arith.constant 128 : i32
        %parallel_loop3A_667 = arith.muli %parallel_loop3A_442, %parallel_loop3A_666 : i32
        %parallel_loop3A_668 = arith.constant 80 : i32
        %parallel_loop3A_669 = arith.addi %parallel_loop3A_667, %parallel_loop3A_668 : i32
        %parallel_loop3A_670 = tpu.assume_multiple %parallel_loop3A_669, 16 : i32
        %parallel_loop3A_671 = arith.constant 0 : i32
        %parallel_loop3A_672 = arith.index_cast %parallel_loop3A_671 : i32 to index
        %parallel_loop3A_673 = arith.index_cast %parallel_loop3A_670 : i32 to index
        %parallel_loop3A_674 = tpu.vector_load %arg7[%parallel_loop3A_672, %parallel_loop3A_673] {strides = array<i32>} : memref<2x1664xi32, #tpu.memory_space<vmem>>, vector<16xi32>,
        %parallel_loop3A_675 = arith.constant 0 : i32
        %parallel_loop3A_676 = vector.broadcast %parallel_loop3A_675 : i32 to vector<16xi32>
        %parallel_loop3A_677 = arith.constant 4 : i32
        %parallel_loop3A_678 = vector.broadcast %parallel_loop3A_677 : i32 to vector<16xi32>
        %parallel_loop3A_679 = tpu.vector_load_idx %arg5[%parallel_loop3A_676, %parallel_loop3A_665] : memref<8x10000xf32, #tpu.memory_space<vmem>>[vector<16xi32>, vector<16xi32>], vector<16xf32>,
        %parallel_loop3A_680 = tpu.vector_load_idx %arg5[%parallel_loop3A_678, %parallel_loop3A_674] : memref<8x10000xf32, #tpu.memory_space<vmem>>[vector<16xi32>, vector<16xi32>], vector<16xf32>,
        %parallel_loop3A_681 = arith.constant 1 : i32
        %parallel_loop3A_682 = vector.broadcast %parallel_loop3A_681 : i32 to vector<16xi32>
        %parallel_loop3A_683 = arith.constant 5 : i32
        %parallel_loop3A_684 = vector.broadcast %parallel_loop3A_683 : i32 to vector<16xi32>
        %parallel_loop3A_685 = tpu.vector_load_idx %arg5[%parallel_loop3A_682, %parallel_loop3A_665] : memref<8x10000xf32, #tpu.memory_space<vmem>>[vector<16xi32>, vector<16xi32>], vector<16xf32>,
        %parallel_loop3A_686 = tpu.vector_load_idx %arg5[%parallel_loop3A_684, %parallel_loop3A_674] : memref<8x10000xf32, #tpu.memory_space<vmem>>[vector<16xi32>, vector<16xi32>], vector<16xf32>,
        %parallel_loop3A_687 = arith.constant 2 : i32
        %parallel_loop3A_688 = vector.broadcast %parallel_loop3A_687 : i32 to vector<16xi32>
        %parallel_loop3A_689 = arith.constant 6 : i32
        %parallel_loop3A_690 = vector.broadcast %parallel_loop3A_689 : i32 to vector<16xi32>
        %parallel_loop3A_691 = tpu.vector_load_idx %arg5[%parallel_loop3A_688, %parallel_loop3A_665] : memref<8x10000xf32, #tpu.memory_space<vmem>>[vector<16xi32>, vector<16xi32>], vector<16xf32>,
        %parallel_loop3A_692 = tpu.vector_load_idx %arg5[%parallel_loop3A_690, %parallel_loop3A_674] : memref<8x10000xf32, #tpu.memory_space<vmem>>[vector<16xi32>, vector<16xi32>], vector<16xf32>,
        %parallel_loop3A_693 = arith.constant 3 : i32
        %parallel_loop3A_694 = vector.broadcast %parallel_loop3A_693 : i32 to vector<16xi32>
        %parallel_loop3A_695 = arith.constant 7 : i32
        %parallel_loop3A_696 = vector.broadcast %parallel_loop3A_695 : i32 to vector<16xi32>
        %parallel_loop3A_697 = tpu.vector_load_idx %arg5[%parallel_loop3A_694, %parallel_loop3A_665] : memref<8x10000xf32, #tpu.memory_space<vmem>>[vector<16xi32>, vector<16xi32>], vector<16xf32>,
        %parallel_loop3A_698 = tpu.vector_load_idx %arg5[%parallel_loop3A_696, %parallel_loop3A_674] : memref<8x10000xf32, #tpu.memory_space<vmem>>[vector<16xi32>, vector<16xi32>], vector<16xf32>,
        %parallel_loop3A_699 = arith.constant 128 : i32
        %parallel_loop3A_700 = arith.muli %parallel_loop3A_442, %parallel_loop3A_699 : i32
        %parallel_loop3A_701 = arith.constant 96 : i32
        %parallel_loop3A_702 = arith.addi %parallel_loop3A_700, %parallel_loop3A_701 : i32
        %parallel_loop3A_703 = tpu.assume_multiple %parallel_loop3A_702, 16 : i32
        %parallel_loop3A_704 = arith.constant 0 : i32
        %parallel_loop3A_705 = arith.index_cast %parallel_loop3A_704 : i32 to index
        %parallel_loop3A_706 = arith.index_cast %parallel_loop3A_703 : i32 to index
        %parallel_loop3A_707 = tpu.vector_load %arg6[%parallel_loop3A_705, %parallel_loop3A_706] {strides = array<i32>} : memref<2x1664xi32, #tpu.memory_space<vmem>>, vector<16xi32>,
        %parallel_loop3A_708 = arith.constant 128 : i32
        %parallel_loop3A_709 = arith.muli %parallel_loop3A_442, %parallel_loop3A_708 : i32
        %parallel_loop3A_710 = arith.constant 96 : i32
        %parallel_loop3A_711 = arith.addi %parallel_loop3A_709, %parallel_loop3A_710 : i32
        %parallel_loop3A_712 = tpu.assume_multiple %parallel_loop3A_711, 16 : i32
        %parallel_loop3A_713 = arith.constant 0 : i32
        %parallel_loop3A_714 = arith.index_cast %parallel_loop3A_713 : i32 to index
        %parallel_loop3A_715 = arith.index_cast %parallel_loop3A_712 : i32 to index
        %parallel_loop3A_716 = tpu.vector_load %arg7[%parallel_loop3A_714, %parallel_loop3A_715] {strides = array<i32>} : memref<2x1664xi32, #tpu.memory_space<vmem>>, vector<16xi32>,
        %parallel_loop3A_717 = arith.constant 0 : i32
        %parallel_loop3A_718 = vector.broadcast %parallel_loop3A_717 : i32 to vector<16xi32>
        %parallel_loop3A_719 = arith.constant 4 : i32
        %parallel_loop3A_720 = vector.broadcast %parallel_loop3A_719 : i32 to vector<16xi32>
        %parallel_loop3A_721 = tpu.vector_load_idx %arg5[%parallel_loop3A_718, %parallel_loop3A_707] : memref<8x10000xf32, #tpu.memory_space<vmem>>[vector<16xi32>, vector<16xi32>], vector<16xf32>,
        %parallel_loop3A_722 = tpu.vector_load_idx %arg5[%parallel_loop3A_720, %parallel_loop3A_716] : memref<8x10000xf32, #tpu.memory_space<vmem>>[vector<16xi32>, vector<16xi32>], vector<16xf32>,
        %parallel_loop3A_723 = arith.constant 1 : i32
        %parallel_loop3A_724 = vector.broadcast %parallel_loop3A_723 : i32 to vector<16xi32>
        %parallel_loop3A_725 = arith.constant 5 : i32
        %parallel_loop3A_726 = vector.broadcast %parallel_loop3A_725 : i32 to vector<16xi32>
        %parallel_loop3A_727 = tpu.vector_load_idx %arg5[%parallel_loop3A_724, %parallel_loop3A_707] : memref<8x10000xf32, #tpu.memory_space<vmem>>[vector<16xi32>, vector<16xi32>], vector<16xf32>,
        %parallel_loop3A_728 = tpu.vector_load_idx %arg5[%parallel_loop3A_726, %parallel_loop3A_716] : memref<8x10000xf32, #tpu.memory_space<vmem>>[vector<16xi32>, vector<16xi32>], vector<16xf32>,
        %parallel_loop3A_729 = arith.constant 2 : i32
        %parallel_loop3A_730 = vector.broadcast %parallel_loop3A_729 : i32 to vector<16xi32>
        %parallel_loop3A_731 = arith.constant 6 : i32
        %parallel_loop3A_732 = vector.broadcast %parallel_loop3A_731 : i32 to vector<16xi32>
        %parallel_loop3A_733 = tpu.vector_load_idx %arg5[%parallel_loop3A_730, %parallel_loop3A_707] : memref<8x10000xf32, #tpu.memory_space<vmem>>[vector<16xi32>, vector<16xi32>], vector<16xf32>,
        %parallel_loop3A_734 = tpu.vector_load_idx %arg5[%parallel_loop3A_732, %parallel_loop3A_716] : memref<8x10000xf32, #tpu.memory_space<vmem>>[vector<16xi32>, vector<16xi32>], vector<16xf32>,
        %parallel_loop3A_735 = arith.constant 3 : i32
        %parallel_loop3A_736 = vector.broadcast %parallel_loop3A_735 : i32 to vector<16xi32>
        %parallel_loop3A_737 = arith.constant 7 : i32
        %parallel_loop3A_738 = vector.broadcast %parallel_loop3A_737 : i32 to vector<16xi32>
        %parallel_loop3A_739 = tpu.vector_load_idx %arg5[%parallel_loop3A_736, %parallel_loop3A_707] : memref<8x10000xf32, #tpu.memory_space<vmem>>[vector<16xi32>, vector<16xi32>], vector<16xf32>,
        %parallel_loop3A_740 = tpu.vector_load_idx %arg5[%parallel_loop3A_738, %parallel_loop3A_716] : memref<8x10000xf32, #tpu.memory_space<vmem>>[vector<16xi32>, vector<16xi32>], vector<16xf32>,
        %parallel_loop3A_741 = arith.constant 128 : i32
        %parallel_loop3A_742 = arith.muli %parallel_loop3A_442, %parallel_loop3A_741 : i32
        %parallel_loop3A_743 = arith.constant 112 : i32
        %parallel_loop3A_744 = arith.addi %parallel_loop3A_742, %parallel_loop3A_743 : i32
        %parallel_loop3A_745 = tpu.assume_multiple %parallel_loop3A_744, 16 : i32
        %parallel_loop3A_746 = arith.constant 0 : i32
        %parallel_loop3A_747 = arith.index_cast %parallel_loop3A_746 : i32 to index
        %parallel_loop3A_748 = arith.index_cast %parallel_loop3A_745 : i32 to index
        %parallel_loop3A_749 = tpu.vector_load %arg6[%parallel_loop3A_747, %parallel_loop3A_748] {strides = array<i32>} : memref<2x1664xi32, #tpu.memory_space<vmem>>, vector<16xi32>,
        %parallel_loop3A_750 = arith.constant 128 : i32
        %parallel_loop3A_751 = arith.muli %parallel_loop3A_442, %parallel_loop3A_750 : i32
        %parallel_loop3A_752 = arith.constant 112 : i32
        %parallel_loop3A_753 = arith.addi %parallel_loop3A_751, %parallel_loop3A_752 : i32
        %parallel_loop3A_754 = tpu.assume_multiple %parallel_loop3A_753, 16 : i32
        %parallel_loop3A_755 = arith.constant 0 : i32
        %parallel_loop3A_756 = arith.index_cast %parallel_loop3A_755 : i32 to index
        %parallel_loop3A_757 = arith.index_cast %parallel_loop3A_754 : i32 to index
        %parallel_loop3A_758 = tpu.vector_load %arg7[%parallel_loop3A_756, %parallel_loop3A_757] {strides = array<i32>} : memref<2x1664xi32, #tpu.memory_space<vmem>>, vector<16xi32>,
        %parallel_loop3A_759 = arith.constant 0 : i32
        %parallel_loop3A_760 = vector.broadcast %parallel_loop3A_759 : i32 to vector<16xi32>
        %parallel_loop3A_761 = arith.constant 4 : i32
        %parallel_loop3A_762 = vector.broadcast %parallel_loop3A_761 : i32 to vector<16xi32>
        %parallel_loop3A_763 = tpu.vector_load_idx %arg5[%parallel_loop3A_760, %parallel_loop3A_749] : memref<8x10000xf32, #tpu.memory_space<vmem>>[vector<16xi32>, vector<16xi32>], vector<16xf32>,
        %parallel_loop3A_764 = tpu.vector_load_idx %arg5[%parallel_loop3A_762, %parallel_loop3A_758] : memref<8x10000xf32, #tpu.memory_space<vmem>>[vector<16xi32>, vector<16xi32>], vector<16xf32>,
        %parallel_loop3A_765 = arith.constant 1 : i32
        %parallel_loop3A_766 = vector.broadcast %parallel_loop3A_765 : i32 to vector<16xi32>
        %parallel_loop3A_767 = arith.constant 5 : i32
        %parallel_loop3A_768 = vector.broadcast %parallel_loop3A_767 : i32 to vector<16xi32>
        %parallel_loop3A_769 = tpu.vector_load_idx %arg5[%parallel_loop3A_766, %parallel_loop3A_749] : memref<8x10000xf32, #tpu.memory_space<vmem>>[vector<16xi32>, vector<16xi32>], vector<16xf32>,
        %parallel_loop3A_770 = tpu.vector_load_idx %arg5[%parallel_loop3A_768, %parallel_loop3A_758] : memref<8x10000xf32, #tpu.memory_space<vmem>>[vector<16xi32>, vector<16xi32>], vector<16xf32>,
        %parallel_loop3A_771 = arith.constant 2 : i32
        %parallel_loop3A_772 = vector.broadcast %parallel_loop3A_771 : i32 to vector<16xi32>
        %parallel_loop3A_773 = arith.constant 6 : i32
        %parallel_loop3A_774 = vector.broadcast %parallel_loop3A_773 : i32 to vector<16xi32>
        %parallel_loop3A_775 = tpu.vector_load_idx %arg5[%parallel_loop3A_772, %parallel_loop3A_749] : memref<8x10000xf32, #tpu.memory_space<vmem>>[vector<16xi32>, vector<16xi32>], vector<16xf32>,
        %parallel_loop3A_776 = tpu.vector_load_idx %arg5[%parallel_loop3A_774, %parallel_loop3A_758] : memref<8x10000xf32, #tpu.memory_space<vmem>>[vector<16xi32>, vector<16xi32>], vector<16xf32>,
        %parallel_loop3A_777 = arith.constant 3 : i32
        %parallel_loop3A_778 = vector.broadcast %parallel_loop3A_777 : i32 to vector<16xi32>
        %parallel_loop3A_779 = arith.constant 7 : i32
        %parallel_loop3A_780 = vector.broadcast %parallel_loop3A_779 : i32 to vector<16xi32>
        %parallel_loop3A_781 = tpu.vector_load_idx %arg5[%parallel_loop3A_778, %parallel_loop3A_749] : memref<8x10000xf32, #tpu.memory_space<vmem>>[vector<16xi32>, vector<16xi32>], vector<16xf32>,
        %parallel_loop3A_782 = tpu.vector_load_idx %arg5[%parallel_loop3A_780, %parallel_loop3A_758] : memref<8x10000xf32, #tpu.memory_space<vmem>>[vector<16xi32>, vector<16xi32>], vector<16xf32>,
        %parallel_loop3A_783 = arith.addf %parallel_loop3A_469, %parallel_loop3A_470 : vector<16xf32>
        %parallel_loop3A_784 = arith.constant 2.000000e-01 : f32
        %parallel_loop3A_785 = vector.broadcast %parallel_loop3A_784 : f32 to vector<16xf32>
        %parallel_loop3A_786 = arith.mulf %parallel_loop3A_785, %parallel_loop3A_783 : vector<16xf32>
        %parallel_loop3A_787 = arith.maximumf %parallel_loop3A_783, %parallel_loop3A_786 : vector<16xf32>
        %parallel_loop3A_788 = arith.constant 0 : i32
        %parallel_loop3A_789 = arith.addi %parallel_loop3A_446, %parallel_loop3A_788 : i32
        %parallel_loop3A_790 = arith.constant 0 : i32
        %parallel_loop3A_791 = arith.addi %parallel_loop3A_789, %parallel_loop3A_790 : i32
        %parallel_loop3A_792 = tpu.assume_multiple %parallel_loop3A_791, 16 : i32
        %parallel_loop3A_793 = arith.constant 0 : i32
        %parallel_loop3A_794 = arith.index_cast %parallel_loop3A_793 : i32 to index
        %parallel_loop3A_795 = arith.index_cast %parallel_loop3A_792 : i32 to index
        %parallel_loop3A_796 = tpu.vector_load %arg8[%parallel_loop3A_794, %parallel_loop3A_795] {strides = array<i32>} : memref<2x6656xf32, #tpu.memory_space<vmem>>, vector<16xf32>,
        tpu.vector_store %arg8[%parallel_loop3A_794, %parallel_loop3A_795], %parallel_loop3A_787 {strides = array<i32>} : memref<2x6656xf32, #tpu.memory_space<vmem>>, vector<16xf32>,
        %parallel_loop3A_797 = arith.addf %parallel_loop3A_475, %parallel_loop3A_476 : vector<16xf32>
        %parallel_loop3A_798 = arith.constant 2.000000e-01 : f32
        %parallel_loop3A_799 = vector.broadcast %parallel_loop3A_798 : f32 to vector<16xf32>
        %parallel_loop3A_800 = arith.mulf %parallel_loop3A_799, %parallel_loop3A_797 : vector<16xf32>
        %parallel_loop3A_801 = arith.maximumf %parallel_loop3A_797, %parallel_loop3A_800 : vector<16xf32>
        %parallel_loop3A_802 = arith.constant 128 : i32
        %parallel_loop3A_803 = arith.addi %parallel_loop3A_446, %parallel_loop3A_802 : i32
        %parallel_loop3A_804 = arith.constant 0 : i32
        %parallel_loop3A_805 = arith.addi %parallel_loop3A_803, %parallel_loop3A_804 : i32
        %parallel_loop3A_806 = tpu.assume_multiple %parallel_loop3A_805, 16 : i32
        %parallel_loop3A_807 = arith.constant 0 : i32
        %parallel_loop3A_808 = arith.index_cast %parallel_loop3A_807 : i32 to index
        %parallel_loop3A_809 = arith.index_cast %parallel_loop3A_806 : i32 to index
        %parallel_loop3A_810 = tpu.vector_load %arg8[%parallel_loop3A_808, %parallel_loop3A_809] {strides = array<i32>} : memref<2x6656xf32, #tpu.memory_space<vmem>>, vector<16xf32>,
        tpu.vector_store %arg8[%parallel_loop3A_808, %parallel_loop3A_809], %parallel_loop3A_801 {strides = array<i32>} : memref<2x6656xf32, #tpu.memory_space<vmem>>, vector<16xf32>,
        %parallel_loop3A_811 = arith.addf %parallel_loop3A_481, %parallel_loop3A_482 : vector<16xf32>
        %parallel_loop3A_812 = arith.constant 2.000000e-01 : f32
        %parallel_loop3A_813 = vector.broadcast %parallel_loop3A_812 : f32 to vector<16xf32>
        %parallel_loop3A_814 = arith.mulf %parallel_loop3A_813, %parallel_loop3A_811 : vector<16xf32>
        %parallel_loop3A_815 = arith.maximumf %parallel_loop3A_811, %parallel_loop3A_814 : vector<16xf32>
        %parallel_loop3A_816 = arith.constant 256 : i32
        %parallel_loop3A_817 = arith.addi %parallel_loop3A_446, %parallel_loop3A_816 : i32
        %parallel_loop3A_818 = arith.constant 0 : i32
        %parallel_loop3A_819 = arith.addi %parallel_loop3A_817, %parallel_loop3A_818 : i32
        %parallel_loop3A_820 = tpu.assume_multiple %parallel_loop3A_819, 16 : i32
        %parallel_loop3A_821 = arith.constant 0 : i32
        %parallel_loop3A_822 = arith.index_cast %parallel_loop3A_821 : i32 to index
        %parallel_loop3A_823 = arith.index_cast %parallel_loop3A_820 : i32 to index
        %parallel_loop3A_824 = tpu.vector_load %arg8[%parallel_loop3A_822, %parallel_loop3A_823] {strides = array<i32>} : memref<2x6656xf32, #tpu.memory_space<vmem>>, vector<16xf32>,
        tpu.vector_store %arg8[%parallel_loop3A_822, %parallel_loop3A_823], %parallel_loop3A_815 {strides = array<i32>} : memref<2x6656xf32, #tpu.memory_space<vmem>>, vector<16xf32>,
        %parallel_loop3A_825 = arith.addf %parallel_loop3A_487, %parallel_loop3A_488 : vector<16xf32>
        %parallel_loop3A_826 = arith.constant 2.000000e-01 : f32
        %parallel_loop3A_827 = vector.broadcast %parallel_loop3A_826 : f32 to vector<16xf32>
        %parallel_loop3A_828 = arith.mulf %parallel_loop3A_827, %parallel_loop3A_825 : vector<16xf32>
        %parallel_loop3A_829 = arith.maximumf %parallel_loop3A_825, %parallel_loop3A_828 : vector<16xf32>
        %parallel_loop3A_830 = arith.constant 384 : i32
        %parallel_loop3A_831 = arith.addi %parallel_loop3A_446, %parallel_loop3A_830 : i32
        %parallel_loop3A_832 = arith.constant 0 : i32
        %parallel_loop3A_833 = arith.addi %parallel_loop3A_831, %parallel_loop3A_832 : i32
        %parallel_loop3A_834 = tpu.assume_multiple %parallel_loop3A_833, 16 : i32
        %parallel_loop3A_835 = arith.constant 0 : i32
        %parallel_loop3A_836 = arith.index_cast %parallel_loop3A_835 : i32 to index
        %parallel_loop3A_837 = arith.index_cast %parallel_loop3A_834 : i32 to index
        %parallel_loop3A_838 = tpu.vector_load %arg8[%parallel_loop3A_836, %parallel_loop3A_837] {strides = array<i32>} : memref<2x6656xf32, #tpu.memory_space<vmem>>, vector<16xf32>,
        tpu.vector_store %arg8[%parallel_loop3A_836, %parallel_loop3A_837], %parallel_loop3A_829 {strides = array<i32>} : memref<2x6656xf32, #tpu.memory_space<vmem>>, vector<16xf32>,
        %parallel_loop3A_839 = arith.addf %parallel_loop3A_511, %parallel_loop3A_512 : vector<16xf32>
        %parallel_loop3A_840 = arith.constant 2.000000e-01 : f32
        %parallel_loop3A_841 = vector.broadcast %parallel_loop3A_840 : f32 to vector<16xf32>
        %parallel_loop3A_842 = arith.mulf %parallel_loop3A_841, %parallel_loop3A_839 : vector<16xf32>
        %parallel_loop3A_843 = arith.maximumf %parallel_loop3A_839, %parallel_loop3A_842 : vector<16xf32>
        %parallel_loop3A_844 = arith.constant 0 : i32
        %parallel_loop3A_845 = arith.addi %parallel_loop3A_446, %parallel_loop3A_844 : i32
        %parallel_loop3A_846 = arith.constant 16 : i32
        %parallel_loop3A_847 = arith.addi %parallel_loop3A_845, %parallel_loop3A_846 : i32
        %parallel_loop3A_848 = tpu.assume_multiple %parallel_loop3A_847, 16 : i32
        %parallel_loop3A_849 = arith.constant 0 : i32
        %parallel_loop3A_850 = arith.index_cast %parallel_loop3A_849 : i32 to index
        %parallel_loop3A_851 = arith.index_cast %parallel_loop3A_848 : i32 to index
        %parallel_loop3A_852 = tpu.vector_load %arg8[%parallel_loop3A_850, %parallel_loop3A_851] {strides = array<i32>} : memref<2x6656xf32, #tpu.memory_space<vmem>>, vector<16xf32>,
        tpu.vector_store %arg8[%parallel_loop3A_850, %parallel_loop3A_851], %parallel_loop3A_843 {strides = array<i32>} : memref<2x6656xf32, #tpu.memory_space<vmem>>, vector<16xf32>,
        %parallel_loop3A_853 = arith.addf %parallel_loop3A_517, %parallel_loop3A_518 : vector<16xf32>
        %parallel_loop3A_854 = arith.constant 2.000000e-01 : f32
        %parallel_loop3A_855 = vector.broadcast %parallel_loop3A_854 : f32 to vector<16xf32>
        %parallel_loop3A_856 = arith.mulf %parallel_loop3A_855, %parallel_loop3A_853 : vector<16xf32>
        %parallel_loop3A_857 = arith.maximumf %parallel_loop3A_853, %parallel_loop3A_856 : vector<16xf32>
        %parallel_loop3A_858 = arith.constant 128 : i32
        %parallel_loop3A_859 = arith.addi %parallel_loop3A_446, %parallel_loop3A_858 : i32
        %parallel_loop3A_860 = arith.constant 16 : i32
        %parallel_loop3A_861 = arith.addi %parallel_loop3A_859, %parallel_loop3A_860 : i32
        %parallel_loop3A_862 = tpu.assume_multiple %parallel_loop3A_861, 16 : i32
        %parallel_loop3A_863 = arith.constant 0 : i32
        %parallel_loop3A_864 = arith.index_cast %parallel_loop3A_863 : i32 to index
        %parallel_loop3A_865 = arith.index_cast %parallel_loop3A_862 : i32 to index
        %parallel_loop3A_866 = tpu.vector_load %arg8[%parallel_loop3A_864, %parallel_loop3A_865] {strides = array<i32>} : memref<2x6656xf32, #tpu.memory_space<vmem>>, vector<16xf32>,
        tpu.vector_store %arg8[%parallel_loop3A_864, %parallel_loop3A_865], %parallel_loop3A_857 {strides = array<i32>} : memref<2x6656xf32, #tpu.memory_space<vmem>>, vector<16xf32>,
        %parallel_loop3A_867 = arith.addf %parallel_loop3A_523, %parallel_loop3A_524 : vector<16xf32>
        %parallel_loop3A_868 = arith.constant 2.000000e-01 : f32
        %parallel_loop3A_869 = vector.broadcast %parallel_loop3A_868 : f32 to vector<16xf32>
        %parallel_loop3A_870 = arith.mulf %parallel_loop3A_869, %parallel_loop3A_867 : vector<16xf32>
        %parallel_loop3A_871 = arith.maximumf %parallel_loop3A_867, %parallel_loop3A_870 : vector<16xf32>
        %parallel_loop3A_872 = arith.constant 256 : i32
        %parallel_loop3A_873 = arith.addi %parallel_loop3A_446, %parallel_loop3A_872 : i32
        %parallel_loop3A_874 = arith.constant 16 : i32
        %parallel_loop3A_875 = arith.addi %parallel_loop3A_873, %parallel_loop3A_874 : i32
        %parallel_loop3A_876 = tpu.assume_multiple %parallel_loop3A_875, 16 : i32
        %parallel_loop3A_877 = arith.constant 0 : i32
        %parallel_loop3A_878 = arith.index_cast %parallel_loop3A_877 : i32 to index
        %parallel_loop3A_879 = arith.index_cast %parallel_loop3A_876 : i32 to index
        %parallel_loop3A_880 = tpu.vector_load %arg8[%parallel_loop3A_878, %parallel_loop3A_879] {strides = array<i32>} : memref<2x6656xf32, #tpu.memory_space<vmem>>, vector<16xf32>,
        tpu.vector_store %arg8[%parallel_loop3A_878, %parallel_loop3A_879], %parallel_loop3A_871 {strides = array<i32>} : memref<2x6656xf32, #tpu.memory_space<vmem>>, vector<16xf32>,
        %parallel_loop3A_881 = arith.addf %parallel_loop3A_529, %parallel_loop3A_530 : vector<16xf32>
        %parallel_loop3A_882 = arith.constant 2.000000e-01 : f32
        %parallel_loop3A_883 = vector.broadcast %parallel_loop3A_882 : f32 to vector<16xf32>
        %parallel_loop3A_884 = arith.mulf %parallel_loop3A_883, %parallel_loop3A_881 : vector<16xf32>
        %parallel_loop3A_885 = arith.maximumf %parallel_loop3A_881, %parallel_loop3A_884 : vector<16xf32>
        %parallel_loop3A_886 = arith.constant 384 : i32
        %parallel_loop3A_887 = arith.addi %parallel_loop3A_446, %parallel_loop3A_886 : i32
        %parallel_loop3A_888 = arith.constant 16 : i32
        %parallel_loop3A_889 = arith.addi %parallel_loop3A_887, %parallel_loop3A_888 : i32
        %parallel_loop3A_890 = tpu.assume_multiple %parallel_loop3A_889, 16 : i32
        %parallel_loop3A_891 = arith.constant 0 : i32
        %parallel_loop3A_892 = arith.index_cast %parallel_loop3A_891 : i32 to index
        %parallel_loop3A_893 = arith.index_cast %parallel_loop3A_890 : i32 to index
        %parallel_loop3A_894 = tpu.vector_load %arg8[%parallel_loop3A_892, %parallel_loop3A_893] {strides = array<i32>} : memref<2x6656xf32, #tpu.memory_space<vmem>>, vector<16xf32>,
        tpu.vector_store %arg8[%parallel_loop3A_892, %parallel_loop3A_893], %parallel_loop3A_885 {strides = array<i32>} : memref<2x6656xf32, #tpu.memory_space<vmem>>, vector<16xf32>,
        %parallel_loop3A_895 = arith.addf %parallel_loop3A_553, %parallel_loop3A_554 : vector<16xf32>
        %parallel_loop3A_896 = arith.constant 2.000000e-01 : f32
        %parallel_loop3A_897 = vector.broadcast %parallel_loop3A_896 : f32 to vector<16xf32>
        %parallel_loop3A_898 = arith.mulf %parallel_loop3A_897, %parallel_loop3A_895 : vector<16xf32>
        %parallel_loop3A_899 = arith.maximumf %parallel_loop3A_895, %parallel_loop3A_898 : vector<16xf32>
        %parallel_loop3A_900 = arith.constant 0 : i32
        %parallel_loop3A_901 = arith.addi %parallel_loop3A_446, %parallel_loop3A_900 : i32
        %parallel_loop3A_902 = arith.constant 32 : i32
        %parallel_loop3A_903 = arith.addi %parallel_loop3A_901, %parallel_loop3A_902 : i32
        %parallel_loop3A_904 = tpu.assume_multiple %parallel_loop3A_903, 16 : i32
        %parallel_loop3A_905 = arith.constant 0 : i32
        %parallel_loop3A_906 = arith.index_cast %parallel_loop3A_905 : i32 to index
        %parallel_loop3A_907 = arith.index_cast %parallel_loop3A_904 : i32 to index
        %parallel_loop3A_908 = tpu.vector_load %arg8[%parallel_loop3A_906, %parallel_loop3A_907] {strides = array<i32>} : memref<2x6656xf32, #tpu.memory_space<vmem>>, vector<16xf32>,
        tpu.vector_store %arg8[%parallel_loop3A_906, %parallel_loop3A_907], %parallel_loop3A_899 {strides = array<i32>} : memref<2x6656xf32, #tpu.memory_space<vmem>>, vector<16xf32>,
        %parallel_loop3A_909 = arith.addf %parallel_loop3A_559, %parallel_loop3A_560 : vector<16xf32>
        %parallel_loop3A_910 = arith.constant 2.000000e-01 : f32
        %parallel_loop3A_911 = vector.broadcast %parallel_loop3A_910 : f32 to vector<16xf32>
        %parallel_loop3A_912 = arith.mulf %parallel_loop3A_911, %parallel_loop3A_909 : vector<16xf32>
        %parallel_loop3A_913 = arith.maximumf %parallel_loop3A_909, %parallel_loop3A_912 : vector<16xf32>
        %parallel_loop3A_914 = arith.constant 128 : i32
        %parallel_loop3A_915 = arith.addi %parallel_loop3A_446, %parallel_loop3A_914 : i32
        %parallel_loop3A_916 = arith.constant 32 : i32
        %parallel_loop3A_917 = arith.addi %parallel_loop3A_915, %parallel_loop3A_916 : i32
        %parallel_loop3A_918 = tpu.assume_multiple %parallel_loop3A_917, 16 : i32
        %parallel_loop3A_919 = arith.constant 0 : i32
        %parallel_loop3A_920 = arith.index_cast %parallel_loop3A_919 : i32 to index
        %parallel_loop3A_921 = arith.index_cast %parallel_loop3A_918 : i32 to index
        %parallel_loop3A_922 = tpu.vector_load %arg8[%parallel_loop3A_920, %parallel_loop3A_921] {strides = array<i32>} : memref<2x6656xf32, #tpu.memory_space<vmem>>, vector<16xf32>,
        tpu.vector_store %arg8[%parallel_loop3A_920, %parallel_loop3A_921], %parallel_loop3A_913 {strides = array<i32>} : memref<2x6656xf32, #tpu.memory_space<vmem>>, vector<16xf32>,
        %parallel_loop3A_923 = arith.addf %parallel_loop3A_565, %parallel_loop3A_566 : vector<16xf32>
        %parallel_loop3A_924 = arith.constant 2.000000e-01 : f32
        %parallel_loop3A_925 = vector.broadcast %parallel_loop3A_924 : f32 to vector<16xf32>
        %parallel_loop3A_926 = arith.mulf %parallel_loop3A_925, %parallel_loop3A_923 : vector<16xf32>
        %parallel_loop3A_927 = arith.maximumf %parallel_loop3A_923, %parallel_loop3A_926 : vector<16xf32>
        %parallel_loop3A_928 = arith.constant 256 : i32
        %parallel_loop3A_929 = arith.addi %parallel_loop3A_446, %parallel_loop3A_928 : i32
        %parallel_loop3A_930 = arith.constant 32 : i32
        %parallel_loop3A_931 = arith.addi %parallel_loop3A_929, %parallel_loop3A_930 : i32
        %parallel_loop3A_932 = tpu.assume_multiple %parallel_loop3A_931, 16 : i32
        %parallel_loop3A_933 = arith.constant 0 : i32
        %parallel_loop3A_934 = arith.index_cast %parallel_loop3A_933 : i32 to index
        %parallel_loop3A_935 = arith.index_cast %parallel_loop3A_932 : i32 to index
        %parallel_loop3A_936 = tpu.vector_load %arg8[%parallel_loop3A_934, %parallel_loop3A_935] {strides = array<i32>} : memref<2x6656xf32, #tpu.memory_space<vmem>>, vector<16xf32>,
        tpu.vector_store %arg8[%parallel_loop3A_934, %parallel_loop3A_935], %parallel_loop3A_927 {strides = array<i32>} : memref<2x6656xf32, #tpu.memory_space<vmem>>, vector<16xf32>,
        %parallel_loop3A_937 = arith.addf %parallel_loop3A_571, %parallel_loop3A_572 : vector<16xf32>
        %parallel_loop3A_938 = arith.constant 2.000000e-01 : f32
        %parallel_loop3A_939 = vector.broadcast %parallel_loop3A_938 : f32 to vector<16xf32>
        %parallel_loop3A_940 = arith.mulf %parallel_loop3A_939, %parallel_loop3A_937 : vector<16xf32>
        %parallel_loop3A_941 = arith.maximumf %parallel_loop3A_937, %parallel_loop3A_940 : vector<16xf32>
        %parallel_loop3A_942 = arith.constant 384 : i32
        %parallel_loop3A_943 = arith.addi %parallel_loop3A_446, %parallel_loop3A_942 : i32
        %parallel_loop3A_944 = arith.constant 32 : i32
        %parallel_loop3A_945 = arith.addi %parallel_loop3A_943, %parallel_loop3A_944 : i32
        %parallel_loop3A_946 = tpu.assume_multiple %parallel_loop3A_945, 16 : i32
        %parallel_loop3A_947 = arith.constant 0 : i32
        %parallel_loop3A_948 = arith.index_cast %parallel_loop3A_947 : i32 to index
        %parallel_loop3A_949 = arith.index_cast %parallel_loop3A_946 : i32 to index
        %parallel_loop3A_950 = tpu.vector_load %arg8[%parallel_loop3A_948, %parallel_loop3A_949] {strides = array<i32>} : memref<2x6656xf32, #tpu.memory_space<vmem>>, vector<16xf32>,
        tpu.vector_store %arg8[%parallel_loop3A_948, %parallel_loop3A_949], %parallel_loop3A_941 {strides = array<i32>} : memref<2x6656xf32, #tpu.memory_space<vmem>>, vector<16xf32>,
        %parallel_loop3A_951 = arith.addf %parallel_loop3A_595, %parallel_loop3A_596 : vector<16xf32>
        %parallel_loop3A_952 = arith.constant 2.000000e-01 : f32
        %parallel_loop3A_953 = vector.broadcast %parallel_loop3A_952 : f32 to vector<16xf32>
        %parallel_loop3A_954 = arith.mulf %parallel_loop3A_953, %parallel_loop3A_951 : vector<16xf32>
        %parallel_loop3A_955 = arith.maximumf %parallel_loop3A_951, %parallel_loop3A_954 : vector<16xf32>
        %parallel_loop3A_956 = arith.constant 0 : i32
        %parallel_loop3A_957 = arith.addi %parallel_loop3A_446, %parallel_loop3A_956 : i32
        %parallel_loop3A_958 = arith.constant 48 : i32
        %parallel_loop3A_959 = arith.addi %parallel_loop3A_957, %parallel_loop3A_958 : i32
        %parallel_loop3A_960 = tpu.assume_multiple %parallel_loop3A_959, 16 : i32
        %parallel_loop3A_961 = arith.constant 0 : i32
        %parallel_loop3A_962 = arith.index_cast %parallel_loop3A_961 : i32 to index
        %parallel_loop3A_963 = arith.index_cast %parallel_loop3A_960 : i32 to index
        %parallel_loop3A_964 = tpu.vector_load %arg8[%parallel_loop3A_962, %parallel_loop3A_963] {strides = array<i32>} : memref<2x6656xf32, #tpu.memory_space<vmem>>, vector<16xf32>,
        tpu.vector_store %arg8[%parallel_loop3A_962, %parallel_loop3A_963], %parallel_loop3A_955 {strides = array<i32>} : memref<2x6656xf32, #tpu.memory_space<vmem>>, vector<16xf32>,
        %parallel_loop3A_965 = arith.addf %parallel_loop3A_601, %parallel_loop3A_602 : vector<16xf32>
        %parallel_loop3A_966 = arith.constant 2.000000e-01 : f32
        %parallel_loop3A_967 = vector.broadcast %parallel_loop3A_966 : f32 to vector<16xf32>
        %parallel_loop3A_968 = arith.mulf %parallel_loop3A_967, %parallel_loop3A_965 : vector<16xf32>
        %parallel_loop3A_969 = arith.maximumf %parallel_loop3A_965, %parallel_loop3A_968 : vector<16xf32>
        %parallel_loop3A_970 = arith.constant 128 : i32
        %parallel_loop3A_971 = arith.addi %parallel_loop3A_446, %parallel_loop3A_970 : i32
        %parallel_loop3A_972 = arith.constant 48 : i32
        %parallel_loop3A_973 = arith.addi %parallel_loop3A_971, %parallel_loop3A_972 : i32
        %parallel_loop3A_974 = tpu.assume_multiple %parallel_loop3A_973, 16 : i32
        %parallel_loop3A_975 = arith.constant 0 : i32
        %parallel_loop3A_976 = arith.index_cast %parallel_loop3A_975 : i32 to index
        %parallel_loop3A_977 = arith.index_cast %parallel_loop3A_974 : i32 to index
        %parallel_loop3A_978 = tpu.vector_load %arg8[%parallel_loop3A_976, %parallel_loop3A_977] {strides = array<i32>} : memref<2x6656xf32, #tpu.memory_space<vmem>>, vector<16xf32>,
        tpu.vector_store %arg8[%parallel_loop3A_976, %parallel_loop3A_977], %parallel_loop3A_969 {strides = array<i32>} : memref<2x6656xf32, #tpu.memory_space<vmem>>, vector<16xf32>,
        %parallel_loop3A_979 = arith.addf %parallel_loop3A_607, %parallel_loop3A_608 : vector<16xf32>
        %parallel_loop3A_980 = arith.constant 2.000000e-01 : f32
        %parallel_loop3A_981 = vector.broadcast %parallel_loop3A_980 : f32 to vector<16xf32>
        %parallel_loop3A_982 = arith.mulf %parallel_loop3A_981, %parallel_loop3A_979 : vector<16xf32>
        %parallel_loop3A_983 = arith.maximumf %parallel_loop3A_979, %parallel_loop3A_982 : vector<16xf32>
        %parallel_loop3A_984 = arith.constant 256 : i32
        %parallel_loop3A_985 = arith.addi %parallel_loop3A_446, %parallel_loop3A_984 : i32
        %parallel_loop3A_986 = arith.constant 48 : i32
        %parallel_loop3A_987 = arith.addi %parallel_loop3A_985, %parallel_loop3A_986 : i32
        %parallel_loop3A_988 = tpu.assume_multiple %parallel_loop3A_987, 16 : i32
        %parallel_loop3A_989 = arith.constant 0 : i32
        %parallel_loop3A_990 = arith.index_cast %parallel_loop3A_989 : i32 to index
        %parallel_loop3A_991 = arith.index_cast %parallel_loop3A_988 : i32 to index
        %parallel_loop3A_992 = tpu.vector_load %arg8[%parallel_loop3A_990, %parallel_loop3A_991] {strides = array<i32>} : memref<2x6656xf32, #tpu.memory_space<vmem>>, vector<16xf32>,
        tpu.vector_store %arg8[%parallel_loop3A_990, %parallel_loop3A_991], %parallel_loop3A_983 {strides = array<i32>} : memref<2x6656xf32, #tpu.memory_space<vmem>>, vector<16xf32>,
        %parallel_loop3A_993 = arith.addf %parallel_loop3A_613, %parallel_loop3A_614 : vector<16xf32>
        %parallel_loop3A_994 = arith.constant 2.000000e-01 : f32
        %parallel_loop3A_995 = vector.broadcast %parallel_loop3A_994 : f32 to vector<16xf32>
        %parallel_loop3A_996 = arith.mulf %parallel_loop3A_995, %parallel_loop3A_993 : vector<16xf32>
        %parallel_loop3A_997 = arith.maximumf %parallel_loop3A_993, %parallel_loop3A_996 : vector<16xf32>
        %parallel_loop3A_998 = arith.constant 384 : i32
        %parallel_loop3A_999 = arith.addi %parallel_loop3A_446, %parallel_loop3A_998 : i32
        %parallel_loop3A_1000 = arith.constant 48 : i32
        %parallel_loop3A_1001 = arith.addi %parallel_loop3A_999, %parallel_loop3A_1000 : i32
        %parallel_loop3A_1002 = tpu.assume_multiple %parallel_loop3A_1001, 16 : i32
        %parallel_loop3A_1003 = arith.constant 0 : i32
        %parallel_loop3A_1004 = arith.index_cast %parallel_loop3A_1003 : i32 to index
        %parallel_loop3A_1005 = arith.index_cast %parallel_loop3A_1002 : i32 to index
        %parallel_loop3A_1006 = tpu.vector_load %arg8[%parallel_loop3A_1004, %parallel_loop3A_1005] {strides = array<i32>} : memref<2x6656xf32, #tpu.memory_space<vmem>>, vector<16xf32>,
        tpu.vector_store %arg8[%parallel_loop3A_1004, %parallel_loop3A_1005], %parallel_loop3A_997 {strides = array<i32>} : memref<2x6656xf32, #tpu.memory_space<vmem>>, vector<16xf32>,
        %parallel_loop3A_1007 = arith.addf %parallel_loop3A_637, %parallel_loop3A_638 : vector<16xf32>
        %parallel_loop3A_1008 = arith.constant 2.000000e-01 : f32
        %parallel_loop3A_1009 = vector.broadcast %parallel_loop3A_1008 : f32 to vector<16xf32>
        %parallel_loop3A_1010 = arith.mulf %parallel_loop3A_1009, %parallel_loop3A_1007 : vector<16xf32>
        %parallel_loop3A_1011 = arith.maximumf %parallel_loop3A_1007, %parallel_loop3A_1010 : vector<16xf32>
        %parallel_loop3A_1012 = arith.constant 0 : i32
        %parallel_loop3A_1013 = arith.addi %parallel_loop3A_446, %parallel_loop3A_1012 : i32
        %parallel_loop3A_1014 = arith.constant 64 : i32
        %parallel_loop3A_1015 = arith.addi %parallel_loop3A_1013, %parallel_loop3A_1014 : i32
        %parallel_loop3A_1016 = tpu.assume_multiple %parallel_loop3A_1015, 16 : i32
        %parallel_loop3A_1017 = arith.constant 0 : i32
        %parallel_loop3A_1018 = arith.index_cast %parallel_loop3A_1017 : i32 to index
        %parallel_loop3A_1019 = arith.index_cast %parallel_loop3A_1016 : i32 to index
        %parallel_loop3A_1020 = tpu.vector_load %arg8[%parallel_loop3A_1018, %parallel_loop3A_1019] {strides = array<i32>} : memref<2x6656xf32, #tpu.memory_space<vmem>>, vector<16xf32>,
        tpu.vector_store %arg8[%parallel_loop3A_1018, %parallel_loop3A_1019], %parallel_loop3A_1011 {strides = array<i32>} : memref<2x6656xf32, #tpu.memory_space<vmem>>, vector<16xf32>,
        %parallel_loop3A_1021 = arith.addf %parallel_loop3A_643, %parallel_loop3A_644 : vector<16xf32>
        %parallel_loop3A_1022 = arith.constant 2.000000e-01 : f32
        %parallel_loop3A_1023 = vector.broadcast %parallel_loop3A_1022 : f32 to vector<16xf32>
        %parallel_loop3A_1024 = arith.mulf %parallel_loop3A_1023, %parallel_loop3A_1021 : vector<16xf32>
        %parallel_loop3A_1025 = arith.maximumf %parallel_loop3A_1021, %parallel_loop3A_1024 : vector<16xf32>
        %parallel_loop3A_1026 = arith.constant 128 : i32
        %parallel_loop3A_1027 = arith.addi %parallel_loop3A_446, %parallel_loop3A_1026 : i32
        %parallel_loop3A_1028 = arith.constant 64 : i32
        %parallel_loop3A_1029 = arith.addi %parallel_loop3A_1027, %parallel_loop3A_1028 : i32
        %parallel_loop3A_1030 = tpu.assume_multiple %parallel_loop3A_1029, 16 : i32
        %parallel_loop3A_1031 = arith.constant 0 : i32
        %parallel_loop3A_1032 = arith.index_cast %parallel_loop3A_1031 : i32 to index
        %parallel_loop3A_1033 = arith.index_cast %parallel_loop3A_1030 : i32 to index
        %parallel_loop3A_1034 = tpu.vector_load %arg8[%parallel_loop3A_1032, %parallel_loop3A_1033] {strides = array<i32>} : memref<2x6656xf32, #tpu.memory_space<vmem>>, vector<16xf32>,
        tpu.vector_store %arg8[%parallel_loop3A_1032, %parallel_loop3A_1033], %parallel_loop3A_1025 {strides = array<i32>} : memref<2x6656xf32, #tpu.memory_space<vmem>>, vector<16xf32>,
        %parallel_loop3A_1035 = arith.addf %parallel_loop3A_649, %parallel_loop3A_650 : vector<16xf32>
        %parallel_loop3A_1036 = arith.constant 2.000000e-01 : f32
        %parallel_loop3A_1037 = vector.broadcast %parallel_loop3A_1036 : f32 to vector<16xf32>
        %parallel_loop3A_1038 = arith.mulf %parallel_loop3A_1037, %parallel_loop3A_1035 : vector<16xf32>
        %parallel_loop3A_1039 = arith.maximumf %parallel_loop3A_1035, %parallel_loop3A_1038 : vector<16xf32>
        %parallel_loop3A_1040 = arith.constant 256 : i32
        %parallel_loop3A_1041 = arith.addi %parallel_loop3A_446, %parallel_loop3A_1040 : i32
        %parallel_loop3A_1042 = arith.constant 64 : i32
        %parallel_loop3A_1043 = arith.addi %parallel_loop3A_1041, %parallel_loop3A_1042 : i32
        %parallel_loop3A_1044 = tpu.assume_multiple %parallel_loop3A_1043, 16 : i32
        %parallel_loop3A_1045 = arith.constant 0 : i32
        %parallel_loop3A_1046 = arith.index_cast %parallel_loop3A_1045 : i32 to index
        %parallel_loop3A_1047 = arith.index_cast %parallel_loop3A_1044 : i32 to index
        %parallel_loop3A_1048 = tpu.vector_load %arg8[%parallel_loop3A_1046, %parallel_loop3A_1047] {strides = array<i32>} : memref<2x6656xf32, #tpu.memory_space<vmem>>, vector<16xf32>,
        tpu.vector_store %arg8[%parallel_loop3A_1046, %parallel_loop3A_1047], %parallel_loop3A_1039 {strides = array<i32>} : memref<2x6656xf32, #tpu.memory_space<vmem>>, vector<16xf32>,
        %parallel_loop3A_1049 = arith.addf %parallel_loop3A_655, %parallel_loop3A_656 : vector<16xf32>
        %parallel_loop3A_1050 = arith.constant 2.000000e-01 : f32
        %parallel_loop3A_1051 = vector.broadcast %parallel_loop3A_1050 : f32 to vector<16xf32>
        %parallel_loop3A_1052 = arith.mulf %parallel_loop3A_1051, %parallel_loop3A_1049 : vector<16xf32>
        %parallel_loop3A_1053 = arith.maximumf %parallel_loop3A_1049, %parallel_loop3A_1052 : vector<16xf32>
        %parallel_loop3A_1054 = arith.constant 384 : i32
        %parallel_loop3A_1055 = arith.addi %parallel_loop3A_446, %parallel_loop3A_1054 : i32
        %parallel_loop3A_1056 = arith.constant 64 : i32
        %parallel_loop3A_1057 = arith.addi %parallel_loop3A_1055, %parallel_loop3A_1056 : i32
        %parallel_loop3A_1058 = tpu.assume_multiple %parallel_loop3A_1057, 16 : i32
        %parallel_loop3A_1059 = arith.constant 0 : i32
        %parallel_loop3A_1060 = arith.index_cast %parallel_loop3A_1059 : i32 to index
        %parallel_loop3A_1061 = arith.index_cast %parallel_loop3A_1058 : i32 to index
        %parallel_loop3A_1062 = tpu.vector_load %arg8[%parallel_loop3A_1060, %parallel_loop3A_1061] {strides = array<i32>} : memref<2x6656xf32, #tpu.memory_space<vmem>>, vector<16xf32>,
        tpu.vector_store %arg8[%parallel_loop3A_1060, %parallel_loop3A_1061], %parallel_loop3A_1053 {strides = array<i32>} : memref<2x6656xf32, #tpu.memory_space<vmem>>, vector<16xf32>,
        %parallel_loop3A_1063 = arith.addf %parallel_loop3A_679, %parallel_loop3A_680 : vector<16xf32>
        %parallel_loop3A_1064 = arith.constant 2.000000e-01 : f32
        %parallel_loop3A_1065 = vector.broadcast %parallel_loop3A_1064 : f32 to vector<16xf32>
        %parallel_loop3A_1066 = arith.mulf %parallel_loop3A_1065, %parallel_loop3A_1063 : vector<16xf32>
        %parallel_loop3A_1067 = arith.maximumf %parallel_loop3A_1063, %parallel_loop3A_1066 : vector<16xf32>
        %parallel_loop3A_1068 = arith.constant 0 : i32
        %parallel_loop3A_1069 = arith.addi %parallel_loop3A_446, %parallel_loop3A_1068 : i32
        %parallel_loop3A_1070 = arith.constant 80 : i32
        %parallel_loop3A_1071 = arith.addi %parallel_loop3A_1069, %parallel_loop3A_1070 : i32
        %parallel_loop3A_1072 = tpu.assume_multiple %parallel_loop3A_1071, 16 : i32
        %parallel_loop3A_1073 = arith.constant 0 : i32
        %parallel_loop3A_1074 = arith.index_cast %parallel_loop3A_1073 : i32 to index
        %parallel_loop3A_1075 = arith.index_cast %parallel_loop3A_1072 : i32 to index
        %parallel_loop3A_1076 = tpu.vector_load %arg8[%parallel_loop3A_1074, %parallel_loop3A_1075] {strides = array<i32>} : memref<2x6656xf32, #tpu.memory_space<vmem>>, vector<16xf32>,
        tpu.vector_store %arg8[%parallel_loop3A_1074, %parallel_loop3A_1075], %parallel_loop3A_1067 {strides = array<i32>} : memref<2x6656xf32, #tpu.memory_space<vmem>>, vector<16xf32>,
        %parallel_loop3A_1077 = arith.addf %parallel_loop3A_685, %parallel_loop3A_686 : vector<16xf32>
        %parallel_loop3A_1078 = arith.constant 2.000000e-01 : f32
        %parallel_loop3A_1079 = vector.broadcast %parallel_loop3A_1078 : f32 to vector<16xf32>
        %parallel_loop3A_1080 = arith.mulf %parallel_loop3A_1079, %parallel_loop3A_1077 : vector<16xf32>
        %parallel_loop3A_1081 = arith.maximumf %parallel_loop3A_1077, %parallel_loop3A_1080 : vector<16xf32>
        %parallel_loop3A_1082 = arith.constant 128 : i32
        %parallel_loop3A_1083 = arith.addi %parallel_loop3A_446, %parallel_loop3A_1082 : i32
        %parallel_loop3A_1084 = arith.constant 80 : i32
        %parallel_loop3A_1085 = arith.addi %parallel_loop3A_1083, %parallel_loop3A_1084 : i32
        %parallel_loop3A_1086 = tpu.assume_multiple %parallel_loop3A_1085, 16 : i32
        %parallel_loop3A_1087 = arith.constant 0 : i32
        %parallel_loop3A_1088 = arith.index_cast %parallel_loop3A_1087 : i32 to index
        %parallel_loop3A_1089 = arith.index_cast %parallel_loop3A_1086 : i32 to index
        %parallel_loop3A_1090 = tpu.vector_load %arg8[%parallel_loop3A_1088, %parallel_loop3A_1089] {strides = array<i32>} : memref<2x6656xf32, #tpu.memory_space<vmem>>, vector<16xf32>,
        tpu.vector_store %arg8[%parallel_loop3A_1088, %parallel_loop3A_1089], %parallel_loop3A_1081 {strides = array<i32>} : memref<2x6656xf32, #tpu.memory_space<vmem>>, vector<16xf32>,
        %parallel_loop3A_1091 = arith.addf %parallel_loop3A_691, %parallel_loop3A_692 : vector<16xf32>
        %parallel_loop3A_1092 = arith.constant 2.000000e-01 : f32
        %parallel_loop3A_1093 = vector.broadcast %parallel_loop3A_1092 : f32 to vector<16xf32>
        %parallel_loop3A_1094 = arith.mulf %parallel_loop3A_1093, %parallel_loop3A_1091 : vector<16xf32>
        %parallel_loop3A_1095 = arith.maximumf %parallel_loop3A_1091, %parallel_loop3A_1094 : vector<16xf32>
        %parallel_loop3A_1096 = arith.constant 256 : i32
        %parallel_loop3A_1097 = arith.addi %parallel_loop3A_446, %parallel_loop3A_1096 : i32
        %parallel_loop3A_1098 = arith.constant 80 : i32
        %parallel_loop3A_1099 = arith.addi %parallel_loop3A_1097, %parallel_loop3A_1098 : i32
        %parallel_loop3A_1100 = tpu.assume_multiple %parallel_loop3A_1099, 16 : i32
        %parallel_loop3A_1101 = arith.constant 0 : i32
        %parallel_loop3A_1102 = arith.index_cast %parallel_loop3A_1101 : i32 to index
        %parallel_loop3A_1103 = arith.index_cast %parallel_loop3A_1100 : i32 to index
        %parallel_loop3A_1104 = tpu.vector_load %arg8[%parallel_loop3A_1102, %parallel_loop3A_1103] {strides = array<i32>} : memref<2x6656xf32, #tpu.memory_space<vmem>>, vector<16xf32>,
        tpu.vector_store %arg8[%parallel_loop3A_1102, %parallel_loop3A_1103], %parallel_loop3A_1095 {strides = array<i32>} : memref<2x6656xf32, #tpu.memory_space<vmem>>, vector<16xf32>,
        %parallel_loop3A_1105 = arith.addf %parallel_loop3A_697, %parallel_loop3A_698 : vector<16xf32>
        %parallel_loop3A_1106 = arith.constant 2.000000e-01 : f32
        %parallel_loop3A_1107 = vector.broadcast %parallel_loop3A_1106 : f32 to vector<16xf32>
        %parallel_loop3A_1108 = arith.mulf %parallel_loop3A_1107, %parallel_loop3A_1105 : vector<16xf32>
        %parallel_loop3A_1109 = arith.maximumf %parallel_loop3A_1105, %parallel_loop3A_1108 : vector<16xf32>
        %parallel_loop3A_1110 = arith.constant 384 : i32
        %parallel_loop3A_1111 = arith.addi %parallel_loop3A_446, %parallel_loop3A_1110 : i32
        %parallel_loop3A_1112 = arith.constant 80 : i32
        %parallel_loop3A_1113 = arith.addi %parallel_loop3A_1111, %parallel_loop3A_1112 : i32
        %parallel_loop3A_1114 = tpu.assume_multiple %parallel_loop3A_1113, 16 : i32
        %parallel_loop3A_1115 = arith.constant 0 : i32
        %parallel_loop3A_1116 = arith.index_cast %parallel_loop3A_1115 : i32 to index
        %parallel_loop3A_1117 = arith.index_cast %parallel_loop3A_1114 : i32 to index
        %parallel_loop3A_1118 = tpu.vector_load %arg8[%parallel_loop3A_1116, %parallel_loop3A_1117] {strides = array<i32>} : memref<2x6656xf32, #tpu.memory_space<vmem>>, vector<16xf32>,
        tpu.vector_store %arg8[%parallel_loop3A_1116, %parallel_loop3A_1117], %parallel_loop3A_1109 {strides = array<i32>} : memref<2x6656xf32, #tpu.memory_space<vmem>>, vector<16xf32>,
        %parallel_loop3A_1119 = arith.addf %parallel_loop3A_721, %parallel_loop3A_722 : vector<16xf32>
        %parallel_loop3A_1120 = arith.constant 2.000000e-01 : f32
        %parallel_loop3A_1121 = vector.broadcast %parallel_loop3A_1120 : f32 to vector<16xf32>
        %parallel_loop3A_1122 = arith.mulf %parallel_loop3A_1121, %parallel_loop3A_1119 : vector<16xf32>
        %parallel_loop3A_1123 = arith.maximumf %parallel_loop3A_1119, %parallel_loop3A_1122 : vector<16xf32>
        %parallel_loop3A_1124 = arith.constant 0 : i32
        %parallel_loop3A_1125 = arith.addi %parallel_loop3A_446, %parallel_loop3A_1124 : i32
        %parallel_loop3A_1126 = arith.constant 96 : i32
        %parallel_loop3A_1127 = arith.addi %parallel_loop3A_1125, %parallel_loop3A_1126 : i32
        %parallel_loop3A_1128 = tpu.assume_multiple %parallel_loop3A_1127, 16 : i32
        %parallel_loop3A_1129 = arith.constant 0 : i32
        %parallel_loop3A_1130 = arith.index_cast %parallel_loop3A_1129 : i32 to index
        %parallel_loop3A_1131 = arith.index_cast %parallel_loop3A_1128 : i32 to index
        %parallel_loop3A_1132 = tpu.vector_load %arg8[%parallel_loop3A_1130, %parallel_loop3A_1131] {strides = array<i32>} : memref<2x6656xf32, #tpu.memory_space<vmem>>, vector<16xf32>,
        tpu.vector_store %arg8[%parallel_loop3A_1130, %parallel_loop3A_1131], %parallel_loop3A_1123 {strides = array<i32>} : memref<2x6656xf32, #tpu.memory_space<vmem>>, vector<16xf32>,
        %parallel_loop3A_1133 = arith.addf %parallel_loop3A_727, %parallel_loop3A_728 : vector<16xf32>
        %parallel_loop3A_1134 = arith.constant 2.000000e-01 : f32
        %parallel_loop3A_1135 = vector.broadcast %parallel_loop3A_1134 : f32 to vector<16xf32>
        %parallel_loop3A_1136 = arith.mulf %parallel_loop3A_1135, %parallel_loop3A_1133 : vector<16xf32>
        %parallel_loop3A_1137 = arith.maximumf %parallel_loop3A_1133, %parallel_loop3A_1136 : vector<16xf32>
        %parallel_loop3A_1138 = arith.constant 128 : i32
        %parallel_loop3A_1139 = arith.addi %parallel_loop3A_446, %parallel_loop3A_1138 : i32
        %parallel_loop3A_1140 = arith.constant 96 : i32
        %parallel_loop3A_1141 = arith.addi %parallel_loop3A_1139, %parallel_loop3A_1140 : i32
        %parallel_loop3A_1142 = tpu.assume_multiple %parallel_loop3A_1141, 16 : i32
        %parallel_loop3A_1143 = arith.constant 0 : i32
        %parallel_loop3A_1144 = arith.index_cast %parallel_loop3A_1143 : i32 to index
        %parallel_loop3A_1145 = arith.index_cast %parallel_loop3A_1142 : i32 to index
        %parallel_loop3A_1146 = tpu.vector_load %arg8[%parallel_loop3A_1144, %parallel_loop3A_1145] {strides = array<i32>} : memref<2x6656xf32, #tpu.memory_space<vmem>>, vector<16xf32>,
        tpu.vector_store %arg8[%parallel_loop3A_1144, %parallel_loop3A_1145], %parallel_loop3A_1137 {strides = array<i32>} : memref<2x6656xf32, #tpu.memory_space<vmem>>, vector<16xf32>,
        %parallel_loop3A_1147 = arith.addf %parallel_loop3A_733, %parallel_loop3A_734 : vector<16xf32>
        %parallel_loop3A_1148 = arith.constant 2.000000e-01 : f32
        %parallel_loop3A_1149 = vector.broadcast %parallel_loop3A_1148 : f32 to vector<16xf32>
        %parallel_loop3A_1150 = arith.mulf %parallel_loop3A_1149, %parallel_loop3A_1147 : vector<16xf32>
        %parallel_loop3A_1151 = arith.maximumf %parallel_loop3A_1147, %parallel_loop3A_1150 : vector<16xf32>
        %parallel_loop3A_1152 = arith.constant 256 : i32
        %parallel_loop3A_1153 = arith.addi %parallel_loop3A_446, %parallel_loop3A_1152 : i32
        %parallel_loop3A_1154 = arith.constant 96 : i32
        %parallel_loop3A_1155 = arith.addi %parallel_loop3A_1153, %parallel_loop3A_1154 : i32
        %parallel_loop3A_1156 = tpu.assume_multiple %parallel_loop3A_1155, 16 : i32
        %parallel_loop3A_1157 = arith.constant 0 : i32
        %parallel_loop3A_1158 = arith.index_cast %parallel_loop3A_1157 : i32 to index
        %parallel_loop3A_1159 = arith.index_cast %parallel_loop3A_1156 : i32 to index
        %parallel_loop3A_1160 = tpu.vector_load %arg8[%parallel_loop3A_1158, %parallel_loop3A_1159] {strides = array<i32>} : memref<2x6656xf32, #tpu.memory_space<vmem>>, vector<16xf32>,
        tpu.vector_store %arg8[%parallel_loop3A_1158, %parallel_loop3A_1159], %parallel_loop3A_1151 {strides = array<i32>} : memref<2x6656xf32, #tpu.memory_space<vmem>>, vector<16xf32>,
        %parallel_loop3A_1161 = arith.addf %parallel_loop3A_739, %parallel_loop3A_740 : vector<16xf32>
        %parallel_loop3A_1162 = arith.constant 2.000000e-01 : f32
        %parallel_loop3A_1163 = vector.broadcast %parallel_loop3A_1162 : f32 to vector<16xf32>
        %parallel_loop3A_1164 = arith.mulf %parallel_loop3A_1163, %parallel_loop3A_1161 : vector<16xf32>
        %parallel_loop3A_1165 = arith.maximumf %parallel_loop3A_1161, %parallel_loop3A_1164 : vector<16xf32>
        %parallel_loop3A_1166 = arith.constant 384 : i32
        %parallel_loop3A_1167 = arith.addi %parallel_loop3A_446, %parallel_loop3A_1166 : i32
        %parallel_loop3A_1168 = arith.constant 96 : i32
        %parallel_loop3A_1169 = arith.addi %parallel_loop3A_1167, %parallel_loop3A_1168 : i32
        %parallel_loop3A_1170 = tpu.assume_multiple %parallel_loop3A_1169, 16 : i32
        %parallel_loop3A_1171 = arith.constant 0 : i32
        %parallel_loop3A_1172 = arith.index_cast %parallel_loop3A_1171 : i32 to index
        %parallel_loop3A_1173 = arith.index_cast %parallel_loop3A_1170 : i32 to index
        %parallel_loop3A_1174 = tpu.vector_load %arg8[%parallel_loop3A_1172, %parallel_loop3A_1173] {strides = array<i32>} : memref<2x6656xf32, #tpu.memory_space<vmem>>, vector<16xf32>,
        tpu.vector_store %arg8[%parallel_loop3A_1172, %parallel_loop3A_1173], %parallel_loop3A_1165 {strides = array<i32>} : memref<2x6656xf32, #tpu.memory_space<vmem>>, vector<16xf32>,
        %parallel_loop3A_1175 = arith.addf %parallel_loop3A_763, %parallel_loop3A_764 : vector<16xf32>
        %parallel_loop3A_1176 = arith.constant 2.000000e-01 : f32
        %parallel_loop3A_1177 = vector.broadcast %parallel_loop3A_1176 : f32 to vector<16xf32>
        %parallel_loop3A_1178 = arith.mulf %parallel_loop3A_1177, %parallel_loop3A_1175 : vector<16xf32>
        %parallel_loop3A_1179 = arith.maximumf %parallel_loop3A_1175, %parallel_loop3A_1178 : vector<16xf32>
        %parallel_loop3A_1180 = arith.constant 0 : i32
        %parallel_loop3A_1181 = arith.addi %parallel_loop3A_446, %parallel_loop3A_1180 : i32
        %parallel_loop3A_1182 = arith.constant 112 : i32
        %parallel_loop3A_1183 = arith.addi %parallel_loop3A_1181, %parallel_loop3A_1182 : i32
        %parallel_loop3A_1184 = tpu.assume_multiple %parallel_loop3A_1183, 16 : i32
        %parallel_loop3A_1185 = arith.constant 0 : i32
        %parallel_loop3A_1186 = arith.index_cast %parallel_loop3A_1185 : i32 to index
        %parallel_loop3A_1187 = arith.index_cast %parallel_loop3A_1184 : i32 to index
        %parallel_loop3A_1188 = tpu.vector_load %arg8[%parallel_loop3A_1186, %parallel_loop3A_1187] {strides = array<i32>} : memref<2x6656xf32, #tpu.memory_space<vmem>>, vector<16xf32>,
        tpu.vector_store %arg8[%parallel_loop3A_1186, %parallel_loop3A_1187], %parallel_loop3A_1179 {strides = array<i32>} : memref<2x6656xf32, #tpu.memory_space<vmem>>, vector<16xf32>,
        %parallel_loop3A_1189 = arith.addf %parallel_loop3A_769, %parallel_loop3A_770 : vector<16xf32>
        %parallel_loop3A_1190 = arith.constant 2.000000e-01 : f32
        %parallel_loop3A_1191 = vector.broadcast %parallel_loop3A_1190 : f32 to vector<16xf32>
        %parallel_loop3A_1192 = arith.mulf %parallel_loop3A_1191, %parallel_loop3A_1189 : vector<16xf32>
        %parallel_loop3A_1193 = arith.maximumf %parallel_loop3A_1189, %parallel_loop3A_1192 : vector<16xf32>
        %parallel_loop3A_1194 = arith.constant 128 : i32
        %parallel_loop3A_1195 = arith.addi %parallel_loop3A_446, %parallel_loop3A_1194 : i32
        %parallel_loop3A_1196 = arith.constant 112 : i32
        %parallel_loop3A_1197 = arith.addi %parallel_loop3A_1195, %parallel_loop3A_1196 : i32
        %parallel_loop3A_1198 = tpu.assume_multiple %parallel_loop3A_1197, 16 : i32
        %parallel_loop3A_1199 = arith.constant 0 : i32
        %parallel_loop3A_1200 = arith.index_cast %parallel_loop3A_1199 : i32 to index
        %parallel_loop3A_1201 = arith.index_cast %parallel_loop3A_1198 : i32 to index
        %parallel_loop3A_1202 = tpu.vector_load %arg8[%parallel_loop3A_1200, %parallel_loop3A_1201] {strides = array<i32>} : memref<2x6656xf32, #tpu.memory_space<vmem>>, vector<16xf32>,
        tpu.vector_store %arg8[%parallel_loop3A_1200, %parallel_loop3A_1201], %parallel_loop3A_1193 {strides = array<i32>} : memref<2x6656xf32, #tpu.memory_space<vmem>>, vector<16xf32>,
        %parallel_loop3A_1203 = arith.addf %parallel_loop3A_775, %parallel_loop3A_776 : vector<16xf32>
        %parallel_loop3A_1204 = arith.constant 2.000000e-01 : f32
        %parallel_loop3A_1205 = vector.broadcast %parallel_loop3A_1204 : f32 to vector<16xf32>
        %parallel_loop3A_1206 = arith.mulf %parallel_loop3A_1205, %parallel_loop3A_1203 : vector<16xf32>
        %parallel_loop3A_1207 = arith.maximumf %parallel_loop3A_1203, %parallel_loop3A_1206 : vector<16xf32>
        %parallel_loop3A_1208 = arith.constant 256 : i32
        %parallel_loop3A_1209 = arith.addi %parallel_loop3A_446, %parallel_loop3A_1208 : i32
        %parallel_loop3A_1210 = arith.constant 112 : i32
        %parallel_loop3A_1211 = arith.addi %parallel_loop3A_1209, %parallel_loop3A_1210 : i32
        %parallel_loop3A_1212 = tpu.assume_multiple %parallel_loop3A_1211, 16 : i32
        %parallel_loop3A_1213 = arith.constant 0 : i32
        %parallel_loop3A_1214 = arith.index_cast %parallel_loop3A_1213 : i32 to index
        %parallel_loop3A_1215 = arith.index_cast %parallel_loop3A_1212 : i32 to index
        %parallel_loop3A_1216 = tpu.vector_load %arg8[%parallel_loop3A_1214, %parallel_loop3A_1215] {strides = array<i32>} : memref<2x6656xf32, #tpu.memory_space<vmem>>, vector<16xf32>,
        tpu.vector_store %arg8[%parallel_loop3A_1214, %parallel_loop3A_1215], %parallel_loop3A_1207 {strides = array<i32>} : memref<2x6656xf32, #tpu.memory_space<vmem>>, vector<16xf32>,
        %parallel_loop3A_1217 = arith.addf %parallel_loop3A_781, %parallel_loop3A_782 : vector<16xf32>
        %parallel_loop3A_1218 = arith.constant 2.000000e-01 : f32
        %parallel_loop3A_1219 = vector.broadcast %parallel_loop3A_1218 : f32 to vector<16xf32>
        %parallel_loop3A_1220 = arith.mulf %parallel_loop3A_1219, %parallel_loop3A_1217 : vector<16xf32>
        %parallel_loop3A_1221 = arith.maximumf %parallel_loop3A_1217, %parallel_loop3A_1220 : vector<16xf32>
        %parallel_loop3A_1222 = arith.constant 384 : i32
        %parallel_loop3A_1223 = arith.addi %parallel_loop3A_446, %parallel_loop3A_1222 : i32
        %parallel_loop3A_1224 = arith.constant 112 : i32
        %parallel_loop3A_1225 = arith.addi %parallel_loop3A_1223, %parallel_loop3A_1224 : i32
        %parallel_loop3A_1226 = tpu.assume_multiple %parallel_loop3A_1225, 16 : i32
        %parallel_loop3A_1227 = arith.constant 0 : i32
        %parallel_loop3A_1228 = arith.index_cast %parallel_loop3A_1227 : i32 to index
        %parallel_loop3A_1229 = arith.index_cast %parallel_loop3A_1226 : i32 to index
        %parallel_loop3A_1230 = tpu.vector_load %arg8[%parallel_loop3A_1228, %parallel_loop3A_1229] {strides = array<i32>} : memref<2x6656xf32, #tpu.memory_space<vmem>>, vector<16xf32>,
        tpu.vector_store %arg8[%parallel_loop3A_1228, %parallel_loop3A_1229], %parallel_loop3A_1221 {strides = array<i32>} : memref<2x6656xf32, #tpu.memory_space<vmem>>, vector<16xf32>,
      } {sc.loop_unroll_factor = 1 : i64, sc.parallel_access}
      %mul3A_364 = arith.constant 4 : i32
      %mul3A_365 = arith.muli %add3A_327, %mul3A_364 : i32
      %mul3A_366 = arith.constant 128 : i32
      %mul3A_367 = arith.muli %mul3A_365, %mul3A_366 : i32
      %multiple_of3A_368 = tpu.assume_multiple %mul3A_367, 8 : i32
      %dma_start3A_369 = arith.constant 0 : i32
      %dma_start3A_370 = arith.constant 0 : i32
      %dma_start3A_371 = tpu.memref_slice %arg8[%dma_start3A_369, %dma_start3A_370] : memref<2x6656xf32, #tpu.memory_space<vmem>> -> memref<1x6656xf32, #tpu.memory_space<vmem>>
      %dma_start3A_372 = tpu.memref_squeeze %dma_start3A_371 : memref<1x6656xf32, #tpu.memory_space<vmem>> -> memref<6656xf32, #tpu.memory_space<vmem>>
      %dma_start3A_373 = tpu.memref_slice %arg4[%multiple_of3A_368] : memref<1280000xf32, #tpu.memory_space<hbm>> -> memref<6656xf32, #tpu.memory_space<hbm>>
      %dma_start3A_374 = tpu.memref_slice %arg4[%multiple_of3A_368] : memref<1280000xf32, #tpu.memory_space<hbm>> -> memref<6656xf32, #tpu.memory_space<hbm>>
      %dma_start3A_375 = arith.constant 0 : i32
      %dma_start3A_376 = tpu.memref_slice %arg8[%dma_start3A_369, %dma_start3A_375] : memref<2x6656xf32, #tpu.memory_space<vmem>> -> memref<1x6656xf32, #tpu.memory_space<vmem>>
      %dma_start3A_377 = tpu.memref_squeeze %dma_start3A_376 : memref<1x6656xf32, #tpu.memory_space<vmem>> -> memref<6656xf32, #tpu.memory_space<vmem>>
      tpu.enqueue_dma source(%dma_start3A_377 : memref<6656xf32, #tpu.memory_space<vmem>>) target(%dma_start3A_374 : memref<6656xf32, #tpu.memory_space<hbm>>) target_semaphore(%arg15 : memref<!tpu.dma_semaphore, #tpu.memory_space<semaphore_mem>>)
      %add3A_378 = arith.constant 1 : i32
      %add3A_379 = arith.addi %scan3A_322, %add3A_378 : i32
      %lt3A_380 = arith.constant 3 : i32
      %lt3A_381 = arith.cmpi slt, %add3A_379, %lt3A_380 : i32
      %convert_element_type3A_382 = arith.extui %lt3A_381 : i1 to i32
      %cond3A_383 = arith.constant 0 : i32
      %cond3A_384 = arith.cmpi ne, %convert_element_type3A_382, %cond3A_383 : i32
      scf.if %cond3A_384 {
        %add3A_442 = arith.constant 26 : i32
        %add3A_443 = arith.addi %add3A_327, %add3A_442 : i32
        %mul3A_444 = arith.constant 128 : i32
        %mul3A_445 = arith.muli %add3A_443, %mul3A_444 : i32
        %multiple_of3A_446 = tpu.assume_multiple %mul3A_445, 8 : i32
        %dma_start3A_447 = arith.constant 0 : i32
        %dma_start3A_448 = arith.constant 0 : i32
        %dma_start3A_449 = arith.constant 0 : i32
        %dma_start3A_450 = tpu.memref_slice %arg6[%dma_start3A_448, %dma_start3A_449] : memref<2x1664xi32, #tpu.memory_space<vmem>> -> memref<1x1664xi32, #tpu.memory_space<vmem>>
        %dma_start3A_451 = tpu.memref_squeeze %dma_start3A_450 : memref<1x1664xi32, #tpu.memory_space<vmem>> -> memref<1664xi32, #tpu.memory_space<vmem>>
        %dma_start3A_452 = tpu.memref_slice %arg3[%dma_start3A_447, %multiple_of3A_446] : memref<2x320000xi32, #tpu.memory_space<hbm>> -> memref<1x1664xi32, #tpu.memory_space<hbm>>
        %dma_start3A_453 = tpu.memref_squeeze %dma_start3A_452 : memref<1x1664xi32, #tpu.memory_space<hbm>> -> memref<1664xi32, #tpu.memory_space<hbm>>
        %dma_start3A_454 = arith.constant 0 : i32
        %dma_start3A_455 = tpu.memref_slice %arg6[%dma_start3A_448, %dma_start3A_454] : memref<2x1664xi32, #tpu.memory_space<vmem>> -> memref<1x1664xi32, #tpu.memory_space<vmem>>
        %dma_start3A_456 = tpu.memref_squeeze %dma_start3A_455 : memref<1x1664xi32, #tpu.memory_space<vmem>> -> memref<1664xi32, #tpu.memory_space<vmem>>
        %dma_start3A_457 = tpu.memref_slice %arg3[%dma_start3A_447, %multiple_of3A_446] : memref<2x320000xi32, #tpu.memory_space<hbm>> -> memref<1x1664xi32, #tpu.memory_space<hbm>>
        %dma_start3A_458 = tpu.memref_squeeze %dma_start3A_457 : memref<1x1664xi32, #tpu.memory_space<hbm>> -> memref<1664xi32, #tpu.memory_space<hbm>>
        tpu.enqueue_dma source(%dma_start3A_458 : memref<1664xi32, #tpu.memory_space<hbm>>) target(%dma_start3A_456 : memref<1664xi32, #tpu.memory_space<vmem>>) target_semaphore(%arg13 : memref<!tpu.dma_semaphore, #tpu.memory_space<semaphore_mem>>)
        %dma_start3A_459 = arith.constant 1 : i32
        %dma_start3A_460 = arith.constant 0 : i32
        %dma_start3A_461 = arith.constant 0 : i32
        %dma_start3A_462 = tpu.memref_slice %arg7[%dma_start3A_460, %dma_start3A_461] : memref<2x1664xi32, #tpu.memory_space<vmem>> -> memref<1x1664xi32, #tpu.memory_space<vmem>>
        %dma_start3A_463 = tpu.memref_squeeze %dma_start3A_462 : memref<1x1664xi32, #tpu.memory_space<vmem>> -> memref<1664xi32, #tpu.memory_space<vmem>>
        %dma_start3A_464 = tpu.memref_slice %arg3[%dma_start3A_459, %multiple_of3A_446] : memref<2x320000xi32, #tpu.memory_space<hbm>> -> memref<1x1664xi32, #tpu.memory_space<hbm>>
        %dma_start3A_465 = tpu.memref_squeeze %dma_start3A_464 : memref<1x1664xi32, #tpu.memory_space<hbm>> -> memref<1664xi32, #tpu.memory_space<hbm>>
        %dma_start3A_466 = arith.constant 0 : i32
        %dma_start3A_467 = tpu.memref_slice %arg7[%dma_start3A_460, %dma_start3A_466] : memref<2x1664xi32, #tpu.memory_space<vmem>> -> memref<1x1664xi32, #tpu.memory_space<vmem>>
        %dma_start3A_468 = tpu.memref_squeeze %dma_start3A_467 : memref<1x1664xi32, #tpu.memory_space<vmem>> -> memref<1664xi32, #tpu.memory_space<vmem>>
        %dma_start3A_469 = tpu.memref_slice %arg3[%dma_start3A_459, %multiple_of3A_446] : memref<2x320000xi32, #tpu.memory_space<hbm>> -> memref<1x1664xi32, #tpu.memory_space<hbm>>
        %dma_start3A_470 = tpu.memref_squeeze %dma_start3A_469 : memref<1x1664xi32, #tpu.memory_space<hbm>> -> memref<1664xi32, #tpu.memory_space<hbm>>
        tpu.enqueue_dma source(%dma_start3A_470 : memref<1664xi32, #tpu.memory_space<hbm>>) target(%dma_start3A_468 : memref<1664xi32, #tpu.memory_space<vmem>>) target_semaphore(%arg13 : memref<!tpu.dma_semaphore, #tpu.memory_space<semaphore_mem>>)
      } else {
      }
      %dma_wait3A_385 = arith.constant 0 : i32
      %dma_wait3A_386 = arith.constant 1 : i32
      %dma_wait3A_387 = arith.constant 0 : i32
      %dma_wait3A_388 = tpu.memref_slice %arg6[%dma_wait3A_386, %dma_wait3A_387] : memref<2x1664xi32, #tpu.memory_space<vmem>> -> memref<1x1664xi32, #tpu.memory_space<vmem>>
      %dma_wait3A_389 = tpu.memref_squeeze %dma_wait3A_388 : memref<1x1664xi32, #tpu.memory_space<vmem>> -> memref<1664xi32, #tpu.memory_space<vmem>>
      %dma_wait3A_390 = arith.constant 0 : i32
      %dma_wait3A_391 = tpu.memref_slice %arg3[%dma_wait3A_385, %dma_wait3A_390] : memref<2x320000xi32, #tpu.memory_space<hbm>> -> memref<1x1664xi32, #tpu.memory_space<hbm>>
      %dma_wait3A_392 = tpu.memref_squeeze %dma_wait3A_391 : memref<1x1664xi32, #tpu.memory_space<hbm>> -> memref<1664xi32, #tpu.memory_space<hbm>>
      %dma_wait3A_393 = arith.constant 0 : i32
      %dma_wait3A_394 = tpu.memref_slice %arg6[%dma_wait3A_386, %dma_wait3A_393] : memref<2x1664xi32, #tpu.memory_space<vmem>> -> memref<1x1664xi32, #tpu.memory_space<vmem>>
      %dma_wait3A_395 = tpu.memref_squeeze %dma_wait3A_394 : memref<1x1664xi32, #tpu.memory_space<vmem>> -> memref<1664xi32, #tpu.memory_space<vmem>>
      %dma_wait3A_396 = arith.constant 0 : i32
      %dma_wait3A_397 = tpu.memref_slice %arg3[%dma_wait3A_385, %dma_wait3A_396] : memref<2x320000xi32, #tpu.memory_space<hbm>> -> memref<1x1664xi32, #tpu.memory_space<hbm>>
      %dma_wait3A_398 = tpu.memref_squeeze %dma_wait3A_397 : memref<1x1664xi32, #tpu.memory_space<hbm>> -> memref<1664xi32, #tpu.memory_space<hbm>>
      tpu.wait_dma2 semaphore(%arg14 : memref<!tpu.dma_semaphore, #tpu.memory_space<semaphore_mem>>) src(%dma_wait3A_398 : memref<1664xi32, #tpu.memory_space<hbm>>) dst(%dma_wait3A_395 : memref<1664xi32, #tpu.memory_space<vmem>>)
      %dma_wait3A_399 = arith.constant 1 : i32
      %dma_wait3A_400 = arith.constant 1 : i32
      %dma_wait3A_401 = arith.constant 0 : i32
      %dma_wait3A_402 = tpu.memref_slice %arg7[%dma_wait3A_400, %dma_wait3A_401] : memref<2x1664xi32, #tpu.memory_space<vmem>> -> memref<1x1664xi32, #tpu.memory_space<vmem>>
      %dma_wait3A_403 = tpu.memref_squeeze %dma_wait3A_402 : memref<1x1664xi32, #tpu.memory_space<vmem>> -> memref<1664xi32, #tpu.memory_space<vmem>>
      %dma_wait3A_404 = arith.constant 0 : i32
      %dma_wait3A_405 = tpu.memref_slice %arg3[%dma_wait3A_399, %dma_wait3A_404] : memref<2x320000xi32, #tpu.memory_space<hbm>> -> memref<1x1664xi32, #tpu.memory_space<hbm>>
      %dma_wait3A_406 = tpu.memref_squeeze %dma_wait3A_405 : memref<1x1664xi32, #tpu.memory_space<hbm>> -> memref<1664xi32, #tpu.memory_space<hbm>>
      %dma_wait3A_407 = arith.constant 0 : i32
      %dma_wait3A_408 = tpu.memref_slice %arg7[%dma_wait3A_400, %dma_wait3A_407] : memref<2x1664xi32, #tpu.memory_space<vmem>> -> memref<1x1664xi32, #tpu.memory_space<vmem>>
      %dma_wait3A_409 = tpu.memref_squeeze %dma_wait3A_408 : memref<1x1664xi32, #tpu.memory_space<vmem>> -> memref<1664xi32, #tpu.memory_space<vmem>>
      %dma_wait3A_410 = arith.constant 0 : i32
      %dma_wait3A_411 = tpu.memref_slice %arg3[%dma_wait3A_399, %dma_wait3A_410] : memref<2x320000xi32, #tpu.memory_space<hbm>> -> memref<1x1664xi32, #tpu.memory_space<hbm>>
      %dma_wait3A_412 = tpu.memref_squeeze %dma_wait3A_411 : memref<1x1664xi32, #tpu.memory_space<hbm>> -> memref<1664xi32, #tpu.memory_space<hbm>>
      tpu.wait_dma2 semaphore(%arg14 : memref<!tpu.dma_semaphore, #tpu.memory_space<semaphore_mem>>) src(%dma_wait3A_412 : memref<1664xi32, #tpu.memory_space<hbm>>) dst(%dma_wait3A_409 : memref<1664xi32, #tpu.memory_space<vmem>>)
      %gt3A_413 = arith.constant 0 : i32
      %gt3A_414 = arith.cmpi sgt, %scan3A_322, %gt3A_413 : i32
      %convert_element_type3A_415 = arith.extui %gt3A_414 : i1 to i32
      %cond3A_416 = arith.constant 0 : i32
      %cond3A_417 = arith.cmpi ne, %convert_element_type3A_415, %cond3A_416 : i32
      scf.if %cond3A_417 {
        %dma_wait3A_442 = arith.constant 1 : i32
        %dma_wait3A_443 = arith.constant 0 : i32
        %dma_wait3A_444 = tpu.memref_slice %arg8[%dma_wait3A_442, %dma_wait3A_443] : memref<2x6656xf32, #tpu.memory_space<vmem>> -> memref<1x6656xf32, #tpu.memory_space<vmem>>
        %dma_wait3A_445 = tpu.memref_squeeze %dma_wait3A_444 : memref<1x6656xf32, #tpu.memory_space<vmem>> -> memref<6656xf32, #tpu.memory_space<vmem>>
        %dma_wait3A_446 = arith.constant 0 : i32
        %dma_wait3A_447 = tpu.memref_slice %arg4[%dma_wait3A_446] : memref<1280000xf32, #tpu.memory_space<hbm>> -> memref<6656xf32, #tpu.memory_space<hbm>>
        %dma_wait3A_448 = arith.constant 0 : i32
        %dma_wait3A_449 = tpu.memref_slice %arg4[%dma_wait3A_448] : memref<1280000xf32, #tpu.memory_space<hbm>> -> memref<6656xf32, #tpu.memory_space<hbm>>
        %dma_wait3A_450 = arith.constant 0 : i32
        %dma_wait3A_451 = tpu.memref_slice %arg8[%dma_wait3A_442, %dma_wait3A_450] : memref<2x6656xf32, #tpu.memory_space<vmem>> -> memref<1x6656xf32, #tpu.memory_space<vmem>>
        %dma_wait3A_452 = tpu.memref_squeeze %dma_wait3A_451 : memref<1x6656xf32, #tpu.memory_space<vmem>> -> memref<6656xf32, #tpu.memory_space<vmem>>
        tpu.wait_dma2 semaphore(%arg16 : memref<!tpu.dma_semaphore, #tpu.memory_space<semaphore_mem>>) src(%dma_wait3A_452 : memref<6656xf32, #tpu.memory_space<vmem>>) dst(%dma_wait3A_449 : memref<6656xf32, #tpu.memory_space<hbm>>)
      } else {
      }
      %parallel_loop3A_418 = arith.constant 0 : i32
      %parallel_loop3A_419 = arith.constant 13 : i32
      %parallel_loop3A_420 = arith.constant 1 : i32
      scf.for %parallel_loop3A_442 = %parallel_loop3A_418 to %parallel_loop3A_419 step %parallel_loop3A_420  : i32 {
        %parallel_loop3A_443 = arith.constant 4 : i32
        %parallel_loop3A_444 = arith.muli %parallel_loop3A_442, %parallel_loop3A_443 : i32
        %parallel_loop3A_445 = arith.constant 128 : i32
        %parallel_loop3A_446 = arith.muli %parallel_loop3A_444, %parallel_loop3A_445 : i32
        %parallel_loop3A_447 = arith.constant 128 : i32
        %parallel_loop3A_448 = arith.muli %parallel_loop3A_442, %parallel_loop3A_447 : i32
        %parallel_loop3A_449 = arith.constant 0 : i32
        %parallel_loop3A_450 = arith.addi %parallel_loop3A_448, %parallel_loop3A_449 : i32
        %parallel_loop3A_451 = tpu.assume_multiple %parallel_loop3A_450, 16 : i32
        %parallel_loop3A_452 = arith.constant 1 : i32
        %parallel_loop3A_453 = arith.index_cast %parallel_loop3A_452 : i32 to index
        %parallel_loop3A_454 = arith.index_cast %parallel_loop3A_451 : i32 to index
        %parallel_loop3A_455 = tpu.vector_load %arg6[%parallel_loop3A_453, %parallel_loop3A_454] {strides = array<i32>} : memref<2x1664xi32, #tpu.memory_space<vmem>>, vector<16xi32>,
        %parallel_loop3A_456 = arith.constant 128 : i32
        %parallel_loop3A_457 = arith.muli %parallel_loop3A_442, %parallel_loop3A_456 : i32
        %parallel_loop3A_458 = arith.constant 0 : i32
        %parallel_loop3A_459 = arith.addi %parallel_loop3A_457, %parallel_loop3A_458 : i32
        %parallel_loop3A_460 = tpu.assume_multiple %parallel_loop3A_459, 16 : i32
        %parallel_loop3A_461 = arith.constant 1 : i32
        %parallel_loop3A_462 = arith.index_cast %parallel_loop3A_461 : i32 to index
        %parallel_loop3A_463 = arith.index_cast %parallel_loop3A_460 : i32 to index
        %parallel_loop3A_464 = tpu.vector_load %arg7[%parallel_loop3A_462, %parallel_loop3A_463] {strides = array<i32>} : memref<2x1664xi32, #tpu.memory_space<vmem>>, vector<16xi32>,
        %parallel_loop3A_465 = arith.constant 0 : i32
        %parallel_loop3A_466 = vector.broadcast %parallel_loop3A_465 : i32 to vector<16xi32>
        %parallel_loop3A_467 = arith.constant 4 : i32
        %parallel_loop3A_468 = vector.broadcast %parallel_loop3A_467 : i32 to vector<16xi32>
        %parallel_loop3A_469 = tpu.vector_load_idx %arg5[%parallel_loop3A_466, %parallel_loop3A_455] : memref<8x10000xf32, #tpu.memory_space<vmem>>[vector<16xi32>, vector<16xi32>], vector<16xf32>,
        %parallel_loop3A_470 = tpu.vector_load_idx %arg5[%parallel_loop3A_468, %parallel_loop3A_464] : memref<8x10000xf32, #tpu.memory_space<vmem>>[vector<16xi32>, vector<16xi32>], vector<16xf32>,
        %parallel_loop3A_471 = arith.constant 1 : i32
        %parallel_loop3A_472 = vector.broadcast %parallel_loop3A_471 : i32 to vector<16xi32>
        %parallel_loop3A_473 = arith.constant 5 : i32
        %parallel_loop3A_474 = vector.broadcast %parallel_loop3A_473 : i32 to vector<16xi32>
        %parallel_loop3A_475 = tpu.vector_load_idx %arg5[%parallel_loop3A_472, %parallel_loop3A_455] : memref<8x10000xf32, #tpu.memory_space<vmem>>[vector<16xi32>, vector<16xi32>], vector<16xf32>,
        %parallel_loop3A_476 = tpu.vector_load_idx %arg5[%parallel_loop3A_474, %parallel_loop3A_464] : memref<8x10000xf32, #tpu.memory_space<vmem>>[vector<16xi32>, vector<16xi32>], vector<16xf32>,
        %parallel_loop3A_477 = arith.constant 2 : i32
        %parallel_loop3A_478 = vector.broadcast %parallel_loop3A_477 : i32 to vector<16xi32>
        %parallel_loop3A_479 = arith.constant 6 : i32
        %parallel_loop3A_480 = vector.broadcast %parallel_loop3A_479 : i32 to vector<16xi32>
        %parallel_loop3A_481 = tpu.vector_load_idx %arg5[%parallel_loop3A_478, %parallel_loop3A_455] : memref<8x10000xf32, #tpu.memory_space<vmem>>[vector<16xi32>, vector<16xi32>], vector<16xf32>,
        %parallel_loop3A_482 = tpu.vector_load_idx %arg5[%parallel_loop3A_480, %parallel_loop3A_464] : memref<8x10000xf32, #tpu.memory_space<vmem>>[vector<16xi32>, vector<16xi32>], vector<16xf32>,
        %parallel_loop3A_483 = arith.constant 3 : i32
        %parallel_loop3A_484 = vector.broadcast %parallel_loop3A_483 : i32 to vector<16xi32>
        %parallel_loop3A_485 = arith.constant 7 : i32
        %parallel_loop3A_486 = vector.broadcast %parallel_loop3A_485 : i32 to vector<16xi32>
        %parallel_loop3A_487 = tpu.vector_load_idx %arg5[%parallel_loop3A_484, %parallel_loop3A_455] : memref<8x10000xf32, #tpu.memory_space<vmem>>[vector<16xi32>, vector<16xi32>], vector<16xf32>,
        %parallel_loop3A_488 = tpu.vector_load_idx %arg5[%parallel_loop3A_486, %parallel_loop3A_464] : memref<8x10000xf32, #tpu.memory_space<vmem>>[vector<16xi32>, vector<16xi32>], vector<16xf32>,
        %parallel_loop3A_489 = arith.constant 128 : i32
        %parallel_loop3A_490 = arith.muli %parallel_loop3A_442, %parallel_loop3A_489 : i32
        %parallel_loop3A_491 = arith.constant 16 : i32
        %parallel_loop3A_492 = arith.addi %parallel_loop3A_490, %parallel_loop3A_491 : i32
        %parallel_loop3A_493 = tpu.assume_multiple %parallel_loop3A_492, 16 : i32
        %parallel_loop3A_494 = arith.constant 1 : i32
        %parallel_loop3A_495 = arith.index_cast %parallel_loop3A_494 : i32 to index
        %parallel_loop3A_496 = arith.index_cast %parallel_loop3A_493 : i32 to index
        %parallel_loop3A_497 = tpu.vector_load %arg6[%parallel_loop3A_495, %parallel_loop3A_496] {strides = array<i32>} : memref<2x1664xi32, #tpu.memory_space<vmem>>, vector<16xi32>,
        %parallel_loop3A_498 = arith.constant 128 : i32
        %parallel_loop3A_499 = arith.muli %parallel_loop3A_442, %parallel_loop3A_498 : i32
        %parallel_loop3A_500 = arith.constant 16 : i32
        %parallel_loop3A_501 = arith.addi %parallel_loop3A_499, %parallel_loop3A_500 : i32
        %parallel_loop3A_502 = tpu.assume_multiple %parallel_loop3A_501, 16 : i32
        %parallel_loop3A_503 = arith.constant 1 : i32
        %parallel_loop3A_504 = arith.index_cast %parallel_loop3A_503 : i32 to index
        %parallel_loop3A_505 = arith.index_cast %parallel_loop3A_502 : i32 to index
        %parallel_loop3A_506 = tpu.vector_load %arg7[%parallel_loop3A_504, %parallel_loop3A_505] {strides = array<i32>} : memref<2x1664xi32, #tpu.memory_space<vmem>>, vector<16xi32>,
        %parallel_loop3A_507 = arith.constant 0 : i32
        %parallel_loop3A_508 = vector.broadcast %parallel_loop3A_507 : i32 to vector<16xi32>
        %parallel_loop3A_509 = arith.constant 4 : i32
        %parallel_loop3A_510 = vector.broadcast %parallel_loop3A_509 : i32 to vector<16xi32>
        %parallel_loop3A_511 = tpu.vector_load_idx %arg5[%parallel_loop3A_508, %parallel_loop3A_497] : memref<8x10000xf32, #tpu.memory_space<vmem>>[vector<16xi32>, vector<16xi32>], vector<16xf32>,
        %parallel_loop3A_512 = tpu.vector_load_idx %arg5[%parallel_loop3A_510, %parallel_loop3A_506] : memref<8x10000xf32, #tpu.memory_space<vmem>>[vector<16xi32>, vector<16xi32>], vector<16xf32>,
        %parallel_loop3A_513 = arith.constant 1 : i32
        %parallel_loop3A_514 = vector.broadcast %parallel_loop3A_513 : i32 to vector<16xi32>
        %parallel_loop3A_515 = arith.constant 5 : i32
        %parallel_loop3A_516 = vector.broadcast %parallel_loop3A_515 : i32 to vector<16xi32>
        %parallel_loop3A_517 = tpu.vector_load_idx %arg5[%parallel_loop3A_514, %parallel_loop3A_497] : memref<8x10000xf32, #tpu.memory_space<vmem>>[vector<16xi32>, vector<16xi32>], vector<16xf32>,
        %parallel_loop3A_518 = tpu.vector_load_idx %arg5[%parallel_loop3A_516, %parallel_loop3A_506] : memref<8x10000xf32, #tpu.memory_space<vmem>>[vector<16xi32>, vector<16xi32>], vector<16xf32>,
        %parallel_loop3A_519 = arith.constant 2 : i32
        %parallel_loop3A_520 = vector.broadcast %parallel_loop3A_519 : i32 to vector<16xi32>
        %parallel_loop3A_521 = arith.constant 6 : i32
        %parallel_loop3A_522 = vector.broadcast %parallel_loop3A_521 : i32 to vector<16xi32>
        %parallel_loop3A_523 = tpu.vector_load_idx %arg5[%parallel_loop3A_520, %parallel_loop3A_497] : memref<8x10000xf32, #tpu.memory_space<vmem>>[vector<16xi32>, vector<16xi32>], vector<16xf32>,
        %parallel_loop3A_524 = tpu.vector_load_idx %arg5[%parallel_loop3A_522, %parallel_loop3A_506] : memref<8x10000xf32, #tpu.memory_space<vmem>>[vector<16xi32>, vector<16xi32>], vector<16xf32>,
        %parallel_loop3A_525 = arith.constant 3 : i32
        %parallel_loop3A_526 = vector.broadcast %parallel_loop3A_525 : i32 to vector<16xi32>
        %parallel_loop3A_527 = arith.constant 7 : i32
        %parallel_loop3A_528 = vector.broadcast %parallel_loop3A_527 : i32 to vector<16xi32>
        %parallel_loop3A_529 = tpu.vector_load_idx %arg5[%parallel_loop3A_526, %parallel_loop3A_497] : memref<8x10000xf32, #tpu.memory_space<vmem>>[vector<16xi32>, vector<16xi32>], vector<16xf32>,
        %parallel_loop3A_530 = tpu.vector_load_idx %arg5[%parallel_loop3A_528, %parallel_loop3A_506] : memref<8x10000xf32, #tpu.memory_space<vmem>>[vector<16xi32>, vector<16xi32>], vector<16xf32>,
        %parallel_loop3A_531 = arith.constant 128 : i32
        %parallel_loop3A_532 = arith.muli %parallel_loop3A_442, %parallel_loop3A_531 : i32
        %parallel_loop3A_533 = arith.constant 32 : i32
        %parallel_loop3A_534 = arith.addi %parallel_loop3A_532, %parallel_loop3A_533 : i32
        %parallel_loop3A_535 = tpu.assume_multiple %parallel_loop3A_534, 16 : i32
        %parallel_loop3A_536 = arith.constant 1 : i32
        %parallel_loop3A_537 = arith.index_cast %parallel_loop3A_536 : i32 to index
        %parallel_loop3A_538 = arith.index_cast %parallel_loop3A_535 : i32 to index
        %parallel_loop3A_539 = tpu.vector_load %arg6[%parallel_loop3A_537, %parallel_loop3A_538] {strides = array<i32>} : memref<2x1664xi32, #tpu.memory_space<vmem>>, vector<16xi32>,
        %parallel_loop3A_540 = arith.constant 128 : i32
        %parallel_loop3A_541 = arith.muli %parallel_loop3A_442, %parallel_loop3A_540 : i32
        %parallel_loop3A_542 = arith.constant 32 : i32
        %parallel_loop3A_543 = arith.addi %parallel_loop3A_541, %parallel_loop3A_542 : i32
        %parallel_loop3A_544 = tpu.assume_multiple %parallel_loop3A_543, 16 : i32
        %parallel_loop3A_545 = arith.constant 1 : i32
        %parallel_loop3A_546 = arith.index_cast %parallel_loop3A_545 : i32 to index
        %parallel_loop3A_547 = arith.index_cast %parallel_loop3A_544 : i32 to index
        %parallel_loop3A_548 = tpu.vector_load %arg7[%parallel_loop3A_546, %parallel_loop3A_547] {strides = array<i32>} : memref<2x1664xi32, #tpu.memory_space<vmem>>, vector<16xi32>,
        %parallel_loop3A_549 = arith.constant 0 : i32
        %parallel_loop3A_550 = vector.broadcast %parallel_loop3A_549 : i32 to vector<16xi32>
        %parallel_loop3A_551 = arith.constant 4 : i32
        %parallel_loop3A_552 = vector.broadcast %parallel_loop3A_551 : i32 to vector<16xi32>
        %parallel_loop3A_553 = tpu.vector_load_idx %arg5[%parallel_loop3A_550, %parallel_loop3A_539] : memref<8x10000xf32, #tpu.memory_space<vmem>>[vector<16xi32>, vector<16xi32>], vector<16xf32>,
        %parallel_loop3A_554 = tpu.vector_load_idx %arg5[%parallel_loop3A_552, %parallel_loop3A_548] : memref<8x10000xf32, #tpu.memory_space<vmem>>[vector<16xi32>, vector<16xi32>], vector<16xf32>,
        %parallel_loop3A_555 = arith.constant 1 : i32
        %parallel_loop3A_556 = vector.broadcast %parallel_loop3A_555 : i32 to vector<16xi32>
        %parallel_loop3A_557 = arith.constant 5 : i32
        %parallel_loop3A_558 = vector.broadcast %parallel_loop3A_557 : i32 to vector<16xi32>
        %parallel_loop3A_559 = tpu.vector_load_idx %arg5[%parallel_loop3A_556, %parallel_loop3A_539] : memref<8x10000xf32, #tpu.memory_space<vmem>>[vector<16xi32>, vector<16xi32>], vector<16xf32>,
        %parallel_loop3A_560 = tpu.vector_load_idx %arg5[%parallel_loop3A_558, %parallel_loop3A_548] : memref<8x10000xf32, #tpu.memory_space<vmem>>[vector<16xi32>, vector<16xi32>], vector<16xf32>,
        %parallel_loop3A_561 = arith.constant 2 : i32
        %parallel_loop3A_562 = vector.broadcast %parallel_loop3A_561 : i32 to vector<16xi32>
        %parallel_loop3A_563 = arith.constant 6 : i32
        %parallel_loop3A_564 = vector.broadcast %parallel_loop3A_563 : i32 to vector<16xi32>
        %parallel_loop3A_565 = tpu.vector_load_idx %arg5[%parallel_loop3A_562, %parallel_loop3A_539] : memref<8x10000xf32, #tpu.memory_space<vmem>>[vector<16xi32>, vector<16xi32>], vector<16xf32>,
        %parallel_loop3A_566 = tpu.vector_load_idx %arg5[%parallel_loop3A_564, %parallel_loop3A_548] : memref<8x10000xf32, #tpu.memory_space<vmem>>[vector<16xi32>, vector<16xi32>], vector<16xf32>,
        %parallel_loop3A_567 = arith.constant 3 : i32
        %parallel_loop3A_568 = vector.broadcast %parallel_loop3A_567 : i32 to vector<16xi32>
        %parallel_loop3A_569 = arith.constant 7 : i32
        %parallel_loop3A_570 = vector.broadcast %parallel_loop3A_569 : i32 to vector<16xi32>
        %parallel_loop3A_571 = tpu.vector_load_idx %arg5[%parallel_loop3A_568, %parallel_loop3A_539] : memref<8x10000xf32, #tpu.memory_space<vmem>>[vector<16xi32>, vector<16xi32>], vector<16xf32>,
        %parallel_loop3A_572 = tpu.vector_load_idx %arg5[%parallel_loop3A_570, %parallel_loop3A_548] : memref<8x10000xf32, #tpu.memory_space<vmem>>[vector<16xi32>, vector<16xi32>], vector<16xf32>,
        %parallel_loop3A_573 = arith.constant 128 : i32
        %parallel_loop3A_574 = arith.muli %parallel_loop3A_442, %parallel_loop3A_573 : i32
        %parallel_loop3A_575 = arith.constant 48 : i32
        %parallel_loop3A_576 = arith.addi %parallel_loop3A_574, %parallel_loop3A_575 : i32
        %parallel_loop3A_577 = tpu.assume_multiple %parallel_loop3A_576, 16 : i32
        %parallel_loop3A_578 = arith.constant 1 : i32
        %parallel_loop3A_579 = arith.index_cast %parallel_loop3A_578 : i32 to index
        %parallel_loop3A_580 = arith.index_cast %parallel_loop3A_577 : i32 to index
        %parallel_loop3A_581 = tpu.vector_load %arg6[%parallel_loop3A_579, %parallel_loop3A_580] {strides = array<i32>} : memref<2x1664xi32, #tpu.memory_space<vmem>>, vector<16xi32>,
        %parallel_loop3A_582 = arith.constant 128 : i32
        %parallel_loop3A_583 = arith.muli %parallel_loop3A_442, %parallel_loop3A_582 : i32
        %parallel_loop3A_584 = arith.constant 48 : i32
        %parallel_loop3A_585 = arith.addi %parallel_loop3A_583, %parallel_loop3A_584 : i32
        %parallel_loop3A_586 = tpu.assume_multiple %parallel_loop3A_585, 16 : i32
        %parallel_loop3A_587 = arith.constant 1 : i32
        %parallel_loop3A_588 = arith.index_cast %parallel_loop3A_587 : i32 to index
        %parallel_loop3A_589 = arith.index_cast %parallel_loop3A_586 : i32 to index
        %parallel_loop3A_590 = tpu.vector_load %arg7[%parallel_loop3A_588, %parallel_loop3A_589] {strides = array<i32>} : memref<2x1664xi32, #tpu.memory_space<vmem>>, vector<16xi32>,
        %parallel_loop3A_591 = arith.constant 0 : i32
        %parallel_loop3A_592 = vector.broadcast %parallel_loop3A_591 : i32 to vector<16xi32>
        %parallel_loop3A_593 = arith.constant 4 : i32
        %parallel_loop3A_594 = vector.broadcast %parallel_loop3A_593 : i32 to vector<16xi32>
        %parallel_loop3A_595 = tpu.vector_load_idx %arg5[%parallel_loop3A_592, %parallel_loop3A_581] : memref<8x10000xf32, #tpu.memory_space<vmem>>[vector<16xi32>, vector<16xi32>], vector<16xf32>,
        %parallel_loop3A_596 = tpu.vector_load_idx %arg5[%parallel_loop3A_594, %parallel_loop3A_590] : memref<8x10000xf32, #tpu.memory_space<vmem>>[vector<16xi32>, vector<16xi32>], vector<16xf32>,
        %parallel_loop3A_597 = arith.constant 1 : i32
        %parallel_loop3A_598 = vector.broadcast %parallel_loop3A_597 : i32 to vector<16xi32>
        %parallel_loop3A_599 = arith.constant 5 : i32
        %parallel_loop3A_600 = vector.broadcast %parallel_loop3A_599 : i32 to vector<16xi32>
        %parallel_loop3A_601 = tpu.vector_load_idx %arg5[%parallel_loop3A_598, %parallel_loop3A_581] : memref<8x10000xf32, #tpu.memory_space<vmem>>[vector<16xi32>, vector<16xi32>], vector<16xf32>,
        %parallel_loop3A_602 = tpu.vector_load_idx %arg5[%parallel_loop3A_600, %parallel_loop3A_590] : memref<8x10000xf32, #tpu.memory_space<vmem>>[vector<16xi32>, vector<16xi32>], vector<16xf32>,
        %parallel_loop3A_603 = arith.constant 2 : i32
        %parallel_loop3A_604 = vector.broadcast %parallel_loop3A_603 : i32 to vector<16xi32>
        %parallel_loop3A_605 = arith.constant 6 : i32
        %parallel_loop3A_606 = vector.broadcast %parallel_loop3A_605 : i32 to vector<16xi32>
        %parallel_loop3A_607 = tpu.vector_load_idx %arg5[%parallel_loop3A_604, %parallel_loop3A_581] : memref<8x10000xf32, #tpu.memory_space<vmem>>[vector<16xi32>, vector<16xi32>], vector<16xf32>,
        %parallel_loop3A_608 = tpu.vector_load_idx %arg5[%parallel_loop3A_606, %parallel_loop3A_590] : memref<8x10000xf32, #tpu.memory_space<vmem>>[vector<16xi32>, vector<16xi32>], vector<16xf32>,
        %parallel_loop3A_609 = arith.constant 3 : i32
        %parallel_loop3A_610 = vector.broadcast %parallel_loop3A_609 : i32 to vector<16xi32>
        %parallel_loop3A_611 = arith.constant 7 : i32
        %parallel_loop3A_612 = vector.broadcast %parallel_loop3A_611 : i32 to vector<16xi32>
        %parallel_loop3A_613 = tpu.vector_load_idx %arg5[%parallel_loop3A_610, %parallel_loop3A_581] : memref<8x10000xf32, #tpu.memory_space<vmem>>[vector<16xi32>, vector<16xi32>], vector<16xf32>,
        %parallel_loop3A_614 = tpu.vector_load_idx %arg5[%parallel_loop3A_612, %parallel_loop3A_590] : memref<8x10000xf32, #tpu.memory_space<vmem>>[vector<16xi32>, vector<16xi32>], vector<16xf32>,
        %parallel_loop3A_615 = arith.constant 128 : i32
        %parallel_loop3A_616 = arith.muli %parallel_loop3A_442, %parallel_loop3A_615 : i32
        %parallel_loop3A_617 = arith.constant 64 : i32
        %parallel_loop3A_618 = arith.addi %parallel_loop3A_616, %parallel_loop3A_617 : i32
        %parallel_loop3A_619 = tpu.assume_multiple %parallel_loop3A_618, 16 : i32
        %parallel_loop3A_620 = arith.constant 1 : i32
        %parallel_loop3A_621 = arith.index_cast %parallel_loop3A_620 : i32 to index
        %parallel_loop3A_622 = arith.index_cast %parallel_loop3A_619 : i32 to index
        %parallel_loop3A_623 = tpu.vector_load %arg6[%parallel_loop3A_621, %parallel_loop3A_622] {strides = array<i32>} : memref<2x1664xi32, #tpu.memory_space<vmem>>, vector<16xi32>,
        %parallel_loop3A_624 = arith.constant 128 : i32
        %parallel_loop3A_625 = arith.muli %parallel_loop3A_442, %parallel_loop3A_624 : i32
        %parallel_loop3A_626 = arith.constant 64 : i32
        %parallel_loop3A_627 = arith.addi %parallel_loop3A_625, %parallel_loop3A_626 : i32
        %parallel_loop3A_628 = tpu.assume_multiple %parallel_loop3A_627, 16 : i32
        %parallel_loop3A_629 = arith.constant 1 : i32
        %parallel_loop3A_630 = arith.index_cast %parallel_loop3A_629 : i32 to index
        %parallel_loop3A_631 = arith.index_cast %parallel_loop3A_628 : i32 to index
        %parallel_loop3A_632 = tpu.vector_load %arg7[%parallel_loop3A_630, %parallel_loop3A_631] {strides = array<i32>} : memref<2x1664xi32, #tpu.memory_space<vmem>>, vector<16xi32>,
        %parallel_loop3A_633 = arith.constant 0 : i32
        %parallel_loop3A_634 = vector.broadcast %parallel_loop3A_633 : i32 to vector<16xi32>
        %parallel_loop3A_635 = arith.constant 4 : i32
        %parallel_loop3A_636 = vector.broadcast %parallel_loop3A_635 : i32 to vector<16xi32>
        %parallel_loop3A_637 = tpu.vector_load_idx %arg5[%parallel_loop3A_634, %parallel_loop3A_623] : memref<8x10000xf32, #tpu.memory_space<vmem>>[vector<16xi32>, vector<16xi32>], vector<16xf32>,
        %parallel_loop3A_638 = tpu.vector_load_idx %arg5[%parallel_loop3A_636, %parallel_loop3A_632] : memref<8x10000xf32, #tpu.memory_space<vmem>>[vector<16xi32>, vector<16xi32>], vector<16xf32>,
        %parallel_loop3A_639 = arith.constant 1 : i32
        %parallel_loop3A_640 = vector.broadcast %parallel_loop3A_639 : i32 to vector<16xi32>
        %parallel_loop3A_641 = arith.constant 5 : i32
        %parallel_loop3A_642 = vector.broadcast %parallel_loop3A_641 : i32 to vector<16xi32>
        %parallel_loop3A_643 = tpu.vector_load_idx %arg5[%parallel_loop3A_640, %parallel_loop3A_623] : memref<8x10000xf32, #tpu.memory_space<vmem>>[vector<16xi32>, vector<16xi32>], vector<16xf32>,
        %parallel_loop3A_644 = tpu.vector_load_idx %arg5[%parallel_loop3A_642, %parallel_loop3A_632] : memref<8x10000xf32, #tpu.memory_space<vmem>>[vector<16xi32>, vector<16xi32>], vector<16xf32>,
        %parallel_loop3A_645 = arith.constant 2 : i32
        %parallel_loop3A_646 = vector.broadcast %parallel_loop3A_645 : i32 to vector<16xi32>
        %parallel_loop3A_647 = arith.constant 6 : i32
        %parallel_loop3A_648 = vector.broadcast %parallel_loop3A_647 : i32 to vector<16xi32>
        %parallel_loop3A_649 = tpu.vector_load_idx %arg5[%parallel_loop3A_646, %parallel_loop3A_623] : memref<8x10000xf32, #tpu.memory_space<vmem>>[vector<16xi32>, vector<16xi32>], vector<16xf32>,
        %parallel_loop3A_650 = tpu.vector_load_idx %arg5[%parallel_loop3A_648, %parallel_loop3A_632] : memref<8x10000xf32, #tpu.memory_space<vmem>>[vector<16xi32>, vector<16xi32>], vector<16xf32>,
        %parallel_loop3A_651 = arith.constant 3 : i32
        %parallel_loop3A_652 = vector.broadcast %parallel_loop3A_651 : i32 to vector<16xi32>
        %parallel_loop3A_653 = arith.constant 7 : i32
        %parallel_loop3A_654 = vector.broadcast %parallel_loop3A_653 : i32 to vector<16xi32>
        %parallel_loop3A_655 = tpu.vector_load_idx %arg5[%parallel_loop3A_652, %parallel_loop3A_623] : memref<8x10000xf32, #tpu.memory_space<vmem>>[vector<16xi32>, vector<16xi32>], vector<16xf32>,
        %parallel_loop3A_656 = tpu.vector_load_idx %arg5[%parallel_loop3A_654, %parallel_loop3A_632] : memref<8x10000xf32, #tpu.memory_space<vmem>>[vector<16xi32>, vector<16xi32>], vector<16xf32>,
        %parallel_loop3A_657 = arith.constant 128 : i32
        %parallel_loop3A_658 = arith.muli %parallel_loop3A_442, %parallel_loop3A_657 : i32
        %parallel_loop3A_659 = arith.constant 80 : i32
        %parallel_loop3A_660 = arith.addi %parallel_loop3A_658, %parallel_loop3A_659 : i32
        %parallel_loop3A_661 = tpu.assume_multiple %parallel_loop3A_660, 16 : i32
        %parallel_loop3A_662 = arith.constant 1 : i32
        %parallel_loop3A_663 = arith.index_cast %parallel_loop3A_662 : i32 to index
        %parallel_loop3A_664 = arith.index_cast %parallel_loop3A_661 : i32 to index
        %parallel_loop3A_665 = tpu.vector_load %arg6[%parallel_loop3A_663, %parallel_loop3A_664] {strides = array<i32>} : memref<2x1664xi32, #tpu.memory_space<vmem>>, vector<16xi32>,
        %parallel_loop3A_666 = arith.constant 128 : i32
        %parallel_loop3A_667 = arith.muli %parallel_loop3A_442, %parallel_loop3A_666 : i32
        %parallel_loop3A_668 = arith.constant 80 : i32
        %parallel_loop3A_669 = arith.addi %parallel_loop3A_667, %parallel_loop3A_668 : i32
        %parallel_loop3A_670 = tpu.assume_multiple %parallel_loop3A_669, 16 : i32
        %parallel_loop3A_671 = arith.constant 1 : i32
        %parallel_loop3A_672 = arith.index_cast %parallel_loop3A_671 : i32 to index
        %parallel_loop3A_673 = arith.index_cast %parallel_loop3A_670 : i32 to index
        %parallel_loop3A_674 = tpu.vector_load %arg7[%parallel_loop3A_672, %parallel_loop3A_673] {strides = array<i32>} : memref<2x1664xi32, #tpu.memory_space<vmem>>, vector<16xi32>,
        %parallel_loop3A_675 = arith.constant 0 : i32
        %parallel_loop3A_676 = vector.broadcast %parallel_loop3A_675 : i32 to vector<16xi32>
        %parallel_loop3A_677 = arith.constant 4 : i32
        %parallel_loop3A_678 = vector.broadcast %parallel_loop3A_677 : i32 to vector<16xi32>
        %parallel_loop3A_679 = tpu.vector_load_idx %arg5[%parallel_loop3A_676, %parallel_loop3A_665] : memref<8x10000xf32, #tpu.memory_space<vmem>>[vector<16xi32>, vector<16xi32>], vector<16xf32>,
        %parallel_loop3A_680 = tpu.vector_load_idx %arg5[%parallel_loop3A_678, %parallel_loop3A_674] : memref<8x10000xf32, #tpu.memory_space<vmem>>[vector<16xi32>, vector<16xi32>], vector<16xf32>,
        %parallel_loop3A_681 = arith.constant 1 : i32
        %parallel_loop3A_682 = vector.broadcast %parallel_loop3A_681 : i32 to vector<16xi32>
        %parallel_loop3A_683 = arith.constant 5 : i32
        %parallel_loop3A_684 = vector.broadcast %parallel_loop3A_683 : i32 to vector<16xi32>
        %parallel_loop3A_685 = tpu.vector_load_idx %arg5[%parallel_loop3A_682, %parallel_loop3A_665] : memref<8x10000xf32, #tpu.memory_space<vmem>>[vector<16xi32>, vector<16xi32>], vector<16xf32>,
        %parallel_loop3A_686 = tpu.vector_load_idx %arg5[%parallel_loop3A_684, %parallel_loop3A_674] : memref<8x10000xf32, #tpu.memory_space<vmem>>[vector<16xi32>, vector<16xi32>], vector<16xf32>,
        %parallel_loop3A_687 = arith.constant 2 : i32
        %parallel_loop3A_688 = vector.broadcast %parallel_loop3A_687 : i32 to vector<16xi32>
        %parallel_loop3A_689 = arith.constant 6 : i32
        %parallel_loop3A_690 = vector.broadcast %parallel_loop3A_689 : i32 to vector<16xi32>
        %parallel_loop3A_691 = tpu.vector_load_idx %arg5[%parallel_loop3A_688, %parallel_loop3A_665] : memref<8x10000xf32, #tpu.memory_space<vmem>>[vector<16xi32>, vector<16xi32>], vector<16xf32>,
        %parallel_loop3A_692 = tpu.vector_load_idx %arg5[%parallel_loop3A_690, %parallel_loop3A_674] : memref<8x10000xf32, #tpu.memory_space<vmem>>[vector<16xi32>, vector<16xi32>], vector<16xf32>,
        %parallel_loop3A_693 = arith.constant 3 : i32
        %parallel_loop3A_694 = vector.broadcast %parallel_loop3A_693 : i32 to vector<16xi32>
        %parallel_loop3A_695 = arith.constant 7 : i32
        %parallel_loop3A_696 = vector.broadcast %parallel_loop3A_695 : i32 to vector<16xi32>
        %parallel_loop3A_697 = tpu.vector_load_idx %arg5[%parallel_loop3A_694, %parallel_loop3A_665] : memref<8x10000xf32, #tpu.memory_space<vmem>>[vector<16xi32>, vector<16xi32>], vector<16xf32>,
        %parallel_loop3A_698 = tpu.vector_load_idx %arg5[%parallel_loop3A_696, %parallel_loop3A_674] : memref<8x10000xf32, #tpu.memory_space<vmem>>[vector<16xi32>, vector<16xi32>], vector<16xf32>,
        %parallel_loop3A_699 = arith.constant 128 : i32
        %parallel_loop3A_700 = arith.muli %parallel_loop3A_442, %parallel_loop3A_699 : i32
        %parallel_loop3A_701 = arith.constant 96 : i32
        %parallel_loop3A_702 = arith.addi %parallel_loop3A_700, %parallel_loop3A_701 : i32
        %parallel_loop3A_703 = tpu.assume_multiple %parallel_loop3A_702, 16 : i32
        %parallel_loop3A_704 = arith.constant 1 : i32
        %parallel_loop3A_705 = arith.index_cast %parallel_loop3A_704 : i32 to index
        %parallel_loop3A_706 = arith.index_cast %parallel_loop3A_703 : i32 to index
        %parallel_loop3A_707 = tpu.vector_load %arg6[%parallel_loop3A_705, %parallel_loop3A_706] {strides = array<i32>} : memref<2x1664xi32, #tpu.memory_space<vmem>>, vector<16xi32>,
        %parallel_loop3A_708 = arith.constant 128 : i32
        %parallel_loop3A_709 = arith.muli %parallel_loop3A_442, %parallel_loop3A_708 : i32
        %parallel_loop3A_710 = arith.constant 96 : i32
        %parallel_loop3A_711 = arith.addi %parallel_loop3A_709, %parallel_loop3A_710 : i32
        %parallel_loop3A_712 = tpu.assume_multiple %parallel_loop3A_711, 16 : i32
        %parallel_loop3A_713 = arith.constant 1 : i32
        %parallel_loop3A_714 = arith.index_cast %parallel_loop3A_713 : i32 to index
        %parallel_loop3A_715 = arith.index_cast %parallel_loop3A_712 : i32 to index
        %parallel_loop3A_716 = tpu.vector_load %arg7[%parallel_loop3A_714, %parallel_loop3A_715] {strides = array<i32>} : memref<2x1664xi32, #tpu.memory_space<vmem>>, vector<16xi32>,
        %parallel_loop3A_717 = arith.constant 0 : i32
        %parallel_loop3A_718 = vector.broadcast %parallel_loop3A_717 : i32 to vector<16xi32>
        %parallel_loop3A_719 = arith.constant 4 : i32
        %parallel_loop3A_720 = vector.broadcast %parallel_loop3A_719 : i32 to vector<16xi32>
        %parallel_loop3A_721 = tpu.vector_load_idx %arg5[%parallel_loop3A_718, %parallel_loop3A_707] : memref<8x10000xf32, #tpu.memory_space<vmem>>[vector<16xi32>, vector<16xi32>], vector<16xf32>,
        %parallel_loop3A_722 = tpu.vector_load_idx %arg5[%parallel_loop3A_720, %parallel_loop3A_716] : memref<8x10000xf32, #tpu.memory_space<vmem>>[vector<16xi32>, vector<16xi32>], vector<16xf32>,
        %parallel_loop3A_723 = arith.constant 1 : i32
        %parallel_loop3A_724 = vector.broadcast %parallel_loop3A_723 : i32 to vector<16xi32>
        %parallel_loop3A_725 = arith.constant 5 : i32
        %parallel_loop3A_726 = vector.broadcast %parallel_loop3A_725 : i32 to vector<16xi32>
        %parallel_loop3A_727 = tpu.vector_load_idx %arg5[%parallel_loop3A_724, %parallel_loop3A_707] : memref<8x10000xf32, #tpu.memory_space<vmem>>[vector<16xi32>, vector<16xi32>], vector<16xf32>,
        %parallel_loop3A_728 = tpu.vector_load_idx %arg5[%parallel_loop3A_726, %parallel_loop3A_716] : memref<8x10000xf32, #tpu.memory_space<vmem>>[vector<16xi32>, vector<16xi32>], vector<16xf32>,
        %parallel_loop3A_729 = arith.constant 2 : i32
        %parallel_loop3A_730 = vector.broadcast %parallel_loop3A_729 : i32 to vector<16xi32>
        %parallel_loop3A_731 = arith.constant 6 : i32
        %parallel_loop3A_732 = vector.broadcast %parallel_loop3A_731 : i32 to vector<16xi32>
        %parallel_loop3A_733 = tpu.vector_load_idx %arg5[%parallel_loop3A_730, %parallel_loop3A_707] : memref<8x10000xf32, #tpu.memory_space<vmem>>[vector<16xi32>, vector<16xi32>], vector<16xf32>,
        %parallel_loop3A_734 = tpu.vector_load_idx %arg5[%parallel_loop3A_732, %parallel_loop3A_716] : memref<8x10000xf32, #tpu.memory_space<vmem>>[vector<16xi32>, vector<16xi32>], vector<16xf32>,
        %parallel_loop3A_735 = arith.constant 3 : i32
        %parallel_loop3A_736 = vector.broadcast %parallel_loop3A_735 : i32 to vector<16xi32>
        %parallel_loop3A_737 = arith.constant 7 : i32
        %parallel_loop3A_738 = vector.broadcast %parallel_loop3A_737 : i32 to vector<16xi32>
        %parallel_loop3A_739 = tpu.vector_load_idx %arg5[%parallel_loop3A_736, %parallel_loop3A_707] : memref<8x10000xf32, #tpu.memory_space<vmem>>[vector<16xi32>, vector<16xi32>], vector<16xf32>,
        %parallel_loop3A_740 = tpu.vector_load_idx %arg5[%parallel_loop3A_738, %parallel_loop3A_716] : memref<8x10000xf32, #tpu.memory_space<vmem>>[vector<16xi32>, vector<16xi32>], vector<16xf32>,
        %parallel_loop3A_741 = arith.constant 128 : i32
        %parallel_loop3A_742 = arith.muli %parallel_loop3A_442, %parallel_loop3A_741 : i32
        %parallel_loop3A_743 = arith.constant 112 : i32
        %parallel_loop3A_744 = arith.addi %parallel_loop3A_742, %parallel_loop3A_743 : i32
        %parallel_loop3A_745 = tpu.assume_multiple %parallel_loop3A_744, 16 : i32
        %parallel_loop3A_746 = arith.constant 1 : i32
        %parallel_loop3A_747 = arith.index_cast %parallel_loop3A_746 : i32 to index
        %parallel_loop3A_748 = arith.index_cast %parallel_loop3A_745 : i32 to index
        %parallel_loop3A_749 = tpu.vector_load %arg6[%parallel_loop3A_747, %parallel_loop3A_748] {strides = array<i32>} : memref<2x1664xi32, #tpu.memory_space<vmem>>, vector<16xi32>,
        %parallel_loop3A_750 = arith.constant 128 : i32
        %parallel_loop3A_751 = arith.muli %parallel_loop3A_442, %parallel_loop3A_750 : i32
        %parallel_loop3A_752 = arith.constant 112 : i32
        %parallel_loop3A_753 = arith.addi %parallel_loop3A_751, %parallel_loop3A_752 : i32
        %parallel_loop3A_754 = tpu.assume_multiple %parallel_loop3A_753, 16 : i32
        %parallel_loop3A_755 = arith.constant 1 : i32
        %parallel_loop3A_756 = arith.index_cast %parallel_loop3A_755 : i32 to index
        %parallel_loop3A_757 = arith.index_cast %parallel_loop3A_754 : i32 to index
        %parallel_loop3A_758 = tpu.vector_load %arg7[%parallel_loop3A_756, %parallel_loop3A_757] {strides = array<i32>} : memref<2x1664xi32, #tpu.memory_space<vmem>>, vector<16xi32>,
        %parallel_loop3A_759 = arith.constant 0 : i32
        %parallel_loop3A_760 = vector.broadcast %parallel_loop3A_759 : i32 to vector<16xi32>
        %parallel_loop3A_761 = arith.constant 4 : i32
        %parallel_loop3A_762 = vector.broadcast %parallel_loop3A_761 : i32 to vector<16xi32>
        %parallel_loop3A_763 = tpu.vector_load_idx %arg5[%parallel_loop3A_760, %parallel_loop3A_749] : memref<8x10000xf32, #tpu.memory_space<vmem>>[vector<16xi32>, vector<16xi32>], vector<16xf32>,
        %parallel_loop3A_764 = tpu.vector_load_idx %arg5[%parallel_loop3A_762, %parallel_loop3A_758] : memref<8x10000xf32, #tpu.memory_space<vmem>>[vector<16xi32>, vector<16xi32>], vector<16xf32>,
        %parallel_loop3A_765 = arith.constant 1 : i32
        %parallel_loop3A_766 = vector.broadcast %parallel_loop3A_765 : i32 to vector<16xi32>
        %parallel_loop3A_767 = arith.constant 5 : i32
        %parallel_loop3A_768 = vector.broadcast %parallel_loop3A_767 : i32 to vector<16xi32>
        %parallel_loop3A_769 = tpu.vector_load_idx %arg5[%parallel_loop3A_766, %parallel_loop3A_749] : memref<8x10000xf32, #tpu.memory_space<vmem>>[vector<16xi32>, vector<16xi32>], vector<16xf32>,
        %parallel_loop3A_770 = tpu.vector_load_idx %arg5[%parallel_loop3A_768, %parallel_loop3A_758] : memref<8x10000xf32, #tpu.memory_space<vmem>>[vector<16xi32>, vector<16xi32>], vector<16xf32>,
        %parallel_loop3A_771 = arith.constant 2 : i32
        %parallel_loop3A_772 = vector.broadcast %parallel_loop3A_771 : i32 to vector<16xi32>
        %parallel_loop3A_773 = arith.constant 6 : i32
        %parallel_loop3A_774 = vector.broadcast %parallel_loop3A_773 : i32 to vector<16xi32>
        %parallel_loop3A_775 = tpu.vector_load_idx %arg5[%parallel_loop3A_772, %parallel_loop3A_749] : memref<8x10000xf32, #tpu.memory_space<vmem>>[vector<16xi32>, vector<16xi32>], vector<16xf32>,
        %parallel_loop3A_776 = tpu.vector_load_idx %arg5[%parallel_loop3A_774, %parallel_loop3A_758] : memref<8x10000xf32, #tpu.memory_space<vmem>>[vector<16xi32>, vector<16xi32>], vector<16xf32>,
        %parallel_loop3A_777 = arith.constant 3 : i32
        %parallel_loop3A_778 = vector.broadcast %parallel_loop3A_777 : i32 to vector<16xi32>
        %parallel_loop3A_779 = arith.constant 7 : i32
        %parallel_loop3A_780 = vector.broadcast %parallel_loop3A_779 : i32 to vector<16xi32>
        %parallel_loop3A_781 = tpu.vector_load_idx %arg5[%parallel_loop3A_778, %parallel_loop3A_749] : memref<8x10000xf32, #tpu.memory_space<vmem>>[vector<16xi32>, vector<16xi32>], vector<16xf32>,
        %parallel_loop3A_782 = tpu.vector_load_idx %arg5[%parallel_loop3A_780, %parallel_loop3A_758] : memref<8x10000xf32, #tpu.memory_space<vmem>>[vector<16xi32>, vector<16xi32>], vector<16xf32>,
        %parallel_loop3A_783 = arith.addf %parallel_loop3A_469, %parallel_loop3A_470 : vector<16xf32>
        %parallel_loop3A_784 = arith.constant 2.000000e-01 : f32
        %parallel_loop3A_785 = vector.broadcast %parallel_loop3A_784 : f32 to vector<16xf32>
        %parallel_loop3A_786 = arith.mulf %parallel_loop3A_785, %parallel_loop3A_783 : vector<16xf32>
        %parallel_loop3A_787 = arith.maximumf %parallel_loop3A_783, %parallel_loop3A_786 : vector<16xf32>
        %parallel_loop3A_788 = arith.constant 0 : i32
        %parallel_loop3A_789 = arith.addi %parallel_loop3A_446, %parallel_loop3A_788 : i32
        %parallel_loop3A_790 = arith.constant 0 : i32
        %parallel_loop3A_791 = arith.addi %parallel_loop3A_789, %parallel_loop3A_790 : i32
        %parallel_loop3A_792 = tpu.assume_multiple %parallel_loop3A_791, 16 : i32
        %parallel_loop3A_793 = arith.constant 1 : i32
        %parallel_loop3A_794 = arith.index_cast %parallel_loop3A_793 : i32 to index
        %parallel_loop3A_795 = arith.index_cast %parallel_loop3A_792 : i32 to index
        %parallel_loop3A_796 = tpu.vector_load %arg8[%parallel_loop3A_794, %parallel_loop3A_795] {strides = array<i32>} : memref<2x6656xf32, #tpu.memory_space<vmem>>, vector<16xf32>,
        tpu.vector_store %arg8[%parallel_loop3A_794, %parallel_loop3A_795], %parallel_loop3A_787 {strides = array<i32>} : memref<2x6656xf32, #tpu.memory_space<vmem>>, vector<16xf32>,
        %parallel_loop3A_797 = arith.addf %parallel_loop3A_475, %parallel_loop3A_476 : vector<16xf32>
        %parallel_loop3A_798 = arith.constant 2.000000e-01 : f32
        %parallel_loop3A_799 = vector.broadcast %parallel_loop3A_798 : f32 to vector<16xf32>
        %parallel_loop3A_800 = arith.mulf %parallel_loop3A_799, %parallel_loop3A_797 : vector<16xf32>
        %parallel_loop3A_801 = arith.maximumf %parallel_loop3A_797, %parallel_loop3A_800 : vector<16xf32>
        %parallel_loop3A_802 = arith.constant 128 : i32
        %parallel_loop3A_803 = arith.addi %parallel_loop3A_446, %parallel_loop3A_802 : i32
        %parallel_loop3A_804 = arith.constant 0 : i32
        %parallel_loop3A_805 = arith.addi %parallel_loop3A_803, %parallel_loop3A_804 : i32
        %parallel_loop3A_806 = tpu.assume_multiple %parallel_loop3A_805, 16 : i32
        %parallel_loop3A_807 = arith.constant 1 : i32
        %parallel_loop3A_808 = arith.index_cast %parallel_loop3A_807 : i32 to index
        %parallel_loop3A_809 = arith.index_cast %parallel_loop3A_806 : i32 to index
        %parallel_loop3A_810 = tpu.vector_load %arg8[%parallel_loop3A_808, %parallel_loop3A_809] {strides = array<i32>} : memref<2x6656xf32, #tpu.memory_space<vmem>>, vector<16xf32>,
        tpu.vector_store %arg8[%parallel_loop3A_808, %parallel_loop3A_809], %parallel_loop3A_801 {strides = array<i32>} : memref<2x6656xf32, #tpu.memory_space<vmem>>, vector<16xf32>,
        %parallel_loop3A_811 = arith.addf %parallel_loop3A_481, %parallel_loop3A_482 : vector<16xf32>
        %parallel_loop3A_812 = arith.constant 2.000000e-01 : f32
        %parallel_loop3A_813 = vector.broadcast %parallel_loop3A_812 : f32 to vector<16xf32>
        %parallel_loop3A_814 = arith.mulf %parallel_loop3A_813, %parallel_loop3A_811 : vector<16xf32>
        %parallel_loop3A_815 = arith.maximumf %parallel_loop3A_811, %parallel_loop3A_814 : vector<16xf32>
        %parallel_loop3A_816 = arith.constant 256 : i32
        %parallel_loop3A_817 = arith.addi %parallel_loop3A_446, %parallel_loop3A_816 : i32
        %parallel_loop3A_818 = arith.constant 0 : i32
        %parallel_loop3A_819 = arith.addi %parallel_loop3A_817, %parallel_loop3A_818 : i32
        %parallel_loop3A_820 = tpu.assume_multiple %parallel_loop3A_819, 16 : i32
        %parallel_loop3A_821 = arith.constant 1 : i32
        %parallel_loop3A_822 = arith.index_cast %parallel_loop3A_821 : i32 to index
        %parallel_loop3A_823 = arith.index_cast %parallel_loop3A_820 : i32 to index
        %parallel_loop3A_824 = tpu.vector_load %arg8[%parallel_loop3A_822, %parallel_loop3A_823] {strides = array<i32>} : memref<2x6656xf32, #tpu.memory_space<vmem>>, vector<16xf32>,
        tpu.vector_store %arg8[%parallel_loop3A_822, %parallel_loop3A_823], %parallel_loop3A_815 {strides = array<i32>} : memref<2x6656xf32, #tpu.memory_space<vmem>>, vector<16xf32>,
        %parallel_loop3A_825 = arith.addf %parallel_loop3A_487, %parallel_loop3A_488 : vector<16xf32>
        %parallel_loop3A_826 = arith.constant 2.000000e-01 : f32
        %parallel_loop3A_827 = vector.broadcast %parallel_loop3A_826 : f32 to vector<16xf32>
        %parallel_loop3A_828 = arith.mulf %parallel_loop3A_827, %parallel_loop3A_825 : vector<16xf32>
        %parallel_loop3A_829 = arith.maximumf %parallel_loop3A_825, %parallel_loop3A_828 : vector<16xf32>
        %parallel_loop3A_830 = arith.constant 384 : i32
        %parallel_loop3A_831 = arith.addi %parallel_loop3A_446, %parallel_loop3A_830 : i32
        %parallel_loop3A_832 = arith.constant 0 : i32
        %parallel_loop3A_833 = arith.addi %parallel_loop3A_831, %parallel_loop3A_832 : i32
        %parallel_loop3A_834 = tpu.assume_multiple %parallel_loop3A_833, 16 : i32
        %parallel_loop3A_835 = arith.constant 1 : i32
        %parallel_loop3A_836 = arith.index_cast %parallel_loop3A_835 : i32 to index
        %parallel_loop3A_837 = arith.index_cast %parallel_loop3A_834 : i32 to index
        %parallel_loop3A_838 = tpu.vector_load %arg8[%parallel_loop3A_836, %parallel_loop3A_837] {strides = array<i32>} : memref<2x6656xf32, #tpu.memory_space<vmem>>, vector<16xf32>,
        tpu.vector_store %arg8[%parallel_loop3A_836, %parallel_loop3A_837], %parallel_loop3A_829 {strides = array<i32>} : memref<2x6656xf32, #tpu.memory_space<vmem>>, vector<16xf32>,
        %parallel_loop3A_839 = arith.addf %parallel_loop3A_511, %parallel_loop3A_512 : vector<16xf32>
        %parallel_loop3A_840 = arith.constant 2.000000e-01 : f32
        %parallel_loop3A_841 = vector.broadcast %parallel_loop3A_840 : f32 to vector<16xf32>
        %parallel_loop3A_842 = arith.mulf %parallel_loop3A_841, %parallel_loop3A_839 : vector<16xf32>
        %parallel_loop3A_843 = arith.maximumf %parallel_loop3A_839, %parallel_loop3A_842 : vector<16xf32>
        %parallel_loop3A_844 = arith.constant 0 : i32
        %parallel_loop3A_845 = arith.addi %parallel_loop3A_446, %parallel_loop3A_844 : i32
        %parallel_loop3A_846 = arith.constant 16 : i32
        %parallel_loop3A_847 = arith.addi %parallel_loop3A_845, %parallel_loop3A_846 : i32
        %parallel_loop3A_848 = tpu.assume_multiple %parallel_loop3A_847, 16 : i32
        %parallel_loop3A_849 = arith.constant 1 : i32
        %parallel_loop3A_850 = arith.index_cast %parallel_loop3A_849 : i32 to index
        %parallel_loop3A_851 = arith.index_cast %parallel_loop3A_848 : i32 to index
        %parallel_loop3A_852 = tpu.vector_load %arg8[%parallel_loop3A_850, %parallel_loop3A_851] {strides = array<i32>} : memref<2x6656xf32, #tpu.memory_space<vmem>>, vector<16xf32>,
        tpu.vector_store %arg8[%parallel_loop3A_850, %parallel_loop3A_851], %parallel_loop3A_843 {strides = array<i32>} : memref<2x6656xf32, #tpu.memory_space<vmem>>, vector<16xf32>,
        %parallel_loop3A_853 = arith.addf %parallel_loop3A_517, %parallel_loop3A_518 : vector<16xf32>
        %parallel_loop3A_854 = arith.constant 2.000000e-01 : f32
        %parallel_loop3A_855 = vector.broadcast %parallel_loop3A_854 : f32 to vector<16xf32>
        %parallel_loop3A_856 = arith.mulf %parallel_loop3A_855, %parallel_loop3A_853 : vector<16xf32>
        %parallel_loop3A_857 = arith.maximumf %parallel_loop3A_853, %parallel_loop3A_856 : vector<16xf32>
        %parallel_loop3A_858 = arith.constant 128 : i32
        %parallel_loop3A_859 = arith.addi %parallel_loop3A_446, %parallel_loop3A_858 : i32
        %parallel_loop3A_860 = arith.constant 16 : i32
        %parallel_loop3A_861 = arith.addi %parallel_loop3A_859, %parallel_loop3A_860 : i32
        %parallel_loop3A_862 = tpu.assume_multiple %parallel_loop3A_861, 16 : i32
        %parallel_loop3A_863 = arith.constant 1 : i32
        %parallel_loop3A_864 = arith.index_cast %parallel_loop3A_863 : i32 to index
        %parallel_loop3A_865 = arith.index_cast %parallel_loop3A_862 : i32 to index
        %parallel_loop3A_866 = tpu.vector_load %arg8[%parallel_loop3A_864, %parallel_loop3A_865] {strides = array<i32>} : memref<2x6656xf32, #tpu.memory_space<vmem>>, vector<16xf32>,
        tpu.vector_store %arg8[%parallel_loop3A_864, %parallel_loop3A_865], %parallel_loop3A_857 {strides = array<i32>} : memref<2x6656xf32, #tpu.memory_space<vmem>>, vector<16xf32>,
        %parallel_loop3A_867 = arith.addf %parallel_loop3A_523, %parallel_loop3A_524 : vector<16xf32>
        %parallel_loop3A_868 = arith.constant 2.000000e-01 : f32
        %parallel_loop3A_869 = vector.broadcast %parallel_loop3A_868 : f32 to vector<16xf32>
        %parallel_loop3A_870 = arith.mulf %parallel_loop3A_869, %parallel_loop3A_867 : vector<16xf32>
        %parallel_loop3A_871 = arith.maximumf %parallel_loop3A_867, %parallel_loop3A_870 : vector<16xf32>
        %parallel_loop3A_872 = arith.constant 256 : i32
        %parallel_loop3A_873 = arith.addi %parallel_loop3A_446, %parallel_loop3A_872 : i32
        %parallel_loop3A_874 = arith.constant 16 : i32
        %parallel_loop3A_875 = arith.addi %parallel_loop3A_873, %parallel_loop3A_874 : i32
        %parallel_loop3A_876 = tpu.assume_multiple %parallel_loop3A_875, 16 : i32
        %parallel_loop3A_877 = arith.constant 1 : i32
        %parallel_loop3A_878 = arith.index_cast %parallel_loop3A_877 : i32 to index
        %parallel_loop3A_879 = arith.index_cast %parallel_loop3A_876 : i32 to index
        %parallel_loop3A_880 = tpu.vector_load %arg8[%parallel_loop3A_878, %parallel_loop3A_879] {strides = array<i32>} : memref<2x6656xf32, #tpu.memory_space<vmem>>, vector<16xf32>,
        tpu.vector_store %arg8[%parallel_loop3A_878, %parallel_loop3A_879], %parallel_loop3A_871 {strides = array<i32>} : memref<2x6656xf32, #tpu.memory_space<vmem>>, vector<16xf32>,
        %parallel_loop3A_881 = arith.addf %parallel_loop3A_529, %parallel_loop3A_530 : vector<16xf32>
        %parallel_loop3A_882 = arith.constant 2.000000e-01 : f32
        %parallel_loop3A_883 = vector.broadcast %parallel_loop3A_882 : f32 to vector<16xf32>
        %parallel_loop3A_884 = arith.mulf %parallel_loop3A_883, %parallel_loop3A_881 : vector<16xf32>
        %parallel_loop3A_885 = arith.maximumf %parallel_loop3A_881, %parallel_loop3A_884 : vector<16xf32>
        %parallel_loop3A_886 = arith.constant 384 : i32
        %parallel_loop3A_887 = arith.addi %parallel_loop3A_446, %parallel_loop3A_886 : i32
        %parallel_loop3A_888 = arith.constant 16 : i32
        %parallel_loop3A_889 = arith.addi %parallel_loop3A_887, %parallel_loop3A_888 : i32
        %parallel_loop3A_890 = tpu.assume_multiple %parallel_loop3A_889, 16 : i32
        %parallel_loop3A_891 = arith.constant 1 : i32
        %parallel_loop3A_892 = arith.index_cast %parallel_loop3A_891 : i32 to index
        %parallel_loop3A_893 = arith.index_cast %parallel_loop3A_890 : i32 to index
        %parallel_loop3A_894 = tpu.vector_load %arg8[%parallel_loop3A_892, %parallel_loop3A_893] {strides = array<i32>} : memref<2x6656xf32, #tpu.memory_space<vmem>>, vector<16xf32>,
        tpu.vector_store %arg8[%parallel_loop3A_892, %parallel_loop3A_893], %parallel_loop3A_885 {strides = array<i32>} : memref<2x6656xf32, #tpu.memory_space<vmem>>, vector<16xf32>,
        %parallel_loop3A_895 = arith.addf %parallel_loop3A_553, %parallel_loop3A_554 : vector<16xf32>
        %parallel_loop3A_896 = arith.constant 2.000000e-01 : f32
        %parallel_loop3A_897 = vector.broadcast %parallel_loop3A_896 : f32 to vector<16xf32>
        %parallel_loop3A_898 = arith.mulf %parallel_loop3A_897, %parallel_loop3A_895 : vector<16xf32>
        %parallel_loop3A_899 = arith.maximumf %parallel_loop3A_895, %parallel_loop3A_898 : vector<16xf32>
        %parallel_loop3A_900 = arith.constant 0 : i32
        %parallel_loop3A_901 = arith.addi %parallel_loop3A_446, %parallel_loop3A_900 : i32
        %parallel_loop3A_902 = arith.constant 32 : i32
        %parallel_loop3A_903 = arith.addi %parallel_loop3A_901, %parallel_loop3A_902 : i32
        %parallel_loop3A_904 = tpu.assume_multiple %parallel_loop3A_903, 16 : i32
        %parallel_loop3A_905 = arith.constant 1 : i32
        %parallel_loop3A_906 = arith.index_cast %parallel_loop3A_905 : i32 to index
        %parallel_loop3A_907 = arith.index_cast %parallel_loop3A_904 : i32 to index
        %parallel_loop3A_908 = tpu.vector_load %arg8[%parallel_loop3A_906, %parallel_loop3A_907] {strides = array<i32>} : memref<2x6656xf32, #tpu.memory_space<vmem>>, vector<16xf32>,
        tpu.vector_store %arg8[%parallel_loop3A_906, %parallel_loop3A_907], %parallel_loop3A_899 {strides = array<i32>} : memref<2x6656xf32, #tpu.memory_space<vmem>>, vector<16xf32>,
        %parallel_loop3A_909 = arith.addf %parallel_loop3A_559, %parallel_loop3A_560 : vector<16xf32>
        %parallel_loop3A_910 = arith.constant 2.000000e-01 : f32
        %parallel_loop3A_911 = vector.broadcast %parallel_loop3A_910 : f32 to vector<16xf32>
        %parallel_loop3A_912 = arith.mulf %parallel_loop3A_911, %parallel_loop3A_909 : vector<16xf32>
        %parallel_loop3A_913 = arith.maximumf %parallel_loop3A_909, %parallel_loop3A_912 : vector<16xf32>
        %parallel_loop3A_914 = arith.constant 128 : i32
        %parallel_loop3A_915 = arith.addi %parallel_loop3A_446, %parallel_loop3A_914 : i32
        %parallel_loop3A_916 = arith.constant 32 : i32
        %parallel_loop3A_917 = arith.addi %parallel_loop3A_915, %parallel_loop3A_916 : i32
        %parallel_loop3A_918 = tpu.assume_multiple %parallel_loop3A_917, 16 : i32
        %parallel_loop3A_919 = arith.constant 1 : i32
        %parallel_loop3A_920 = arith.index_cast %parallel_loop3A_919 : i32 to index
        %parallel_loop3A_921 = arith.index_cast %parallel_loop3A_918 : i32 to index
        %parallel_loop3A_922 = tpu.vector_load %arg8[%parallel_loop3A_920, %parallel_loop3A_921] {strides = array<i32>} : memref<2x6656xf32, #tpu.memory_space<vmem>>, vector<16xf32>,
        tpu.vector_store %arg8[%parallel_loop3A_920, %parallel_loop3A_921], %parallel_loop3A_913 {strides = array<i32>} : memref<2x6656xf32, #tpu.memory_space<vmem>>, vector<16xf32>,
        %parallel_loop3A_923 = arith.addf %parallel_loop3A_565, %parallel_loop3A_566 : vector<16xf32>
        %parallel_loop3A_924 = arith.constant 2.000000e-01 : f32
        %parallel_loop3A_925 = vector.broadcast %parallel_loop3A_924 : f32 to vector<16xf32>
        %parallel_loop3A_926 = arith.mulf %parallel_loop3A_925, %parallel_loop3A_923 : vector<16xf32>
        %parallel_loop3A_927 = arith.maximumf %parallel_loop3A_923, %parallel_loop3A_926 : vector<16xf32>
        %parallel_loop3A_928 = arith.constant 256 : i32
        %parallel_loop3A_929 = arith.addi %parallel_loop3A_446, %parallel_loop3A_928 : i32
        %parallel_loop3A_930 = arith.constant 32 : i32
        %parallel_loop3A_931 = arith.addi %parallel_loop3A_929, %parallel_loop3A_930 : i32
        %parallel_loop3A_932 = tpu.assume_multiple %parallel_loop3A_931, 16 : i32
        %parallel_loop3A_933 = arith.constant 1 : i32
        %parallel_loop3A_934 = arith.index_cast %parallel_loop3A_933 : i32 to index
        %parallel_loop3A_935 = arith.index_cast %parallel_loop3A_932 : i32 to index
        %parallel_loop3A_936 = tpu.vector_load %arg8[%parallel_loop3A_934, %parallel_loop3A_935] {strides = array<i32>} : memref<2x6656xf32, #tpu.memory_space<vmem>>, vector<16xf32>,
        tpu.vector_store %arg8[%parallel_loop3A_934, %parallel_loop3A_935], %parallel_loop3A_927 {strides = array<i32>} : memref<2x6656xf32, #tpu.memory_space<vmem>>, vector<16xf32>,
        %parallel_loop3A_937 = arith.addf %parallel_loop3A_571, %parallel_loop3A_572 : vector<16xf32>
        %parallel_loop3A_938 = arith.constant 2.000000e-01 : f32
        %parallel_loop3A_939 = vector.broadcast %parallel_loop3A_938 : f32 to vector<16xf32>
        %parallel_loop3A_940 = arith.mulf %parallel_loop3A_939, %parallel_loop3A_937 : vector<16xf32>
        %parallel_loop3A_941 = arith.maximumf %parallel_loop3A_937, %parallel_loop3A_940 : vector<16xf32>
        %parallel_loop3A_942 = arith.constant 384 : i32
        %parallel_loop3A_943 = arith.addi %parallel_loop3A_446, %parallel_loop3A_942 : i32
        %parallel_loop3A_944 = arith.constant 32 : i32
        %parallel_loop3A_945 = arith.addi %parallel_loop3A_943, %parallel_loop3A_944 : i32
        %parallel_loop3A_946 = tpu.assume_multiple %parallel_loop3A_945, 16 : i32
        %parallel_loop3A_947 = arith.constant 1 : i32
        %parallel_loop3A_948 = arith.index_cast %parallel_loop3A_947 : i32 to index
        %parallel_loop3A_949 = arith.index_cast %parallel_loop3A_946 : i32 to index
        %parallel_loop3A_950 = tpu.vector_load %arg8[%parallel_loop3A_948, %parallel_loop3A_949] {strides = array<i32>} : memref<2x6656xf32, #tpu.memory_space<vmem>>, vector<16xf32>,
        tpu.vector_store %arg8[%parallel_loop3A_948, %parallel_loop3A_949], %parallel_loop3A_941 {strides = array<i32>} : memref<2x6656xf32, #tpu.memory_space<vmem>>, vector<16xf32>,
        %parallel_loop3A_951 = arith.addf %parallel_loop3A_595, %parallel_loop3A_596 : vector<16xf32>
        %parallel_loop3A_952 = arith.constant 2.000000e-01 : f32
        %parallel_loop3A_953 = vector.broadcast %parallel_loop3A_952 : f32 to vector<16xf32>
        %parallel_loop3A_954 = arith.mulf %parallel_loop3A_953, %parallel_loop3A_951 : vector<16xf32>
        %parallel_loop3A_955 = arith.maximumf %parallel_loop3A_951, %parallel_loop3A_954 : vector<16xf32>
        %parallel_loop3A_956 = arith.constant 0 : i32
        %parallel_loop3A_957 = arith.addi %parallel_loop3A_446, %parallel_loop3A_956 : i32
        %parallel_loop3A_958 = arith.constant 48 : i32
        %parallel_loop3A_959 = arith.addi %parallel_loop3A_957, %parallel_loop3A_958 : i32
        %parallel_loop3A_960 = tpu.assume_multiple %parallel_loop3A_959, 16 : i32
        %parallel_loop3A_961 = arith.constant 1 : i32
        %parallel_loop3A_962 = arith.index_cast %parallel_loop3A_961 : i32 to index
        %parallel_loop3A_963 = arith.index_cast %parallel_loop3A_960 : i32 to index
        %parallel_loop3A_964 = tpu.vector_load %arg8[%parallel_loop3A_962, %parallel_loop3A_963] {strides = array<i32>} : memref<2x6656xf32, #tpu.memory_space<vmem>>, vector<16xf32>,
        tpu.vector_store %arg8[%parallel_loop3A_962, %parallel_loop3A_963], %parallel_loop3A_955 {strides = array<i32>} : memref<2x6656xf32, #tpu.memory_space<vmem>>, vector<16xf32>,
        %parallel_loop3A_965 = arith.addf %parallel_loop3A_601, %parallel_loop3A_602 : vector<16xf32>
        %parallel_loop3A_966 = arith.constant 2.000000e-01 : f32
        %parallel_loop3A_967 = vector.broadcast %parallel_loop3A_966 : f32 to vector<16xf32>
        %parallel_loop3A_968 = arith.mulf %parallel_loop3A_967, %parallel_loop3A_965 : vector<16xf32>
        %parallel_loop3A_969 = arith.maximumf %parallel_loop3A_965, %parallel_loop3A_968 : vector<16xf32>
        %parallel_loop3A_970 = arith.constant 128 : i32
        %parallel_loop3A_971 = arith.addi %parallel_loop3A_446, %parallel_loop3A_970 : i32
        %parallel_loop3A_972 = arith.constant 48 : i32
        %parallel_loop3A_973 = arith.addi %parallel_loop3A_971, %parallel_loop3A_972 : i32
        %parallel_loop3A_974 = tpu.assume_multiple %parallel_loop3A_973, 16 : i32
        %parallel_loop3A_975 = arith.constant 1 : i32
        %parallel_loop3A_976 = arith.index_cast %parallel_loop3A_975 : i32 to index
        %parallel_loop3A_977 = arith.index_cast %parallel_loop3A_974 : i32 to index
        %parallel_loop3A_978 = tpu.vector_load %arg8[%parallel_loop3A_976, %parallel_loop3A_977] {strides = array<i32>} : memref<2x6656xf32, #tpu.memory_space<vmem>>, vector<16xf32>,
        tpu.vector_store %arg8[%parallel_loop3A_976, %parallel_loop3A_977], %parallel_loop3A_969 {strides = array<i32>} : memref<2x6656xf32, #tpu.memory_space<vmem>>, vector<16xf32>,
        %parallel_loop3A_979 = arith.addf %parallel_loop3A_607, %parallel_loop3A_608 : vector<16xf32>
        %parallel_loop3A_980 = arith.constant 2.000000e-01 : f32
        %parallel_loop3A_981 = vector.broadcast %parallel_loop3A_980 : f32 to vector<16xf32>
        %parallel_loop3A_982 = arith.mulf %parallel_loop3A_981, %parallel_loop3A_979 : vector<16xf32>
        %parallel_loop3A_983 = arith.maximumf %parallel_loop3A_979, %parallel_loop3A_982 : vector<16xf32>
        %parallel_loop3A_984 = arith.constant 256 : i32
        %parallel_loop3A_985 = arith.addi %parallel_loop3A_446, %parallel_loop3A_984 : i32
        %parallel_loop3A_986 = arith.constant 48 : i32
        %parallel_loop3A_987 = arith.addi %parallel_loop3A_985, %parallel_loop3A_986 : i32
        %parallel_loop3A_988 = tpu.assume_multiple %parallel_loop3A_987, 16 : i32
        %parallel_loop3A_989 = arith.constant 1 : i32
        %parallel_loop3A_990 = arith.index_cast %parallel_loop3A_989 : i32 to index
        %parallel_loop3A_991 = arith.index_cast %parallel_loop3A_988 : i32 to index
        %parallel_loop3A_992 = tpu.vector_load %arg8[%parallel_loop3A_990, %parallel_loop3A_991] {strides = array<i32>} : memref<2x6656xf32, #tpu.memory_space<vmem>>, vector<16xf32>,
        tpu.vector_store %arg8[%parallel_loop3A_990, %parallel_loop3A_991], %parallel_loop3A_983 {strides = array<i32>} : memref<2x6656xf32, #tpu.memory_space<vmem>>, vector<16xf32>,
        %parallel_loop3A_993 = arith.addf %parallel_loop3A_613, %parallel_loop3A_614 : vector<16xf32>
        %parallel_loop3A_994 = arith.constant 2.000000e-01 : f32
        %parallel_loop3A_995 = vector.broadcast %parallel_loop3A_994 : f32 to vector<16xf32>
        %parallel_loop3A_996 = arith.mulf %parallel_loop3A_995, %parallel_loop3A_993 : vector<16xf32>
        %parallel_loop3A_997 = arith.maximumf %parallel_loop3A_993, %parallel_loop3A_996 : vector<16xf32>
        %parallel_loop3A_998 = arith.constant 384 : i32
        %parallel_loop3A_999 = arith.addi %parallel_loop3A_446, %parallel_loop3A_998 : i32
        %parallel_loop3A_1000 = arith.constant 48 : i32
        %parallel_loop3A_1001 = arith.addi %parallel_loop3A_999, %parallel_loop3A_1000 : i32
        %parallel_loop3A_1002 = tpu.assume_multiple %parallel_loop3A_1001, 16 : i32
        %parallel_loop3A_1003 = arith.constant 1 : i32
        %parallel_loop3A_1004 = arith.index_cast %parallel_loop3A_1003 : i32 to index
        %parallel_loop3A_1005 = arith.index_cast %parallel_loop3A_1002 : i32 to index
        %parallel_loop3A_1006 = tpu.vector_load %arg8[%parallel_loop3A_1004, %parallel_loop3A_1005] {strides = array<i32>} : memref<2x6656xf32, #tpu.memory_space<vmem>>, vector<16xf32>,
        tpu.vector_store %arg8[%parallel_loop3A_1004, %parallel_loop3A_1005], %parallel_loop3A_997 {strides = array<i32>} : memref<2x6656xf32, #tpu.memory_space<vmem>>, vector<16xf32>,
        %parallel_loop3A_1007 = arith.addf %parallel_loop3A_637, %parallel_loop3A_638 : vector<16xf32>
        %parallel_loop3A_1008 = arith.constant 2.000000e-01 : f32
        %parallel_loop3A_1009 = vector.broadcast %parallel_loop3A_1008 : f32 to vector<16xf32>
        %parallel_loop3A_1010 = arith.mulf %parallel_loop3A_1009, %parallel_loop3A_1007 : vector<16xf32>
        %parallel_loop3A_1011 = arith.maximumf %parallel_loop3A_1007, %parallel_loop3A_1010 : vector<16xf32>
        %parallel_loop3A_1012 = arith.constant 0 : i32
        %parallel_loop3A_1013 = arith.addi %parallel_loop3A_446, %parallel_loop3A_1012 : i32
        %parallel_loop3A_1014 = arith.constant 64 : i32
        %parallel_loop3A_1015 = arith.addi %parallel_loop3A_1013, %parallel_loop3A_1014 : i32
        %parallel_loop3A_1016 = tpu.assume_multiple %parallel_loop3A_1015, 16 : i32
        %parallel_loop3A_1017 = arith.constant 1 : i32
        %parallel_loop3A_1018 = arith.index_cast %parallel_loop3A_1017 : i32 to index
        %parallel_loop3A_1019 = arith.index_cast %parallel_loop3A_1016 : i32 to index
        %parallel_loop3A_1020 = tpu.vector_load %arg8[%parallel_loop3A_1018, %parallel_loop3A_1019] {strides = array<i32>} : memref<2x6656xf32, #tpu.memory_space<vmem>>, vector<16xf32>,
        tpu.vector_store %arg8[%parallel_loop3A_1018, %parallel_loop3A_1019], %parallel_loop3A_1011 {strides = array<i32>} : memref<2x6656xf32, #tpu.memory_space<vmem>>, vector<16xf32>,
        %parallel_loop3A_1021 = arith.addf %parallel_loop3A_643, %parallel_loop3A_644 : vector<16xf32>
        %parallel_loop3A_1022 = arith.constant 2.000000e-01 : f32
        %parallel_loop3A_1023 = vector.broadcast %parallel_loop3A_1022 : f32 to vector<16xf32>
        %parallel_loop3A_1024 = arith.mulf %parallel_loop3A_1023, %parallel_loop3A_1021 : vector<16xf32>
        %parallel_loop3A_1025 = arith.maximumf %parallel_loop3A_1021, %parallel_loop3A_1024 : vector<16xf32>
        %parallel_loop3A_1026 = arith.constant 128 : i32
        %parallel_loop3A_1027 = arith.addi %parallel_loop3A_446, %parallel_loop3A_1026 : i32
        %parallel_loop3A_1028 = arith.constant 64 : i32
        %parallel_loop3A_1029 = arith.addi %parallel_loop3A_1027, %parallel_loop3A_1028 : i32
        %parallel_loop3A_1030 = tpu.assume_multiple %parallel_loop3A_1029, 16 : i32
        %parallel_loop3A_1031 = arith.constant 1 : i32
        %parallel_loop3A_1032 = arith.index_cast %parallel_loop3A_1031 : i32 to index
        %parallel_loop3A_1033 = arith.index_cast %parallel_loop3A_1030 : i32 to index
        %parallel_loop3A_1034 = tpu.vector_load %arg8[%parallel_loop3A_1032, %parallel_loop3A_1033] {strides = array<i32>} : memref<2x6656xf32, #tpu.memory_space<vmem>>, vector<16xf32>,
        tpu.vector_store %arg8[%parallel_loop3A_1032, %parallel_loop3A_1033], %parallel_loop3A_1025 {strides = array<i32>} : memref<2x6656xf32, #tpu.memory_space<vmem>>, vector<16xf32>,
        %parallel_loop3A_1035 = arith.addf %parallel_loop3A_649, %parallel_loop3A_650 : vector<16xf32>
        %parallel_loop3A_1036 = arith.constant 2.000000e-01 : f32
        %parallel_loop3A_1037 = vector.broadcast %parallel_loop3A_1036 : f32 to vector<16xf32>
        %parallel_loop3A_1038 = arith.mulf %parallel_loop3A_1037, %parallel_loop3A_1035 : vector<16xf32>
        %parallel_loop3A_1039 = arith.maximumf %parallel_loop3A_1035, %parallel_loop3A_1038 : vector<16xf32>
        %parallel_loop3A_1040 = arith.constant 256 : i32
        %parallel_loop3A_1041 = arith.addi %parallel_loop3A_446, %parallel_loop3A_1040 : i32
        %parallel_loop3A_1042 = arith.constant 64 : i32
        %parallel_loop3A_1043 = arith.addi %parallel_loop3A_1041, %parallel_loop3A_1042 : i32
        %parallel_loop3A_1044 = tpu.assume_multiple %parallel_loop3A_1043, 16 : i32
        %parallel_loop3A_1045 = arith.constant 1 : i32
        %parallel_loop3A_1046 = arith.index_cast %parallel_loop3A_1045 : i32 to index
        %parallel_loop3A_1047 = arith.index_cast %parallel_loop3A_1044 : i32 to index
        %parallel_loop3A_1048 = tpu.vector_load %arg8[%parallel_loop3A_1046, %parallel_loop3A_1047] {strides = array<i32>} : memref<2x6656xf32, #tpu.memory_space<vmem>>, vector<16xf32>,
        tpu.vector_store %arg8[%parallel_loop3A_1046, %parallel_loop3A_1047], %parallel_loop3A_1039 {strides = array<i32>} : memref<2x6656xf32, #tpu.memory_space<vmem>>, vector<16xf32>,
        %parallel_loop3A_1049 = arith.addf %parallel_loop3A_655, %parallel_loop3A_656 : vector<16xf32>
        %parallel_loop3A_1050 = arith.constant 2.000000e-01 : f32
        %parallel_loop3A_1051 = vector.broadcast %parallel_loop3A_1050 : f32 to vector<16xf32>
        %parallel_loop3A_1052 = arith.mulf %parallel_loop3A_1051, %parallel_loop3A_1049 : vector<16xf32>
        %parallel_loop3A_1053 = arith.maximumf %parallel_loop3A_1049, %parallel_loop3A_1052 : vector<16xf32>
        %parallel_loop3A_1054 = arith.constant 384 : i32
        %parallel_loop3A_1055 = arith.addi %parallel_loop3A_446, %parallel_loop3A_1054 : i32
        %parallel_loop3A_1056 = arith.constant 64 : i32
        %parallel_loop3A_1057 = arith.addi %parallel_loop3A_1055, %parallel_loop3A_1056 : i32
        %parallel_loop3A_1058 = tpu.assume_multiple %parallel_loop3A_1057, 16 : i32
        %parallel_loop3A_1059 = arith.constant 1 : i32
        %parallel_loop3A_1060 = arith.index_cast %parallel_loop3A_1059 : i32 to index
        %parallel_loop3A_1061 = arith.index_cast %parallel_loop3A_1058 : i32 to index
        %parallel_loop3A_1062 = tpu.vector_load %arg8[%parallel_loop3A_1060, %parallel_loop3A_1061] {strides = array<i32>} : memref<2x6656xf32, #tpu.memory_space<vmem>>, vector<16xf32>,
        tpu.vector_store %arg8[%parallel_loop3A_1060, %parallel_loop3A_1061], %parallel_loop3A_1053 {strides = array<i32>} : memref<2x6656xf32, #tpu.memory_space<vmem>>, vector<16xf32>,
        %parallel_loop3A_1063 = arith.addf %parallel_loop3A_679, %parallel_loop3A_680 : vector<16xf32>
        %parallel_loop3A_1064 = arith.constant 2.000000e-01 : f32
        %parallel_loop3A_1065 = vector.broadcast %parallel_loop3A_1064 : f32 to vector<16xf32>
        %parallel_loop3A_1066 = arith.mulf %parallel_loop3A_1065, %parallel_loop3A_1063 : vector<16xf32>
        %parallel_loop3A_1067 = arith.maximumf %parallel_loop3A_1063, %parallel_loop3A_1066 : vector<16xf32>
        %parallel_loop3A_1068 = arith.constant 0 : i32
        %parallel_loop3A_1069 = arith.addi %parallel_loop3A_446, %parallel_loop3A_1068 : i32
        %parallel_loop3A_1070 = arith.constant 80 : i32
        %parallel_loop3A_1071 = arith.addi %parallel_loop3A_1069, %parallel_loop3A_1070 : i32
        %parallel_loop3A_1072 = tpu.assume_multiple %parallel_loop3A_1071, 16 : i32
        %parallel_loop3A_1073 = arith.constant 1 : i32
        %parallel_loop3A_1074 = arith.index_cast %parallel_loop3A_1073 : i32 to index
        %parallel_loop3A_1075 = arith.index_cast %parallel_loop3A_1072 : i32 to index
        %parallel_loop3A_1076 = tpu.vector_load %arg8[%parallel_loop3A_1074, %parallel_loop3A_1075] {strides = array<i32>} : memref<2x6656xf32, #tpu.memory_space<vmem>>, vector<16xf32>,
        tpu.vector_store %arg8[%parallel_loop3A_1074, %parallel_loop3A_1075], %parallel_loop3A_1067 {strides = array<i32>} : memref<2x6656xf32, #tpu.memory_space<vmem>>, vector<16xf32>,
        %parallel_loop3A_1077 = arith.addf %parallel_loop3A_685, %parallel_loop3A_686 : vector<16xf32>
        %parallel_loop3A_1078 = arith.constant 2.000000e-01 : f32
        %parallel_loop3A_1079 = vector.broadcast %parallel_loop3A_1078 : f32 to vector<16xf32>
        %parallel_loop3A_1080 = arith.mulf %parallel_loop3A_1079, %parallel_loop3A_1077 : vector<16xf32>
        %parallel_loop3A_1081 = arith.maximumf %parallel_loop3A_1077, %parallel_loop3A_1080 : vector<16xf32>
        %parallel_loop3A_1082 = arith.constant 128 : i32
        %parallel_loop3A_1083 = arith.addi %parallel_loop3A_446, %parallel_loop3A_1082 : i32
        %parallel_loop3A_1084 = arith.constant 80 : i32
        %parallel_loop3A_1085 = arith.addi %parallel_loop3A_1083, %parallel_loop3A_1084 : i32
        %parallel_loop3A_1086 = tpu.assume_multiple %parallel_loop3A_1085, 16 : i32
        %parallel_loop3A_1087 = arith.constant 1 : i32
        %parallel_loop3A_1088 = arith.index_cast %parallel_loop3A_1087 : i32 to index
        %parallel_loop3A_1089 = arith.index_cast %parallel_loop3A_1086 : i32 to index
        %parallel_loop3A_1090 = tpu.vector_load %arg8[%parallel_loop3A_1088, %parallel_loop3A_1089] {strides = array<i32>} : memref<2x6656xf32, #tpu.memory_space<vmem>>, vector<16xf32>,
        tpu.vector_store %arg8[%parallel_loop3A_1088, %parallel_loop3A_1089], %parallel_loop3A_1081 {strides = array<i32>} : memref<2x6656xf32, #tpu.memory_space<vmem>>, vector<16xf32>,
        %parallel_loop3A_1091 = arith.addf %parallel_loop3A_691, %parallel_loop3A_692 : vector<16xf32>
        %parallel_loop3A_1092 = arith.constant 2.000000e-01 : f32
        %parallel_loop3A_1093 = vector.broadcast %parallel_loop3A_1092 : f32 to vector<16xf32>
        %parallel_loop3A_1094 = arith.mulf %parallel_loop3A_1093, %parallel_loop3A_1091 : vector<16xf32>
        %parallel_loop3A_1095 = arith.maximumf %parallel_loop3A_1091, %parallel_loop3A_1094 : vector<16xf32>
        %parallel_loop3A_1096 = arith.constant 256 : i32
        %parallel_loop3A_1097 = arith.addi %parallel_loop3A_446, %parallel_loop3A_1096 : i32
        %parallel_loop3A_1098 = arith.constant 80 : i32
        %parallel_loop3A_1099 = arith.addi %parallel_loop3A_1097, %parallel_loop3A_1098 : i32
        %parallel_loop3A_1100 = tpu.assume_multiple %parallel_loop3A_1099, 16 : i32
        %parallel_loop3A_1101 = arith.constant 1 : i32
        %parallel_loop3A_1102 = arith.index_cast %parallel_loop3A_1101 : i32 to index
        %parallel_loop3A_1103 = arith.index_cast %parallel_loop3A_1100 : i32 to index
        %parallel_loop3A_1104 = tpu.vector_load %arg8[%parallel_loop3A_1102, %parallel_loop3A_1103] {strides = array<i32>} : memref<2x6656xf32, #tpu.memory_space<vmem>>, vector<16xf32>,
        tpu.vector_store %arg8[%parallel_loop3A_1102, %parallel_loop3A_1103], %parallel_loop3A_1095 {strides = array<i32>} : memref<2x6656xf32, #tpu.memory_space<vmem>>, vector<16xf32>,
        %parallel_loop3A_1105 = arith.addf %parallel_loop3A_697, %parallel_loop3A_698 : vector<16xf32>
        %parallel_loop3A_1106 = arith.constant 2.000000e-01 : f32
        %parallel_loop3A_1107 = vector.broadcast %parallel_loop3A_1106 : f32 to vector<16xf32>
        %parallel_loop3A_1108 = arith.mulf %parallel_loop3A_1107, %parallel_loop3A_1105 : vector<16xf32>
        %parallel_loop3A_1109 = arith.maximumf %parallel_loop3A_1105, %parallel_loop3A_1108 : vector<16xf32>
        %parallel_loop3A_1110 = arith.constant 384 : i32
        %parallel_loop3A_1111 = arith.addi %parallel_loop3A_446, %parallel_loop3A_1110 : i32
        %parallel_loop3A_1112 = arith.constant 80 : i32
        %parallel_loop3A_1113 = arith.addi %parallel_loop3A_1111, %parallel_loop3A_1112 : i32
        %parallel_loop3A_1114 = tpu.assume_multiple %parallel_loop3A_1113, 16 : i32
        %parallel_loop3A_1115 = arith.constant 1 : i32
        %parallel_loop3A_1116 = arith.index_cast %parallel_loop3A_1115 : i32 to index
        %parallel_loop3A_1117 = arith.index_cast %parallel_loop3A_1114 : i32 to index
        %parallel_loop3A_1118 = tpu.vector_load %arg8[%parallel_loop3A_1116, %parallel_loop3A_1117] {strides = array<i32>} : memref<2x6656xf32, #tpu.memory_space<vmem>>, vector<16xf32>,
        tpu.vector_store %arg8[%parallel_loop3A_1116, %parallel_loop3A_1117], %parallel_loop3A_1109 {strides = array<i32>} : memref<2x6656xf32, #tpu.memory_space<vmem>>, vector<16xf32>,
        %parallel_loop3A_1119 = arith.addf %parallel_loop3A_721, %parallel_loop3A_722 : vector<16xf32>
        %parallel_loop3A_1120 = arith.constant 2.000000e-01 : f32
        %parallel_loop3A_1121 = vector.broadcast %parallel_loop3A_1120 : f32 to vector<16xf32>
        %parallel_loop3A_1122 = arith.mulf %parallel_loop3A_1121, %parallel_loop3A_1119 : vector<16xf32>
        %parallel_loop3A_1123 = arith.maximumf %parallel_loop3A_1119, %parallel_loop3A_1122 : vector<16xf32>
        %parallel_loop3A_1124 = arith.constant 0 : i32
        %parallel_loop3A_1125 = arith.addi %parallel_loop3A_446, %parallel_loop3A_1124 : i32
        %parallel_loop3A_1126 = arith.constant 96 : i32
        %parallel_loop3A_1127 = arith.addi %parallel_loop3A_1125, %parallel_loop3A_1126 : i32
        %parallel_loop3A_1128 = tpu.assume_multiple %parallel_loop3A_1127, 16 : i32
        %parallel_loop3A_1129 = arith.constant 1 : i32
        %parallel_loop3A_1130 = arith.index_cast %parallel_loop3A_1129 : i32 to index
        %parallel_loop3A_1131 = arith.index_cast %parallel_loop3A_1128 : i32 to index
        %parallel_loop3A_1132 = tpu.vector_load %arg8[%parallel_loop3A_1130, %parallel_loop3A_1131] {strides = array<i32>} : memref<2x6656xf32, #tpu.memory_space<vmem>>, vector<16xf32>,
        tpu.vector_store %arg8[%parallel_loop3A_1130, %parallel_loop3A_1131], %parallel_loop3A_1123 {strides = array<i32>} : memref<2x6656xf32, #tpu.memory_space<vmem>>, vector<16xf32>,
        %parallel_loop3A_1133 = arith.addf %parallel_loop3A_727, %parallel_loop3A_728 : vector<16xf32>
        %parallel_loop3A_1134 = arith.constant 2.000000e-01 : f32
        %parallel_loop3A_1135 = vector.broadcast %parallel_loop3A_1134 : f32 to vector<16xf32>
        %parallel_loop3A_1136 = arith.mulf %parallel_loop3A_1135, %parallel_loop3A_1133 : vector<16xf32>
        %parallel_loop3A_1137 = arith.maximumf %parallel_loop3A_1133, %parallel_loop3A_1136 : vector<16xf32>
        %parallel_loop3A_1138 = arith.constant 128 : i32
        %parallel_loop3A_1139 = arith.addi %parallel_loop3A_446, %parallel_loop3A_1138 : i32
        %parallel_loop3A_1140 = arith.constant 96 : i32
        %parallel_loop3A_1141 = arith.addi %parallel_loop3A_1139, %parallel_loop3A_1140 : i32
        %parallel_loop3A_1142 = tpu.assume_multiple %parallel_loop3A_1141, 16 : i32
        %parallel_loop3A_1143 = arith.constant 1 : i32
        %parallel_loop3A_1144 = arith.index_cast %parallel_loop3A_1143 : i32 to index
        %parallel_loop3A_1145 = arith.index_cast %parallel_loop3A_1142 : i32 to index
        %parallel_loop3A_1146 = tpu.vector_load %arg8[%parallel_loop3A_1144, %parallel_loop3A_1145] {strides = array<i32>} : memref<2x6656xf32, #tpu.memory_space<vmem>>, vector<16xf32>,
        tpu.vector_store %arg8[%parallel_loop3A_1144, %parallel_loop3A_1145], %parallel_loop3A_1137 {strides = array<i32>} : memref<2x6656xf32, #tpu.memory_space<vmem>>, vector<16xf32>,
        %parallel_loop3A_1147 = arith.addf %parallel_loop3A_733, %parallel_loop3A_734 : vector<16xf32>
        %parallel_loop3A_1148 = arith.constant 2.000000e-01 : f32
        %parallel_loop3A_1149 = vector.broadcast %parallel_loop3A_1148 : f32 to vector<16xf32>
        %parallel_loop3A_1150 = arith.mulf %parallel_loop3A_1149, %parallel_loop3A_1147 : vector<16xf32>
        %parallel_loop3A_1151 = arith.maximumf %parallel_loop3A_1147, %parallel_loop3A_1150 : vector<16xf32>
        %parallel_loop3A_1152 = arith.constant 256 : i32
        %parallel_loop3A_1153 = arith.addi %parallel_loop3A_446, %parallel_loop3A_1152 : i32
        %parallel_loop3A_1154 = arith.constant 96 : i32
        %parallel_loop3A_1155 = arith.addi %parallel_loop3A_1153, %parallel_loop3A_1154 : i32
        %parallel_loop3A_1156 = tpu.assume_multiple %parallel_loop3A_1155, 16 : i32
        %parallel_loop3A_1157 = arith.constant 1 : i32
        %parallel_loop3A_1158 = arith.index_cast %parallel_loop3A_1157 : i32 to index
        %parallel_loop3A_1159 = arith.index_cast %parallel_loop3A_1156 : i32 to index
        %parallel_loop3A_1160 = tpu.vector_load %arg8[%parallel_loop3A_1158, %parallel_loop3A_1159] {strides = array<i32>} : memref<2x6656xf32, #tpu.memory_space<vmem>>, vector<16xf32>,
        tpu.vector_store %arg8[%parallel_loop3A_1158, %parallel_loop3A_1159], %parallel_loop3A_1151 {strides = array<i32>} : memref<2x6656xf32, #tpu.memory_space<vmem>>, vector<16xf32>,
        %parallel_loop3A_1161 = arith.addf %parallel_loop3A_739, %parallel_loop3A_740 : vector<16xf32>
        %parallel_loop3A_1162 = arith.constant 2.000000e-01 : f32
        %parallel_loop3A_1163 = vector.broadcast %parallel_loop3A_1162 : f32 to vector<16xf32>
        %parallel_loop3A_1164 = arith.mulf %parallel_loop3A_1163, %parallel_loop3A_1161 : vector<16xf32>
        %parallel_loop3A_1165 = arith.maximumf %parallel_loop3A_1161, %parallel_loop3A_1164 : vector<16xf32>
        %parallel_loop3A_1166 = arith.constant 384 : i32
        %parallel_loop3A_1167 = arith.addi %parallel_loop3A_446, %parallel_loop3A_1166 : i32
        %parallel_loop3A_1168 = arith.constant 96 : i32
        %parallel_loop3A_1169 = arith.addi %parallel_loop3A_1167, %parallel_loop3A_1168 : i32
        %parallel_loop3A_1170 = tpu.assume_multiple %parallel_loop3A_1169, 16 : i32
        %parallel_loop3A_1171 = arith.constant 1 : i32
        %parallel_loop3A_1172 = arith.index_cast %parallel_loop3A_1171 : i32 to index
        %parallel_loop3A_1173 = arith.index_cast %parallel_loop3A_1170 : i32 to index
        %parallel_loop3A_1174 = tpu.vector_load %arg8[%parallel_loop3A_1172, %parallel_loop3A_1173] {strides = array<i32>} : memref<2x6656xf32, #tpu.memory_space<vmem>>, vector<16xf32>,
        tpu.vector_store %arg8[%parallel_loop3A_1172, %parallel_loop3A_1173], %parallel_loop3A_1165 {strides = array<i32>} : memref<2x6656xf32, #tpu.memory_space<vmem>>, vector<16xf32>,
        %parallel_loop3A_1175 = arith.addf %parallel_loop3A_763, %parallel_loop3A_764 : vector<16xf32>
        %parallel_loop3A_1176 = arith.constant 2.000000e-01 : f32
        %parallel_loop3A_1177 = vector.broadcast %parallel_loop3A_1176 : f32 to vector<16xf32>
        %parallel_loop3A_1178 = arith.mulf %parallel_loop3A_1177, %parallel_loop3A_1175 : vector<16xf32>
        %parallel_loop3A_1179 = arith.maximumf %parallel_loop3A_1175, %parallel_loop3A_1178 : vector<16xf32>
        %parallel_loop3A_1180 = arith.constant 0 : i32
        %parallel_loop3A_1181 = arith.addi %parallel_loop3A_446, %parallel_loop3A_1180 : i32
        %parallel_loop3A_1182 = arith.constant 112 : i32
        %parallel_loop3A_1183 = arith.addi %parallel_loop3A_1181, %parallel_loop3A_1182 : i32
        %parallel_loop3A_1184 = tpu.assume_multiple %parallel_loop3A_1183, 16 : i32
        %parallel_loop3A_1185 = arith.constant 1 : i32
        %parallel_loop3A_1186 = arith.index_cast %parallel_loop3A_1185 : i32 to index
        %parallel_loop3A_1187 = arith.index_cast %parallel_loop3A_1184 : i32 to index
        %parallel_loop3A_1188 = tpu.vector_load %arg8[%parallel_loop3A_1186, %parallel_loop3A_1187] {strides = array<i32>} : memref<2x6656xf32, #tpu.memory_space<vmem>>, vector<16xf32>,
        tpu.vector_store %arg8[%parallel_loop3A_1186, %parallel_loop3A_1187], %parallel_loop3A_1179 {strides = array<i32>} : memref<2x6656xf32, #tpu.memory_space<vmem>>, vector<16xf32>,
        %parallel_loop3A_1189 = arith.addf %parallel_loop3A_769, %parallel_loop3A_770 : vector<16xf32>
        %parallel_loop3A_1190 = arith.constant 2.000000e-01 : f32
        %parallel_loop3A_1191 = vector.broadcast %parallel_loop3A_1190 : f32 to vector<16xf32>
        %parallel_loop3A_1192 = arith.mulf %parallel_loop3A_1191, %parallel_loop3A_1189 : vector<16xf32>
        %parallel_loop3A_1193 = arith.maximumf %parallel_loop3A_1189, %parallel_loop3A_1192 : vector<16xf32>
        %parallel_loop3A_1194 = arith.constant 128 : i32
        %parallel_loop3A_1195 = arith.addi %parallel_loop3A_446, %parallel_loop3A_1194 : i32
        %parallel_loop3A_1196 = arith.constant 112 : i32
        %parallel_loop3A_1197 = arith.addi %parallel_loop3A_1195, %parallel_loop3A_1196 : i32
        %parallel_loop3A_1198 = tpu.assume_multiple %parallel_loop3A_1197, 16 : i32
        %parallel_loop3A_1199 = arith.constant 1 : i32
        %parallel_loop3A_1200 = arith.index_cast %parallel_loop3A_1199 : i32 to index
        %parallel_loop3A_1201 = arith.index_cast %parallel_loop3A_1198 : i32 to index
        %parallel_loop3A_1202 = tpu.vector_load %arg8[%parallel_loop3A_1200, %parallel_loop3A_1201] {strides = array<i32>} : memref<2x6656xf32, #tpu.memory_space<vmem>>, vector<16xf32>,
        tpu.vector_store %arg8[%parallel_loop3A_1200, %parallel_loop3A_1201], %parallel_loop3A_1193 {strides = array<i32>} : memref<2x6656xf32, #tpu.memory_space<vmem>>, vector<16xf32>,
        %parallel_loop3A_1203 = arith.addf %parallel_loop3A_775, %parallel_loop3A_776 : vector<16xf32>
        %parallel_loop3A_1204 = arith.constant 2.000000e-01 : f32
        %parallel_loop3A_1205 = vector.broadcast %parallel_loop3A_1204 : f32 to vector<16xf32>
        %parallel_loop3A_1206 = arith.mulf %parallel_loop3A_1205, %parallel_loop3A_1203 : vector<16xf32>
        %parallel_loop3A_1207 = arith.maximumf %parallel_loop3A_1203, %parallel_loop3A_1206 : vector<16xf32>
        %parallel_loop3A_1208 = arith.constant 256 : i32
        %parallel_loop3A_1209 = arith.addi %parallel_loop3A_446, %parallel_loop3A_1208 : i32
        %parallel_loop3A_1210 = arith.constant 112 : i32
        %parallel_loop3A_1211 = arith.addi %parallel_loop3A_1209, %parallel_loop3A_1210 : i32
        %parallel_loop3A_1212 = tpu.assume_multiple %parallel_loop3A_1211, 16 : i32
        %parallel_loop3A_1213 = arith.constant 1 : i32
        %parallel_loop3A_1214 = arith.index_cast %parallel_loop3A_1213 : i32 to index
        %parallel_loop3A_1215 = arith.index_cast %parallel_loop3A_1212 : i32 to index
        %parallel_loop3A_1216 = tpu.vector_load %arg8[%parallel_loop3A_1214, %parallel_loop3A_1215] {strides = array<i32>} : memref<2x6656xf32, #tpu.memory_space<vmem>>, vector<16xf32>,
        tpu.vector_store %arg8[%parallel_loop3A_1214, %parallel_loop3A_1215], %parallel_loop3A_1207 {strides = array<i32>} : memref<2x6656xf32, #tpu.memory_space<vmem>>, vector<16xf32>,
        %parallel_loop3A_1217 = arith.addf %parallel_loop3A_781, %parallel_loop3A_782 : vector<16xf32>
        %parallel_loop3A_1218 = arith.constant 2.000000e-01 : f32
        %parallel_loop3A_1219 = vector.broadcast %parallel_loop3A_1218 : f32 to vector<16xf32>
        %parallel_loop3A_1220 = arith.mulf %parallel_loop3A_1219, %parallel_loop3A_1217 : vector<16xf32>
        %parallel_loop3A_1221 = arith.maximumf %parallel_loop3A_1217, %parallel_loop3A_1220 : vector<16xf32>
        %parallel_loop3A_1222 = arith.constant 384 : i32
        %parallel_loop3A_1223 = arith.addi %parallel_loop3A_446, %parallel_loop3A_1222 : i32
        %parallel_loop3A_1224 = arith.constant 112 : i32
        %parallel_loop3A_1225 = arith.addi %parallel_loop3A_1223, %parallel_loop3A_1224 : i32
        %parallel_loop3A_1226 = tpu.assume_multiple %parallel_loop3A_1225, 16 : i32
        %parallel_loop3A_1227 = arith.constant 1 : i32
        %parallel_loop3A_1228 = arith.index_cast %parallel_loop3A_1227 : i32 to index
        %parallel_loop3A_1229 = arith.index_cast %parallel_loop3A_1226 : i32 to index
        %parallel_loop3A_1230 = tpu.vector_load %arg8[%parallel_loop3A_1228, %parallel_loop3A_1229] {strides = array<i32>} : memref<2x6656xf32, #tpu.memory_space<vmem>>, vector<16xf32>,
        tpu.vector_store %arg8[%parallel_loop3A_1228, %parallel_loop3A_1229], %parallel_loop3A_1221 {strides = array<i32>} : memref<2x6656xf32, #tpu.memory_space<vmem>>, vector<16xf32>,
      } {sc.loop_unroll_factor = 1 : i64, sc.parallel_access}
      %mul3A_421 = arith.constant 4 : i32
      %mul3A_422 = arith.muli %add3A_329, %mul3A_421 : i32
      %mul3A_423 = arith.constant 128 : i32
      %mul3A_424 = arith.muli %mul3A_422, %mul3A_423 : i32
      %multiple_of3A_425 = tpu.assume_multiple %mul3A_424, 8 : i32
      %dma_start3A_426 = arith.constant 1 : i32
      %dma_start3A_427 = arith.constant 0 : i32
      %dma_start3A_428 = tpu.memref_slice %arg8[%dma_start3A_426, %dma_start3A_427] : memref<2x6656xf32, #tpu.memory_space<vmem>> -> memref<1x6656xf32, #tpu.memory_space<vmem>>
      %dma_start3A_429 = tpu.memref_squeeze %dma_start3A_428 : memref<1x6656xf32, #tpu.memory_space<vmem>> -> memref<6656xf32, #tpu.memory_space<vmem>>
      %dma_start3A_430 = tpu.memref_slice %arg4[%multiple_of3A_425] : memref<1280000xf32, #tpu.memory_space<hbm>> -> memref<6656xf32, #tpu.memory_space<hbm>>
      %dma_start3A_431 = tpu.memref_slice %arg4[%multiple_of3A_425] : memref<1280000xf32, #tpu.memory_space<hbm>> -> memref<6656xf32, #tpu.memory_space<hbm>>
      %dma_start3A_432 = arith.constant 0 : i32
      %dma_start3A_433 = tpu.memref_slice %arg8[%dma_start3A_426, %dma_start3A_432] : memref<2x6656xf32, #tpu.memory_space<vmem>> -> memref<1x6656xf32, #tpu.memory_space<vmem>>
      %dma_start3A_434 = tpu.memref_squeeze %dma_start3A_433 : memref<1x6656xf32, #tpu.memory_space<vmem>> -> memref<6656xf32, #tpu.memory_space<vmem>>
      tpu.enqueue_dma source(%dma_start3A_434 : memref<6656xf32, #tpu.memory_space<vmem>>) target(%dma_start3A_431 : memref<6656xf32, #tpu.memory_space<hbm>>) target_semaphore(%arg16 : memref<!tpu.dma_semaphore, #tpu.memory_space<semaphore_mem>>)
      %add3A_435 = arith.constant 1 : i32
      %add3A_436 = arith.addi %scan3A_322, %add3A_435 : i32
      %lt3A_437 = arith.constant 3 : i32
      %lt3A_438 = arith.cmpi slt, %add3A_436, %lt3A_437 : i32
      %convert_element_type3A_439 = arith.extui %lt3A_438 : i1 to i32
      %cond3A_440 = arith.constant 0 : i32
      %cond3A_441 = arith.cmpi ne, %convert_element_type3A_439, %cond3A_440 : i32
      scf.if %cond3A_441 {
        %add3A_442 = arith.constant 26 : i32
        %add3A_443 = arith.addi %add3A_329, %add3A_442 : i32
        %mul3A_444 = arith.constant 128 : i32
        %mul3A_445 = arith.muli %add3A_443, %mul3A_444 : i32
        %multiple_of3A_446 = tpu.assume_multiple %mul3A_445, 8 : i32
        %dma_start3A_447 = arith.constant 0 : i32
        %dma_start3A_448 = arith.constant 1 : i32
        %dma_start3A_449 = arith.constant 0 : i32
        %dma_start3A_450 = tpu.memref_slice %arg6[%dma_start3A_448, %dma_start3A_449] : memref<2x1664xi32, #tpu.memory_space<vmem>> -> memref<1x1664xi32, #tpu.memory_space<vmem>>
        %dma_start3A_451 = tpu.memref_squeeze %dma_start3A_450 : memref<1x1664xi32, #tpu.memory_space<vmem>> -> memref<1664xi32, #tpu.memory_space<vmem>>
        %dma_start3A_452 = tpu.memref_slice %arg3[%dma_start3A_447, %multiple_of3A_446] : memref<2x320000xi32, #tpu.memory_space<hbm>> -> memref<1x1664xi32, #tpu.memory_space<hbm>>
        %dma_start3A_453 = tpu.memref_squeeze %dma_start3A_452 : memref<1x1664xi32, #tpu.memory_space<hbm>> -> memref<1664xi32, #tpu.memory_space<hbm>>
        %dma_start3A_454 = arith.constant 0 : i32
        %dma_start3A_455 = tpu.memref_slice %arg6[%dma_start3A_448, %dma_start3A_454] : memref<2x1664xi32, #tpu.memory_space<vmem>> -> memref<1x1664xi32, #tpu.memory_space<vmem>>
        %dma_start3A_456 = tpu.memref_squeeze %dma_start3A_455 : memref<1x1664xi32, #tpu.memory_space<vmem>> -> memref<1664xi32, #tpu.memory_space<vmem>>
        %dma_start3A_457 = tpu.memref_slice %arg3[%dma_start3A_447, %multiple_of3A_446] : memref<2x320000xi32, #tpu.memory_space<hbm>> -> memref<1x1664xi32, #tpu.memory_space<hbm>>
        %dma_start3A_458 = tpu.memref_squeeze %dma_start3A_457 : memref<1x1664xi32, #tpu.memory_space<hbm>> -> memref<1664xi32, #tpu.memory_space<hbm>>
        tpu.enqueue_dma source(%dma_start3A_458 : memref<1664xi32, #tpu.memory_space<hbm>>) target(%dma_start3A_456 : memref<1664xi32, #tpu.memory_space<vmem>>) target_semaphore(%arg14 : memref<!tpu.dma_semaphore, #tpu.memory_space<semaphore_mem>>)
        %dma_start3A_459 = arith.constant 1 : i32
        %dma_start3A_460 = arith.constant 1 : i32
        %dma_start3A_461 = arith.constant 0 : i32
        %dma_start3A_462 = tpu.memref_slice %arg7[%dma_start3A_460, %dma_start3A_461] : memref<2x1664xi32, #tpu.memory_space<vmem>> -> memref<1x1664xi32, #tpu.memory_space<vmem>>
        %dma_start3A_463 = tpu.memref_squeeze %dma_start3A_462 : memref<1x1664xi32, #tpu.memory_space<vmem>> -> memref<1664xi32, #tpu.memory_space<vmem>>
        %dma_start3A_464 = tpu.memref_slice %arg3[%dma_start3A_459, %multiple_of3A_446] : memref<2x320000xi32, #tpu.memory_space<hbm>> -> memref<1x1664xi32, #tpu.memory_space<hbm>>
        %dma_start3A_465 = tpu.memref_squeeze %dma_start3A_464 : memref<1x1664xi32, #tpu.memory_space<hbm>> -> memref<1664xi32, #tpu.memory_space<hbm>>
        %dma_start3A_466 = arith.constant 0 : i32
        %dma_start3A_467 = tpu.memref_slice %arg7[%dma_start3A_460, %dma_start3A_466] : memref<2x1664xi32, #tpu.memory_space<vmem>> -> memref<1x1664xi32, #tpu.memory_space<vmem>>
        %dma_start3A_468 = tpu.memref_squeeze %dma_start3A_467 : memref<1x1664xi32, #tpu.memory_space<vmem>> -> memref<1664xi32, #tpu.memory_space<vmem>>
        %dma_start3A_469 = tpu.memref_slice %arg3[%dma_start3A_459, %multiple_of3A_446] : memref<2x320000xi32, #tpu.memory_space<hbm>> -> memref<1x1664xi32, #tpu.memory_space<hbm>>
        %dma_start3A_470 = tpu.memref_squeeze %dma_start3A_469 : memref<1x1664xi32, #tpu.memory_space<hbm>> -> memref<1664xi32, #tpu.memory_space<hbm>>
        tpu.enqueue_dma source(%dma_start3A_470 : memref<1664xi32, #tpu.memory_space<hbm>>) target(%dma_start3A_468 : memref<1664xi32, #tpu.memory_space<vmem>>) target_semaphore(%arg14 : memref<!tpu.dma_semaphore, #tpu.memory_space<semaphore_mem>>)
      } else {
      }
    }
    %scan3A_294 = arith.constant 3 : i32
    %dma_wait3A_295 = arith.constant 0 : i32
    %dma_wait3A_296 = arith.constant 0 : i32
    %dma_wait3A_297 = tpu.memref_slice %arg8[%dma_wait3A_295, %dma_wait3A_296] : memref<2x6656xf32, #tpu.memory_space<vmem>> -> memref<1x6656xf32, #tpu.memory_space<vmem>>
    %dma_wait3A_298 = tpu.memref_squeeze %dma_wait3A_297 : memref<1x6656xf32, #tpu.memory_space<vmem>> -> memref<6656xf32, #tpu.memory_space<vmem>>
    %dma_wait3A_299 = arith.constant 0 : i32
    %dma_wait3A_300 = tpu.memref_slice %arg4[%dma_wait3A_299] : memref<1280000xf32, #tpu.memory_space<hbm>> -> memref<6656xf32, #tpu.memory_space<hbm>>
    %dma_wait3A_301 = arith.constant 0 : i32
    %dma_wait3A_302 = tpu.memref_slice %arg4[%dma_wait3A_301] : memref<1280000xf32, #tpu.memory_space<hbm>> -> memref<6656xf32, #tpu.memory_space<hbm>>
    %dma_wait3A_303 = arith.constant 0 : i32
    %dma_wait3A_304 = tpu.memref_slice %arg8[%dma_wait3A_295, %dma_wait3A_303] : memref<2x6656xf32, #tpu.memory_space<vmem>> -> memref<1x6656xf32, #tpu.memory_space<vmem>>
    %dma_wait3A_305 = tpu.memref_squeeze %dma_wait3A_304 : memref<1x6656xf32, #tpu.memory_space<vmem>> -> memref<6656xf32, #tpu.memory_space<vmem>>
    tpu.wait_dma2 semaphore(%arg15 : memref<!tpu.dma_semaphore, #tpu.memory_space<semaphore_mem>>) src(%dma_wait3A_305 : memref<6656xf32, #tpu.memory_space<vmem>>) dst(%dma_wait3A_302 : memref<6656xf32, #tpu.memory_space<hbm>>)
    %dma_wait3A_306 = arith.constant 1 : i32
    %dma_wait3A_307 = arith.constant 0 : i32
    %dma_wait3A_308 = tpu.memref_slice %arg8[%dma_wait3A_306, %dma_wait3A_307] : memref<2x6656xf32, #tpu.memory_space<vmem>> -> memref<1x6656xf32, #tpu.memory_space<vmem>>
    %dma_wait3A_309 = tpu.memref_squeeze %dma_wait3A_308 : memref<1x6656xf32, #tpu.memory_space<vmem>> -> memref<6656xf32, #tpu.memory_space<vmem>>
    %dma_wait3A_310 = arith.constant 0 : i32
    %dma_wait3A_311 = tpu.memref_slice %arg4[%dma_wait3A_310] : memref<1280000xf32, #tpu.memory_space<hbm>> -> memref<6656xf32, #tpu.memory_space<hbm>>
    %dma_wait3A_312 = arith.constant 0 : i32
    %dma_wait3A_313 = tpu.memref_slice %arg4[%dma_wait3A_312] : memref<1280000xf32, #tpu.memory_space<hbm>> -> memref<6656xf32, #tpu.memory_space<hbm>>
    %dma_wait3A_314 = arith.constant 0 : i32
    %dma_wait3A_315 = tpu.memref_slice %arg8[%dma_wait3A_306, %dma_wait3A_314] : memref<2x6656xf32, #tpu.memory_space<vmem>> -> memref<1x6656xf32, #tpu.memory_space<vmem>>
    %dma_wait3A_316 = tpu.memref_squeeze %dma_wait3A_315 : memref<1x6656xf32, #tpu.memory_space<vmem>> -> memref<6656xf32, #tpu.memory_space<vmem>>
    tpu.wait_dma2 semaphore(%arg16 : memref<!tpu.dma_semaphore, #tpu.memory_space<semaphore_mem>>) src(%dma_wait3A_316 : memref<6656xf32, #tpu.memory_space<vmem>>) dst(%dma_wait3A_313 : memref<6656xf32, #tpu.memory_space<hbm>>)
    %lt3A_317 = arith.constant 4 : i32
    %lt3A_318 = arith.cmpi slt, %add3A, %lt3A_317 : i32
    %convert_element_type3A_319 = arith.extui %lt3A_318 : i1 to i32
    %cond3A_320 = arith.constant 0 : i32
    %cond3A_321 = arith.cmpi ne, %convert_element_type3A_319, %cond3A_320 : i32
    scf.if %cond3A_321 {
      %dma_wait3A_322 = arith.constant 0 : i32
      %dma_wait3A_323 = tpu.memref_slice %arg4[%dma_wait3A_322] : memref<1280000xf32, #tpu.memory_space<hbm>> -> memref<512xf32, #tpu.memory_space<hbm>>
      %dma_wait3A_324 = arith.constant 0 : i32
      %dma_wait3A_325 = tpu.memref_slice %arg4[%dma_wait3A_324] : memref<1280000xf32, #tpu.memory_space<hbm>> -> memref<512xf32, #tpu.memory_space<hbm>>
      tpu.wait_dma2 semaphore(%arg18 : memref<!tpu.dma_semaphore, #tpu.memory_space<semaphore_mem>>) src(%arg11 : memref<512xf32, #tpu.memory_space<vmem>>) dst(%dma_wait3A_325 : memref<512xf32, #tpu.memory_space<hbm>>)
    } else {
    }
    return
  }
}

module attributes {stable_mosaic.version = 14 : i64} {
  func.func @_tc_body(%arg0: i32, %arg1: memref<2048x128xf32, #tpu.memory_space<vmem>>, %arg2: memref<2048x128xf32, #tpu.memory_space<vmem>>, %arg3: memref<128x128xf32, #tpu.memory_space<vmem>>, %arg4: memref<128x128xf32, #tpu.memory_space<vmem>>, %arg5: memref<4x64xf32, #tpu.memory_space<vmem>>, %arg6: memref<8x2048xf32, #tpu.memory_space<vmem>>) attributes {dimension_semantics = [#tpu.dimension_semantics<arbitrary>], iteration_bounds = array<i64: 5>, scalar_prefetch = 0 : i64, scratch_operands = 0 : i64, tpu.core_type = #tpu.core_type<tc>, window_params = [{transform_indices = @transform_0, window_bounds = array<i64: 2048, 128>}, {transform_indices = @transform_1, window_bounds = array<i64: 2048, 128>}, {pipeline_mode = #tpu.pipeline_mode<synchronous>, transform_indices = @transform_2, window_bounds = array<i64: 128, 128>}, {pipeline_mode = #tpu.pipeline_mode<synchronous>, transform_indices = @transform_3, window_bounds = array<i64: 128, 128>}, {pipeline_mode = #tpu.pipeline_mode<synchronous>, transform_indices = @transform_4, window_bounds = array<i64: 4, 64>}, {transform_indices = @transform_5, window_bounds = array<i64: 8, 2048>}]} {
    %get3A = arith.constant 0 : index
    %get3A_0 = arith.constant 0 : index
    %get3A_1 = vector.load %arg5[%get3A, %get3A_0] : memref<4x64xf32, #tpu.memory_space<vmem>>, vector<1x32xf32>
    %get3A_2 = arith.constant 0 : index
    %get3A_3 = arith.constant 32 : index
    %get3A_4 = vector.load %arg5[%get3A_2, %get3A_3] : memref<4x64xf32, #tpu.memory_space<vmem>>, vector<1x32xf32>
    %get3A_5 = arith.constant 0 : index
    %get3A_6 = arith.constant 0 : index
    %get3A_7 = vector.load %arg3[%get3A_5, %get3A_6] : memref<128x128xf32, #tpu.memory_space<vmem>>, vector<32x128xf32>
    %dot_general3A = arith.constant dense<0.000000e+00> : vector<1x128xf32>
    %dot_general3A_8 = tpu.matmul %get3A_1, %get3A_7, %dot_general3A {dimension_numbers = #tpu.dot_dimension_numbers<[1], [0], [0], [1], [0, 0, 1, 1], [], []>, transpose_lhs_hint = false} : vector<1x32xf32>, vector<32x128xf32>, vector<1x128xf32> -> vector<1x128xf32>
    %get3A_9 = arith.constant 0 : index
    %get3A_10 = arith.constant 0 : index
    %get3A_11 = vector.load %arg4[%get3A_9, %get3A_10] : memref<128x128xf32, #tpu.memory_space<vmem>>, vector<32x128xf32>
    %dot_general3A_12 = arith.constant dense<0.000000e+00> : vector<1x128xf32>
    %dot_general3A_13 = tpu.matmul %get3A_4, %get3A_11, %dot_general3A_12 {dimension_numbers = #tpu.dot_dimension_numbers<[1], [0], [0], [1], [0, 0, 1, 1], [], []>, transpose_lhs_hint = false} : vector<1x32xf32>, vector<32x128xf32>, vector<1x128xf32> -> vector<1x128xf32>
    %get3A_14 = arith.constant 1 : index
    %get3A_15 = arith.constant 0 : index
    %get3A_16 = vector.load %arg5[%get3A_14, %get3A_15] : memref<4x64xf32, #tpu.memory_space<vmem>>, vector<1x32xf32>
    %get3A_17 = arith.constant 1 : index
    %get3A_18 = arith.constant 32 : index
    %get3A_19 = vector.load %arg5[%get3A_17, %get3A_18] : memref<4x64xf32, #tpu.memory_space<vmem>>, vector<1x32xf32>
    %get3A_20 = arith.constant 32 : index
    %get3A_21 = arith.constant 0 : index
    %get3A_22 = vector.load %arg3[%get3A_20, %get3A_21] : memref<128x128xf32, #tpu.memory_space<vmem>>, vector<32x128xf32>
    %dot_general3A_23 = arith.constant dense<0.000000e+00> : vector<1x128xf32>
    %dot_general3A_24 = tpu.matmul %get3A_16, %get3A_22, %dot_general3A_23 {dimension_numbers = #tpu.dot_dimension_numbers<[1], [0], [0], [1], [0, 0, 1, 1], [], []>, transpose_lhs_hint = false} : vector<1x32xf32>, vector<32x128xf32>, vector<1x128xf32> -> vector<1x128xf32>
    %get3A_25 = arith.constant 32 : index
    %get3A_26 = arith.constant 0 : index
    %get3A_27 = vector.load %arg4[%get3A_25, %get3A_26] : memref<128x128xf32, #tpu.memory_space<vmem>>, vector<32x128xf32>
    %dot_general3A_28 = arith.constant dense<0.000000e+00> : vector<1x128xf32>
    %dot_general3A_29 = tpu.matmul %get3A_19, %get3A_27, %dot_general3A_28 {dimension_numbers = #tpu.dot_dimension_numbers<[1], [0], [0], [1], [0, 0, 1, 1], [], []>, transpose_lhs_hint = false} : vector<1x32xf32>, vector<32x128xf32>, vector<1x128xf32> -> vector<1x128xf32>
    %get3A_30 = arith.constant 2 : index
    %get3A_31 = arith.constant 0 : index
    %get3A_32 = vector.load %arg5[%get3A_30, %get3A_31] : memref<4x64xf32, #tpu.memory_space<vmem>>, vector<1x32xf32>
    %get3A_33 = arith.constant 2 : index
    %get3A_34 = arith.constant 32 : index
    %get3A_35 = vector.load %arg5[%get3A_33, %get3A_34] : memref<4x64xf32, #tpu.memory_space<vmem>>, vector<1x32xf32>
    %get3A_36 = arith.constant 64 : index
    %get3A_37 = arith.constant 0 : index
    %get3A_38 = vector.load %arg3[%get3A_36, %get3A_37] : memref<128x128xf32, #tpu.memory_space<vmem>>, vector<32x128xf32>
    %dot_general3A_39 = arith.constant dense<0.000000e+00> : vector<1x128xf32>
    %dot_general3A_40 = tpu.matmul %get3A_32, %get3A_38, %dot_general3A_39 {dimension_numbers = #tpu.dot_dimension_numbers<[1], [0], [0], [1], [0, 0, 1, 1], [], []>, transpose_lhs_hint = false} : vector<1x32xf32>, vector<32x128xf32>, vector<1x128xf32> -> vector<1x128xf32>
    %get3A_41 = arith.constant 64 : index
    %get3A_42 = arith.constant 0 : index
    %get3A_43 = vector.load %arg4[%get3A_41, %get3A_42] : memref<128x128xf32, #tpu.memory_space<vmem>>, vector<32x128xf32>
    %dot_general3A_44 = arith.constant dense<0.000000e+00> : vector<1x128xf32>
    %dot_general3A_45 = tpu.matmul %get3A_35, %get3A_43, %dot_general3A_44 {dimension_numbers = #tpu.dot_dimension_numbers<[1], [0], [0], [1], [0, 0, 1, 1], [], []>, transpose_lhs_hint = false} : vector<1x32xf32>, vector<32x128xf32>, vector<1x128xf32> -> vector<1x128xf32>
    %get3A_46 = arith.constant 3 : index
    %get3A_47 = arith.constant 0 : index
    %get3A_48 = vector.load %arg5[%get3A_46, %get3A_47] : memref<4x64xf32, #tpu.memory_space<vmem>>, vector<1x32xf32>
    %get3A_49 = arith.constant 3 : index
    %get3A_50 = arith.constant 32 : index
    %get3A_51 = vector.load %arg5[%get3A_49, %get3A_50] : memref<4x64xf32, #tpu.memory_space<vmem>>, vector<1x32xf32>
    %get3A_52 = arith.constant 96 : index
    %get3A_53 = arith.constant 0 : index
    %get3A_54 = vector.load %arg3[%get3A_52, %get3A_53] : memref<128x128xf32, #tpu.memory_space<vmem>>, vector<32x128xf32>
    %dot_general3A_55 = arith.constant dense<0.000000e+00> : vector<1x128xf32>
    %dot_general3A_56 = tpu.matmul %get3A_48, %get3A_54, %dot_general3A_55 {dimension_numbers = #tpu.dot_dimension_numbers<[1], [0], [0], [1], [0, 0, 1, 1], [], []>, transpose_lhs_hint = false} : vector<1x32xf32>, vector<32x128xf32>, vector<1x128xf32> -> vector<1x128xf32>
    %get3A_57 = arith.constant 96 : index
    %get3A_58 = arith.constant 0 : index
    %get3A_59 = vector.load %arg4[%get3A_57, %get3A_58] : memref<128x128xf32, #tpu.memory_space<vmem>>, vector<32x128xf32>
    %dot_general3A_60 = arith.constant dense<0.000000e+00> : vector<1x128xf32>
    %dot_general3A_61 = tpu.matmul %get3A_51, %get3A_59, %dot_general3A_60 {dimension_numbers = #tpu.dot_dimension_numbers<[1], [0], [0], [1], [0, 0, 1, 1], [], []>, transpose_lhs_hint = false} : vector<1x32xf32>, vector<32x128xf32>, vector<1x128xf32> -> vector<1x128xf32>
    %concatenate3A = tpu.concatenate %dot_general3A_8, %dot_general3A_24, %dot_general3A_40, %dot_general3A_56 in 0 : vector<1x128xf32>, vector<1x128xf32>, vector<1x128xf32>, vector<1x128xf32> -> vector<4x128xf32>
    %concatenate3A_62 = tpu.concatenate %dot_general3A_13, %dot_general3A_29, %dot_general3A_45, %dot_general3A_61 in 0 : vector<1x128xf32>, vector<1x128xf32>, vector<1x128xf32>, vector<1x128xf32> -> vector<4x128xf32>
    %get3A_63 = arith.constant 0 : index
    %get3A_64 = arith.constant 0 : index
    %get3A_65 = vector.load %arg1[%get3A_63, %get3A_64] : memref<2048x128xf32, #tpu.memory_space<vmem>>, vector<2048x128xf32>
    %dot_general3A_66 = arith.constant dense<0.000000e+00> : vector<4x2048xf32>
    %dot_general3A_67 = tpu.matmul %concatenate3A, %get3A_65, %dot_general3A_66 {dimension_numbers = #tpu.dot_dimension_numbers<[1], [1], [0], [0], [0, 0, 1, 0], [], []>, transpose_lhs_hint = false} : vector<4x128xf32>, vector<2048x128xf32>, vector<4x2048xf32> -> vector<4x2048xf32>
    %swap3A = arith.constant 0 : index
    %swap3A_68 = arith.constant 0 : index
    %swap3A_69 = vector.load %arg6[%swap3A, %swap3A_68] : memref<8x2048xf32, #tpu.memory_space<vmem>>, vector<4x2048xf32>
    tpu.vector_store %arg6[%swap3A, %swap3A_68], %dot_general3A_67 {strides = array<i32>} : memref<8x2048xf32, #tpu.memory_space<vmem>>, vector<4x2048xf32>,
    %get3A_70 = arith.constant 0 : index
    %get3A_71 = arith.constant 0 : index
    %get3A_72 = vector.load %arg2[%get3A_70, %get3A_71] : memref<2048x128xf32, #tpu.memory_space<vmem>>, vector<2048x128xf32>
    %dot_general3A_73 = arith.constant dense<0.000000e+00> : vector<4x2048xf32>
    %dot_general3A_74 = tpu.matmul %concatenate3A_62, %get3A_72, %dot_general3A_73 {dimension_numbers = #tpu.dot_dimension_numbers<[1], [1], [0], [0], [0, 0, 1, 0], [], []>, transpose_lhs_hint = false} : vector<4x128xf32>, vector<2048x128xf32>, vector<4x2048xf32> -> vector<4x2048xf32>
    %swap3A_75 = arith.constant 4 : index
    %swap3A_76 = arith.constant 0 : index
    %swap3A_77 = vector.load %arg6[%swap3A_75, %swap3A_76] : memref<8x2048xf32, #tpu.memory_space<vmem>>, vector<4x2048xf32>
    tpu.vector_store %arg6[%swap3A_75, %swap3A_76], %dot_general3A_74 {strides = array<i32>} : memref<8x2048xf32, #tpu.memory_space<vmem>>, vector<4x2048xf32>,
    return
  }
  func.func @transform_0(%arg0: i32) -> (i32, i32) {
    %c0_i32 = arith.constant 0 : i32
    %c0_i32_0 = arith.constant 0 : i32
    return %arg0, %c0_i32 : i32, i32
  }
  func.func @transform_1(%arg0: i32) -> (i32, i32) {
    %c0_i32 = arith.constant 0 : i32
    %c0_i32_0 = arith.constant 0 : i32
    return %arg0, %c0_i32 : i32, i32
  }
  func.func @transform_2(%arg0: i32) -> (i32, i32) {
    %c0_i32 = arith.constant 0 : i32
    %c0_i32_0 = arith.constant 0 : i32
    %c0_i32_1 = arith.constant 0 : i32
    return %c0_i32, %c0_i32_0 : i32, i32
  }
  func.func @transform_3(%arg0: i32) -> (i32, i32) {
    %c0_i32 = arith.constant 0 : i32
    %c0_i32_0 = arith.constant 0 : i32
    %c0_i32_1 = arith.constant 0 : i32
    return %c0_i32, %c0_i32_0 : i32, i32
  }
  func.func @transform_4(%arg0: i32) -> (i32, i32) {
    %c0_i32 = arith.constant 0 : i32
    %c0_i32_0 = arith.constant 0 : i32
    %c0_i32_1 = arith.constant 0 : i32
    return %c0_i32, %c0_i32_0 : i32, i32
  }
  func.func @transform_5(%arg0: i32) -> (i32, i32) {
    %c0_i32 = arith.constant 0 : i32
    %c0_i32_0 = arith.constant 0 : i32
    return %c0_i32, %arg0 : i32, i32
  }
}

</mosaic_0001>

<sc_bundles>
// kernel: kernel.4.cloned.1.call-start
scs
__scs_entry_jumppad:
0x0: {  	(pc) =	sbr.rel $0x88, $3  }
0x1: {  	(tag) =	ssettag $0x0;
	lr =	simm.s32 $0x1  }
0x2: {  	[smem:$0x3F9B] =	sst lr;
	_ =	strace $0xD0000000  }
0x3: {  	_ = 	snop  }
0x4: {  	_ = 	snop  }
0x5: {  	_ = 	snop  }
0x6: {  	_ = 	snop  }
0x7: {  	_ = 	snop  }
__scs_overlays_trampoline_lowered:
0x8: {  	[smem:$0x3FAA] =	sst s0  }
0x9: {  	[smem:$0x3FAB] =	sst s1  }
0xa: {  	[smem:$0x3FAC] =	sst s2  }
0xb: {  	[smem:$0x3FAD] =	sst s3  }
0xc: {  	[smem:$0x3FAE] =	sst s4  }
0xd: {  	[smem:$0x3FAF] =	sst s5  }
0xe: {  	[smem:$0x3FB0] =	sst s6  }
0xf: {  	[smem:$0x3FB1] =	sst s7  }
0x10: {  	[smem:$0x3FB2] =	sst s8  }
0x11: {  	[smem:$0x3FB3] =	sst s9;
	s0 =	simm.s32 @!p0 $0x0  }
0x12: {  	s1 =	sld [smem:$0x3F99];
	s0 =	simm.s32 @p0 $0x1  }
0x13: {  	[smem:$0x3FB4] =	sst s0;
	s0 =	simm.s32 @!p1 $0x0  }
0x14: {  	s2 =	sld [smem:$0x3F98];
	s0 =	simm.s32 @p1 $0x1  }
0x15: {  	[smem:$0x3FB5] =	sst s0;
	s0 =	simm.s32 @!p2 $0x0  }
0x16: {  	s3 =	sld [smem:$0x3FDB];
	s0 =	simm.s32 @p2 $0x1  }
0x17: {  	s4 =	simm.s32 $0x1BF5;
	[smem:$0x3FB7] =	sst s0  }
0x18: {  	s0 =	sld [smem:$0x3F9A];
	_ =	swait.ge [sflag:s4], $0x0  }
0x19: {  	s7 =	sld [smem:$0x3F9B]  }
0x1a: {  	s8 =	sadd.s32 $0xFFFFE003, lr  }
0x1b: {  	s9 =	sadd.s32 $0xFFFFFEF7, lr;
	s5 =	simm.s32 $0xFFFFFFFF;
	p2 =	slt.u32 s8, $0xFFFFF086  }
0x1c: {  	p1 =	slt.u32 s9, $0xF7A;
	s5 =	simm.s32 @!p2 $0x0  }
0x1d: {  	s5 =	simm.s32 @p1 $0x1;
	p0 =	seq.s32 s7, s2  }
0x1e: {  	s7 =	smul.u32 @!p0 $0xF7A, s2;
	p2 =	seq.s32 @!p0 s5, $0x0  }
0x1f: {  	s9 =	smul.u32 $0xF7A, s1;
	s8 =	simm.s32 @!p0 $0x1BF5;
	p2 =	por !p2, p0  }
0x20: {  	[sflag:s8] =	ssyncset.s32 @!p0 $0xFFFFF086;
	s6 =	sadd.s32 @!p0 s3, s7;
	s7 =	simm.s32 @!p0 $0x108  }
0x21: {  	s3 =	sadd.s32 s3, s9;
	s6 =	sadd.s32 @!p0 $0x88, s6;
	s7 =	simm.s32 @p2 $0x1082  }
0x22: {  	[simem:s7], [sflag:s8] =	dma.local @!p0 [hbm:s6], $0xF7A  }
0x23: {  	s9 =	sor.u32 $0xD0000000, s2;
	s6 =	simm.s32 $0x108;
	_ =	swait.ge @!p0 [sflag:s8], $0x0  }
0x24: {  	s3 =	sadd.s32 $0x88, s3;
	s6 =	simm.s32 @!p1 $0x1082;
	[sflag:s4] =	ssyncset.s32 $0xFFFFF086  }
0x25: {  	[simem:s6], [sflag:s4] =	dma.local [hbm:s3], $0xF7A  }
0x26: {  	[smem:$0x3F9B] =	sst s1;
	(tag) =	ssettag s2;
	_ =	strace s9  }
0x27: {  	s1 =	sld [smem:$0x3FAB]  }
0x28: {  	s2 =	sld [smem:$0x3FAC]  }
0x29: {  	s4 =	sld [smem:$0x3FAE]  }
0x2a: {  	p0 =	seq.s32 s5, $0x0;
	s5 =	sld [smem:$0x3FAF]  }
0x2b: {  	s6 =	sld [smem:$0x3FB0]  }
0x2c: {  	s7 =	sld [smem:$0x3FB1]  }
0x2d: {  	s3 =	simm.s32 $0x108;
	s8 =	sld [smem:$0x3FB2]  }
0x2e: {  	s3 =	simm.s32 @!p0 $0x1082;
	s9 =	sld [smem:$0x3FB3]  }
0x2f: {  	lr =	sadd.s32 s0, s3;
	s0 =	sld [smem:$0x3FAA]  }
0x30: {  	s3 =	sld [smem:$0x3FAD]  }
0x31: {  	[smem:$0x3FB6] =	sst s10  }
0x32: {  	s10 =	sld [smem:$0x3FB4];
	_ =	sdelay $0x3  }
0x33: {  	p0 =	seq.s32 s10, $0x1;
	s10 =	sld [smem:$0x3FB6];
	_ =	sdelay $0x3  }
0x34: {  	[smem:$0x3FB6] =	sst s10  }
0x35: {  	s10 =	sld [smem:$0x3FB5];
	_ =	sdelay $0x3  }
0x36: {  	p1 =	seq.s32 s10, $0x1;
	s10 =	sld [smem:$0x3FB6];
	_ =	sdelay $0x3  }
0x37: {  	[smem:$0x3FB6] =	sst s10  }
0x38: {  	s10 =	sld [smem:$0x3FB7]  }
0x39: {  	_ = 	snop;
	(pc) =	sbr.ind lr, $3  }
0x3a: {  	_ = 	snop  }
0x3b: {  	_ = 	snop  }
0x3c: {  	p2 =	seq.s32 s10, $0x1;
	s10 =	sld [smem:$0x3FB6]  }
0x3d: {  	_ =	shalt  }
0x3e: {  	_ =	shalt  }
0x3f: {  	_ =	shalt  }
0x40: {  	_ =	shalt  }
0x41: {  	_ =	shalt  }
0x42: {  	_ =	shalt  }
0x43: {  	_ =	shalt  }
0x44: {  	_ =	shalt  }
0x45: {  	_ =	shalt  }
0x46: {  	_ =	shalt  }
0x47: {  	_ =	shalt  }
0x48: {  	_ =	shalt  }
0x49: {  	_ =	shalt  }
0x4a: {  	_ =	shalt  }
0x4b: {  	_ =	shalt  }
0x4c: {  	_ =	shalt  }
0x4d: {  	_ =	shalt  }
0x4e: {  	_ =	shalt  }
0x4f: {  	_ =	shalt  }
0x50: {  	_ =	shalt  }
0x51: {  	_ =	shalt  }
0x52: {  	_ =	shalt  }
0x53: {  	_ =	shalt  }
0x54: {  	_ =	shalt  }
0x55: {  	_ =	shalt  }
0x56: {  	_ =	shalt  }
0x57: {  	_ =	shalt  }
0x58: {  	_ =	shalt  }
0x59: {  	_ =	shalt  }
0x5a: {  	_ =	shalt  }
0x5b: {  	_ =	shalt  }
0x5c: {  	_ =	shalt  }
0x5d: {  	_ =	shalt  }
0x5e: {  	_ =	shalt  }
0x5f: {  	_ =	shalt  }
0x60: {  	_ =	shalt  }
0x61: {  	_ =	shalt  }
0x62: {  	_ =	shalt  }
0x63: {  	_ =	shalt  }
0x64: {  	_ =	shalt  }
0x65: {  	_ =	shalt  }
0x66: {  	_ =	shalt  }
0x67: {  	_ =	shalt  }
0x68: {  	_ =	shalt  }
0x69: {  	_ =	shalt  }
0x6a: {  	_ =	shalt  }
0x6b: {  	_ =	shalt  }
0x6c: {  	_ =	shalt  }
0x6d: {  	_ =	shalt  }
0x6e: {  	_ =	shalt  }
0x6f: {  	_ =	shalt  }
0x70: {  	_ =	shalt  }
0x71: {  	_ =	shalt  }
0x72: {  	_ =	shalt  }
0x73: {  	_ =	shalt  }
0x74: {  	_ =	shalt  }
0x75: {  	_ =	shalt  }
0x76: {  	_ =	shalt  }
0x77: {  	_ =	shalt  }
0x78: {  	_ =	shalt  }
0x79: {  	_ =	shalt  }
0x7a: {  	_ =	shalt  }
0x7b: {  	_ =	shalt  }
0x7c: {  	_ =	shalt  }
0x7d: {  	_ =	shalt  }
0x7e: {  	_ =	shalt  }
0x7f: {  	_ =	shalt  }
0x80: {  	_ =	shalt  }
0x81: {  	_ =	shalt  }
0x82: {  	_ =	shalt  }
0x83: {  	_ =	shalt  }
0x84: {  	_ =	shalt  }
0x85: {  	_ =	shalt  }
0x86: {  	_ =	shalt  }
0x87: {  	_ =	shalt  }
.Lfunc_end0:
.L_simem_size_0:
called_computation_lowered:
.L_overlay_start_0:
0x88: {  	s2 =	sld [smem:$0x3FD9]  }
0x89: {  	s3 =	sld [smem:$0x3FFE];
	_ =	sdelay $0x1  }
0x8a: {  	s1 =	srdreg.scid  }
0x8b: {  	s0 =	sand.u32 $0x1, s1  }
0x8c: {  	s17 =	sshll.u32 s0, $0xA;
	s2 =	sadd.s32 s3, s2  }
0x8d: {  	s2 =	sadd.s32 s2, s17  }
0x8e: {  	[smem:$0x3FC2] =	sst s2  }
0x8f: {  	_ = 	snop  }
0x90: {  	s2 =	sld [smem:$0x3FC7]  }
0x91: {  	s18 =	sld [smem:$0x3FD0];
	(tm) =	ssettm $0x1  }
0x92: {  	s4 =	sld [smem:$0x3FFB];
	_ =	sdelay $0x3  }
0x93: {  	_ =	strace s4  }
0x94: {  	s4 =	sld [smem:$0x3FFC];
	_ =	sdelay $0x3  }
0x95: {  	_ =	strace s4  }
0x96: {  	s4 =	sld [smem:$0x3FFD];
	_ =	sdelay $0x3  }
0x97: {  	_ =	strace s4  }
0x98: {  	_ =	strace $0x8FFFFFFF  }
0x99: {  	s19 =	sld [smem:$0x3FDB];
	_ =	sdelay $0x1  }
0x9a: {  	s5 =	simm.s32 $_scs_section_size  }
0x9b: {  	s6 =	simm.s32 $_size__tile_overlayer_lowered;
	s7 =	simm.s32 $_tile_overlayer_lowered  }
0x9c: {  	s22 =	simm.s32 $0x1BFF;
	s21 =	sshll.u32 s7, $0x1;
	s4 =	sadd.s32 s5, s19  }
0x9d: {  	s8 =	simm.s32 $0x0;
	s20 =	sshll.u32 s6, $0x1;
	s6 =	sadd.s32 s21, s4  }
0x9e: {  	[timem:s8], [sflag:s22] =	dma.local [hbm:s6], s20  }
0x9f: {  	_ =	swait.ge [sflag:s22], s20  }
0xa0: {  	s5 =	ssub.s32 $0x0, s20;
	[sflag:s22] =	ssyncset.done $0x0  }
0xa1: {  	[sflag:s22] =	ssyncadd.s32 s5;
	_ =	sdelay $0x1  }
0xa2: {  	s23 =	simm.s32 $0x1B8B  }
0xa3: {  	_ =	swait.ge [sflag:s23], $0x1  }
0xa4: {  	[sflag:s23] =	ssyncset.done $0x0  }
0xa5: {  	s25 =	simm.s32 $0x1B8E;
	s24 =	sld [smem:$0x3FFE];
	[sflag:s23] =	ssyncadd.s32 $0xFFFFFFFF  }
0xa6: {  	s26 =	simm.s32 $execute0_lowered;
	[smem:$0x3FD2] =	sst s25  }
0xa7: {  	s6 =	sshll.u32 s26, $0x1;
	_ =	strace $0x80000046;
	[dreg:$0x1] =	wrdreg $0xFFFFFFFF  }
0xa8: {  	s28 =	simm.s32 $_size_execute0_lowered;
	s4 =	sadd.s32 s4, s6;
	[dreg:$0x0] =	wrdreg $0x0  }
0xa9: {  	s6 =	sshll.u32 s28, $0x1;
	[dreg:$0x2] =	wrdreg s4  }
0xaa: {  	[dreg:$0x3] =	wrdreg s6  }
0xab: {  	[dreg:$0x4] =	wrdreg $0xC0  }
0xac: {  	_ =	task [dreg:s8], $0x5FFFF  }
0xad: {  	[dreg:$0x1] =	wrdreg $0xFFFFFFFF  }
0xae: {  	[dreg:$0x0] =	wrdreg $0x60  }
0xaf: {  	[dreg:$0x2] =	wrdreg s24  }
0xb0: {  	[dreg:$0x3] =	wrdreg s2  }
0xb1: {  	[dreg:$0x4] =	wrdreg s18  }
0xb2: {  	[dreg:$0x5] =	wrdreg $0x9  }
0xb3: {  	_ =	task.clear_ibuf [dreg:s8], $0x6FFFF;
	_ =	strace $0x90000046  }
0xb4: {  	s29 =	simm.s32 $0x9;
	_ =	strace $0x80000048  }
0xb5: {  	_ =	swait.ge [sflag:s29], $0x1  }
0xb6: {  	[sflag:s29] =	ssyncadd.s32 $0xFFFFFFFF  }
0xb7: {  	_ =	strace $0x90000048  }
0xb8: {  	_ =	sfence  }
0xb9: {  	s30 =	sld [smem:$0x0];
	_ =	sdelay $0x2  }
0xba: {  	s31 =	sshll.u32 s1, $0xD;
	s1 =	sshrl.u32 s1, $0x2  }
0xbb: {  	s3 =	sand.u32 $0x4000, s31;
	s1 =	sadd.s32 s1, s30  }
0xbc: {  	s0 =	sor.u32 s3, s0;
	s1 =	sshll.u32 s1, $0x11  }
0xbd: {  	s0 =	sor.u32 s1, s0  }
0xbe: {  	s0 =	sadd.s32 $0x8F2B, s0  }
0xbf: {  	[sflag:s0] =	ssyncadd.remote.s32 $0x1  }
0xc0: {  	_ =	sfence.sel $0xFFFF  }
0xc1: {  	[dreg:$0x0] =	wrdreg $0xFFFFFFFF;
	(pc) =	sbr.abs _section_cstart, $3  }
0xc2: {  	[dreg:$0x1] =	wrdreg $0xFFFFFFFF  }
0xc3: {  	_ =	task.clear_ibuf [dreg:s8], $0x2FFFF;
	_ =	strace $0x9FFFFFFF  }
0xc4: {  	(tm) =	ssettm $0x7FFFFFFF  }
0xc5: {  	_ =	shalt  }
tec
execute0_lowered:
.L_overlay_start_1:
0x0: {  	(tag) =	ssettag $0x1  }
0x1: {  	s0 =	rddreg [dreg:$0x0]  }
0x2: {  	s1 =	rddreg [dreg:$0x1]  }
0x3: {  	s3 =	rddreg [dreg:$0x2];
	s4 =	simm.s32 $0x0  }
0x4: {  	s2 =	srdreg.scid;
	s20 =	stileid.u32;
	s28 =	simm.s32 $0x1  }
0x5: {  	[smem:$0x7FF] =	sst s4;
	s2 =	sand.u32 $0x1, s2;
	s5 =	sshll.u32 s20, $0x1  }
0x6: {  	s0 =	sadd.s32 $0x1000, s0;
	s23 =	sadd.s32 $0x10, s1;
	p0 =	sgt.u32 s20, $0x1  }
0x7: {  	s31 =	sadd.s32 $0x340, s3;
	_ =	strace $0x80000047;
	s6 =	ssub.s32 $0x2, s2  }
0x8: {  	s5 =	sor.u32 s2, s5;
	s2 =	sshll.u32 s2, $0x7;
	s7 =	sshrl.u32 s6, $0x1  }
0x9: {  	s8 =	sshll.u32 s5, $0x7;
	s14 =	smul.u32 $0x4E, s5;
	s5 =	smin.u32 s5, $0x4  }
0xa: {  	s17 =	ssub.s32 s6, s7;
	s9 =	sand.u32 $0x380, s8;
	s10 =	sadd.s32 $0x80, s8  }
0xb: {  	s18 =	sadd.s32 $0x100, s8;
	s11 =	sadd.s32 $0x180, s8;
	s21 =	sadd.s32 $0x280, s8  }
0xc: {  	s13 =	sadd.s32 $0x300, s8;
	s8 =	sadd.s32 $0x380, s8;
	s15 =	sshrl.u32 s9, $0x3  }
0xd: {  	s5 =	sadd.s32 s5, s14;
	s16 =	sand.u32 $0x380, s10;
	s10 =	sand.u32 $0x380, s18  }
0xe: {  	s11 =	sand.u32 $0x380, s11;
	s12 =	sxor.u32 $0x200, s9;
	s13 =	sand.u32 $0x380, s13  }
0xf: {  	s8 =	sand.u32 $0x380, s8;
	s26 =	smax.u32 s17, $0x1;
	s6 =	sadd.s32 s0, s15  }
0x10: {  	s7 =	sshrl.u32 s16, $0x3;
	s10 =	sshrl.u32 s10, $0x3;
	s11 =	sshrl.u32 s11, $0x3  }
0x11: {  	[dreg:$0x4] =	wrdreg s12;
	s19 =	sshrl.u32 s12, $0x3;
	s12 =	sand.u32 $0x380, s21  }
0x12: {  	s13 =	sshrl.u32 s13, $0x3;
	s8 =	sshrl.u32 s8, $0x3;
	s22 =	sshll.u32 s5, $0x5  }
0x13: {  	s24 =	sadd.s32 $0x4E, s5;
	[dreg:$0x8] =	wrdreg s26;
	s7 =	sadd.s32 s0, s7  }
0x14: {  	s9 =	sadd.s32 s0, s10;
	s10 =	sadd.s32 s0, s11;
	s11 =	sadd.s32 s0, s19  }
0x15: {  	s12 =	sshrl.u32 s12, $0x3;
	s13 =	sadd.s32 s0, s13;
	s14 =	sadd.s32 s0, s8  }
0x16: {  	s15 =	sadd.s32 s1, s22;
	s16 =	sadd.s32 s22, s23;
	s18 =	sshll.u32 s24, $0x5  }
0x17: {  	s19 =	sshll.u32 s20, $0x8;
	s12 =	sadd.s32 s0, s12;
	s21 =	sadd.s32 s1, s18  }
0x18: {  	s0 =	sshll.u32 s24, $0x6;
	s2 =	sor.u32 s2, s19;
	s8 =	sadd.s32 s18, s23  }
0x19: {  	s29 =	sadd.s32 $0x1A0, s15;
	s30 =	sadd.s32 $0x1B0, s15;
	[dreg:$0x5] =	wrdreg s21  }
0x1a: {  	[dreg:$0x6] =	wrdreg s8;
	s0 =	sand.u32 $0x1FFFFFC0, s0;
	s25 =	sadd.s32 $0x80, s2  }
0x1b: {  	s18 =	sadd.s32 $0x100, s2;
	s19 =	sadd.s32 $0x180, s2;
	s24 =	sand.u32 $0x380, s2  }
0x1c: {  	s21 =	sadd.s32 $0x280, s2;
	s0 =	sadd.s32 s3, s0;
	[dreg:$0xd] =	wrdreg s24  }
0x1d: {  	s8 =	simm.s32 $0x2;
	s17 =	sand.u32 $0x380, s25;
	[dreg:$0x7] =	wrdreg s0  }
0x1e: {  	s22 =	sand.u32 $0x380, s19;
	s23 =	sand.u32 $0x380, s21;
	[dreg:$0x9] =	wrdreg s17  }
0x1f: {  	s25 =	sadd.s32 $0x300, s2;
	s2 =	sadd.s32 $0x380, s2;
	[dreg:$0xb] =	wrdreg s22  }
0x20: {  	s24 =	simm.s32 $0x15300;
	s0 =	sand.u32 $0x380, s18;
	[dreg:$0xc] =	wrdreg s23  }
0x21: {  	s26 =	sand.u32 $0x380, s2;
	s18 =	simm.s32 $0x0;
	[dreg:$0xa] =	wrdreg s0  }
0x22: {  	s0 =	sand.u32 $0x380, s25;
	[dreg:$0xf] =	wrdreg s26;
	s25 =	simm.s32 $0x15400  }
0x23: {  	s26 =	simm.s32 $0x15500;
	[dreg:$0xe] =	wrdreg s0;
	s0 =	simm.s32 $0x3  }
.LBB2_1:
0x24: {  	[dreg:$0x10] =	wrdreg s18  }
0x25: {  	s18 =	rddreg [dreg:$0xd]  }
0x26: {  	s2 =	simm.s32 $0x80;
	s19 =	sadd.s32 $0x0, s6;
	s17 =	sadd.s32 $0x400, s18  }
.LBB2_2:
0x27: {  	[tilespmem:s18], [sflag:$0x1] =	stream.linear.gather [hbm4b:s19+s4], $0x80, $0x38;
	[tilespmem:$0x18D00] =	vst v63  }
0x28: {  	s19 =	smov.u32 s2;
	s18 =	smov.u32 s17;
	p1 =	sne.s32 s2, $0x2700  }
.Ltmp0:
0x29: {  	s2 =	sadd.s32 $0x80, s2;
	(pc) =	sbr.rel @p1 .LBB2_2-.Ltmp0, $2  }
0x2a: {  	_ =	sdelay $0x2  }
0x2b: {  	s17 =	sadd.s32 $0x400, s17;
	s19 =	sadd.s32 s19, s6  }
0x2c: {  	[tilespmem:s18], [sflag:$0x1] =	stream.linear.gather [hbm4b:s19+s4], $0x80, $0x38;
	[tilespmem:$0x18D00] =	vst v63  }
0x2d: {  	s18 =	rddreg [dreg:$0x9]  }
0x2e: {  	s2 =	simm.s32 $0x80;
	s19 =	sadd.s32 $0x0, s7;
	s17 =	sadd.s32 $0x400, s18  }
.LBB2_4:
0x2f: {  	[tilespmem:s18], [sflag:$0x1] =	stream.linear.gather [hbm4b:s19+s4], $0x80, $0x38;
	[tilespmem:$0x18D00] =	vst v63  }
0x30: {  	s19 =	smov.u32 s2;
	s18 =	smov.u32 s17;
	p1 =	sne.s32 s2, $0x2700  }
.Ltmp1:
0x31: {  	s2 =	sadd.s32 $0x80, s2;
	(pc) =	sbr.rel @p1 .LBB2_4-.Ltmp1, $2  }
0x32: {  	_ =	sdelay $0x2  }
0x33: {  	s17 =	sadd.s32 $0x400, s17;
	s19 =	sadd.s32 s19, s7  }
0x34: {  	[tilespmem:s18], [sflag:$0x1] =	stream.linear.gather [hbm4b:s19+s4], $0x80, $0x38;
	[tilespmem:$0x18D00] =	vst v63  }
0x35: {  	s18 =	rddreg [dreg:$0xa]  }
0x36: {  	s2 =	simm.s32 $0x80;
	s19 =	sadd.s32 $0x0, s9;
	s17 =	sadd.s32 $0x400, s18  }
.LBB2_6:
0x37: {  	[tilespmem:s18], [sflag:$0x1] =	stream.linear.gather [hbm4b:s19+s4], $0x80, $0x38;
	[tilespmem:$0x18D00] =	vst v63  }
0x38: {  	s19 =	smov.u32 s2;
	s18 =	smov.u32 s17;
	p1 =	sne.s32 s2, $0x2700  }
.Ltmp2:
0x39: {  	s2 =	sadd.s32 $0x80, s2;
	(pc) =	sbr.rel @p1 .LBB2_6-.Ltmp2, $2  }
0x3a: {  	_ =	sdelay $0x2  }
0x3b: {  	s17 =	sadd.s32 $0x400, s17;
	s19 =	sadd.s32 s19, s9  }
0x3c: {  	[tilespmem:s18], [sflag:$0x1] =	stream.linear.gather [hbm4b:s19+s4], $0x80, $0x38;
	[tilespmem:$0x18D00] =	vst v63  }
0x3d: {  	s18 =	rddreg [dreg:$0xb]  }
0x3e: {  	s2 =	simm.s32 $0x80;
	s19 =	sadd.s32 $0x0, s10;
	s17 =	sadd.s32 $0x400, s18  }
.LBB2_8:
0x3f: {  	[tilespmem:s18], [sflag:$0x1] =	stream.linear.gather [hbm4b:s19+s4], $0x80, $0x38;
	[tilespmem:$0x18D00] =	vst v63  }
0x40: {  	s19 =	smov.u32 s2;
	s18 =	smov.u32 s17;
	p1 =	sne.s32 s2, $0x2700  }
.Ltmp3:
0x41: {  	s2 =	sadd.s32 $0x80, s2;
	(pc) =	sbr.rel @p1 .LBB2_8-.Ltmp3, $2  }
0x42: {  	_ =	sdelay $0x2  }
0x43: {  	s17 =	sadd.s32 $0x400, s17;
	s19 =	sadd.s32 s19, s10  }
0x44: {  	[tilespmem:s18], [sflag:$0x1] =	stream.linear.gather [hbm4b:s19+s4], $0x80, $0x38;
	[tilespmem:$0x18D00] =	vst v63  }
0x45: {  	s18 =	rddreg [dreg:$0x4]  }
0x46: {  	s2 =	simm.s32 $0x80;
	s19 =	sadd.s32 $0x0, s11;
	s17 =	sadd.s32 $0x400, s18  }
.LBB2_10:
0x47: {  	[tilespmem:s18], [sflag:$0x1] =	stream.linear.gather [hbm4b:s19+s4], $0x80, $0x38;
	[tilespmem:$0x18D00] =	vst v63  }
0x48: {  	s19 =	smov.u32 s2;
	s18 =	smov.u32 s17;
	p1 =	sne.s32 s2, $0x2700  }
.Ltmp4:
0x49: {  	s2 =	sadd.s32 $0x80, s2;
	(pc) =	sbr.rel @p1 .LBB2_10-.Ltmp4, $2  }
0x4a: {  	_ =	sdelay $0x2  }
0x4b: {  	s17 =	sadd.s32 $0x400, s17;
	s19 =	sadd.s32 s19, s11  }
0x4c: {  	[tilespmem:s18], [sflag:$0x1] =	stream.linear.gather [hbm4b:s19+s4], $0x80, $0x38;
	[tilespmem:$0x18D00] =	vst v63  }
0x4d: {  	s18 =	rddreg [dreg:$0xc]  }
0x4e: {  	s2 =	simm.s32 $0x80;
	s19 =	sadd.s32 $0x0, s12;
	s17 =	sadd.s32 $0x400, s18  }
.LBB2_12:
0x4f: {  	[tilespmem:s18], [sflag:$0x1] =	stream.linear.gather [hbm4b:s19+s4], $0x80, $0x38;
	[tilespmem:$0x18D00] =	vst v63  }
0x50: {  	s19 =	smov.u32 s2;
	s18 =	smov.u32 s17;
	p1 =	sne.s32 s2, $0x2700  }
.Ltmp5:
0x51: {  	s2 =	sadd.s32 $0x80, s2;
	(pc) =	sbr.rel @p1 .LBB2_12-.Ltmp5, $2  }
0x52: {  	_ =	sdelay $0x2  }
0x53: {  	s17 =	sadd.s32 $0x400, s17;
	s19 =	sadd.s32 s19, s12  }
0x54: {  	[tilespmem:s18], [sflag:$0x1] =	stream.linear.gather [hbm4b:s19+s4], $0x80, $0x38;
	[tilespmem:$0x18D00] =	vst v63  }
0x55: {  	s18 =	rddreg [dreg:$0xe]  }
0x56: {  	s2 =	simm.s32 $0x80;
	s19 =	sadd.s32 $0x0, s13;
	s17 =	sadd.s32 $0x400, s18  }
.LBB2_14:
0x57: {  	[tilespmem:s18], [sflag:$0x1] =	stream.linear.gather [hbm4b:s19+s4], $0x80, $0x38;
	[tilespmem:$0x18D00] =	vst v63  }
0x58: {  	s19 =	smov.u32 s2;
	s18 =	smov.u32 s17;
	p1 =	sne.s32 s2, $0x2700  }
.Ltmp6:
0x59: {  	s2 =	sadd.s32 $0x80, s2;
	(pc) =	sbr.rel @p1 .LBB2_14-.Ltmp6, $2  }
0x5a: {  	_ =	sdelay $0x2  }
0x5b: {  	s17 =	sadd.s32 $0x400, s17;
	s19 =	sadd.s32 s19, s13  }
0x5c: {  	[tilespmem:s18], [sflag:$0x1] =	stream.linear.gather [hbm4b:s19+s4], $0x80, $0x38;
	[tilespmem:$0x18D00] =	vst v63  }
0x5d: {  	s18 =	rddreg [dreg:$0xf]  }
0x5e: {  	s2 =	simm.s32 $0x80;
	s19 =	sadd.s32 $0x0, s14;
	s17 =	sadd.s32 $0x400, s18  }
.LBB2_16:
0x5f: {  	[tilespmem:s18], [sflag:$0x1] =	stream.linear.gather [hbm4b:s19+s4], $0x80, $0x38;
	[tilespmem:$0x18D00] =	vst v63  }
0x60: {  	s19 =	smov.u32 s2;
	s18 =	smov.u32 s17;
	p1 =	sne.s32 s2, $0x2700  }
.Ltmp7:
0x61: {  	s2 =	sadd.s32 $0x80, s2;
	(pc) =	sbr.rel @p1 .LBB2_16-.Ltmp7, $2  }
0x62: {  	_ =	sdelay $0x2  }
0x63: {  	s17 =	sadd.s32 $0x400, s17;
	s19 =	sadd.s32 s19, s14  }
0x64: {  	[tilespmem:s18], [sflag:$0x1] =	stream.linear.gather [hbm4b:s19+s4], $0x80, $0x38;
	[tilespmem:$0x18D00] =	vst v63  }
0x65: {  	s2 =	simm.s32 $0x13C00  }
0x66: {  	[tilespmem:s2], [sflag:$0x2] =	stream.linear.gather [hbm4b:s15+s4], $0x80, $0x38;
	[tilespmem:$0x18D00] =	vst v63  }
0x67: {  	s23 =	sadd.s32 $0x20, s15;
	s17 =	simm.s32 $0x13D00  }
0x68: {  	[tilespmem:s17], [sflag:$0x2] =	stream.linear.gather [hbm4b:s23+s4], $0x80, $0x38;
	[tilespmem:$0x18D00] =	vst v63  }
0x69: {  	s18 =	sadd.s32 $0x40, s15;
	s19 =	simm.s32 $0x13E00  }
0x6a: {  	[tilespmem:s19], [sflag:$0x2] =	stream.linear.gather [hbm4b:s18+s4], $0x80, $0x38;
	[tilespmem:$0x18D00] =	vst v63  }
0x6b: {  	s20 =	sadd.s32 $0x60, s15;
	s21 =	simm.s32 $0x13F00  }
0x6c: {  	[tilespmem:s21], [sflag:$0x2] =	stream.linear.gather [hbm4b:s20+s4], $0x80, $0x38;
	[tilespmem:$0x18D00] =	vst v63  }
0x6d: {  	s22 =	sadd.s32 $0x80, s15;
	s23 =	simm.s32 $0x14000  }
0x6e: {  	[tilespmem:s23], [sflag:$0x2] =	stream.linear.gather [hbm4b:s22+s4], $0x80, $0x38;
	[tilespmem:$0x18D00] =	vst v63  }
0x6f: {  	s18 =	sadd.s32 $0xA0, s15;
	s19 =	simm.s32 $0x14100  }
0x70: {  	[tilespmem:s19], [sflag:$0x2] =	stream.linear.gather [hbm4b:s18+s4], $0x80, $0x38;
	[tilespmem:$0x18D00] =	vst v63  }
0x71: {  	s20 =	sadd.s32 $0xC0, s15;
	s21 =	simm.s32 $0x14200  }
0x72: {  	[tilespmem:s21], [sflag:$0x2] =	stream.linear.gather [hbm4b:s20+s4], $0x80, $0x38;
	[tilespmem:$0x18D00] =	vst v63  }
0x73: {  	s22 =	sadd.s32 $0xE0, s15;
	s23 =	simm.s32 $0x14300  }
0x74: {  	[tilespmem:s23], [sflag:$0x2] =	stream.linear.gather [hbm4b:s22+s4], $0x80, $0x38;
	[tilespmem:$0x18D00] =	vst v63  }
0x75: {  	s18 =	sadd.s32 $0x100, s15;
	s19 =	simm.s32 $0x14400  }
0x76: {  	[tilespmem:s19], [sflag:$0x2] =	stream.linear.gather [hbm4b:s18+s4], $0x80, $0x38;
	[tilespmem:$0x18D00] =	vst v63  }
0x77: {  	s20 =	sadd.s32 $0x120, s15;
	s21 =	simm.s32 $0x14500  }
0x78: {  	[tilespmem:s21], [sflag:$0x2] =	stream.linear.gather [hbm4b:s20+s4], $0x80, $0x38;
	[tilespmem:$0x18D00] =	vst v63  }
0x79: {  	s22 =	sadd.s32 $0x140, s15;
	s23 =	simm.s32 $0x14600  }
0x7a: {  	[tilespmem:s23], [sflag:$0x2] =	stream.linear.gather [hbm4b:s22+s4], $0x80, $0x38;
	[tilespmem:$0x18D00] =	vst v63  }
0x7b: {  	s17 =	sadd.s32 $0x160, s15;
	s18 =	simm.s32 $0x14700  }
0x7c: {  	[tilespmem:s18], [sflag:$0x2] =	stream.linear.gather [hbm4b:s17+s4], $0x80, $0x38;
	[tilespmem:$0x18D00] =	vst v63  }
0x7d: {  	s19 =	sadd.s32 $0x180, s15;
	s20 =	simm.s32 $0x14800  }
0x7e: {  	[tilespmem:s20], [sflag:$0x2] =	stream.linear.gather [hbm4b:s19+s4], $0x80, $0x38;
	[tilespmem:$0x18D00] =	vst v63  }
0x7f: {  	s21 =	simm.s32 $0x14900  }
0x80: {  	[tilespmem:s21], [sflag:$0x2] =	stream.linear.gather [hbm4b:s16+s4], $0x80, $0x38;
	[tilespmem:$0x18D00] =	vst v63  }
0x81: {  	s22 =	sadd.s32 $0x20, s16;
	s23 =	simm.s32 $0x14A00  }
0x82: {  	[tilespmem:s23], [sflag:$0x2] =	stream.linear.gather [hbm4b:s22+s4], $0x80, $0x38;
	[tilespmem:$0x18D00] =	vst v63  }
0x83: {  	s18 =	sadd.s32 $0x40, s16;
	s19 =	simm.s32 $0x14B00  }
0x84: {  	[tilespmem:s19], [sflag:$0x2] =	stream.linear.gather [hbm4b:s18+s4], $0x80, $0x38;
	[tilespmem:$0x18D00] =	vst v63  }
0x85: {  	s20 =	sadd.s32 $0x60, s16;
	s21 =	simm.s32 $0x14C00  }
0x86: {  	[tilespmem:s21], [sflag:$0x2] =	stream.linear.gather [hbm4b:s20+s4], $0x80, $0x38;
	[tilespmem:$0x18D00] =	vst v63  }
0x87: {  	s22 =	sadd.s32 $0x80, s16;
	s23 =	simm.s32 $0x14D00  }
0x88: {  	[tilespmem:s23], [sflag:$0x2] =	stream.linear.gather [hbm4b:s22+s4], $0x80, $0x38;
	[tilespmem:$0x18D00] =	vst v63  }
0x89: {  	s18 =	sadd.s32 $0xA0, s16;
	s19 =	simm.s32 $0x14E00  }
0x8a: {  	[tilespmem:s19], [sflag:$0x2] =	stream.linear.gather [hbm4b:s18+s4], $0x80, $0x38;
	[tilespmem:$0x18D00] =	vst v63  }
0x8b: {  	s20 =	sadd.s32 $0xC0, s16;
	s21 =	simm.s32 $0x14F00  }
0x8c: {  	[tilespmem:s21], [sflag:$0x2] =	stream.linear.gather [hbm4b:s20+s4], $0x80, $0x38;
	[tilespmem:$0x18D00] =	vst v63  }
0x8d: {  	s22 =	sadd.s32 $0xE0, s16;
	s23 =	simm.s32 $0x15000  }
0x8e: {  	[tilespmem:s23], [sflag:$0x2] =	stream.linear.gather [hbm4b:s22+s4], $0x80, $0x38;
	[tilespmem:$0x18D00] =	vst v63  }
0x8f: {  	s17 =	sadd.s32 $0x100, s16;
	s18 =	simm.s32 $0x15100  }
0x90: {  	[tilespmem:s18], [sflag:$0x2] =	stream.linear.gather [hbm4b:s17+s4], $0x80, $0x38;
	[tilespmem:$0x18D00] =	vst v63  }
0x91: {  	s19 =	sadd.s32 $0x120, s16;
	s20 =	simm.s32 $0x15200  }
0x92: {  	[tilespmem:s20], [sflag:$0x2] =	stream.linear.gather [hbm4b:s19+s4], $0x80, $0x38;
	[tilespmem:$0x18D00] =	vst v63  }
0x93: {  	s21 =	sadd.s32 $0x140, s16  }
0x94: {  	[tilespmem:s24], [sflag:$0x2] =	stream.linear.gather [hbm4b:s21+s4], $0x80, $0x38;
	[tilespmem:$0x18D00] =	vst v63  }
0x95: {  	s22 =	sadd.s32 $0x160, s16  }
0x96: {  	[tilespmem:s25], [sflag:$0x2] =	stream.linear.gather [hbm4b:s22+s4], $0x80, $0x38;
	[tilespmem:$0x18D00] =	vst v63  }
0x97: {  	s23 =	sadd.s32 $0x180, s16  }
0x98: {  	[tilespmem:s26], [sflag:$0x2] =	stream.linear.gather [hbm4b:s23+s4], $0x80, $0x38;
	[tilespmem:$0x18D00] =	vst v63  }
0x99: {  	s17 =	simm.s32 $0x13C80  }
0x9a: {  	[tilespmem:s17], [sflag:$0x3] =	stream.linear.gather [hbm4b:s29+s4], $0x80, $0x38;
	[tilespmem:$0x18D00] =	vst v63  }
0x9b: {  	s18 =	sadd.s32 $0x20, s29;
	s19 =	simm.s32 $0x13D80  }
0x9c: {  	[tilespmem:s19], [sflag:$0x3] =	stream.linear.gather [hbm4b:s18+s4], $0x80, $0x38;
	[tilespmem:$0x18D00] =	vst v63  }
0x9d: {  	s20 =	sadd.s32 $0x40, s29;
	s21 =	simm.s32 $0x13E80  }
0x9e: {  	[tilespmem:s21], [sflag:$0x3] =	stream.linear.gather [hbm4b:s20+s4], $0x80, $0x38;
	[tilespmem:$0x18D00] =	vst v63  }
0x9f: {  	s22 =	sadd.s32 $0x60, s29;
	s23 =	simm.s32 $0x13F80  }
0xa0: {  	[tilespmem:s23], [sflag:$0x3] =	stream.linear.gather [hbm4b:s22+s4], $0x80, $0x38;
	[tilespmem:$0x18D00] =	vst v63  }
0xa1: {  	s18 =	sadd.s32 $0x80, s29;
	s19 =	simm.s32 $0x14080  }
0xa2: {  	[tilespmem:s19], [sflag:$0x3] =	stream.linear.gather [hbm4b:s18+s4], $0x80, $0x38;
	[tilespmem:$0x18D00] =	vst v63  }
0xa3: {  	s20 =	sadd.s32 $0xA0, s29;
	s21 =	simm.s32 $0x14180  }
0xa4: {  	[tilespmem:s21], [sflag:$0x3] =	stream.linear.gather [hbm4b:s20+s4], $0x80, $0x38;
	[tilespmem:$0x18D00] =	vst v63  }
0xa5: {  	s22 =	sadd.s32 $0xC0, s29;
	s23 =	simm.s32 $0x14280  }
0xa6: {  	[tilespmem:s23], [sflag:$0x3] =	stream.linear.gather [hbm4b:s22+s4], $0x80, $0x38;
	[tilespmem:$0x18D00] =	vst v63  }
0xa7: {  	s18 =	sadd.s32 $0xE0, s29;
	s19 =	simm.s32 $0x14380  }
0xa8: {  	[tilespmem:s19], [sflag:$0x3] =	stream.linear.gather [hbm4b:s18+s4], $0x80, $0x38;
	[tilespmem:$0x18D00] =	vst v63  }
0xa9: {  	s20 =	sadd.s32 $0x100, s29;
	s21 =	simm.s32 $0x14480  }
0xaa: {  	[tilespmem:s21], [sflag:$0x3] =	stream.linear.gather [hbm4b:s20+s4], $0x80, $0x38;
	[tilespmem:$0x18D00] =	vst v63  }
0xab: {  	s22 =	sadd.s32 $0x120, s29;
	s23 =	simm.s32 $0x14580  }
0xac: {  	[tilespmem:s23], [sflag:$0x3] =	stream.linear.gather [hbm4b:s22+s4], $0x80, $0x38;
	[tilespmem:$0x18D00] =	vst v63  }
0xad: {  	s18 =	sadd.s32 $0x140, s29;
	s19 =	simm.s32 $0x14680  }
0xae: {  	[tilespmem:s19], [sflag:$0x3] =	stream.linear.gather [hbm4b:s18+s4], $0x80, $0x38;
	[tilespmem:$0x18D00] =	vst v63  }
0xaf: {  	s20 =	sadd.s32 $0x160, s29;
	s21 =	simm.s32 $0x14780  }
0xb0: {  	[tilespmem:s21], [sflag:$0x3] =	stream.linear.gather [hbm4b:s20+s4], $0x80, $0x38;
	[tilespmem:$0x18D00] =	vst v63  }
0xb1: {  	s22 =	sadd.s32 $0x180, s29;
	s23 =	simm.s32 $0x14880  }
0xb2: {  	[tilespmem:s23], [sflag:$0x3] =	stream.linear.gather [hbm4b:s22+s4], $0x80, $0x38;
	[tilespmem:$0x18D00] =	vst v63  }
0xb3: {  	s17 =	simm.s32 $0x14980  }
0xb4: {  	[tilespmem:s17], [sflag:$0x3] =	stream.linear.gather [hbm4b:s30+s4], $0x80, $0x38;
	[tilespmem:$0x18D00] =	vst v63  }
0xb5: {  	s18 =	sadd.s32 $0x20, s30;
	s19 =	simm.s32 $0x14A80  }
0xb6: {  	[tilespmem:s19], [sflag:$0x3] =	stream.linear.gather [hbm4b:s18+s4], $0x80, $0x38;
	[tilespmem:$0x18D00] =	vst v63  }
0xb7: {  	s20 =	sadd.s32 $0x40, s30;
	s21 =	simm.s32 $0x14B80  }
0xb8: {  	[tilespmem:s21], [sflag:$0x3] =	stream.linear.gather [hbm4b:s20+s4], $0x80, $0x38;
	[tilespmem:$0x18D00] =	vst v63  }
0xb9: {  	s22 =	sadd.s32 $0x60, s30;
	s23 =	simm.s32 $0x14C80  }
0xba: {  	[tilespmem:s23], [sflag:$0x3] =	stream.linear.gather [hbm4b:s22+s4], $0x80, $0x38;
	[tilespmem:$0x18D00] =	vst v63  }
0xbb: {  	s18 =	sadd.s32 $0x80, s30;
	s19 =	simm.s32 $0x14D80  }
0xbc: {  	[tilespmem:s19], [sflag:$0x3] =	stream.linear.gather [hbm4b:s18+s4], $0x80, $0x38;
	[tilespmem:$0x18D00] =	vst v63  }
0xbd: {  	s20 =	sadd.s32 $0xA0, s30;
	s21 =	simm.s32 $0x14E80  }
0xbe: {  	[tilespmem:s21], [sflag:$0x3] =	stream.linear.gather [hbm4b:s20+s4], $0x80, $0x38;
	[tilespmem:$0x18D00] =	vst v63  }
0xbf: {  	s22 =	sadd.s32 $0xC0, s30;
	s23 =	simm.s32 $0x14F80  }
0xc0: {  	[tilespmem:s23], [sflag:$0x3] =	stream.linear.gather [hbm4b:s22+s4], $0x80, $0x38;
	[tilespmem:$0x18D00] =	vst v63  }
0xc1: {  	s18 =	sadd.s32 $0xE0, s30;
	s19 =	simm.s32 $0x15080  }
0xc2: {  	[tilespmem:s19], [sflag:$0x3] =	stream.linear.gather [hbm4b:s18+s4], $0x80, $0x38;
	[tilespmem:$0x18D00] =	vst v63  }
0xc3: {  	s20 =	sadd.s32 $0x100, s30;
	s21 =	simm.s32 $0x15180  }
0xc4: {  	[tilespmem:s21], [sflag:$0x3] =	stream.linear.gather [hbm4b:s20+s4], $0x80, $0x38;
	[tilespmem:$0x18D00] =	vst v63  }
0xc5: {  	s22 =	sadd.s32 $0x120, s30;
	s23 =	simm.s32 $0x15280  }
0xc6: {  	[tilespmem:s23], [sflag:$0x3] =	stream.linear.gather [hbm4b:s22+s4], $0x80, $0x38;
	[tilespmem:$0x18D00] =	vst v63  }
0xc7: {  	s18 =	sadd.s32 $0x140, s30;
	s19 =	simm.s32 $0x15380  }
0xc8: {  	[tilespmem:s19], [sflag:$0x3] =	stream.linear.gather [hbm4b:s18+s4], $0x80, $0x38;
	[tilespmem:$0x18D00] =	vst v63  }
0xc9: {  	s20 =	sadd.s32 $0x160, s30;
	s21 =	simm.s32 $0x15480  }
0xca: {  	[tilespmem:s21], [sflag:$0x3] =	stream.linear.gather [hbm4b:s20+s4], $0x80, $0x38;
	[tilespmem:$0x18D00] =	vst v63  }
0xcb: {  	s22 =	sadd.s32 $0x180, s30;
	s23 =	simm.s32 $0x15580  }
0xcc: {  	[tilespmem:s23], [sflag:$0x3] =	stream.linear.gather [hbm4b:s22+s4], $0x80, $0x38;
	[tilespmem:$0x18D00] =	vst v63  }
0xcd: {  	s2 =	simm.s32 @!p0 $0x0;
	s17 =	simm.s32 @!p0 $0x18A00;
	s18 =	rddreg [dreg:$0x5]  }
0xce: {  	[tilespmem:s17], [sflag:$0x6] =	stream.linear.gather @!p0 [hbm4b:s18+s2], $0x80, $0x38;
	[tilespmem:$0x18D00] =	vst v63  }
0xcf: {  	s17 =	simm.s32 @!p0 $0x18A80;
	s18 =	rddreg [dreg:$0x6]  }
0xd0: {  	[tilespmem:s17], [sflag:$0x6] =	stream.linear.gather @!p0 [hbm4b:s18+s2], $0x80, $0x38;
	[tilespmem:$0x18D00] =	vst v63  }
0xd1: {  	_ =	swait.ge [sflag:s28], $0x2780  }
0xd2: {  	[sflag:s28] =	ssyncset.done $0x0  }
0xd3: {  	[sflag:s28] =	ssyncadd.s32 $0xFFFFD880  }
0xd4: {  	_ =	swait.ge [sflag:s28], $0x2780  }
0xd5: {  	[sflag:s28] =	ssyncset.done $0x0  }
0xd6: {  	[sflag:s28] =	ssyncadd.s32 $0xFFFFD880  }
0xd7: {  	_ =	swait.ge [sflag:s28], $0x2780  }
0xd8: {  	[sflag:s28] =	ssyncset.done $0x0  }
0xd9: {  	[sflag:s28] =	ssyncadd.s32 $0xFFFFD880  }
0xda: {  	_ =	swait.ge [sflag:s28], $0x2780  }
0xdb: {  	[sflag:s28] =	ssyncset.done $0x0  }
0xdc: {  	[sflag:s28] =	ssyncadd.s32 $0xFFFFD880  }
0xdd: {  	_ =	swait.ge [sflag:s28], $0x2780  }
0xde: {  	[sflag:s28] =	ssyncset.done $0x0  }
0xdf: {  	[sflag:s28] =	ssyncadd.s32 $0xFFFFD880  }
0xe0: {  	_ =	swait.ge [sflag:s28], $0x2780  }
0xe1: {  	[sflag:s28] =	ssyncset.done $0x0  }
0xe2: {  	[sflag:s28] =	ssyncadd.s32 $0xFFFFD880  }
0xe3: {  	_ =	swait.ge [sflag:s28], $0x2780  }
.Ltmp8:
0xe4: {  	[sflag:s28] =	ssyncset.done $0x0;
	(pc) =	sbr.rel @p0 .LBB2_19-.Ltmp8, $4  }
0xe5: {  	[sflag:s28] =	ssyncadd.s32 $0xFFFFD880  }
0xe6: {  	_ =	swait.ge [sflag:s28], $0x2780  }
0xe7: {  	[sflag:s28] =	ssyncset.done $0x0  }
0xe8: {  	[sflag:s28] =	ssyncadd.s32 $0xFFFFD880  }
0xe9: {  	s2 =	simm.s32 $0x6  }
0xea: {  	_ =	swait.ge [sflag:s2], $0x80  }
0xeb: {  	[sflag:s2] =	ssyncset.done $0x0  }
0xec: {  	[sflag:s2] =	ssyncadd.s32 $0xFFFFFF80  }
0xed: {  	_ =	swait.ge [sflag:s2], $0x80  }
0xee: {  	[sflag:s2] =	ssyncset.done $0x0  }
0xef: {  	[sflag:s2] =	ssyncadd.s32 $0xFFFFFF80  }
0xf0: {  	v0 =	vld [tilespmem:$0x18A00]  }
0xf1: {  	v1 =	vld [tilespmem:$0x18A80]  }
0xf2: {  	v5 =	vld [tilespmem:$0x18A10]  }
0xf3: {  	v7 =	vld [tilespmem:$0x18A90]  }
0xf4: {  	v14 =	vld [tilespmem:$0x18A20]  }
0xf5: {  	v16 =	vld [tilespmem:$0x18AA0]  }
0xf6: {  	v23 =	vld [tilespmem:$0x18A30]  }
0xf7: {  	v25 =	vld [tilespmem:$0x18AB0];
	v2 =	vand.u32 $0x7F, v0;
	v0 =	vshll.u32 v0, $0x3;
	v3 =	vshll.u32 v1, $0x3  }
0xf8: {  	v30 =	vld [tilespmem:$0x18A40];
	v1 =	vand.u32 $0x7F, v1;
	v0 =	vand.u32 $0xFFFFFC00, v0;
	v3 =	vand.u32 $0xFFFFFC00, v3  }
0xf9: {  	v32 =	vld [tilespmem:$0x18AC0];
	v2 =	vor.u32 v2, v0;
	v3 =	vor.u32 v1, v3  }
0xfa: {  	v61 =	vld [tilespmem:$0x18A70];
	v39 =	vand.u32 $0x7F, v14;
	v14 =	vshll.u32 v14, $0x3;
	v1 =	vor.u32 $0x200, v3  }
0xfb: {  	v62 =	vld [tilespmem:$0x18AF0];
	v41 =	vand.u32 $0xFFFFFC00, v14;
	v4 =	vor.u32 $0x80, v2  }
0xfc: {  	v21 =	vor.u32 v39, v41;
	v39 =	vld [tilespmem:$0x18A50];
	v6 =	vor.u32 $0x280, v3  }
0xfd: {  	v36 =	vand.u32 $0x7F, v5;
	v41 =	vld [tilespmem:$0x18AD0];
	v8 =	vor.u32 $0x100, v2  }
0xfe: {  	v5 =	vshll.u32 v5, $0x3;
	v12 =	vshll.u32 v7, $0x3;
	v9 =	vor.u32 $0x300, v3;
	v0 =	vld.idx.msk [tilespmem:v2+s4+$0x0], $0xffff  }
0xff: {  	v7 =	vand.u32 $0x7F, v7;
	v12 =	vand.u32 $0xFFFFFC00, v12;
	v10 =	vor.u32 $0x180, v2;
	v1 =	vld.idx.msk [tilespmem:v1+s4+$0x0], $0xffff  }
0x100: {  	v44 =	vand.u32 $0x7F, v23;
	v12 =	vor.u32 v7, v12;
	v11 =	vor.u32 $0x380, v3;
	v2 =	vld.idx.msk [tilespmem:v4+s4+$0x0], $0xffff  }
0x101: {  	v45 =	vshll.u32 v23, $0x3;
	v46 =	vshll.u32 v25, $0x3;
	v38 =	vor.u32 $0x200, v12;
	v3 =	vld.idx.msk [tilespmem:v6+s4+$0x0], $0xffff  }
0x102: {  	v25 =	vand.u32 $0x7F, v25;
	v23 =	vand.u32 $0xFFFFFC00, v46;
	v15 =	vor.u32 $0x280, v12;
	v4 =	vld.idx.msk [tilespmem:v8+s4+$0x0], $0xffff  }
0x103: {  	v37 =	vand.u32 $0xFFFFFC00, v5;
	v47 =	vor.u32 v25, v23;
	v18 =	vor.u32 $0x300, v12;
	v5 =	vld.idx.msk [tilespmem:v9+s4+$0x0], $0xffff  }
0x104: {  	v34 =	vor.u32 $0x300, v47;
	v6 =	vld.idx.msk [tilespmem:v10+s4+$0x0], $0xffff  }
0x105: {  	v9 =	vld.idx.msk [tilespmem:v11+s4+$0x0], $0xffff  }
0x106: {  	v10 =	vld.idx.msk [tilespmem:v38+s4+$0x0], $0xffff  }
0x107: {  	v40 =	vshll.u32 v16, $0x3;
	v16 =	vand.u32 $0x7F, v16;
	v11 =	vld.idx.msk [tilespmem:v15+s4+$0x0], $0xffff  }
0x108: {  	v49 =	vand.u32 $0x7F, v30;
	v30 =	vshll.u32 v30, $0x3;
	v8 =	vor.u32 v36, v37;
	v14 =	vld.idx.msk [tilespmem:v18+s4+$0x0], $0xffff  }
0x109: {  	v51 =	vand.u32 $0xFFFFFC00, v30;
	v48 =	vor.u32 $0x200, v47;
	v30 =	vld.idx.msk [tilespmem:v34+s4+$0x0], $0xffff;
	v13 =	vor.u32 $0x80, v8  }
0x10a: {  	v31 =	vor.u32 $0x280, v47;
	v36 =	vor.u32 $0x380, v47;
	v47 =	vld [tilespmem:$0x18A60];
	v17 =	vor.u32 $0x100, v8  }
0x10b: {  	v15 =	vand.u32 $0xFFFFFC00, v40;
	v37 =	vor.u32 v49, v51;
	v49 =	vld [tilespmem:$0x18AE0];
	v19 =	vor.u32 $0x180, v8  }
0x10c: {  	v20 =	vor.u32 $0x380, v12;
	v22 =	vor.u32 v16, v15;
	v15 =	vld.idx.msk [tilespmem:v21+s4+$0x0], $0xffff  }
0x10d: {  	v43 =	vor.u32 $0x100, v21;
	v7 =	vld.idx.msk [tilespmem:v8+s4+$0x0], $0xffff  }
0x10e: {  	v42 =	vor.u32 $0x80, v21;
	v21 =	vor.u32 $0x180, v21;
	v8 =	vld.idx.msk [tilespmem:v13+s4+$0x0], $0xffff  }
0x10f: {  	v16 =	vor.u32 $0x200, v22;
	v12 =	vld.idx.msk [tilespmem:v17+s4+$0x0], $0xffff  }
0x110: {  	v13 =	vld.idx.msk [tilespmem:v19+s4+$0x0], $0xffff  }
0x111: {  	v24 =	vor.u32 $0x280, v22;
	v17 =	vld.idx.msk [tilespmem:v20+s4+$0x0], $0xffff  }
0x112: {  	v26 =	vor.u32 $0x300, v22;
	v20 =	vld.idx.msk [tilespmem:v43+s4+$0x0], $0xffff  }
0x113: {  	v54 =	vand.u32 $0x7F, v39;
	v56 =	vshll.u32 v41, $0x3;
	v27 =	vor.u32 $0x380, v22;
	v21 =	vld.idx.msk [tilespmem:v21+s4+$0x0], $0xffff  }
0x114: {  	v55 =	vshll.u32 v39, $0x3;
	v41 =	vand.u32 $0x7F, v41;
	v39 =	vand.u32 $0xFFFFFC00, v56;
	v18 =	vld.idx.msk [tilespmem:v16+s4+$0x0], $0xffff  }
0x115: {  	v28 =	vand.u32 $0xFFFFFC00, v45;
	v45 =	vor.u32 v41, v39;
	v16 =	vld.idx.msk [tilespmem:v42+s4+$0x0], $0xffff  }
0x116: {  	v39 =	vor.u32 $0x200, v45;
	v19 =	vld.idx.msk [tilespmem:v24+s4+$0x0], $0xffff  }
0x117: {  	v57 =	vor.u32 $0x300, v45;
	v22 =	vld.idx.msk [tilespmem:v26+s4+$0x0], $0xffff  }
0x118: {  	v58 =	vand.u32 $0x7F, v47;
	v47 =	vshll.u32 v47, $0x3;
	v24 =	vor.u32 v44, v28;
	v25 =	vld.idx.msk [tilespmem:v27+s4+$0x0], $0xffff  }
0x119: {  	v47 =	vand.u32 $0xFFFFFC00, v47;
	v26 =	vld.idx.msk [tilespmem:v48+s4+$0x0], $0xffff;
	v48 =	vor.u32 $0x280, v45;
	v45 =	vor.u32 $0x380, v45  }
0x11a: {  	v50 =	vshll.u32 v32, $0x3;
	v27 =	vld.idx.msk [tilespmem:v31+s4+$0x0], $0xffff;
	v47 =	vor.u32 v58, v47  }
0x11b: {  	v32 =	vand.u32 $0x7F, v32;
	v31 =	vand.u32 $0xFFFFFC00, v50;
	v41 =	vld.idx.msk [tilespmem:v39+s4+$0x0], $0xffff;
	v29 =	vor.u32 $0x80, v24  }
0x11c: {  	v33 =	vor.u32 $0x100, v24;
	v38 =	vor.u32 v32, v31;
	v31 =	vld.idx.msk [tilespmem:v37+s4+$0x0], $0xffff  }
0x11d: {  	v35 =	vor.u32 $0x180, v24;
	v23 =	vld.idx.msk [tilespmem:v24+s4+$0x0], $0xffff  }
0x11e: {  	v45 =	vld.idx.msk [tilespmem:v45+s4+$0x0], $0xffff  }
0x11f: {  	v53 =	vor.u32 $0x100, v37;
	v56 =	vld.idx.msk [tilespmem:v47+s4+$0x0], $0xffff  }
0x120: {  	v52 =	vor.u32 $0x80, v37;
	v37 =	vor.u32 $0x180, v37;
	v24 =	vld.idx.msk [tilespmem:v29+s4+$0x0], $0xffff  }
0x121: {  	v44 =	vand.u32 $0xFFFFFC00, v55;
	v55 =	vor.u32 $0x100, v47;
	v28 =	vld.idx.msk [tilespmem:v33+s4+$0x0], $0xffff  }
0x122: {  	v32 =	vor.u32 $0x200, v38;
	v29 =	vld.idx.msk [tilespmem:v35+s4+$0x0], $0xffff  }
0x123: {  	v33 =	vld.idx.msk [tilespmem:v36+s4+$0x0], $0xffff  }
0x124: {  	v40 =	vor.u32 $0x280, v38;
	v36 =	vld.idx.msk [tilespmem:v53+s4+$0x0], $0xffff  }
0x125: {  	v42 =	vor.u32 $0x300, v38;
	v37 =	vld.idx.msk [tilespmem:v37+s4+$0x0], $0xffff  }
0x126: {  	v43 =	vor.u32 $0x380, v38;
	v55 =	vld.idx.msk [tilespmem:v55+s4+$0x0], $0xffff  }
0x127: {  	v44 =	vor.u32 v54, v44;
	v34 =	vld.idx.msk [tilespmem:v32+s4+$0x0], $0xffff  }
0x128: {  	v46 =	vor.u32 $0x80, v44;
	v32 =	vld.idx.msk [tilespmem:v52+s4+$0x0], $0xffff  }
0x129: {  	v35 =	vld.idx.msk [tilespmem:v40+s4+$0x0], $0xffff  }
0x12a: {  	v50 =	vor.u32 $0x100, v44;
	v38 =	vld.idx.msk [tilespmem:v42+s4+$0x0], $0xffff  }
0x12b: {  	v42 =	vld.idx.msk [tilespmem:v43+s4+$0x0], $0xffff  }
0x12c: {  	v51 =	vor.u32 $0x180, v44;
	v40 =	vld.idx.msk [tilespmem:v44+s4+$0x0], $0xffff;
	v52 =	vshll.u32 v49, $0x3  }
0x12d: {  	v53 =	vor.u32 $0x80, v47;
	v39 =	vld.idx.msk [tilespmem:v46+s4+$0x0], $0xffff;
	v49 =	vand.u32 $0x7F, v49;
	v59 =	vand.u32 $0xFFFFFC00, v52  }
0x12e: {  	v47 =	vor.u32 $0x180, v47;
	v43 =	vld.idx.msk [tilespmem:v48+s4+$0x0], $0xffff;
	v60 =	vor.u32 v49, v59  }
0x12f: {  	v44 =	vld.idx.msk [tilespmem:v50+s4+$0x0], $0xffff;
	v50 =	vor.u32 $0x200, v60  }
0x130: {  	v58 =	vand.u32 $0x7F, v61;
	v46 =	vld.idx.msk [tilespmem:v57+s4+$0x0], $0xffff;
	v52 =	vand.u32 $0x7F, v62;
	v54 =	vor.u32 $0x280, v60  }
0x131: {  	v51 =	vld.idx.msk [tilespmem:v51+s4+$0x0], $0xffff;
	v49 =	vshll.u32 v61, $0x3;
	v59 =	vshll.u32 v62, $0x3;
	v57 =	vor.u32 $0x300, v60  }
0x132: {  	v48 =	vor.u32 $0x380, v60;
	v49 =	vand.u32 $0xFFFFFC00, v49;
	v59 =	vand.u32 $0xFFFFFC00, v59;
	v53 =	vld.idx.msk [tilespmem:v53+s4+$0x0], $0xffff  }
0x133: {  	v49 =	vor.u32 v58, v49;
	v52 =	vor.u32 v52, v59;
	v47 =	vld.idx.msk [tilespmem:v47+s4+$0x0], $0xffff  }
0x134: {  	v58 =	vor.u32 $0x200, v52;
	v50 =	vld.idx.msk [tilespmem:v50+s4+$0x0], $0xffff  }
0x135: {  	v59 =	vor.u32 $0x80, v49;
	v54 =	vld.idx.msk [tilespmem:v54+s4+$0x0], $0xffff  }
0x136: {  	v61 =	vor.u32 $0x100, v49;
	v57 =	vld.idx.msk [tilespmem:v57+s4+$0x0], $0xffff  }
0x137: {  	v60 =	vor.u32 $0x280, v52;
	v63 =	vor.u32 $0x300, v52;
	v52 =	vor.u32 $0x380, v52;
	v48 =	vld.idx.msk [tilespmem:v48+s4+$0x0], $0xffff  }
0x138: {  	v62 =	vld.idx.msk [tilespmem:v49+s4+$0x0], $0xffff  }
0x139: {  	v0 =	vadd.f32 v1, v0;
	v2 =	vadd.f32 v3, v2;
	v58 =	vld.idx.msk [tilespmem:v58+s4+$0x0], $0xffff  }
0x13a: {  	v4 =	vadd.f32 v5, v4;
	v6 =	vadd.f32 v9, v6;
	v49 =	vor.u32 $0x180, v49;
	v59 =	vld.idx.msk [tilespmem:v59+s4+$0x0], $0xffff  }
0x13b: {  	v7 =	vadd.f32 v10, v7;
	v8 =	vadd.f32 v11, v8;
	v1 =	vld.idx.msk [tilespmem:v61+s4+$0x0], $0xffff  }
0x13c: {  	v10 =	vadd.f32 v14, v12;
	v61 =	vmul.f32 $2.000000030e-01, v0;
	v9 =	vld.idx.msk [tilespmem:v52+s4+$0x0], $0xffff;
	v52 =	vadd.f32 v18, v15  }
0x13d: {  	v3 =	vld.idx.msk [tilespmem:v63+s4+$0x0], $0xffff;
	v63 =	vmul.f32 $2.000000030e-01, v2;
	v15 =	vadd.f32 v22, v20;
	v18 =	vadd.f32 v25, v21  }
0x13e: {  	v60 =	vld.idx.msk [tilespmem:v60+s4+$0x0], $0xffff;
	v21 =	vadd.f32 v26, v23;
	v0 =	vmax.f32 v0, v61;
	v61 =	vmul.f32 $2.000000030e-01, v4  }
0x13f: {  	v14 =	vmul.f32 $2.000000030e-01, v8;
	v63 =	vmax.f32 v2, v63;
	v20 =	vmul.f32 $2.000000030e-01, v15;
	v5 =	vld.idx.msk [tilespmem:v49+s4+$0x0], $0xffff;
	[tilespmem:$0x18B00] =	vst v0  }
0x140: {  	v25 =	vadd.f32 v27, v24;
	v27 =	vmul.f32 $2.000000030e-01, v21;
	[tilespmem:$0x18B80] =	vst v63;
	v61 =	vmax.f32 v4, v61  }
0x141: {  	v23 =	vmul.f32 $2.000000030e-01, v18;
	v49 =	vmul.f32 $2.000000030e-01, v6;
	v26 =	vmax.f32 v15, v20;
	[tilespmem:$0x18C00] =	vst v61  }
0x142: {  	v63 =	vmul.f32 $2.000000030e-01, v7;
	v11 =	vmax.f32 v21, v27;
	v61 =	vmax.f32 v8, v14;
	[tilespmem:$0x18C20] =	vst v26  }
0x143: {  	v14 =	vmul.f32 $2.000000030e-01, v52;
	[tilespmem:$0x18B30] =	vst v11;
	v12 =	vmax.f32 v6, v49;
	v6 =	vadd.f32 v17, v13  }
0x144: {  	v17 =	vmax.f32 v7, v63;
	v49 =	vmul.f32 $2.000000030e-01, v10;
	[tilespmem:$0x18B90] =	vst v61;
	v61 =	vmul.f32 $2.000000030e-01, v25  }
0x145: {  	[tilespmem:$0x18C80] =	vst v12;
	v12 =	vadd.f32 v19, v16;
	v19 =	vmax.f32 v52, v14;
	v52 =	vmax.f32 v18, v23  }
0x146: {  	v13 =	vmax.f32 v10, v49;
	[tilespmem:$0x18B20] =	vst v19;
	v49 =	vadd.f32 v30, v28;
	v19 =	vadd.f32 v38, v36  }
0x147: {  	[tilespmem:$0x18B10] =	vst v17;
	v14 =	vmax.f32 v25, v61;
	v25 =	vadd.f32 v41, v40;
	v28 =	vadd.f32 v43, v39  }
0x148: {  	v63 =	vmul.f32 $2.000000030e-01, v6;
	[tilespmem:$0x18CA0] =	vst v52;
	v40 =	vadd.f32 v54, v53;
	v43 =	vadd.f32 v57, v55  }
0x149: {  	[tilespmem:$0x18C10] =	vst v13;
	v17 =	vmul.f32 $2.000000030e-01, v12;
	v13 =	vadd.f32 v34, v31;
	v31 =	vadd.f32 v46, v44  }
0x14a: {  	[tilespmem:$0x18BB0] =	vst v14;
	v34 =	vadd.f32 v45, v51;
	v16 =	vmax.f32 v6, v63;
	v24 =	vmul.f32 $2.000000030e-01, v19  }
0x14b: {  	v46 =	vadd.f32 v48, v47;
	v30 =	vmul.f32 $2.000000030e-01, v25;
	[tilespmem:$0x18C90] =	vst v16;
	v22 =	vmax.f32 v12, v17  }
0x14c: {  	v63 =	vadd.f32 v33, v29;
	v33 =	vmul.f32 $2.000000030e-01, v28;
	[tilespmem:$0x18BA0] =	vst v22;
	v29 =	vmax.f32 v19, v24  }
0x14d: {  	v45 =	vmul.f32 $2.000000030e-01, v40;
	v16 =	vadd.f32 v35, v32;
	v35 =	vmax.f32 v25, v30;
	[tilespmem:$0x18C40] =	vst v29  }
0x14e: {  	v48 =	vmul.f32 $2.000000030e-01, v43;
	v12 =	vmul.f32 $2.000000030e-01, v49;
	v38 =	vmax.f32 v28, v33;
	[tilespmem:$0x18B50] =	vst v35  }
0x14f: {  	v22 =	vadd.f32 v42, v37;
	v37 =	vadd.f32 v50, v56;
	v50 =	vmax.f32 v40, v45;
	[tilespmem:$0x18BD0] =	vst v38  }
0x150: {  	v18 =	vmul.f32 $2.000000030e-01, v13;
	v53 =	vmax.f32 v43, v48;
	[tilespmem:$0x18BE0] =	vst v50  }
0x151: {  	v36 =	vmul.f32 $2.000000030e-01, v31;
	v17 =	vmax.f32 v49, v12;
	[tilespmem:$0x18C60] =	vst v53  }
0x152: {  	v1 =	vadd.f32 v3, v1;
	v39 =	vmul.f32 $2.000000030e-01, v34;
	v23 =	vmax.f32 v13, v18;
	[tilespmem:$0x18C30] =	vst v17  }
0x153: {  	v51 =	vmul.f32 $2.000000030e-01, v46;
	v41 =	vmax.f32 v31, v36;
	[tilespmem:$0x18B40] =	vst v23  }
0x154: {  	v52 =	vadd.f32 v60, v59;
	v59 =	vmul.f32 $2.000000030e-01, v1;
	v44 =	vmax.f32 v34, v39;
	[tilespmem:$0x18C50] =	vst v41  }
0x155: {  	v57 =	vadd.f32 v9, v5;
	v15 =	vmul.f32 $2.000000030e-01, v63;
	v55 =	vmax.f32 v46, v51;
	[tilespmem:$0x18CD0] =	vst v44  }
0x156: {  	v56 =	vmul.f32 $2.000000030e-01, v52;
	v49 =	vadd.f32 v58, v62;
	v62 =	vmax.f32 v1, v59;
	[tilespmem:$0x18CE0] =	vst v55  }
0x157: {  	v61 =	vmul.f32 $2.000000030e-01, v57;
	v20 =	vmax.f32 v63, v15;
	[tilespmem:$0x18C70] =	vst v62  }
0x158: {  	v21 =	vmul.f32 $2.000000030e-01, v16;
	v60 =	vmax.f32 v52, v56;
	[tilespmem:$0x18CB0] =	vst v20  }
0x159: {  	v27 =	vmul.f32 $2.000000030e-01, v22;
	v63 =	vmax.f32 v57, v61;
	[tilespmem:$0x18BF0] =	vst v60  }
0x15a: {  	v42 =	vmul.f32 $2.000000030e-01, v37;
	v26 =	vmax.f32 v16, v21;
	[tilespmem:$0x18CF0] =	vst v63  }
0x15b: {  	v54 =	vmul.f32 $2.000000030e-01, v49;
	[tilespmem:$0x18BC0] =	vst v26;
	v32 =	vmax.f32 v22, v27  }
0x15c: {  	v47 =	vmax.f32 v37, v42;
	[tilespmem:$0x18CC0] =	vst v32  }
0x15d: {  	[tilespmem:$0x18B60] =	vst v47;
	v58 =	vmax.f32 v49, v54  }
0x15e: {  	s17 =	simm.s32 $0x18B00;
	s23 =	rddreg [dreg:$0x7];
	[tilespmem:$0x18B70] =	vst v58  }
0x15f: {  	[hbm4b:s23+s4] =	stream.linear.scatter [tilespmem:s17], [sflag:$0x7], $0x200, $0x38;
	[tilespmem:$0x18D00] =	vst v63  }
.LBB2_19:
0x160: {  	s2 =	simm.s32 $0x0  }
.LBB2_20:
0x161: {  	_ =	swait.ge [sflag:s8], $0x680  }
0x162: {  	[sflag:s8] =	ssyncset.done $0x0  }
0x163: {  	[sflag:s8] =	ssyncadd.s32 $0xFFFFF980  }
0x164: {  	_ =	swait.ge [sflag:s8], $0x680  }
0x165: {  	p2 =	seq.s32 s2, $0x0;
	[sflag:s8] =	ssyncset.done $0x0  }
0x166: {  	s17 =	simm.s32 @!p2 $0x4;
	[sflag:s8] =	ssyncadd.s32 $0xFFFFF980  }
0x167: {  	_ =	swait.ge @!p2 [sflag:s17], $0x1A00  }
0x168: {  	[sflag:s17] =	ssyncset.done @!p2 $0x0  }
0x169: {  	s22 =	simm.s32 $0x70;
	[sflag:s17] =	ssyncadd.s32 @!p2 $0xFFFFE600  }
0x16a: {  	v0 =	vld [tilespmem:s22+$0x13B90]  }
0x16b: {  	v1 =	vld [tilespmem:s22+$0x14890]  }
0x16c: {  	v2 =	vld [tilespmem:s22+$0x13BA0]  }
0x16d: {  	v3 =	vld [tilespmem:s22+$0x13BB0]  }
0x16e: {  	v4 =	vld [tilespmem:s22+$0x13BC0]  }
0x16f: {  	v5 =	vld [tilespmem:s22+$0x13BD0]  }
0x170: {  	v7 =	vld [tilespmem:s22+$0x13BF0]  }
0x171: {  	v16 =	vld [tilespmem:s22+$0x148A0];
	_ =	sdelay $0x1  }
0x172: {  	v9 =	vand.u32 $0x7F, v0;
	v10 =	vand.u32 $0x7F, v1  }
0x173: {  	v11 =	vand.u32 $0x7F, v2;
	v12 =	vand.u32 $0x7F, v3;
	v13 =	vand.u32 $0x7F, v4  }
0x174: {  	v14 =	vand.u32 $0x7F, v5;
	v0 =	vshll.u32 v0, $0x3;
	v17 =	vand.u32 $0x7F, v7  }
0x175: {  	v1 =	vshll.u32 v1, $0x3;
	v2 =	vshll.u32 v2, $0x3;
	v29 =	vshll.u32 v16, $0x3  }
0x176: {  	v6 =	vld [tilespmem:s22+$0x13BE0];
	v16 =	vand.u32 $0x7F, v16;
	v0 =	vand.u32 $0xFFFFFC00, v0;
	v1 =	vand.u32 $0xFFFFFC00, v1  }
0x177: {  	v8 =	vld [tilespmem:s22+$0x13C00];
	v29 =	vand.u32 $0xFFFFFC00, v29;
	v9 =	vor.u32 v9, v0;
	v0 =	vand.u32 $0xFFFFFC00, v2  }
0x178: {  	v19 =	vld [tilespmem:s22+$0x148B0];
	v2 =	vshll.u32 v3, $0x3;
	v10 =	vor.u32 v10, v1;
	v16 =	vor.u32 v16, v29  }
0x179: {  	v20 =	vld [tilespmem:s22+$0x148C0];
	v21 =	vor.u32 v11, v0;
	v0 =	vand.u32 $0xFFFFFC00, v2;
	v2 =	vshll.u32 v4, $0x3  }
0x17a: {  	v22 =	vld [tilespmem:s22+$0x148D0];
	v26 =	vor.u32 $0x280, v10;
	v27 =	vor.u32 $0x100, v9;
	v28 =	vor.u32 $0x300, v10  }
0x17b: {  	v23 =	vld [tilespmem:s22+$0x148E0];
	v12 =	vor.u32 v12, v0;
	v0 =	vand.u32 $0xFFFFFC00, v2;
	v2 =	vshll.u32 v5, $0x3  }
0x17c: {  	v11 =	vld [tilespmem:s22+$0x148F0];
	v13 =	vor.u32 v13, v0;
	v0 =	vand.u32 $0xFFFFFC00, v2;
	v2 =	vshll.u32 v6, $0x3  }
0x17d: {  	v14 =	vor.u32 v14, v0;
	v0 =	vand.u32 $0xFFFFFC00, v2;
	v2 =	vshll.u32 v7, $0x3;
	v7 =	vld [tilespmem:s22+$0x14900]  }
0x17e: {  	v34 =	vshll.u32 v19, $0x3;
	v29 =	vor.u32 $0x200, v16;
	v24 =	vld.idx.msk [tilespmem:v9+s4+$0x0], $0xffff  }
0x17f: {  	v19 =	vand.u32 $0x7F, v19;
	v44 =	vshll.u32 v22, $0x3;
	v31 =	vor.u32 $0x280, v16;
	v25 =	vld.idx.msk [tilespmem:v21+s4+$0x0], $0xffff  }
0x180: {  	v22 =	vand.u32 $0x7F, v22;
	v34 =	vand.u32 $0xFFFFFC00, v34;
	v33 =	vor.u32 $0x300, v16;
	v26 =	vld.idx.msk [tilespmem:v26+s4+$0x0], $0xffff  }
0x181: {  	v44 =	vand.u32 $0xFFFFFC00, v44;
	v19 =	vor.u32 v19, v34;
	v16 =	vor.u32 $0x380, v16;
	v27 =	vld.idx.msk [tilespmem:v27+s4+$0x0], $0xffff  }
0x182: {  	v22 =	vor.u32 v22, v44;
	v34 =	vor.u32 $0x200, v19;
	v28 =	vld.idx.msk [tilespmem:v28+s4+$0x0], $0xffff  }
0x183: {  	v15 =	vand.u32 $0x7F, v6;
	v38 =	vor.u32 $0x300, v19;
	v44 =	vor.u32 $0x200, v22;
	v29 =	vld.idx.msk [tilespmem:v29+s4+$0x0], $0xffff  }
0x184: {  	v15 =	vor.u32 v15, v0;
	v0 =	vand.u32 $0xFFFFFC00, v2;
	v2 =	vshll.u32 v8, $0x3;
	v31 =	vld.idx.msk [tilespmem:v31+s4+$0x0], $0xffff  }
0x185: {  	v18 =	vand.u32 $0x7F, v8;
	v5 =	vor.u32 v17, v0;
	v0 =	vand.u32 $0xFFFFFC00, v2;
	v33 =	vld.idx.msk [tilespmem:v33+s4+$0x0], $0xffff  }
0x186: {  	v16 =	vld.idx.msk [tilespmem:v16+s4+$0x0], $0xffff;
	v1 =	vor.u32 v18, v0;
	v18 =	vor.u32 $0x80, v9;
	v9 =	vor.u32 $0x180, v9  }
0x187: {  	v30 =	vor.u32 $0x80, v21;
	v34 =	vld.idx.msk [tilespmem:v34+s4+$0x0], $0xffff  }
0x188: {  	v38 =	vld.idx.msk [tilespmem:v38+s4+$0x0], $0xffff  }
0x189: {  	v37 =	vor.u32 $0x100, v12;
	v44 =	vld.idx.msk [tilespmem:v44+s4+$0x0], $0xffff  }
0x18a: {  	v8 =	vld.idx.msk [tilespmem:v12+s4+$0x0], $0xffff  }
0x18b: {  	v32 =	vld.idx.msk [tilespmem:v9+s4+$0x0], $0xffff;
	v9 =	vor.u32 $0x100, v21  }
0x18c: {  	v30 =	vld.idx.msk [tilespmem:v30+s4+$0x0], $0xffff  }
0x18d: {  	v6 =	vld.idx.msk [tilespmem:v13+s4+$0x0], $0xffff  }
0x18e: {  	v17 =	vor.u32 $0x200, v10;
	v37 =	vld.idx.msk [tilespmem:v37+s4+$0x0], $0xffff  }
0x18f: {  	v10 =	vor.u32 $0x380, v10;
	v4 =	vld.idx.msk [tilespmem:v14+s4+$0x0], $0xffff  }
0x190: {  	v35 =	vld.idx.msk [tilespmem:v9+s4+$0x0], $0xffff;
	v9 =	vor.u32 $0x80, v12  }
0x191: {  	v3 =	vld.idx.msk [tilespmem:v15+s4+$0x0], $0xffff  }
0x192: {  	v2 =	vld.idx.msk [tilespmem:v5+s4+$0x0], $0xffff  }
0x193: {  	v17 =	vld.idx.msk [tilespmem:v17+s4+$0x0], $0xffff;
	v12 =	vor.u32 $0x180, v12  }
0x194: {  	v10 =	vld.idx.msk [tilespmem:v10+s4+$0x0], $0xffff;
	v21 =	vor.u32 $0x180, v21  }
0x195: {  	v40 =	vld.idx.msk [tilespmem:v9+s4+$0x0], $0xffff;
	v9 =	vor.u32 $0x380, v19  }
0x196: {  	v36 =	vor.u32 $0x280, v19;
	v0 =	vld.idx.msk [tilespmem:v1+s4+$0x0], $0xffff  }
0x197: {  	v39 =	vshll.u32 v20, $0x3;
	v56 =	vor.u32 $0x80, v13;
	v18 =	vld.idx.msk [tilespmem:v18+s4+$0x0], $0xffff  }
0x198: {  	v20 =	vand.u32 $0x7F, v20;
	v39 =	vand.u32 $0xFFFFFC00, v39;
	v42 =	vld.idx.msk [tilespmem:v12+s4+$0x0], $0xffff;
	v12 =	vor.u32 $0x100, v13  }
0x199: {  	v21 =	vld.idx.msk [tilespmem:v21+s4+$0x0], $0xffff;
	v19 =	vor.u32 v20, v39;
	v13 =	vor.u32 $0x180, v13  }
0x19a: {  	v43 =	vld.idx.msk [tilespmem:v9+s4+$0x0], $0xffff;
	v9 =	vor.u32 $0x300, v19  }
0x19b: {  	v20 =	vld.idx.msk [tilespmem:v36+s4+$0x0], $0xffff;
	v55 =	vor.u32 $0x200, v19  }
0x19c: {  	v39 =	vld.idx.msk [tilespmem:v56+s4+$0x0], $0xffff;
	v41 =	vor.u32 $0x280, v19  }
0x19d: {  	v17 =	vadd.f32 v17, v24;
	v19 =	vor.u32 $0x380, v19;
	v24 =	vld.idx.msk [tilespmem:v12+s4+$0x0], $0xffff  }
0x19e: {  	v12 =	vor.u32 $0x80, v14;
	v13 =	vld.idx.msk [tilespmem:v13+s4+$0x0], $0xffff  }
0x19f: {  	v45 =	vor.u32 $0x280, v22;
	v18 =	vadd.f32 v26, v18;
	v26 =	vld.idx.msk [tilespmem:v9+s4+$0x0], $0xffff;
	v9 =	vmul.f32 $2.000000030e-01, v17  }
0x1a0: {  	v47 =	vor.u32 $0x100, v14;
	v36 =	vld.idx.msk [tilespmem:v55+s4+$0x0], $0xffff  }
0x1a1: {  	v27 =	vadd.f32 v28, v27;
	v28 =	vor.u32 $0x300, v22;
	v41 =	vld.idx.msk [tilespmem:v41+s4+$0x0], $0xffff;
	v9 =	vmax.f32 v17, v9  }
0x1a2: {  	v14 =	vor.u32 $0x180, v14;
	v19 =	vld.idx.msk [tilespmem:v19+s4+$0x0], $0xffff;
	[tilespmem:$0x1FFE0] =	vst v9  }
0x1a3: {  	v48 =	vshll.u32 v23, $0x3;
	v23 =	vand.u32 $0x7F, v23;
	v59 =	vor.u32 $0x80, v15;
	v17 =	vld.idx.msk [tilespmem:v12+s4+$0x0], $0xffff  }
0x1a4: {  	v63 =	vor.u32 $0x80, v5;
	v25 =	vadd.f32 v29, v25;
	v46 =	vmul.f32 $2.000000030e-01, v18;
	v29 =	vld.idx.msk [tilespmem:v45+s4+$0x0], $0xffff  }
0x1a5: {  	v48 =	vand.u32 $0xFFFFFC00, v48;
	v60 =	vshll.u32 v11, $0x3;
	v30 =	vadd.f32 v31, v30;
	v31 =	vld.idx.msk [tilespmem:v47+s4+$0x0], $0xffff  }
0x1a6: {  	v11 =	vand.u32 $0x7F, v11;
	v9 =	vmax.f32 v18, v46;
	v12 =	vor.u32 $0x380, v22;
	v28 =	vld.idx.msk [tilespmem:v28+s4+$0x0], $0xffff  }
0x1a7: {  	v8 =	vadd.f32 v34, v8;
	v33 =	vadd.f32 v33, v35;
	v35 =	vld.idx.msk [tilespmem:v14+s4+$0x0], $0xffff;
	v14 =	vor.u32 $0x100, v15;
	[tilespmem:$0x1FFF0] =	vst v9  }
0x1a8: {  	v58 =	vmul.f32 $2.000000030e-01, v27;
	v4 =	vadd.f32 v44, v4;
	v15 =	vor.u32 $0x180, v15;
	v47 =	vld.idx.msk [tilespmem:v59+s4+$0x0], $0xffff  }
0x1a9: {  	s23 =	simm.s32 $0x170;
	v6 =	vadd.f32 v36, v6;
	v36 =	vadd.f32 v41, v39;
	v45 =	vor.u32 $0x180, v1;
	v39 =	vld.idx.msk [tilespmem:v63+s4+$0x0], $0xffff  }
0x1aa: {  	v46 =	vand.u32 $0xFFFFFC00, v60;
	v22 =	vor.u32 v23, v48;
	v23 =	vadd.f32 v10, v32;
	v10 =	vld [tilespmem:s23+$0x148C0]  }
0x1ab: {  	v46 =	vor.u32 v11, v46;
	v11 =	vshll.u32 v7, $0x3;
	v57 =	vor.u32 $0x200, v22;
	v18 =	vld.idx.msk [tilespmem:v12+s4+$0x0], $0xffff  }
0x1ac: {  	v50 =	vor.u32 $0x280, v22;
	v53 =	vand.u32 $0xFFFFFC00, v11;
	v11 =	vmax.f32 v27, v58;
	v27 =	vld.idx.msk [tilespmem:v14+s4+$0x0], $0xffff  }
0x1ad: {  	v55 =	vmul.f32 $2.000000030e-01, v8;
	v60 =	vor.u32 $0x100, v5;
	v52 =	vor.u32 $0x200, v46;
	v15 =	vld.idx.msk [tilespmem:v15+s4+$0x0], $0xffff  }
0x1ae: {  	v5 =	vor.u32 $0x180, v5;
	v7 =	vand.u32 $0x7F, v7;
	v56 =	vor.u32 $0x280, v46;
	v45 =	vld.idx.msk [tilespmem:v45+s4+$0x0], $0xffff  }
0x1af: {  	v7 =	vor.u32 v7, v53;
	v44 =	vadd.f32 v28, v31;
	v31 =	vmax.f32 v8, v55;
	v8 =	vld [tilespmem:s23+$0x14890]  }
0x1b0: {  	v49 =	vmul.f32 $2.000000030e-01, v25;
	v16 =	vadd.f32 v16, v21;
	v61 =	vor.u32 $0x380, v7;
	v32 =	vld.idx.msk [tilespmem:v57+s4+$0x0], $0xffff  }
0x1b1: {  	v51 =	vmul.f32 $2.000000030e-01, v30;
	v26 =	vadd.f32 v26, v24;
	v24 =	vor.u32 $0x200, v7;
	v50 =	vld.idx.msk [tilespmem:v50+s4+$0x0], $0xffff  }
0x1b2: {  	v37 =	vadd.f32 v38, v37;
	v62 =	vmul.f32 $2.000000030e-01, v33;
	v54 =	vmul.f32 $2.000000030e-01, v16;
	v38 =	vld.idx.msk [tilespmem:v52+s4+$0x0], $0xffff  }
0x1b3: {  	v20 =	vadd.f32 v20, v40;
	v42 =	vadd.f32 v43, v42;
	v12 =	vor.u32 $0x300, v22;
	v43 =	vld.idx.msk [tilespmem:v56+s4+$0x0], $0xffff  }
0x1b4: {  	v13 =	vadd.f32 v19, v13;
	v48 =	vmul.f32 $2.000000030e-01, v23;
	v22 =	vor.u32 $0x380, v22;
	v52 =	vld.idx.msk [tilespmem:v5+s4+$0x0], $0xffff  }
0x1b5: {  	v19 =	vmax.f32 v30, v51;
	v30 =	vmax.f32 v33, v62;
	v5 =	vmul.f32 $2.000000030e-01, v4;
	v34 =	vld.idx.msk [tilespmem:v61+s4+$0x0], $0xffff  }
0x1b6: {  	v33 =	vmax.f32 v16, v54;
	v14 =	vmax.f32 v23, v48;
	v23 =	vor.u32 $0x300, v46;
	v53 =	vld.idx.msk [tilespmem:v24+s4+$0x0], $0xffff  }
0x1b7: {  	v29 =	vadd.f32 v29, v17;
	v17 =	vmul.f32 $2.000000030e-01, v13;
	v16 =	vmax.f32 v4, v5;
	v4 =	vld [tilespmem:s23+$0x13C00]  }
0x1b8: {  	v51 =	vmul.f32 $2.000000030e-01, v26;
	v57 =	vmul.f32 $2.000000030e-01, v20;
	v21 =	vld.idx.msk [tilespmem:v12+s4+$0x0], $0xffff  }
0x1b9: {  	v48 =	vmul.f32 $2.000000030e-01, v36;
	v17 =	vmax.f32 v13, v17;
	v61 =	vor.u32 $0x380, v46;
	v22 =	vld.idx.msk [tilespmem:v22+s4+$0x0], $0xffff  }
0x1ba: {  	v46 =	vmul.f32 $2.000000030e-01, v6;
	v28 =	vmax.f32 v20, v57;
	v12 =	vmax.f32 v25, v49;
	v49 =	vld.idx.msk [tilespmem:v60+s4+$0x0], $0xffff  }
0x1bb: {  	v57 =	vor.u32 $0x80, v1;
	v1 =	vor.u32 $0x100, v1;
	v25 =	vmul.f32 $2.000000030e-01, v37;
	v23 =	vld.idx.msk [tilespmem:v23+s4+$0x0], $0xffff  }
0x1bc: {  	v35 =	vadd.f32 v18, v35;
	v18 =	vmul.f32 $2.000000030e-01, v29;
	v24 =	vmax.f32 v6, v46;
	v6 =	vld [tilespmem:s23+$0x13BD0]  }
0x1bd: {  	v62 =	vshll.u32 v8, $0x3;
	v3 =	vadd.f32 v32, v3;
	v47 =	vadd.f32 v50, v47;
	v50 =	vld [tilespmem:s23+$0x13B90]  }
0x1be: {  	v32 =	vmul.f32 $2.000000030e-01, v44;
	v38 =	vadd.f32 v38, v2;
	v2 =	vld [tilespmem:s23+$0x13BC0];
	v39 =	vadd.f32 v43, v39  }
0x1bf: {  	v62 =	vand.u32 $0xFFFFFC00, v62;
	v56 =	vmul.f32 $2.000000030e-01, v35;
	v20 =	vmax.f32 v37, v25;
	v37 =	vld [tilespmem:s23+$0x13BA0]  }
0x1c0: {  	v18 =	vmax.f32 v29, v18;
	v40 =	vld.idx.msk [tilespmem:v61+s4+$0x0], $0xffff;
	v55 =	vmul.f32 $2.000000030e-01, v47;
	v61 =	vor.u32 $0x280, v7  }
0x1c1: {  	v7 =	vor.u32 $0x300, v7;
	v34 =	vadd.f32 v34, v45;
	v45 =	vld [tilespmem:s23+$0x13BE0];
	v13 =	vmax.f32 v35, v56  }
0x1c2: {  	v54 =	vadd.f32 v21, v27;
	v60 =	vadd.f32 v22, v15;
	v22 =	vld [tilespmem:s23+$0x13BB0];
	v27 =	vmax.f32 v36, v48  }
0x1c3: {  	v21 =	vmax.f32 v26, v51;
	v36 =	vld [tilespmem:s23+$0x13BF0];
	v5 =	vmul.f32 $2.000000030e-01, v34;
	v15 =	vmax.f32 v44, v32  }
0x1c4: {  	v46 =	vadd.f32 v23, v49;
	v48 =	vld.idx.msk [tilespmem:v1+s4+$0x0], $0xffff;
	v1 =	vand.u32 $0x7F, v8;
	v51 =	vand.u32 $0x7F, v6  }
0x1c5: {  	v43 =	vld.idx.msk [tilespmem:v57+s4+$0x0], $0xffff;
	v6 =	vshll.u32 v6, $0x3;
	v23 =	vand.u32 $0x7F, v50;
	v32 =	vshll.u32 v50, $0x3  }
0x1c6: {  	v50 =	vld [tilespmem:s23+$0x148A0];
	v26 =	vand.u32 $0x7F, v37;
	v32 =	vand.u32 $0xFFFFFC00, v32;
	v8 =	vshll.u32 v37, $0x3  }
0x1c7: {  	v49 =	vld.idx.msk [tilespmem:v7+s4+$0x0], $0xffff;
	v7 =	vand.u32 $0x7F, v2;
	v56 =	vand.u32 $0x7F, v45;
	v8 =	vand.u32 $0xFFFFFC00, v8  }
0x1c8: {  	v37 =	vld [tilespmem:s23+$0x148B0];
	v63 =	vor.u32 v23, v32;
	v2 =	vshll.u32 v2, $0x3;
	v9 =	vor.u32 v26, v8  }
0x1c9: {  	v44 =	vld.idx.msk [tilespmem:v61+s4+$0x0], $0xffff;
	v2 =	vand.u32 $0xFFFFFC00, v2;
	v29 =	vand.u32 $0x7F, v22;
	v57 =	vand.u32 $0x7F, v36  }
0x1ca: {  	v26 =	vld [tilespmem:s23+$0x148E0];
	v22 =	vshll.u32 v22, $0x3;
	v32 =	vor.u32 v7, v2;
	v2 =	vand.u32 $0xFFFFFC00, v6  }
0x1cb: {  	v6 =	vshll.u32 v45, $0x3;
	v7 =	vld [tilespmem:s23+$0x148F0];
	v36 =	vshll.u32 v36, $0x3;
	v8 =	vand.u32 $0xFFFFFC00, v22  }
0x1cc: {  	v22 =	vld [tilespmem:s23+$0x148D0];
	v23 =	vor.u32 v29, v8;
	v29 =	vor.u32 v51, v2;
	v2 =	vand.u32 $0xFFFFFC00, v6  }
0x1cd: {  	v61 =	vand.u32 $0x7F, v4;
	v6 =	vld [tilespmem:s23+$0x14900];
	v8 =	vor.u32 v56, v2;
	v2 =	vand.u32 $0xFFFFFC00, v36  }
0x1ce: {  	s17 =	simm.s32 $0x15800;
	v45 =	vld.idx.msk [tilespmem:v63+s4+$0x0], $0xffff;
	v36 =	vshll.u32 v4, $0x3;
	v4 =	vor.u32 v57, v2;
	v57 =	vmax.f32 v34, v5  }
0x1cf: {  	v41 =	vmul.f32 $2.000000030e-01, v42;
	v51 =	vor.u32 v1, v62;
	v56 =	vld.idx.msk [tilespmem:v9+s4+$0x0], $0xffff;
	[tilespmem:s17+$0x170] =	vst v57  }
0x1d0: {  	v47 =	vmax.f32 v47, v55;
	v55 =	vor.u32 $0x200, v51;
	v57 =	vld [tilespmem:$0x1FFE0]  }
0x1d1: {  	v25 =	vmax.f32 v42, v41;
	v58 =	vmul.f32 $2.000000030e-01, v3;
	v2 =	vand.u32 $0xFFFFFC00, v36;
	v36 =	vld.idx.msk [tilespmem:v32+s4+$0x0], $0xffff  }
0x1d2: {  	v42 =	vmul.f32 $2.000000030e-01, v38;
	v40 =	vadd.f32 v40, v52;
	v52 =	vor.u32 $0x280, v51;
	v62 =	vld.idx.msk [tilespmem:v23+s4+$0x0], $0xffff  }
0x1d3: {  	v35 =	vmul.f32 $2.000000030e-01, v39;
	v58 =	vmax.f32 v3, v58;
	v41 =	vmul.f32 $2.000000030e-01, v60;
	v5 =	vld.idx.msk [tilespmem:v29+s4+$0x0], $0xffff  }
0x1d4: {  	v59 =	vmul.f32 $2.000000030e-01, v54;
	v34 =	vmax.f32 v38, v42;
	v42 =	vor.u32 $0x100, v63;
	v3 =	vld.idx.msk [tilespmem:v8+s4+$0x0], $0xffff  }
0x1d5: {  	v41 =	vmax.f32 v60, v41;
	v60 =	vshll.u32 v50, $0x3;
	v2 =	vor.u32 v61, v2;
	v55 =	vld.idx.msk [tilespmem:v55+s4+$0x0], $0xffff;
	[tilespmem:s17+$0xFFFFFE00] =	vst v57  }
0x1d6: {  	v38 =	vadd.f32 v53, v0;
	v53 =	vand.u32 $0xFFFFFC00, v60;
	v61 =	vor.u32 $0x80, v63;
	v60 =	vld [tilespmem:$0x1FFF0];
	[tilespmem:s17+$0x0] =	vst v11  }
0x1d7: {  	v35 =	vmax.f32 v39, v35;
	v39 =	vor.u32 $0x300, v51;
	v51 =	vor.u32 $0x380, v51;
	v52 =	vld.idx.msk [tilespmem:v52+s4+$0x0], $0xffff;
	[tilespmem:s17+$0x100] =	vst v14  }
0x1d8: {  	v54 =	vmax.f32 v54, v59;
	v59 =	vmul.f32 $2.000000030e-01, v46;
	v50 =	vand.u32 $0x7F, v50;
	v1 =	vld.idx.msk [tilespmem:v4+s4+$0x0], $0xffff;
	[tilespmem:s17+$0xFFFFFE10] =	vst v12  }
0x1d9: {  	v50 =	vor.u32 v50, v53;
	v53 =	vmul.f32 $2.000000030e-01, v38;
	v42 =	vld.idx.msk [tilespmem:v42+s4+$0x0], $0xffff;
	v57 =	vor.u32 $0x180, v63;
	[tilespmem:s17+$0xFFFFFF10] =	vst v19  }
0x1da: {  	v46 =	vmax.f32 v46, v59;
	v43 =	vadd.f32 v44, v43;
	v0 =	vld.idx.msk [tilespmem:v2+s4+$0x0], $0xffff;
	v63 =	vor.u32 $0x80, v9;
	[tilespmem:s17+$0x10] =	vst v30  }
0x1db: {  	v38 =	vmax.f32 v38, v53;
	v44 =	vld.idx.msk [tilespmem:v61+s4+$0x0], $0xffff;
	v11 =	vmul.f32 $2.000000030e-01, v40;
	v12 =	vor.u32 $0x280, v50;
	[tilespmem:s17+$0x110] =	vst v33  }
0x1dc: {  	v14 =	vmul.f32 $2.000000030e-01, v43;
	v19 =	vadd.f32 v49, v48;
	v30 =	vld.idx.msk [tilespmem:v51+s4+$0x0], $0xffff;
	[tilespmem:s17+$0xFFFFFF00] =	vst v60;
	v60 =	vor.u32 $0x200, v50  }
0x1dd: {  	v48 =	vor.u32 $0x300, v50;
	v51 =	vor.u32 $0x180, v9;
	[tilespmem:s17+$0xFFFFFE20] =	vst v31;
	v40 =	vmax.f32 v40, v11;
	v11 =	vld.idx.msk [tilespmem:v39+s4+$0x0], $0xffff  }
0x1de: {  	[tilespmem:s17+$0xFFFFFE30] =	vst v24;
	v24 =	vor.u32 $0x100, v23;
	v45 =	vadd.f32 v55, v45;
	v43 =	vmax.f32 v43, v14;
	v14 =	vld.idx.msk [tilespmem:v57+s4+$0x0], $0xffff  }
0x1df: {  	[tilespmem:s17+$0x140] =	vst v13;
	v55 =	vshll.u32 v37, $0x3;
	v39 =	vor.u32 $0x100, v9;
	v9 =	vand.u32 $0x7F, v37;
	v37 =	vld.idx.msk [tilespmem:v63+s4+$0x0], $0xffff  }
0x1e0: {  	v13 =	vor.u32 $0x100, v32;
	[tilespmem:s17+$0x150] =	vst v41;
	v41 =	vor.u32 $0x180, v29;
	v57 =	vand.u32 $0xFFFFFC00, v55;
	v12 =	vld.idx.msk [tilespmem:v12+s4+$0x0], $0xffff  }
0x1e1: {  	[tilespmem:s17+$0xFFFFFF20] =	vst v28;
	v28 =	vadd.f32 v52, v44;
	v31 =	vor.u32 v9, v57;
	v33 =	vld.idx.msk [tilespmem:v60+s4+$0x0], $0xffff;
	v60 =	vor.u32 $0x380, v50  }
0x1e2: {  	[tilespmem:s17+$0x120] =	vst v25;
	v63 =	vmul.f32 $2.000000030e-01, v45;
	v9 =	vmul.f32 $2.000000030e-01, v19;
	v57 =	vld.idx.msk [tilespmem:v51+s4+$0x0], $0xffff;
	v61 =	vor.u32 $0x200, v31  }
0x1e3: {  	[tilespmem:s17+$0xFFFFFF40] =	vst v18;
	v55 =	vor.u32 $0x80, v32;
	v32 =	vor.u32 $0x180, v32;
	v18 =	vld.idx.msk [tilespmem:v24+s4+$0x0], $0xffff;
	v25 =	vor.u32 $0x280, v31  }
0x1e4: {  	[tilespmem:s17+$0x20] =	vst v20;
	v59 =	vor.u32 $0x300, v31;
	v31 =	vor.u32 $0x380, v31;
	v52 =	vmax.f32 v19, v9;
	v19 =	vld.idx.msk [tilespmem:v39+s4+$0x0], $0xffff  }
0x1e5: {  	[tilespmem:s17+$0xFFFFFF30] =	vst v27;
	v20 =	vadd.f32 v11, v42;
	v11 =	vor.u32 $0x80, v23;
	v39 =	vmul.f32 $2.000000030e-01, v28;
	v42 =	vld.idx.msk [tilespmem:v48+s4+$0x0], $0xffff  }
0x1e6: {  	[tilespmem:s17+$0x30] =	vst v21;
	v23 =	vor.u32 $0x180, v23;
	v30 =	vadd.f32 v30, v14;
	v27 =	vld.idx.msk [tilespmem:v60+s4+$0x0], $0xffff;
	v60 =	vshll.u32 v10, $0x3  }
0x1e7: {  	[tilespmem:s17+$0x130] =	vst v17;
	v17 =	vadd.f32 v12, v37;
	v21 =	vld.idx.msk [tilespmem:v61+s4+$0x0], $0xffff;
	v10 =	vand.u32 $0x7F, v10;
	v61 =	vand.u32 $0xFFFFFC00, v60  }
0x1e8: {  	v9 =	vmax.f32 v45, v63;
	v14 =	vmul.f32 $2.000000030e-01, v20;
	v12 =	vld.idx.msk [tilespmem:v25+s4+$0x0], $0xffff;
	v44 =	vor.u32 v10, v61  }
0x1e9: {  	[tilespmem:s17+$0xFFFFFE40] =	vst v16;
	v37 =	vmul.f32 $2.000000030e-01, v30;
	v45 =	vld.idx.msk [tilespmem:v31+s4+$0x0], $0xffff;
	v25 =	vmul.f32 $2.000000030e-01, v17;
	v16 =	vor.u32 $0x200, v44  }
0x1ea: {  	v63 =	vld.idx.msk [tilespmem:v11+s4+$0x0], $0xffff;
	v24 =	vadd.f32 v42, v19;
	v11 =	vmax.f32 v28, v39;
	v39 =	vor.u32 $0x100, v29  }
0x1eb: {  	[tilespmem:s17+$0x40] =	vst v15;
	v31 =	vld.idx.msk [tilespmem:v13+s4+$0x0], $0xffff;
	v13 =	vmax.f32 v30, v37;
	v30 =	vshll.u32 v26, $0x3;
	v19 =	vor.u32 $0x280, v44  }
0x1ec: {  	v23 =	vld.idx.msk [tilespmem:v23+s4+$0x0], $0xffff;
	v33 =	vadd.f32 v33, v56;
	v15 =	vadd.f32 v21, v62;
	v10 =	vmax.f32 v20, v14  }
0x1ed: {  	[tilespmem:s17+$0xFFFFFE50] =	vst v58;
	v56 =	vld.idx.msk [tilespmem:v59+s4+$0x0], $0xffff;
	v20 =	vshll.u32 v22, $0x3;
	v14 =	vadd.f32 v27, v57;
	v27 =	vor.u32 $0x300, v44  }
0x1ee: {  	[tilespmem:s17+$0xFFFFFF50] =	vst v47;
	v62 =	vor.u32 $0x80, v29;
	v20 =	vand.u32 $0xFFFFFC00, v20;
	v57 =	vld.idx.msk [tilespmem:v16+s4+$0x0], $0xffff;
	v16 =	vand.u32 $0x7F, v22  }
0x1ef: {  	[tilespmem:s17+$0x50] =	vst v54;
	v58 =	vld.idx.msk [tilespmem:v55+s4+$0x0], $0xffff;
	v50 =	vmul.f32 $2.000000030e-01, v33;
	v44 =	vor.u32 $0x380, v44;
	v59 =	vor.u32 v16, v20  }
0x1f0: {  	[tilespmem:s17+$0xFFFFFE60] =	vst v34;
	v26 =	vand.u32 $0x7F, v26;
	v29 =	vand.u32 $0xFFFFFC00, v30;
	v60 =	vld.idx.msk [tilespmem:v19+s4+$0x0], $0xffff;
	v61 =	vor.u32 $0x200, v59  }
0x1f1: {  	[tilespmem:s17+$0xFFFFFF60] =	vst v35;
	v16 =	vadd.f32 v12, v63;
	v12 =	vmax.f32 v33, v50;
	v33 =	vld.idx.msk [tilespmem:v32+s4+$0x0], $0xffff;
	v63 =	vor.u32 $0x280, v59  }
0x1f2: {  	[tilespmem:s17+$0xFFFFFE70] =	vst v38;
	v28 =	vmul.f32 $2.000000030e-01, v24;
	v38 =	vor.u32 v26, v29;
	v18 =	vadd.f32 v56, v18;
	v34 =	vld.idx.msk [tilespmem:v27+s4+$0x0], $0xffff  }
0x1f3: {  	[tilespmem:s17+$0x160] =	vst v40;
	v21 =	vmul.f32 $2.000000030e-01, v14;
	v22 =	vadd.f32 v45, v23;
	v32 =	vld.idx.msk [tilespmem:v62+s4+$0x0], $0xffff;
	v40 =	vor.u32 $0x300, v59  }
0x1f4: {  	s18 =	smul.u32 $0x1A, s2;
	[tilespmem:s17+$0x60] =	vst v46;
	v20 =	vmul.f32 $2.000000030e-01, v15;
	v27 =	vmul.f32 $2.000000030e-01, v18;
	v35 =	vld.idx.msk [tilespmem:v44+s4+$0x0], $0xffff;
	v23 =	vadd.f32 v57, v36  }
0x1f5: {  	[tilespmem:s17+$0xFFFFFF70] =	vst v43;
	v42 =	vor.u32 $0x380, v59;
	v30 =	vmul.f32 $2.000000030e-01, v22;
	v26 =	vadd.f32 v60, v58;
	v37 =	vld.idx.msk [tilespmem:v61+s4+$0x0], $0xffff  }
0x1f6: {  	s19 =	sadd.s32 s5, s18;
	s18 =	simm.s32 $0x9C0;
	[tilespmem:s17+$0x70] =	vst v52;
	v43 =	vor.u32 $0x200, v38;
	v19 =	vmul.f32 $2.000000030e-01, v16;
	v36 =	vld.idx.msk [tilespmem:v63+s4+$0x0], $0xffff;
	v29 =	vmul.f32 $2.000000030e-01, v23  }
.LBB2_21:
0x1f7: {  	p1 =	sne.s32 s18, $0x31C0;
	v39 =	vld.idx.msk [tilespmem:v39+s4+$0x0], $0xffff;
	v44 =	vor.u32 $0x80, v8;
	v45 =	vmul.f32 $2.000000030e-01, v26;
	v31 =	vadd.f32 v34, v31  }
0x1f8: {  	v25 =	vmax.f32 v17, v25;
	v17 =	vmax.f32 v24, v28;
	v34 =	vld.idx.msk [tilespmem:v40+s4+$0x0], $0xffff;
	v40 =	vor.u32 $0x280, v38  }
0x1f9: {  	v28 =	vor.u32 $0x100, v8;
	v33 =	vadd.f32 v35, v33;
	v24 =	vld.idx.msk [tilespmem:v41+s4+$0x0], $0xffff;
	v41 =	vmul.f32 $2.000000030e-01, v31  }
0x1fa: {  	v46 =	vshll.u32 v7, $0x3;
	v5 =	vadd.f32 v37, v5;
	v35 =	vld.idx.msk [tilespmem:v42+s4+$0x0], $0xffff;
	v42 =	vor.u32 $0x300, v38  }
0x1fb: {  	v8 =	vor.u32 $0x180, v8;
	v7 =	vand.u32 $0x7F, v7;
	v37 =	vld.idx.msk [tilespmem:v43+s4+$0x0], $0xffff;
	v43 =	vand.u32 $0xFFFFFC00, v46  }
0x1fc: {  	v38 =	vor.u32 $0x380, v38;
	v44 =	vld.idx.msk [tilespmem:v44+s4+$0x0], $0xffff;
	v7 =	vor.u32 v7, v43;
	v43 =	vshll.u32 v6, $0x3  }
0x1fd: {  	v6 =	vand.u32 $0x7F, v6;
	v40 =	vld.idx.msk [tilespmem:v40+s4+$0x0], $0xffff;
	v46 =	vor.u32 $0x200, v7;
	v43 =	vand.u32 $0xFFFFFC00, v43  }
0x1fe: {  	v32 =	vadd.f32 v36, v32;
	v28 =	vld.idx.msk [tilespmem:v28+s4+$0x0], $0xffff;
	v6 =	vor.u32 v6, v43;
	v43 =	vor.u32 $0x180, v2  }
0x1ff: {  	v47 =	vmul.f32 $2.000000030e-01, v33;
	v34 =	vadd.f32 v34, v39;
	v36 =	vld.idx.msk [tilespmem:v42+s4+$0x0], $0xffff;
	v42 =	vor.u32 $0x380, v6  }
0x200: {  	v48 =	vmul.f32 $2.000000030e-01, v5;
	v39 =	vor.u32 $0x80, v4;
	v24 =	vadd.f32 v35, v24;
	v8 =	vld.idx.msk [tilespmem:v8+s4+$0x0], $0xffff  }
0x201: {  	v49 =	vmul.f32 $2.000000030e-01, v32;
	v3 =	vadd.f32 v37, v3;
	v35 =	vld.idx.msk [tilespmem:v38+s4+$0x0], $0xffff;
	v38 =	vor.u32 $0x280, v7  }
0x202: {  	v50 =	vmul.f32 $2.000000030e-01, v34;
	v51 =	vmul.f32 $2.000000030e-01, v24;
	v37 =	vld.idx.msk [tilespmem:v46+s4+$0x0], $0xffff;
	v46 =	vor.u32 $0x100, v4  }
0x203: {  	v52 =	vor.u32 $0x300, v7;
	v53 =	vmul.f32 $2.000000030e-01, v3;
	v40 =	vadd.f32 v40, v44;
	v43 =	vld.idx.msk [tilespmem:v43+s4+$0x0], $0xffff  }
0x204: {  	v14 =	vmax.f32 v14, v21;
	v15 =	vmax.f32 v15, v20;
	v4 =	vor.u32 $0x180, v4;
	v42 =	vld.idx.msk [tilespmem:v42+s4+$0x0], $0xffff  }
0x205: {  	v7 =	vor.u32 $0x380, v7;
	v21 =	vmul.f32 $2.000000030e-01, v40;
	v28 =	vadd.f32 v36, v28;
	v20 =	vld.idx.msk [tilespmem:v39+s4+$0x0], $0xffff  }
0x206: {  	v16 =	vmax.f32 v16, v19;
	v18 =	vmax.f32 v18, v27;
	v36 =	vld.idx.msk [tilespmem:v38+s4+$0x0], $0xffff;
	v38 =	vor.u32 $0x200, v6  }
0x207: {  	v27 =	vor.u32 $0x80, v2;
	v39 =	vmul.f32 $2.000000030e-01, v28;
	v8 =	vadd.f32 v35, v8;
	v19 =	vld.idx.msk [tilespmem:v46+s4+$0x0], $0xffff  }
0x208: {  	v22 =	vmax.f32 v22, v30;
	v44 =	vor.u32 $0x280, v6;
	v1 =	vadd.f32 v37, v1;
	v35 =	vld.idx.msk [tilespmem:v52+s4+$0x0], $0xffff  }
0x209: {  	v23 =	vmax.f32 v23, v29;
	v2 =	vor.u32 $0x100, v2;
	v29 =	vmul.f32 $2.000000030e-01, v8;
	v4 =	vld.idx.msk [tilespmem:v4+s4+$0x0], $0xffff  }
0x20a: {  	v6 =	vor.u32 $0x300, v6;
	v30 =	vmul.f32 $2.000000030e-01, v1;
	v37 =	vadd.f32 v42, v43;
	v7 =	vld.idx.msk [tilespmem:v7+s4+$0x0], $0xffff  }
0x20b: {  	v26 =	vmax.f32 v26, v45;
	v31 =	vmax.f32 v31, v41;
	v33 =	vmax.f32 v33, v47;
	v38 =	vld.idx.msk [tilespmem:v38+s4+$0x0], $0xffff  }
0x20c: {  	v5 =	vmax.f32 v5, v48;
	v20 =	vadd.f32 v36, v20;
	v36 =	vmul.f32 $2.000000030e-01, v37;
	v27 =	vld.idx.msk [tilespmem:v27+s4+$0x0], $0xffff  }
0x20d: {  	v32 =	vmax.f32 v32, v49;
	v34 =	vmax.f32 v34, v50;
	v24 =	vmax.f32 v24, v51;
	v41 =	vld.idx.msk [tilespmem:v44+s4+$0x0], $0xffff  }
0x20e: {  	s17 =	sadd.s32 $0x400, s17;
	v42 =	vmul.f32 $2.000000030e-01, v20;
	v19 =	vadd.f32 v35, v19;
	v35 =	vmax.f32 v37, v36;
	v2 =	vld.idx.msk [tilespmem:v2+s4+$0x0], $0xffff  }
0x20f: {  	s20 =	sshra.s32 s18, $0x2;
	v3 =	vmax.f32 v3, v53;
	v21 =	vmax.f32 v40, v21;
	v6 =	vld.idx.msk [tilespmem:v6+s4+$0x0], $0xffff;
	[tilespmem:s17+$0x170] =	vst v35  }
0x210: {  	v4 =	vadd.f32 v7, v4;
	v35 =	vld [tilespmem:s20+$0x13B90];
	[tilespmem:s17+$0xFFFFFE00] =	vst v9;
	v9 =	vmax.f32 v28, v39;
	v28 =	vmul.f32 $2.000000030e-01, v19  }
0x211: {  	v1 =	vmax.f32 v1, v30;
	v0 =	vadd.f32 v38, v0;
	v7 =	vld [tilespmem:s20+$0x14890];
	[tilespmem:s17+$0xFFFFFF00] =	vst v11;
	v11 =	vmax.f32 v8, v29  }
0x212: {  	v20 =	vmax.f32 v20, v42;
	v8 =	vld [tilespmem:s20+$0x13BA0];
	[tilespmem:s17+$0x0] =	vst v10;
	v19 =	vmax.f32 v19, v28;
	v10 =	vmul.f32 $2.000000030e-01, v4  }
0x213: {  	v27 =	vadd.f32 v41, v27;
	v28 =	vld [tilespmem:s20+$0x13BB0];
	[tilespmem:s17+$0x100] =	vst v13;
	v13 =	vmul.f32 $2.000000030e-01, v0  }
0x214: {  	v29 =	vld [tilespmem:s20+$0x13BC0];
	[tilespmem:s17+$0xFFFFFE10] =	vst v12;
	v30 =	vmax.f32 v4, v10  }
0x215: {  	v2 =	vadd.f32 v6, v2;
	v4 =	vld [tilespmem:s20+$0x13BD0];
	[tilespmem:s17+$0xFFFFFF10] =	vst v25;
	v25 =	vmax.f32 v0, v13;
	v0 =	vmul.f32 $2.000000030e-01, v27  }
0x216: {  	v6 =	vld [tilespmem:s20+$0x13BE0];
	[tilespmem:s17+$0x10] =	vst v17  }
0x217: {  	v17 =	vld [tilespmem:s20+$0x13BF0];
	[tilespmem:s17+$0x110] =	vst v14;
	v14 =	vmax.f32 v27, v0;
	v0 =	vmul.f32 $2.000000030e-01, v2  }
0x218: {  	v27 =	vld [tilespmem:s20+$0x13C00];
	[tilespmem:s17+$0xFFFFFE20] =	vst v15  }
0x219: {  	[tilespmem:s17+$0xFFFFFF20] =	vst v16;
	v15 =	vmax.f32 v2, v0  }
0x21a: {  	v0 =	vand.u32 $0x7F, v35;
	[tilespmem:s17+$0x20] =	vst v18  }
0x21b: {  	v12 =	vand.u32 $0x7F, v8;
	v13 =	vand.u32 $0x7F, v28;
	v2 =	vand.u32 $0x7F, v7;
	[tilespmem:s17+$0x120] =	vst v22  }
0x21c: {  	v16 =	vand.u32 $0x7F, v29;
	v18 =	vand.u32 $0x7F, v4;
	v22 =	vand.u32 $0x7F, v6;
	[tilespmem:s17+$0xFFFFFE30] =	vst v23  }
0x21d: {  	v10 =	vshll.u32 v35, $0x3;
	v23 =	vand.u32 $0x7F, v17;
	v35 =	vld [tilespmem:s20+$0x148A0];
	v36 =	vand.u32 $0x7F, v27;
	[tilespmem:s17+$0xFFFFFF30] =	vst v26  }
0x21e: {  	v10 =	vand.u32 $0xFFFFFC00, v10;
	v37 =	vshll.u32 v7, $0x3;
	v7 =	vshll.u32 v8, $0x3;
	v38 =	vld [tilespmem:s20+$0x148B0];
	[tilespmem:s17+$0x30] =	vst v31  }
0x21f: {  	v31 =	vor.u32 v0, v10;
	v0 =	vand.u32 $0xFFFFFC00, v7;
	v7 =	vshll.u32 v28, $0x3;
	v10 =	vld [tilespmem:s20+$0x148C0];
	[tilespmem:s17+$0x130] =	vst v33  }
0x220: {  	v28 =	vor.u32 v12, v0;
	v0 =	vand.u32 $0xFFFFFC00, v7;
	v7 =	vshll.u32 v29, $0x3;
	v12 =	vld [tilespmem:s20+$0x148D0];
	[tilespmem:s17+$0xFFFFFE40] =	vst v5  }
0x221: {  	v4 =	vshll.u32 v4, $0x3;
	v33 =	vor.u32 v13, v0;
	v0 =	vand.u32 $0xFFFFFC00, v7;
	v26 =	vld [tilespmem:s20+$0x148E0];
	[tilespmem:s17+$0xFFFFFF40] =	vst v32  }
0x222: {  	v13 =	vor.u32 v16, v0;
	v0 =	vand.u32 $0xFFFFFC00, v4;
	v4 =	vshll.u32 v6, $0x3;
	v7 =	vld [tilespmem:s20+$0x148F0];
	[tilespmem:s17+$0x40] =	vst v34  }
0x223: {  	v29 =	vor.u32 v18, v0;
	v0 =	vand.u32 $0xFFFFFC00, v4;
	v4 =	vshll.u32 v17, $0x3;
	v6 =	vld [tilespmem:s20+$0x14900];
	[tilespmem:s17+$0x140] =	vst v24  }
0x224: {  	v5 =	vshll.u32 v27, $0x3;
	v8 =	vor.u32 v22, v0;
	v0 =	vand.u32 $0xFFFFFC00, v4;
	v16 =	vld.idx.msk [tilespmem:v31+s4+$0x0], $0xffff;
	[tilespmem:s17+$0xFFFFFE50] =	vst v3  }
0x225: {  	v3 =	vand.u32 $0xFFFFFC00, v37;
	v4 =	vor.u32 v23, v0;
	v0 =	vand.u32 $0xFFFFFC00, v5;
	v17 =	vld.idx.msk [tilespmem:v28+s4+$0x0], $0xffff;
	[tilespmem:s17+$0xFFFFFF50] =	vst v21  }
0x226: {  	v18 =	vor.u32 v2, v3;
	v2 =	vor.u32 v36, v0;
	v21 =	vld.idx.msk [tilespmem:v33+s4+$0x0], $0xffff;
	[tilespmem:s17+$0x50] =	vst v9  }
0x227: {  	v9 =	vor.u32 $0x200, v18;
	v23 =	vld.idx.msk [tilespmem:v13+s4+$0x0], $0xffff;
	[tilespmem:s17+$0x150] =	vst v11  }
0x228: {  	v11 =	vor.u32 $0x80, v31;
	v5 =	vld.idx.msk [tilespmem:v29+s4+$0x0], $0xffff;
	[tilespmem:s17+$0xFFFFFE60] =	vst v1  }
0x229: {  	v22 =	vor.u32 $0x280, v18;
	v3 =	vld.idx.msk [tilespmem:v8+s4+$0x0], $0xffff;
	[tilespmem:s17+$0xFFFFFF60] =	vst v20  }
0x22a: {  	v20 =	vor.u32 $0x100, v31;
	v1 =	vld.idx.msk [tilespmem:v4+s4+$0x0], $0xffff;
	[tilespmem:s17+$0x60] =	vst v19  }
0x22b: {  	v24 =	vshll.u32 v35, $0x3;
	v19 =	vor.u32 $0x300, v18;
	v0 =	vld.idx.msk [tilespmem:v2+s4+$0x0], $0xffff;
	[tilespmem:s17+$0x160] =	vst v30  }
0x22c: {  	v27 =	vor.u32 $0x180, v31;
	v24 =	vand.u32 $0xFFFFFC00, v24;
	v30 =	vand.u32 $0x7F, v35;
	v9 =	vld.idx.msk [tilespmem:v9+s4+$0x0], $0xffff;
	[tilespmem:s17+$0xFFFFFE70] =	vst v25  }
0x22d: {  	v18 =	vor.u32 $0x380, v18;
	v24 =	vor.u32 v30, v24;
	v11 =	vld.idx.msk [tilespmem:v11+s4+$0x0], $0xffff;
	[tilespmem:s17+$0xFFFFFF70] =	vst v14  }
0x22e: {  	v14 =	vld.idx.msk [tilespmem:v22+s4+$0x0], $0xffff;
	v22 =	vor.u32 $0x200, v24;
	[tilespmem:s17+$0x70] =	vst v15  }
0x22f: {  	v15 =	vld.idx.msk [tilespmem:v20+s4+$0x0], $0xffff;
	v20 =	vor.u32 $0x80, v28  }
0x230: {  	v25 =	vor.u32 $0x280, v24;
	v19 =	vld.idx.msk [tilespmem:v19+s4+$0x0], $0xffff  }
0x231: {  	v30 =	vor.u32 $0x100, v28;
	v27 =	vld.idx.msk [tilespmem:v27+s4+$0x0], $0xffff  }
0x232: {  	v32 =	vshll.u32 v38, $0x3;
	v31 =	vor.u32 $0x300, v24;
	v9 =	vadd.f32 v9, v16;
	v18 =	vld.idx.msk [tilespmem:v18+s4+$0x0], $0xffff  }
0x233: {  	v32 =	vand.u32 $0xFFFFFC00, v32;
	v16 =	vld.idx.msk [tilespmem:v22+s4+$0x0], $0xffff;
	v22 =	vor.u32 $0x180, v28;
	v28 =	vand.u32 $0x7F, v38  }
0x234: {  	v24 =	vor.u32 $0x380, v24;
	v11 =	vadd.f32 v14, v11;
	v20 =	vld.idx.msk [tilespmem:v20+s4+$0x0], $0xffff;
	v28 =	vor.u32 v28, v32  }
0x235: {  	v32 =	vmul.f32 $2.000000030e-01, v9;
	v14 =	vld.idx.msk [tilespmem:v25+s4+$0x0], $0xffff;
	v25 =	vor.u32 $0x200, v28  }
0x236: {  	v34 =	vor.u32 $0x80, v33;
	v35 =	vmul.f32 $2.000000030e-01, v11;
	v15 =	vadd.f32 v19, v15;
	v30 =	vld.idx.msk [tilespmem:v30+s4+$0x0], $0xffff  }
0x237: {  	v9 =	vmax.f32 v9, v32;
	v19 =	vld.idx.msk [tilespmem:v31+s4+$0x0], $0xffff;
	v31 =	vor.u32 $0x280, v28  }
0x238: {  	v32 =	vor.u32 $0x100, v33;
	v36 =	vmul.f32 $2.000000030e-01, v15;
	v27 =	vadd.f32 v18, v27;
	v22 =	vld.idx.msk [tilespmem:v22+s4+$0x0], $0xffff  }
0x239: {  	v37 =	vor.u32 $0x300, v28;
	v38 =	vadd.f32 v16, v17;
	v18 =	vld.idx.msk [tilespmem:v24+s4+$0x0], $0xffff;
	v24 =	vshll.u32 v10, $0x3  }
0x23a: {  	v33 =	vor.u32 $0x180, v33;
	v10 =	vand.u32 $0x7F, v10;
	v16 =	vld.idx.msk [tilespmem:v25+s4+$0x0], $0xffff;
	v17 =	vand.u32 $0xFFFFFC00, v24  }
0x23b: {  	v39 =	vor.u32 $0x380, v28;
	v34 =	vld.idx.msk [tilespmem:v34+s4+$0x0], $0xffff;
	v40 =	vor.u32 v10, v17;
	v17 =	vadd.f32 v14, v20  }
0x23c: {  	v41 =	vmul.f32 $2.000000030e-01, v27;
	v42 =	vmul.f32 $2.000000030e-01, v38;
	v20 =	vld.idx.msk [tilespmem:v31+s4+$0x0], $0xffff;
	v31 =	vor.u32 $0x200, v40  }
0x23d: {  	v43 =	vor.u32 $0x80, v13;
	v24 =	vadd.f32 v19, v30;
	v32 =	vld.idx.msk [tilespmem:v32+s4+$0x0], $0xffff;
	v25 =	vmul.f32 $2.000000030e-01, v17  }
0x23e: {  	v11 =	vmax.f32 v11, v35;
	v10 =	vmax.f32 v15, v36;
	v19 =	vor.u32 $0x280, v40;
	v30 =	vld.idx.msk [tilespmem:v37+s4+$0x0], $0xffff  }
0x23f: {  	v28 =	vmul.f32 $2.000000030e-01, v24;
	v14 =	vadd.f32 v18, v22;
	v35 =	vld.idx.msk [tilespmem:v33+s4+$0x0], $0xffff;
	v33 =	vor.u32 $0x100, v13  }
0x240: {  	v36 =	vor.u32 $0x300, v40;
	v18 =	vshll.u32 v12, $0x3;
	v15 =	vadd.f32 v16, v21;
	v22 =	vld.idx.msk [tilespmem:v39+s4+$0x0], $0xffff  }
0x241: {  	v12 =	vand.u32 $0x7F, v12;
	v39 =	vor.u32 $0x180, v13;
	v13 =	vand.u32 $0xFFFFFC00, v18;
	v37 =	vld.idx.msk [tilespmem:v31+s4+$0x0], $0xffff  }
0x242: {  	v40 =	vor.u32 $0x380, v40;
	v44 =	vor.u32 v12, v13;
	v16 =	vadd.f32 v20, v34;
	v43 =	vld.idx.msk [tilespmem:v43+s4+$0x0], $0xffff  }
0x243: {  	v21 =	vmul.f32 $2.000000030e-01, v14;
	v20 =	vmul.f32 $2.000000030e-01, v15;
	v46 =	vor.u32 $0x200, v44;
	v45 =	vld.idx.msk [tilespmem:v19+s4+$0x0], $0xffff  }
0x244: {  	v47 =	vor.u32 $0x80, v29;
	v19 =	vmul.f32 $2.000000030e-01, v16;
	v18 =	vadd.f32 v30, v32;
	v31 =	vld.idx.msk [tilespmem:v33+s4+$0x0], $0xffff  }
0x245: {  	v13 =	vmax.f32 v27, v41;
	v12 =	vmax.f32 v38, v42;
	v30 =	vor.u32 $0x280, v44;
	v34 =	vld.idx.msk [tilespmem:v36+s4+$0x0], $0xffff  }
.Ltmp9:
0x246: {  	v27 =	vmul.f32 $2.000000030e-01, v18;
	v22 =	vadd.f32 v22, v35;
	v33 =	vld.idx.msk [tilespmem:v39+s4+$0x0], $0xffff;
	v39 =	vor.u32 $0x100, v29;
	(pc) =	sbr.rel @p1 .LBB2_21-.Ltmp9, $4  }
0x247: {  	v32 =	vshll.u32 v26, $0x3;
	v23 =	vadd.f32 v37, v23;
	v35 =	vld.idx.msk [tilespmem:v40+s4+$0x0], $0xffff;
	v40 =	vor.u32 $0x300, v44  }
0x248: {  	v41 =	vor.u32 $0x180, v29;
	v26 =	vand.u32 $0x7F, v26;
	v29 =	vand.u32 $0xFFFFFC00, v32;
	v37 =	vld.idx.msk [tilespmem:v46+s4+$0x0], $0xffff  }
0x249: {  	v42 =	vor.u32 $0x380, v44;
	v38 =	vor.u32 v26, v29;
	v26 =	vadd.f32 v45, v43;
	v32 =	vld.idx.msk [tilespmem:v47+s4+$0x0], $0xffff  }
0x24a: {  	s18 =	sadd.s32 $0x400, s18;
	v43 =	vor.u32 $0x200, v38;
	v29 =	vmul.f32 $2.000000030e-01, v23;
	v36 =	vld.idx.msk [tilespmem:v30+s4+$0x0], $0xffff;
	v30 =	vmul.f32 $2.000000030e-01, v22  }
0x24b: {  	_ =	sdelay $0x3  }
0x24c: {  	v39 =	vld.idx.msk [tilespmem:v39+s4+$0x0], $0xffff;
	v44 =	vor.u32 $0x80, v8  }
0x24d: {  	v40 =	vld.idx.msk [tilespmem:v40+s4+$0x0], $0xffff;
	v45 =	vor.u32 $0x280, v38  }
0x24e: {  	v41 =	vld.idx.msk [tilespmem:v41+s4+$0x0], $0xffff;
	v46 =	vor.u32 $0x100, v8  }
0x24f: {  	v42 =	vld.idx.msk [tilespmem:v42+s4+$0x0], $0xffff;
	v47 =	vor.u32 $0x300, v38  }
0x250: {  	v43 =	vld.idx.msk [tilespmem:v43+s4+$0x0], $0xffff;
	v56 =	vor.u32 $0x180, v8  }
0x251: {  	v58 =	vor.u32 $0x380, v38;
	v44 =	vld.idx.msk [tilespmem:v44+s4+$0x0], $0xffff  }
0x252: {  	v61 =	vor.u32 $0x180, v2;
	v45 =	vld.idx.msk [tilespmem:v45+s4+$0x0], $0xffff  }
0x253: {  	v48 =	vshll.u32 v7, $0x3;
	v51 =	vor.u32 $0x80, v4;
	v46 =	vld.idx.msk [tilespmem:v46+s4+$0x0], $0xffff  }
0x254: {  	v57 =	vand.u32 $0x7F, v7;
	v59 =	vshll.u32 v6, $0x3;
	v53 =	vor.u32 $0x100, v4;
	v47 =	vld.idx.msk [tilespmem:v47+s4+$0x0], $0xffff  }
0x255: {  	v60 =	vand.u32 $0x7F, v6;
	v62 =	vor.u32 $0x180, v4;
	v48 =	vand.u32 $0xFFFFFC00, v48;
	v8 =	vld.idx.msk [tilespmem:v56+s4+$0x0], $0xffff  }
0x256: {  	v63 =	vor.u32 $0x100, v2;
	v7 =	vor.u32 v57, v48;
	v48 =	vand.u32 $0xFFFFFC00, v59;
	v38 =	vld.idx.msk [tilespmem:v58+s4+$0x0], $0xffff  }
0x257: {  	v49 =	vor.u32 $0x200, v7;
	v6 =	vor.u32 v60, v48;
	v48 =	vld.idx.msk [tilespmem:v61+s4+$0x0], $0xffff  }
0x258: {  	v52 =	vor.u32 $0x280, v7;
	v51 =	vld.idx.msk [tilespmem:v51+s4+$0x0], $0xffff  }
0x259: {  	v54 =	vor.u32 $0x300, v7;
	v53 =	vld.idx.msk [tilespmem:v53+s4+$0x0], $0xffff  }
0x25a: {  	v7 =	vor.u32 $0x380, v7;
	v4 =	vld.idx.msk [tilespmem:v62+s4+$0x0], $0xffff  }
0x25b: {  	v50 =	vor.u32 $0x380, v6;
	v56 =	vor.u32 $0x80, v2;
	v2 =	vld.idx.msk [tilespmem:v63+s4+$0x0], $0xffff  }
0x25c: {  	v55 =	vor.u32 $0x200, v6;
	v49 =	vld.idx.msk [tilespmem:v49+s4+$0x0], $0xffff  }
0x25d: {  	v57 =	vor.u32 $0x280, v6;
	v52 =	vld.idx.msk [tilespmem:v52+s4+$0x0], $0xffff  }
0x25e: {  	v6 =	vor.u32 $0x300, v6;
	v54 =	vld.idx.msk [tilespmem:v54+s4+$0x0], $0xffff  }
0x25f: {  	v7 =	vld.idx.msk [tilespmem:v7+s4+$0x0], $0xffff  }
0x260: {  	v50 =	vld.idx.msk [tilespmem:v50+s4+$0x0], $0xffff  }
0x261: {  	v60 =	vld.idx.msk [tilespmem:v55+s4+$0x0], $0xffff  }
0x262: {  	v57 =	vld.idx.msk [tilespmem:v57+s4+$0x0], $0xffff  }
0x263: {  	s18 =	sadd.s32 $0x400, s17;
	v6 =	vld.idx.msk [tilespmem:v6+s4+$0x0], $0xffff  }
0x264: {  	v61 =	vld.idx.msk [tilespmem:v56+s4+$0x0], $0xffff;
	[tilespmem:s18+$0xFFFFFE00] =	vst v9  }
0x265: {  	[tilespmem:s18+$0xFFFFFF00] =	vst v11  }
0x266: {  	[tilespmem:s18+$0x0] =	vst v10  }
0x267: {  	[tilespmem:s18+$0x100] =	vst v13  }
0x268: {  	v63 =	vmax.f32 v17, v25;
	[tilespmem:s18+$0xFFFFFE10] =	vst v12  }
0x269: {  	v14 =	vmax.f32 v14, v21;
	v3 =	vadd.f32 v43, v3;
	[tilespmem:s18+$0xFFFFFF10] =	vst v63  }
0x26a: {  	v32 =	vadd.f32 v36, v32;
	v17 =	vmax.f32 v15, v20;
	[tilespmem:s18+$0x110] =	vst v14  }
0x26b: {  	v20 =	vmax.f32 v16, v19;
	v36 =	vadd.f32 v42, v41;
	v42 =	vmul.f32 $2.000000030e-01, v3;
	[tilespmem:s18+$0xFFFFFE20] =	vst v17  }
0x26c: {  	v21 =	vadd.f32 v34, v31;
	v31 =	vmax.f32 v23, v29;
	[tilespmem:s18+$0xFFFFFF20] =	vst v20  }
0x26d: {  	v3 =	vmax.f32 v3, v42;
	[tilespmem:s18+$0xFFFFFE30] =	vst v31  }
0x26e: {  	v13 =	vmax.f32 v24, v28;
	[tilespmem:s18+$0xFFFFFE50] =	vst v3  }
0x26f: {  	v25 =	vmul.f32 $2.000000030e-01, v26;
	v34 =	vadd.f32 v40, v39;
	v24 =	vmax.f32 v18, v27;
	[tilespmem:s18+$0x10] =	vst v13  }
0x270: {  	v5 =	vadd.f32 v37, v5;
	v37 =	vmul.f32 $2.000000030e-01, v32;
	v28 =	vmax.f32 v22, v30;
	[tilespmem:s18+$0x20] =	vst v24  }
0x271: {  	v39 =	vmul.f32 $2.000000030e-01, v34;
	v40 =	vmul.f32 $2.000000030e-01, v36;
	v9 =	vmax.f32 v26, v25;
	[tilespmem:s18+$0x120] =	vst v28  }
0x272: {  	v27 =	vadd.f32 v35, v33;
	v30 =	vmul.f32 $2.000000030e-01, v21;
	v11 =	vmax.f32 v32, v37;
	[tilespmem:s18+$0xFFFFFF30] =	vst v9  }
0x273: {  	v35 =	vmul.f32 $2.000000030e-01, v5;
	v41 =	vadd.f32 v45, v44;
	[tilespmem:s18+$0xFFFFFF40] =	vst v11;
	v9 =	vmax.f32 v36, v40  }
0x274: {  	v43 =	vadd.f32 v47, v46;
	v8 =	vadd.f32 v38, v8;
	v10 =	vmax.f32 v21, v30;
	[tilespmem:s18+$0x140] =	vst v9  }
0x275: {  	v33 =	vmul.f32 $2.000000030e-01, v27;
	v5 =	vmax.f32 v5, v35;
	v44 =	vmul.f32 $2.000000030e-01, v41;
	[tilespmem:s18+$0x30] =	vst v10  }
0x276: {  	v45 =	vmul.f32 $2.000000030e-01, v43;
	v46 =	vmul.f32 $2.000000030e-01, v8;
	[tilespmem:s18+$0xFFFFFE40] =	vst v5;
	v10 =	vmax.f32 v34, v39  }
0x277: {  	v1 =	vadd.f32 v49, v1;
	v47 =	vadd.f32 v52, v51;
	v12 =	vmax.f32 v27, v33;
	[tilespmem:s18+$0x40] =	vst v10  }
0x278: {  	v49 =	vadd.f32 v54, v53;
	v4 =	vadd.f32 v7, v4;
	v11 =	vmax.f32 v41, v44;
	[tilespmem:s18+$0x130] =	vst v12  }
0x279: {  	v48 =	vadd.f32 v50, v48;
	v10 =	vmax.f32 v43, v45;
	[tilespmem:s18+$0xFFFFFF50] =	vst v11;
	v51 =	vmul.f32 $2.000000030e-01, v47  }
0x27a: {  	v5 =	vmax.f32 v8, v46;
	v0 =	vadd.f32 v60, v0;
	[tilespmem:s18+$0x50] =	vst v10;
	v52 =	vmul.f32 $2.000000030e-01, v49  }
0x27b: {  	v2 =	vadd.f32 v6, v2;
	[tilespmem:s18+$0x150] =	vst v5;
	v54 =	vmul.f32 $2.000000030e-01, v4;
	v53 =	vmax.f32 v47, v51  }
0x27c: {  	v56 =	vadd.f32 v57, v61;
	v62 =	vmul.f32 $2.000000030e-01, v48;
	v57 =	vmax.f32 v49, v52;
	[tilespmem:s18+$0xFFFFFF60] =	vst v53  }
0x27d: {  	v58 =	vmul.f32 $2.000000030e-01, v0;
	v59 =	vmax.f32 v4, v54;
	[tilespmem:s18+$0x60] =	vst v57  }
0x27e: {  	v61 =	vmul.f32 $2.000000030e-01, v2;
	v48 =	vmax.f32 v48, v62;
	[tilespmem:s18+$0x160] =	vst v59  }
0x27f: {  	v60 =	vmul.f32 $2.000000030e-01, v56;
	v0 =	vmax.f32 v0, v58;
	[tilespmem:s18+$0x170] =	vst v48  }
0x280: {  	s17 =	sshll.u32 s19, $0x6;
	v63 =	vmax.f32 v2, v61;
	v48 =	vmul.f32 $2.000000030e-01, v1;
	[tilespmem:s18+$0xFFFFFE70] =	vst v0  }
0x281: {  	s20 =	sand.u32 $0x1FFFFFC0, s17;
	v62 =	vmax.f32 v56, v60;
	[tilespmem:s18+$0x70] =	vst v63  }
0x282: {  	s21 =	simm.s32 $0x15600;
	s20 =	sadd.s32 s3, s20;
	[tilespmem:s18+$0xFFFFFF70] =	vst v62;
	v1 =	vmax.f32 v1, v48  }
0x283: {  	s22 =	simm.s32 $0x15700;
	s23 =	sadd.s32 $0x0, s20;
	[tilespmem:s18+$0xFFFFFE60] =	vst v1;
	s18 =	simm.s32 $0x10  }
.LBB2_23:
0x284: {  	[hbm4b:s23+s4] =	stream.linear.scatter [tilespmem:s21], [sflag:$0x4], $0x80, $0x38;
	[tilespmem:$0x18D00] =	vst v63  }
0x285: {  	s23 =	smov.u32 s18;
	s21 =	smov.u32 s22;
	p1 =	sne.s32 s18, $0x330  }
.Ltmp10:
0x286: {  	s18 =	sadd.s32 $0x10, s18;
	(pc) =	sbr.rel @p1 .LBB2_23-.Ltmp10, $2  }
0x287: {  	_ =	sdelay $0x2  }
0x288: {  	s22 =	sadd.s32 $0x100, s22;
	s23 =	sadd.s32 s23, s20  }
0x289: {  	p1 =	seq.s32 s2, $0x2  }
.Ltmp11:
0x28a: {  	_ = 	snop;
	(pc) =	sbr.rel @p1 .LBB2_26-.Ltmp11, $2  }
0x28b: {  	_ =	sdelay $0x2  }
0x28c: {  	[hbm4b:s23+s4] =	stream.linear.scatter [tilespmem:s21], [sflag:$0x4], $0x80, $0x38;
	[tilespmem:$0x18D00] =	vst v63  }
0x28d: {  	s18 =	sshll.u32 s19, $0x5  }
0x28e: {  	s18 =	sand.u32 $0x1FFFFFE0, s18  }
0x28f: {  	s18 =	sadd.s32 s1, s18  }
0x290: {  	s21 =	simm.s32 $0x13C00;
	s20 =	sadd.s32 $0x340, s18  }
0x291: {  	[tilespmem:s21], [sflag:$0x2] =	stream.linear.gather [hbm4b:s20+s4], $0x80, $0x38;
	[tilespmem:$0x18D00] =	vst v63  }
0x292: {  	s23 =	simm.s32 $0x13D00;
	s22 =	sadd.s32 $0x360, s18  }
0x293: {  	[tilespmem:s23], [sflag:$0x2] =	stream.linear.gather [hbm4b:s22+s4], $0x80, $0x38;
	[tilespmem:$0x18D00] =	vst v63  }
0x294: {  	s22 =	sadd.s32 $0x380, s18;
	s23 =	simm.s32 $0x13E00  }
0x295: {  	[tilespmem:s23], [sflag:$0x2] =	stream.linear.gather [hbm4b:s22+s4], $0x80, $0x38;
	[tilespmem:$0x18D00] =	vst v63  }
0x296: {  	s22 =	sadd.s32 $0x3A0, s18;
	s23 =	simm.s32 $0x13F00  }
0x297: {  	[tilespmem:s23], [sflag:$0x2] =	stream.linear.gather [hbm4b:s22+s4], $0x80, $0x38;
	[tilespmem:$0x18D00] =	vst v63  }
0x298: {  	s22 =	sadd.s32 $0x3C0, s18;
	s23 =	simm.s32 $0x14000  }
0x299: {  	[tilespmem:s23], [sflag:$0x2] =	stream.linear.gather [hbm4b:s22+s4], $0x80, $0x38;
	[tilespmem:$0x18D00] =	vst v63  }
0x29a: {  	s22 =	sadd.s32 $0x3E0, s18;
	s23 =	simm.s32 $0x14100  }
0x29b: {  	[tilespmem:s23], [sflag:$0x2] =	stream.linear.gather [hbm4b:s22+s4], $0x80, $0x38;
	[tilespmem:$0x18D00] =	vst v63  }
0x29c: {  	s22 =	sadd.s32 $0x400, s18;
	s23 =	simm.s32 $0x14200  }
0x29d: {  	[tilespmem:s23], [sflag:$0x2] =	stream.linear.gather [hbm4b:s22+s4], $0x80, $0x38;
	[tilespmem:$0x18D00] =	vst v63  }
0x29e: {  	s22 =	sadd.s32 $0x420, s18;
	s23 =	simm.s32 $0x14300  }
0x29f: {  	[tilespmem:s23], [sflag:$0x2] =	stream.linear.gather [hbm4b:s22+s4], $0x80, $0x38;
	[tilespmem:$0x18D00] =	vst v63  }
0x2a0: {  	s22 =	sadd.s32 $0x440, s18;
	s23 =	simm.s32 $0x14400  }
0x2a1: {  	[tilespmem:s23], [sflag:$0x2] =	stream.linear.gather [hbm4b:s22+s4], $0x80, $0x38;
	[tilespmem:$0x18D00] =	vst v63  }
0x2a2: {  	s22 =	sadd.s32 $0x460, s18;
	s23 =	simm.s32 $0x14500  }
0x2a3: {  	[tilespmem:s23], [sflag:$0x2] =	stream.linear.gather [hbm4b:s22+s4], $0x80, $0x38;
	[tilespmem:$0x18D00] =	vst v63  }
0x2a4: {  	s22 =	sadd.s32 $0x480, s18;
	s23 =	simm.s32 $0x14600  }
0x2a5: {  	[tilespmem:s23], [sflag:$0x2] =	stream.linear.gather [hbm4b:s22+s4], $0x80, $0x38;
	[tilespmem:$0x18D00] =	vst v63  }
0x2a6: {  	s22 =	sadd.s32 $0x4A0, s18;
	s23 =	simm.s32 $0x14700  }
0x2a7: {  	[tilespmem:s23], [sflag:$0x2] =	stream.linear.gather [hbm4b:s22+s4], $0x80, $0x38;
	[tilespmem:$0x18D00] =	vst v63  }
0x2a8: {  	s22 =	sadd.s32 $0x4C0, s18;
	s23 =	simm.s32 $0x14800  }
0x2a9: {  	[tilespmem:s23], [sflag:$0x2] =	stream.linear.gather [hbm4b:s22+s4], $0x80, $0x38;
	[tilespmem:$0x18D00] =	vst v63  }
0x2aa: {  	s22 =	sadd.s32 $0x350, s18;
	s23 =	simm.s32 $0x14900  }
0x2ab: {  	[tilespmem:s23], [sflag:$0x2] =	stream.linear.gather [hbm4b:s22+s4], $0x80, $0x38;
	[tilespmem:$0x18D00] =	vst v63  }
0x2ac: {  	s22 =	sadd.s32 $0x370, s18;
	s23 =	simm.s32 $0x14A00  }
0x2ad: {  	[tilespmem:s23], [sflag:$0x2] =	stream.linear.gather [hbm4b:s22+s4], $0x80, $0x38;
	[tilespmem:$0x18D00] =	vst v63  }
0x2ae: {  	s22 =	sadd.s32 $0x390, s18;
	s23 =	simm.s32 $0x14B00  }
0x2af: {  	[tilespmem:s23], [sflag:$0x2] =	stream.linear.gather [hbm4b:s22+s4], $0x80, $0x38;
	[tilespmem:$0x18D00] =	vst v63  }
0x2b0: {  	s22 =	sadd.s32 $0x3B0, s18;
	s23 =	simm.s32 $0x14C00  }
0x2b1: {  	[tilespmem:s23], [sflag:$0x2] =	stream.linear.gather [hbm4b:s22+s4], $0x80, $0x38;
	[tilespmem:$0x18D00] =	vst v63  }
0x2b2: {  	s22 =	sadd.s32 $0x3D0, s18;
	s23 =	simm.s32 $0x14D00  }
0x2b3: {  	[tilespmem:s23], [sflag:$0x2] =	stream.linear.gather [hbm4b:s22+s4], $0x80, $0x38;
	[tilespmem:$0x18D00] =	vst v63  }
0x2b4: {  	s22 =	sadd.s32 $0x3F0, s18;
	s23 =	simm.s32 $0x14E00  }
0x2b5: {  	[tilespmem:s23], [sflag:$0x2] =	stream.linear.gather [hbm4b:s22+s4], $0x80, $0x38;
	[tilespmem:$0x18D00] =	vst v63  }
0x2b6: {  	s22 =	sadd.s32 $0x410, s18;
	s23 =	simm.s32 $0x14F00  }
0x2b7: {  	[tilespmem:s23], [sflag:$0x2] =	stream.linear.gather [hbm4b:s22+s4], $0x80, $0x38;
	[tilespmem:$0x18D00] =	vst v63  }
0x2b8: {  	s22 =	sadd.s32 $0x430, s18;
	s23 =	simm.s32 $0x15000  }
0x2b9: {  	[tilespmem:s23], [sflag:$0x2] =	stream.linear.gather [hbm4b:s22+s4], $0x80, $0x38;
	[tilespmem:$0x18D00] =	vst v63  }
0x2ba: {  	s22 =	sadd.s32 $0x450, s18;
	s23 =	simm.s32 $0x15100  }
0x2bb: {  	[tilespmem:s23], [sflag:$0x2] =	stream.linear.gather [hbm4b:s22+s4], $0x80, $0x38;
	[tilespmem:$0x18D00] =	vst v63  }
0x2bc: {  	s22 =	sadd.s32 $0x470, s18;
	s23 =	simm.s32 $0x15200  }
0x2bd: {  	[tilespmem:s23], [sflag:$0x2] =	stream.linear.gather [hbm4b:s22+s4], $0x80, $0x38;
	[tilespmem:$0x18D00] =	vst v63  }
0x2be: {  	s22 =	sadd.s32 $0x490, s18  }
0x2bf: {  	[tilespmem:s24], [sflag:$0x2] =	stream.linear.gather [hbm4b:s22+s4], $0x80, $0x38;
	[tilespmem:$0x18D00] =	vst v63  }
0x2c0: {  	s23 =	sadd.s32 $0x4B0, s18  }
0x2c1: {  	[tilespmem:s25], [sflag:$0x2] =	stream.linear.gather [hbm4b:s23+s4], $0x80, $0x38;
	[tilespmem:$0x18D00] =	vst v63  }
0x2c2: {  	s18 =	sadd.s32 $0x4D0, s18  }
0x2c3: {  	[tilespmem:s26], [sflag:$0x2] =	stream.linear.gather [hbm4b:s18+s4], $0x80, $0x38;
	[tilespmem:$0x18D00] =	vst v63  }
.LBB2_26:
0x2c4: {  	_ =	swait.ge [sflag:s0], $0x680  }
0x2c5: {  	[sflag:s0] =	ssyncset.done $0x0  }
0x2c6: {  	[sflag:s0] =	ssyncadd.s32 $0xFFFFF980  }
0x2c7: {  	_ =	swait.ge [sflag:s0], $0x680  }
0x2c8: {  	[sflag:s0] =	ssyncset.done $0x0  }
0x2c9: {  	s18 =	simm.s32 @!p2 $0x5;
	[sflag:s0] =	ssyncadd.s32 $0xFFFFF980  }
0x2ca: {  	_ =	swait.ge @!p2 [sflag:s18], $0x1A00  }
0x2cb: {  	[sflag:s18] =	ssyncset.done @!p2 $0x0  }
0x2cc: {  	s22 =	simm.s32 $0xF0;
	[sflag:s18] =	ssyncadd.s32 @!p2 $0xFFFFE600  }
0x2cd: {  	v0 =	vld [tilespmem:s22+$0x13B90]  }
0x2ce: {  	v1 =	vld [tilespmem:s22+$0x14890]  }
0x2cf: {  	v2 =	vld [tilespmem:s22+$0x13BA0]  }
0x2d0: {  	v3 =	vld [tilespmem:s22+$0x13BB0]  }
0x2d1: {  	v4 =	vld [tilespmem:s22+$0x13BC0]  }
0x2d2: {  	v5 =	vld [tilespmem:s22+$0x13BD0]  }
0x2d3: {  	v7 =	vld [tilespmem:s22+$0x13BF0]  }
0x2d4: {  	v16 =	vld [tilespmem:s22+$0x148A0];
	_ =	sdelay $0x1  }
0x2d5: {  	v9 =	vand.u32 $0x7F, v0;
	v10 =	vand.u32 $0x7F, v1  }
0x2d6: {  	v11 =	vand.u32 $0x7F, v2;
	v12 =	vand.u32 $0x7F, v3;
	v13 =	vand.u32 $0x7F, v4  }
0x2d7: {  	v14 =	vand.u32 $0x7F, v5;
	v0 =	vshll.u32 v0, $0x3;
	v17 =	vand.u32 $0x7F, v7  }
0x2d8: {  	v1 =	vshll.u32 v1, $0x3;
	v2 =	vshll.u32 v2, $0x3;
	v29 =	vshll.u32 v16, $0x3  }
0x2d9: {  	v6 =	vld [tilespmem:s22+$0x13BE0];
	v16 =	vand.u32 $0x7F, v16;
	v0 =	vand.u32 $0xFFFFFC00, v0;
	v1 =	vand.u32 $0xFFFFFC00, v1  }
0x2da: {  	v8 =	vld [tilespmem:s22+$0x13C00];
	v29 =	vand.u32 $0xFFFFFC00, v29;
	v9 =	vor.u32 v9, v0;
	v0 =	vand.u32 $0xFFFFFC00, v2  }
0x2db: {  	v19 =	vld [tilespmem:s22+$0x148B0];
	v2 =	vshll.u32 v3, $0x3;
	v10 =	vor.u32 v10, v1;
	v16 =	vor.u32 v16, v29  }
0x2dc: {  	v20 =	vld [tilespmem:s22+$0x148C0];
	v21 =	vor.u32 v11, v0;
	v0 =	vand.u32 $0xFFFFFC00, v2;
	v2 =	vshll.u32 v4, $0x3  }
0x2dd: {  	v22 =	vld [tilespmem:s22+$0x148D0];
	v26 =	vor.u32 $0x280, v10;
	v27 =	vor.u32 $0x100, v9;
	v28 =	vor.u32 $0x300, v10  }
0x2de: {  	v23 =	vld [tilespmem:s22+$0x148E0];
	v12 =	vor.u32 v12, v0;
	v0 =	vand.u32 $0xFFFFFC00, v2;
	v2 =	vshll.u32 v5, $0x3  }
0x2df: {  	v11 =	vld [tilespmem:s22+$0x148F0];
	v13 =	vor.u32 v13, v0;
	v0 =	vand.u32 $0xFFFFFC00, v2;
	v2 =	vshll.u32 v6, $0x3  }
0x2e0: {  	v14 =	vor.u32 v14, v0;
	v0 =	vand.u32 $0xFFFFFC00, v2;
	v2 =	vshll.u32 v7, $0x3;
	v7 =	vld [tilespmem:s22+$0x14900]  }
0x2e1: {  	v34 =	vshll.u32 v19, $0x3;
	v29 =	vor.u32 $0x200, v16;
	v24 =	vld.idx.msk [tilespmem:v9+s4+$0x0], $0xffff  }
0x2e2: {  	v19 =	vand.u32 $0x7F, v19;
	v44 =	vshll.u32 v22, $0x3;
	v31 =	vor.u32 $0x280, v16;
	v25 =	vld.idx.msk [tilespmem:v21+s4+$0x0], $0xffff  }
0x2e3: {  	v22 =	vand.u32 $0x7F, v22;
	v34 =	vand.u32 $0xFFFFFC00, v34;
	v33 =	vor.u32 $0x300, v16;
	v26 =	vld.idx.msk [tilespmem:v26+s4+$0x0], $0xffff  }
0x2e4: {  	v44 =	vand.u32 $0xFFFFFC00, v44;
	v19 =	vor.u32 v19, v34;
	v16 =	vor.u32 $0x380, v16;
	v27 =	vld.idx.msk [tilespmem:v27+s4+$0x0], $0xffff  }
0x2e5: {  	v22 =	vor.u32 v22, v44;
	v34 =	vor.u32 $0x200, v19;
	v28 =	vld.idx.msk [tilespmem:v28+s4+$0x0], $0xffff  }
0x2e6: {  	v15 =	vand.u32 $0x7F, v6;
	v38 =	vor.u32 $0x300, v19;
	v44 =	vor.u32 $0x200, v22;
	v29 =	vld.idx.msk [tilespmem:v29+s4+$0x0], $0xffff  }
0x2e7: {  	v15 =	vor.u32 v15, v0;
	v0 =	vand.u32 $0xFFFFFC00, v2;
	v2 =	vshll.u32 v8, $0x3;
	v31 =	vld.idx.msk [tilespmem:v31+s4+$0x0], $0xffff  }
0x2e8: {  	v18 =	vand.u32 $0x7F, v8;
	v5 =	vor.u32 v17, v0;
	v0 =	vand.u32 $0xFFFFFC00, v2;
	v33 =	vld.idx.msk [tilespmem:v33+s4+$0x0], $0xffff  }
0x2e9: {  	v16 =	vld.idx.msk [tilespmem:v16+s4+$0x0], $0xffff;
	v1 =	vor.u32 v18, v0;
	v18 =	vor.u32 $0x80, v9;
	v9 =	vor.u32 $0x180, v9  }
0x2ea: {  	v30 =	vor.u32 $0x80, v21;
	v34 =	vld.idx.msk [tilespmem:v34+s4+$0x0], $0xffff  }
0x2eb: {  	v38 =	vld.idx.msk [tilespmem:v38+s4+$0x0], $0xffff  }
0x2ec: {  	v37 =	vor.u32 $0x100, v12;
	v44 =	vld.idx.msk [tilespmem:v44+s4+$0x0], $0xffff  }
0x2ed: {  	v8 =	vld.idx.msk [tilespmem:v12+s4+$0x0], $0xffff  }
0x2ee: {  	v32 =	vld.idx.msk [tilespmem:v9+s4+$0x0], $0xffff;
	v9 =	vor.u32 $0x100, v21  }
0x2ef: {  	v30 =	vld.idx.msk [tilespmem:v30+s4+$0x0], $0xffff  }
0x2f0: {  	v6 =	vld.idx.msk [tilespmem:v13+s4+$0x0], $0xffff  }
0x2f1: {  	v17 =	vor.u32 $0x200, v10;
	v37 =	vld.idx.msk [tilespmem:v37+s4+$0x0], $0xffff  }
0x2f2: {  	v10 =	vor.u32 $0x380, v10;
	v4 =	vld.idx.msk [tilespmem:v14+s4+$0x0], $0xffff  }
0x2f3: {  	v35 =	vld.idx.msk [tilespmem:v9+s4+$0x0], $0xffff;
	v9 =	vor.u32 $0x80, v12  }
0x2f4: {  	v3 =	vld.idx.msk [tilespmem:v15+s4+$0x0], $0xffff  }
0x2f5: {  	v2 =	vld.idx.msk [tilespmem:v5+s4+$0x0], $0xffff  }
0x2f6: {  	v17 =	vld.idx.msk [tilespmem:v17+s4+$0x0], $0xffff;
	v12 =	vor.u32 $0x180, v12  }
0x2f7: {  	v10 =	vld.idx.msk [tilespmem:v10+s4+$0x0], $0xffff;
	v21 =	vor.u32 $0x180, v21  }
0x2f8: {  	v40 =	vld.idx.msk [tilespmem:v9+s4+$0x0], $0xffff;
	v9 =	vor.u32 $0x380, v19  }
0x2f9: {  	v36 =	vor.u32 $0x280, v19;
	v0 =	vld.idx.msk [tilespmem:v1+s4+$0x0], $0xffff  }
0x2fa: {  	v39 =	vshll.u32 v20, $0x3;
	v56 =	vor.u32 $0x80, v13;
	v18 =	vld.idx.msk [tilespmem:v18+s4+$0x0], $0xffff  }
0x2fb: {  	v20 =	vand.u32 $0x7F, v20;
	v39 =	vand.u32 $0xFFFFFC00, v39;
	v42 =	vld.idx.msk [tilespmem:v12+s4+$0x0], $0xffff;
	v12 =	vor.u32 $0x100, v13  }
0x2fc: {  	v21 =	vld.idx.msk [tilespmem:v21+s4+$0x0], $0xffff;
	v19 =	vor.u32 v20, v39;
	v13 =	vor.u32 $0x180, v13  }
0x2fd: {  	v43 =	vld.idx.msk [tilespmem:v9+s4+$0x0], $0xffff;
	v9 =	vor.u32 $0x300, v19  }
0x2fe: {  	v20 =	vld.idx.msk [tilespmem:v36+s4+$0x0], $0xffff;
	v55 =	vor.u32 $0x200, v19  }
0x2ff: {  	v39 =	vld.idx.msk [tilespmem:v56+s4+$0x0], $0xffff;
	v41 =	vor.u32 $0x280, v19  }
0x300: {  	v17 =	vadd.f32 v17, v24;
	v19 =	vor.u32 $0x380, v19;
	v24 =	vld.idx.msk [tilespmem:v12+s4+$0x0], $0xffff  }
0x301: {  	v48 =	vshll.u32 v23, $0x3;
	v12 =	vor.u32 $0x80, v14;
	v13 =	vld.idx.msk [tilespmem:v13+s4+$0x0], $0xffff  }
0x302: {  	v45 =	vor.u32 $0x280, v22;
	v18 =	vadd.f32 v26, v18;
	v26 =	vld.idx.msk [tilespmem:v9+s4+$0x0], $0xffff;
	v9 =	vmul.f32 $2.000000030e-01, v17  }
0x303: {  	v23 =	vand.u32 $0x7F, v23;
	v48 =	vand.u32 $0xFFFFFC00, v48;
	v47 =	vor.u32 $0x100, v14;
	v36 =	vld.idx.msk [tilespmem:v55+s4+$0x0], $0xffff  }
0x304: {  	v59 =	vor.u32 $0x80, v15;
	v14 =	vor.u32 $0x180, v14;
	v41 =	vld.idx.msk [tilespmem:v41+s4+$0x0], $0xffff;
	v9 =	vmax.f32 v17, v9  }
0x305: {  	v60 =	vshll.u32 v11, $0x3;
	v27 =	vadd.f32 v28, v27;
	v28 =	vor.u32 $0x300, v22;
	v19 =	vld.idx.msk [tilespmem:v19+s4+$0x0], $0xffff;
	[tilespmem:$0x1FFC0] =	vst v9  }
0x306: {  	v11 =	vand.u32 $0x7F, v11;
	v63 =	vor.u32 $0x80, v5;
	v25 =	vadd.f32 v29, v25;
	v17 =	vld.idx.msk [tilespmem:v12+s4+$0x0], $0xffff  }
0x307: {  	v30 =	vadd.f32 v31, v30;
	v8 =	vadd.f32 v34, v8;
	v46 =	vmul.f32 $2.000000030e-01, v18;
	v29 =	vld.idx.msk [tilespmem:v45+s4+$0x0], $0xffff  }
0x308: {  	v58 =	vmul.f32 $2.000000030e-01, v27;
	v49 =	vmul.f32 $2.000000030e-01, v25;
	v12 =	vor.u32 $0x380, v22;
	v31 =	vld.idx.msk [tilespmem:v47+s4+$0x0], $0xffff  }
0x309: {  	v33 =	vadd.f32 v33, v35;
	v9 =	vmax.f32 v18, v46;
	v35 =	vld.idx.msk [tilespmem:v14+s4+$0x0], $0xffff;
	v14 =	vor.u32 $0x100, v15  }
0x30a: {  	v37 =	vadd.f32 v38, v37;
	v51 =	vmul.f32 $2.000000030e-01, v30;
	v28 =	vld.idx.msk [tilespmem:v28+s4+$0x0], $0xffff;
	[tilespmem:$0x1FFD0] =	vst v9;
	v15 =	vor.u32 $0x180, v15  }
0x30b: {  	v4 =	vadd.f32 v44, v4;
	v6 =	vadd.f32 v36, v6;
	v45 =	vor.u32 $0x180, v1;
	v47 =	vld.idx.msk [tilespmem:v59+s4+$0x0], $0xffff  }
0x30c: {  	v36 =	vadd.f32 v41, v39;
	v46 =	vand.u32 $0xFFFFFC00, v60;
	v22 =	vor.u32 v23, v48;
	v39 =	vld.idx.msk [tilespmem:v63+s4+$0x0], $0xffff  }
0x30d: {  	v46 =	vor.u32 v11, v46;
	v11 =	vshll.u32 v7, $0x3;
	v57 =	vor.u32 $0x200, v22;
	v18 =	vld.idx.msk [tilespmem:v12+s4+$0x0], $0xffff  }
0x30e: {  	v50 =	vor.u32 $0x280, v22;
	v53 =	vand.u32 $0xFFFFFC00, v11;
	v11 =	vmax.f32 v27, v58;
	v27 =	vld.idx.msk [tilespmem:v14+s4+$0x0], $0xffff  }
0x30f: {  	v55 =	vmul.f32 $2.000000030e-01, v8;
	v60 =	vor.u32 $0x100, v5;
	v52 =	vor.u32 $0x200, v46;
	v15 =	vld.idx.msk [tilespmem:v15+s4+$0x0], $0xffff  }
0x310: {  	s23 =	simm.s32 $0x1F0;
	v5 =	vor.u32 $0x180, v5;
	v7 =	vand.u32 $0x7F, v7;
	v56 =	vor.u32 $0x280, v46;
	v45 =	vld.idx.msk [tilespmem:v45+s4+$0x0], $0xffff  }
0x311: {  	v7 =	vor.u32 v7, v53;
	v44 =	vadd.f32 v28, v31;
	v31 =	vmax.f32 v8, v55;
	v8 =	vld [tilespmem:s23+$0x14890]  }
0x312: {  	v16 =	vadd.f32 v16, v21;
	v23 =	vadd.f32 v10, v32;
	v61 =	vor.u32 $0x380, v7;
	v32 =	vld.idx.msk [tilespmem:v57+s4+$0x0], $0xffff  }
0x313: {  	v42 =	vadd.f32 v43, v42;
	v26 =	vadd.f32 v26, v24;
	v24 =	vor.u32 $0x200, v7;
	v50 =	vld.idx.msk [tilespmem:v50+s4+$0x0], $0xffff  }
0x314: {  	v62 =	vmul.f32 $2.000000030e-01, v33;
	v54 =	vmul.f32 $2.000000030e-01, v16;
	v20 =	vadd.f32 v20, v40;
	v38 =	vld.idx.msk [tilespmem:v52+s4+$0x0], $0xffff  }
0x315: {  	v41 =	vmul.f32 $2.000000030e-01, v42;
	v13 =	vadd.f32 v19, v13;
	v12 =	vor.u32 $0x300, v22;
	v43 =	vld.idx.msk [tilespmem:v56+s4+$0x0], $0xffff  }
0x316: {  	v19 =	vmax.f32 v30, v51;
	v48 =	vmul.f32 $2.000000030e-01, v23;
	v22 =	vor.u32 $0x380, v22;
	v52 =	vld.idx.msk [tilespmem:v5+s4+$0x0], $0xffff  }
0x317: {  	v30 =	vmax.f32 v33, v62;
	v33 =	vmax.f32 v16, v54;
	v5 =	vmul.f32 $2.000000030e-01, v4;
	v34 =	vld.idx.msk [tilespmem:v61+s4+$0x0], $0xffff  }
0x318: {  	v51 =	vmul.f32 $2.000000030e-01, v26;
	v14 =	vmax.f32 v23, v48;
	v23 =	vor.u32 $0x300, v46;
	v53 =	vld.idx.msk [tilespmem:v24+s4+$0x0], $0xffff  }
0x319: {  	v29 =	vadd.f32 v29, v17;
	v17 =	vmul.f32 $2.000000030e-01, v13;
	v16 =	vmax.f32 v4, v5;
	v4 =	vld [tilespmem:s23+$0x13C00]  }
0x31a: {  	v48 =	vmul.f32 $2.000000030e-01, v36;
	v57 =	vmul.f32 $2.000000030e-01, v20;
	v21 =	vld.idx.msk [tilespmem:v12+s4+$0x0], $0xffff  }
0x31b: {  	v17 =	vmax.f32 v13, v17;
	v61 =	vor.u32 $0x380, v46;
	v46 =	vmul.f32 $2.000000030e-01, v6;
	v22 =	vld.idx.msk [tilespmem:v22+s4+$0x0], $0xffff  }
0x31c: {  	v28 =	vmax.f32 v20, v57;
	v57 =	vor.u32 $0x80, v1;
	v12 =	vmax.f32 v25, v49;
	v49 =	vld.idx.msk [tilespmem:v60+s4+$0x0], $0xffff  }
0x31d: {  	v1 =	vor.u32 $0x100, v1;
	v25 =	vmul.f32 $2.000000030e-01, v37;
	v23 =	vld.idx.msk [tilespmem:v23+s4+$0x0], $0xffff;
	v35 =	vadd.f32 v18, v35  }
0x31e: {  	v18 =	vmul.f32 $2.000000030e-01, v29;
	v24 =	vmax.f32 v6, v46;
	v6 =	vld [tilespmem:s23+$0x13BD0];
	v62 =	vshll.u32 v8, $0x3  }
0x31f: {  	v3 =	vadd.f32 v32, v3;
	v32 =	vmul.f32 $2.000000030e-01, v44;
	v47 =	vadd.f32 v50, v47;
	v50 =	vld [tilespmem:s23+$0x13B90]  }
0x320: {  	v38 =	vadd.f32 v38, v2;
	v2 =	vld [tilespmem:s23+$0x13BC0];
	v39 =	vadd.f32 v43, v39;
	v56 =	vmul.f32 $2.000000030e-01, v35  }
0x321: {  	v20 =	vmax.f32 v37, v25;
	v37 =	vld [tilespmem:s23+$0x13BA0];
	v25 =	vmax.f32 v42, v41;
	v18 =	vmax.f32 v29, v18  }
0x322: {  	v40 =	vld.idx.msk [tilespmem:v61+s4+$0x0], $0xffff;
	v61 =	vor.u32 $0x280, v7;
	v7 =	vor.u32 $0x300, v7;
	v34 =	vadd.f32 v34, v45  }
0x323: {  	v45 =	vld [tilespmem:s23+$0x13BE0];
	v13 =	vmax.f32 v35, v56;
	v54 =	vadd.f32 v21, v27;
	v60 =	vadd.f32 v22, v15  }
0x324: {  	v22 =	vld [tilespmem:s23+$0x13BB0];
	v27 =	vmax.f32 v36, v48;
	v21 =	vmax.f32 v26, v51;
	v5 =	vmul.f32 $2.000000030e-01, v34  }
0x325: {  	v15 =	vmax.f32 v44, v32;
	v46 =	vadd.f32 v23, v49;
	v48 =	vld.idx.msk [tilespmem:v1+s4+$0x0], $0xffff;
	v1 =	vand.u32 $0x7F, v8  }
0x326: {  	v36 =	vld [tilespmem:s23+$0x13BF0];
	v51 =	vand.u32 $0x7F, v6;
	v6 =	vshll.u32 v6, $0x3;
	v23 =	vand.u32 $0x7F, v50  }
0x327: {  	v10 =	vld [tilespmem:s23+$0x148C0];
	v32 =	vshll.u32 v50, $0x3;
	v41 =	vmul.f32 $2.000000030e-01, v60;
	v26 =	vand.u32 $0x7F, v37  }
0x328: {  	v32 =	vand.u32 $0xFFFFFC00, v32;
	v8 =	vshll.u32 v37, $0x3;
	v49 =	vld.idx.msk [tilespmem:v7+s4+$0x0], $0xffff;
	v7 =	vand.u32 $0x7F, v2  }
0x329: {  	v44 =	vld.idx.msk [tilespmem:v61+s4+$0x0], $0xffff;
	v56 =	vand.u32 $0x7F, v45;
	v61 =	vand.u32 $0x7F, v4;
	v8 =	vand.u32 $0xFFFFFC00, v8  }
0x32a: {  	v43 =	vld.idx.msk [tilespmem:v57+s4+$0x0], $0xffff;
	v63 =	vor.u32 v23, v32;
	v2 =	vshll.u32 v2, $0x3;
	v9 =	vor.u32 v26, v8  }
0x32b: {  	v50 =	vld [tilespmem:s23+$0x148A0];
	v2 =	vand.u32 $0xFFFFFC00, v2;
	v29 =	vand.u32 $0x7F, v22;
	v57 =	vand.u32 $0x7F, v36  }
0x32c: {  	v37 =	vld [tilespmem:s23+$0x148B0];
	v22 =	vshll.u32 v22, $0x3;
	v32 =	vor.u32 v7, v2;
	v2 =	vand.u32 $0xFFFFFC00, v6  }
0x32d: {  	v26 =	vld [tilespmem:s23+$0x148E0];
	v6 =	vshll.u32 v45, $0x3;
	v36 =	vshll.u32 v36, $0x3;
	v8 =	vand.u32 $0xFFFFFC00, v22  }
0x32e: {  	v7 =	vld [tilespmem:s23+$0x148F0];
	v23 =	vor.u32 v29, v8;
	v29 =	vor.u32 v51, v2;
	v2 =	vand.u32 $0xFFFFFC00, v6  }
0x32f: {  	v22 =	vld [tilespmem:s23+$0x148D0];
	v8 =	vor.u32 v56, v2;
	v2 =	vand.u32 $0xFFFFFC00, v36;
	v36 =	vshll.u32 v4, $0x3  }
0x330: {  	s18 =	simm.s32 $0x15880;
	v6 =	vld [tilespmem:s23+$0x14900];
	v4 =	vor.u32 v57, v2;
	v2 =	vand.u32 $0xFFFFFC00, v36;
	v36 =	vmax.f32 v34, v5  }
0x331: {  	v51 =	vld.idx.msk [tilespmem:v63+s4+$0x0], $0xffff;
	[tilespmem:s18+$0x170] =	vst v36  }
0x332: {  	v41 =	vmax.f32 v60, v41;
	v60 =	vld [tilespmem:$0x1FFC0]  }
0x333: {  	v42 =	vmul.f32 $2.000000030e-01, v38;
	v56 =	vld.idx.msk [tilespmem:v9+s4+$0x0], $0xffff  }
0x334: {  	v62 =	vand.u32 $0xFFFFFC00, v62;
	v58 =	vmul.f32 $2.000000030e-01, v3;
	v55 =	vmul.f32 $2.000000030e-01, v47;
	v45 =	vld.idx.msk [tilespmem:v32+s4+$0x0], $0xffff  }
0x335: {  	v57 =	vor.u32 v1, v62;
	v34 =	vmax.f32 v38, v42;
	v42 =	vor.u32 $0x100, v63;
	v62 =	vld.idx.msk [tilespmem:v23+s4+$0x0], $0xffff  }
0x336: {  	v35 =	vmul.f32 $2.000000030e-01, v39;
	v47 =	vmax.f32 v47, v55;
	v55 =	vor.u32 $0x200, v57;
	v5 =	vld.idx.msk [tilespmem:v29+s4+$0x0], $0xffff  }
0x337: {  	v58 =	vmax.f32 v3, v58;
	v2 =	vor.u32 v61, v2;
	v61 =	vor.u32 $0x80, v63;
	v3 =	vld.idx.msk [tilespmem:v8+s4+$0x0], $0xffff;
	[tilespmem:s18+$0xFFFFFE00] =	vst v60  }
0x338: {  	v59 =	vmul.f32 $2.000000030e-01, v54;
	v40 =	vadd.f32 v40, v52;
	v52 =	vor.u32 $0x280, v57;
	v60 =	vld [tilespmem:$0x1FFD0];
	[tilespmem:s18+$0x0] =	vst v11  }
0x339: {  	v35 =	vmax.f32 v39, v35;
	v36 =	vor.u32 $0x300, v57;
	v57 =	vor.u32 $0x380, v57;
	v1 =	vld.idx.msk [tilespmem:v4+s4+$0x0], $0xffff;
	[tilespmem:s18+$0x100] =	vst v14  }
0x33a: {  	v54 =	vmax.f32 v54, v59;
	v39 =	vshll.u32 v50, $0x3;
	v50 =	vand.u32 $0x7F, v50;
	v42 =	vld.idx.msk [tilespmem:v42+s4+$0x0], $0xffff;
	[tilespmem:s18+$0xFFFFFE10] =	vst v12  }
0x33b: {  	v39 =	vand.u32 $0xFFFFFC00, v39;
	v38 =	vadd.f32 v53, v0;
	v53 =	vld.idx.msk [tilespmem:v55+s4+$0x0], $0xffff;
	v55 =	vor.u32 $0x180, v63;
	[tilespmem:s18+$0xFFFFFF10] =	vst v19  }
0x33c: {  	v43 =	vadd.f32 v44, v43;
	v39 =	vor.u32 v50, v39;
	v44 =	vld.idx.msk [tilespmem:v61+s4+$0x0], $0xffff;
	v63 =	vor.u32 $0x80, v9;
	[tilespmem:s18+$0x10] =	vst v30  }
0x33d: {  	v59 =	vmul.f32 $2.000000030e-01, v46;
	v52 =	vld.idx.msk [tilespmem:v52+s4+$0x0], $0xffff;
	v11 =	vmul.f32 $2.000000030e-01, v40;
	v12 =	vor.u32 $0x280, v39;
	[tilespmem:s18+$0x110] =	vst v33  }
0x33e: {  	v50 =	vmul.f32 $2.000000030e-01, v38;
	v14 =	vmul.f32 $2.000000030e-01, v43;
	v30 =	vld.idx.msk [tilespmem:v57+s4+$0x0], $0xffff;
	[tilespmem:s18+$0xFFFFFF00] =	vst v60;
	v60 =	vor.u32 $0x200, v39  }
0x33f: {  	v19 =	vadd.f32 v49, v48;
	v57 =	vor.u32 $0x180, v9;
	[tilespmem:s18+$0xFFFFFE20] =	vst v31;
	v40 =	vmax.f32 v40, v11;
	v11 =	vld.idx.msk [tilespmem:v36+s4+$0x0], $0xffff  }
0x340: {  	v48 =	vor.u32 $0x300, v39;
	[tilespmem:s18+$0xFFFFFE30] =	vst v24;
	v24 =	vor.u32 $0x100, v23;
	v43 =	vmax.f32 v43, v14;
	v14 =	vld.idx.msk [tilespmem:v55+s4+$0x0], $0xffff  }
0x341: {  	[tilespmem:s18+$0xFFFFFF20] =	vst v28;
	v36 =	vor.u32 $0x100, v9;
	v9 =	vand.u32 $0x7F, v37;
	v55 =	vshll.u32 v37, $0x3;
	v37 =	vld.idx.msk [tilespmem:v63+s4+$0x0], $0xffff  }
0x342: {  	v46 =	vmax.f32 v46, v59;
	v38 =	vmax.f32 v38, v50;
	[tilespmem:s18+$0x20] =	vst v20;
	v39 =	vor.u32 $0x380, v39;
	v12 =	vld.idx.msk [tilespmem:v12+s4+$0x0], $0xffff  }
0x343: {  	[tilespmem:s18+$0x140] =	vst v13;
	v13 =	vor.u32 $0x100, v32;
	v49 =	vadd.f32 v53, v51;
	v33 =	vld.idx.msk [tilespmem:v60+s4+$0x0], $0xffff;
	v60 =	vand.u32 $0xFFFFFC00, v55  }
0x344: {  	[tilespmem:s18+$0xFFFFFF40] =	vst v18;
	v57 =	vld.idx.msk [tilespmem:v57+s4+$0x0], $0xffff;
	v20 =	vadd.f32 v11, v42;
	v11 =	vor.u32 $0x80, v23;
	v31 =	vor.u32 v9, v60  }
0x345: {  	[tilespmem:s18+$0x150] =	vst v41;
	v41 =	vor.u32 $0x180, v29;
	v28 =	vadd.f32 v52, v44;
	v18 =	vld.idx.msk [tilespmem:v24+s4+$0x0], $0xffff;
	v61 =	vor.u32 $0x200, v31  }
0x346: {  	[tilespmem:s18+$0x120] =	vst v25;
	v63 =	vmul.f32 $2.000000030e-01, v49;
	v42 =	vld.idx.msk [tilespmem:v48+s4+$0x0], $0xffff;
	v9 =	vmul.f32 $2.000000030e-01, v19;
	v25 =	vor.u32 $0x280, v31  }
0x347: {  	[tilespmem:s18+$0xFFFFFF30] =	vst v27;
	v23 =	vor.u32 $0x180, v23;
	v30 =	vadd.f32 v30, v14;
	v27 =	vld.idx.msk [tilespmem:v39+s4+$0x0], $0xffff;
	v59 =	vor.u32 $0x300, v31  }
0x348: {  	v14 =	vmul.f32 $2.000000030e-01, v20;
	v31 =	vor.u32 $0x380, v31;
	v52 =	vmax.f32 v19, v9;
	v19 =	vld.idx.msk [tilespmem:v36+s4+$0x0], $0xffff  }
0x349: {  	[tilespmem:s18+$0x130] =	vst v17;
	v17 =	vadd.f32 v12, v37;
	v60 =	vshll.u32 v10, $0x3;
	v9 =	vmax.f32 v49, v63;
	v63 =	vld.idx.msk [tilespmem:v11+s4+$0x0], $0xffff  }
0x34a: {  	[tilespmem:s18+$0x30] =	vst v21;
	v37 =	vmul.f32 $2.000000030e-01, v30;
	v10 =	vand.u32 $0x7F, v10;
	v21 =	vld.idx.msk [tilespmem:v61+s4+$0x0], $0xffff;
	v61 =	vand.u32 $0xFFFFFC00, v60  }
0x34b: {  	v36 =	vmul.f32 $2.000000030e-01, v28;
	v33 =	vadd.f32 v33, v56;
	v12 =	vld.idx.msk [tilespmem:v25+s4+$0x0], $0xffff;
	v44 =	vor.u32 v10, v61  }
0x34c: {  	[tilespmem:s18+$0xFFFFFE40] =	vst v16;
	v55 =	vor.u32 $0x80, v32;
	v32 =	vor.u32 $0x180, v32;
	v39 =	vld.idx.msk [tilespmem:v59+s4+$0x0], $0xffff;
	v16 =	vor.u32 $0x200, v44  }
0x34d: {  	v11 =	vmax.f32 v28, v36;
	v50 =	vmul.f32 $2.000000030e-01, v33;
	v25 =	vmul.f32 $2.000000030e-01, v17;
	v56 =	vld.idx.msk [tilespmem:v31+s4+$0x0], $0xffff  }
0x34e: {  	v31 =	vld.idx.msk [tilespmem:v13+s4+$0x0], $0xffff;
	v13 =	vmax.f32 v30, v37;
	v24 =	vadd.f32 v42, v19;
	v19 =	vor.u32 $0x280, v44  }
0x34f: {  	v0 =	vld.idx.msk [tilespmem:v2+s4+$0x0], $0xffff;
	[tilespmem:s18+$0x40] =	vst v15;
	v10 =	vmax.f32 v20, v14;
	v14 =	vadd.f32 v27, v57;
	v27 =	vor.u32 $0x300, v44  }
0x350: {  	[tilespmem:s18+$0xFFFFFE50] =	vst v58;
	v23 =	vld.idx.msk [tilespmem:v23+s4+$0x0], $0xffff;
	v30 =	vshll.u32 v26, $0x3;
	v20 =	vshll.u32 v22, $0x3;
	v44 =	vor.u32 $0x380, v44  }
0x351: {  	[tilespmem:s18+$0xFFFFFF50] =	vst v47;
	v26 =	vand.u32 $0x7F, v26;
	v20 =	vand.u32 $0xFFFFFC00, v20;
	v57 =	vld.idx.msk [tilespmem:v16+s4+$0x0], $0xffff;
	v16 =	vand.u32 $0x7F, v22  }
0x352: {  	[tilespmem:s18+$0x50] =	vst v54;
	v58 =	vld.idx.msk [tilespmem:v55+s4+$0x0], $0xffff;
	v15 =	vadd.f32 v21, v62;
	v62 =	vor.u32 $0x80, v29;
	v59 =	vor.u32 v16, v20  }
0x353: {  	[tilespmem:s18+$0xFFFFFE60] =	vst v34;
	v18 =	vadd.f32 v39, v18;
	v39 =	vor.u32 $0x100, v29;
	v60 =	vld.idx.msk [tilespmem:v19+s4+$0x0], $0xffff;
	v61 =	vor.u32 $0x200, v59  }
0x354: {  	[tilespmem:s18+$0xFFFFFF60] =	vst v35;
	v29 =	vand.u32 $0xFFFFFC00, v30;
	v34 =	vld.idx.msk [tilespmem:v27+s4+$0x0], $0xffff;
	v16 =	vadd.f32 v12, v63;
	v63 =	vor.u32 $0x280, v59  }
0x355: {  	[tilespmem:s18+$0xFFFFFE70] =	vst v38;
	v28 =	vmul.f32 $2.000000030e-01, v24;
	v21 =	vmul.f32 $2.000000030e-01, v14;
	v38 =	vor.u32 v26, v29;
	v36 =	vld.idx.msk [tilespmem:v44+s4+$0x0], $0xffff  }
0x356: {  	[tilespmem:s18+$0x160] =	vst v40;
	v22 =	vadd.f32 v56, v23;
	v12 =	vmax.f32 v33, v50;
	v33 =	vld.idx.msk [tilespmem:v32+s4+$0x0], $0xffff;
	v40 =	vor.u32 $0x300, v59  }
0x357: {  	[tilespmem:s18+$0x60] =	vst v46;
	v27 =	vmul.f32 $2.000000030e-01, v18;
	v20 =	vmul.f32 $2.000000030e-01, v15;
	v32 =	vld.idx.msk [tilespmem:v62+s4+$0x0], $0xffff;
	v23 =	vadd.f32 v57, v45  }
0x358: {  	[tilespmem:s18+$0xFFFFFF70] =	vst v43;
	v42 =	vor.u32 $0x380, v59;
	v30 =	vmul.f32 $2.000000030e-01, v22;
	v26 =	vadd.f32 v60, v58;
	v37 =	vld.idx.msk [tilespmem:v61+s4+$0x0], $0xffff  }
0x359: {  	s2 =	sadd.s32 $0x1, s2;
	s20 =	simm.s32 $0xBC0;
	[tilespmem:s18+$0x70] =	vst v52;
	v43 =	vor.u32 $0x200, v38;
	v19 =	vmul.f32 $2.000000030e-01, v16;
	v35 =	vld.idx.msk [tilespmem:v63+s4+$0x0], $0xffff;
	v29 =	vmul.f32 $2.000000030e-01, v23  }
.LBB2_27:
0x35a: {  	p2 =	sne.s32 s20, $0x33C0;
	v39 =	vld.idx.msk [tilespmem:v39+s4+$0x0], $0xffff;
	v44 =	vor.u32 $0x80, v8;
	v45 =	vmul.f32 $2.000000030e-01, v26;
	v31 =	vadd.f32 v34, v31  }
0x35b: {  	v25 =	vmax.f32 v17, v25;
	v17 =	vmax.f32 v24, v28;
	v34 =	vld.idx.msk [tilespmem:v40+s4+$0x0], $0xffff;
	v40 =	vor.u32 $0x280, v38  }
0x35c: {  	v28 =	vor.u32 $0x100, v8;
	v33 =	vadd.f32 v36, v33;
	v24 =	vld.idx.msk [tilespmem:v41+s4+$0x0], $0xffff;
	v41 =	vmul.f32 $2.000000030e-01, v31  }
0x35d: {  	v46 =	vshll.u32 v7, $0x3;
	v5 =	vadd.f32 v37, v5;
	v36 =	vld.idx.msk [tilespmem:v42+s4+$0x0], $0xffff;
	v42 =	vor.u32 $0x300, v38  }
0x35e: {  	v8 =	vor.u32 $0x180, v8;
	v7 =	vand.u32 $0x7F, v7;
	v37 =	vld.idx.msk [tilespmem:v43+s4+$0x0], $0xffff;
	v43 =	vand.u32 $0xFFFFFC00, v46  }
0x35f: {  	v38 =	vor.u32 $0x380, v38;
	v44 =	vld.idx.msk [tilespmem:v44+s4+$0x0], $0xffff;
	v7 =	vor.u32 v7, v43;
	v43 =	vshll.u32 v6, $0x3  }
0x360: {  	v6 =	vand.u32 $0x7F, v6;
	v40 =	vld.idx.msk [tilespmem:v40+s4+$0x0], $0xffff;
	v46 =	vor.u32 $0x200, v7;
	v43 =	vand.u32 $0xFFFFFC00, v43  }
0x361: {  	v32 =	vadd.f32 v35, v32;
	v28 =	vld.idx.msk [tilespmem:v28+s4+$0x0], $0xffff;
	v6 =	vor.u32 v6, v43;
	v43 =	vor.u32 $0x180, v2  }
0x362: {  	v47 =	vmul.f32 $2.000000030e-01, v33;
	v34 =	vadd.f32 v34, v39;
	v35 =	vld.idx.msk [tilespmem:v42+s4+$0x0], $0xffff;
	v42 =	vor.u32 $0x380, v6  }
0x363: {  	v48 =	vmul.f32 $2.000000030e-01, v5;
	v39 =	vor.u32 $0x80, v4;
	v24 =	vadd.f32 v36, v24;
	v8 =	vld.idx.msk [tilespmem:v8+s4+$0x0], $0xffff  }
0x364: {  	v49 =	vmul.f32 $2.000000030e-01, v32;
	v3 =	vadd.f32 v37, v3;
	v36 =	vld.idx.msk [tilespmem:v38+s4+$0x0], $0xffff;
	v38 =	vor.u32 $0x280, v7  }
0x365: {  	v50 =	vmul.f32 $2.000000030e-01, v34;
	v51 =	vmul.f32 $2.000000030e-01, v24;
	v37 =	vld.idx.msk [tilespmem:v46+s4+$0x0], $0xffff;
	v46 =	vor.u32 $0x100, v4  }
0x366: {  	v52 =	vor.u32 $0x300, v7;
	v53 =	vmul.f32 $2.000000030e-01, v3;
	v40 =	vadd.f32 v40, v44;
	v43 =	vld.idx.msk [tilespmem:v43+s4+$0x0], $0xffff  }
0x367: {  	v14 =	vmax.f32 v14, v21;
	v15 =	vmax.f32 v15, v20;
	v4 =	vor.u32 $0x180, v4;
	v42 =	vld.idx.msk [tilespmem:v42+s4+$0x0], $0xffff  }
0x368: {  	v7 =	vor.u32 $0x380, v7;
	v21 =	vmul.f32 $2.000000030e-01, v40;
	v28 =	vadd.f32 v35, v28;
	v20 =	vld.idx.msk [tilespmem:v39+s4+$0x0], $0xffff  }
0x369: {  	v16 =	vmax.f32 v16, v19;
	v18 =	vmax.f32 v18, v27;
	v35 =	vld.idx.msk [tilespmem:v38+s4+$0x0], $0xffff;
	v38 =	vor.u32 $0x200, v6  }
0x36a: {  	v27 =	vor.u32 $0x80, v2;
	v39 =	vmul.f32 $2.000000030e-01, v28;
	v8 =	vadd.f32 v36, v8;
	v19 =	vld.idx.msk [tilespmem:v46+s4+$0x0], $0xffff  }
0x36b: {  	v22 =	vmax.f32 v22, v30;
	v44 =	vor.u32 $0x280, v6;
	v1 =	vadd.f32 v37, v1;
	v36 =	vld.idx.msk [tilespmem:v52+s4+$0x0], $0xffff  }
0x36c: {  	v23 =	vmax.f32 v23, v29;
	v2 =	vor.u32 $0x100, v2;
	v29 =	vmul.f32 $2.000000030e-01, v8;
	v4 =	vld.idx.msk [tilespmem:v4+s4+$0x0], $0xffff  }
0x36d: {  	v6 =	vor.u32 $0x300, v6;
	v30 =	vmul.f32 $2.000000030e-01, v1;
	v37 =	vadd.f32 v42, v43;
	v7 =	vld.idx.msk [tilespmem:v7+s4+$0x0], $0xffff  }
0x36e: {  	v26 =	vmax.f32 v26, v45;
	v31 =	vmax.f32 v31, v41;
	v33 =	vmax.f32 v33, v47;
	v38 =	vld.idx.msk [tilespmem:v38+s4+$0x0], $0xffff  }
0x36f: {  	v5 =	vmax.f32 v5, v48;
	v20 =	vadd.f32 v35, v20;
	v35 =	vmul.f32 $2.000000030e-01, v37;
	v27 =	vld.idx.msk [tilespmem:v27+s4+$0x0], $0xffff  }
0x370: {  	v32 =	vmax.f32 v32, v49;
	v34 =	vmax.f32 v34, v50;
	v24 =	vmax.f32 v24, v51;
	v41 =	vld.idx.msk [tilespmem:v44+s4+$0x0], $0xffff  }
0x371: {  	s18 =	sadd.s32 $0x400, s18;
	v42 =	vmul.f32 $2.000000030e-01, v20;
	v19 =	vadd.f32 v36, v19;
	v35 =	vmax.f32 v37, v35;
	v2 =	vld.idx.msk [tilespmem:v2+s4+$0x0], $0xffff  }
0x372: {  	s21 =	sshra.s32 s20, $0x2;
	v3 =	vmax.f32 v3, v53;
	v21 =	vmax.f32 v40, v21;
	v6 =	vld.idx.msk [tilespmem:v6+s4+$0x0], $0xffff;
	[tilespmem:s18+$0x170] =	vst v35  }
0x373: {  	v4 =	vadd.f32 v7, v4;
	v35 =	vld [tilespmem:s21+$0x13B90];
	[tilespmem:s18+$0xFFFFFE00] =	vst v9;
	v9 =	vmax.f32 v28, v39;
	v28 =	vmul.f32 $2.000000030e-01, v19  }
0x374: {  	v1 =	vmax.f32 v1, v30;
	v0 =	vadd.f32 v38, v0;
	v7 =	vld [tilespmem:s21+$0x14890];
	[tilespmem:s18+$0xFFFFFF00] =	vst v11;
	v11 =	vmax.f32 v8, v29  }
0x375: {  	v20 =	vmax.f32 v20, v42;
	v8 =	vld [tilespmem:s21+$0x13BA0];
	[tilespmem:s18+$0x0] =	vst v10;
	v19 =	vmax.f32 v19, v28;
	v10 =	vmul.f32 $2.000000030e-01, v4  }
0x376: {  	v27 =	vadd.f32 v41, v27;
	v28 =	vld [tilespmem:s21+$0x13BB0];
	[tilespmem:s18+$0x100] =	vst v13;
	v13 =	vmul.f32 $2.000000030e-01, v0  }
0x377: {  	v29 =	vld [tilespmem:s21+$0x13BC0];
	[tilespmem:s18+$0xFFFFFE10] =	vst v12;
	v30 =	vmax.f32 v4, v10  }
0x378: {  	v2 =	vadd.f32 v6, v2;
	v4 =	vld [tilespmem:s21+$0x13BD0];
	[tilespmem:s18+$0xFFFFFF10] =	vst v25;
	v25 =	vmax.f32 v0, v13;
	v0 =	vmul.f32 $2.000000030e-01, v27  }
0x379: {  	v6 =	vld [tilespmem:s21+$0x13BE0];
	[tilespmem:s18+$0x10] =	vst v17  }
0x37a: {  	v17 =	vld [tilespmem:s21+$0x13BF0];
	[tilespmem:s18+$0x110] =	vst v14;
	v14 =	vmax.f32 v27, v0;
	v0 =	vmul.f32 $2.000000030e-01, v2  }
0x37b: {  	v27 =	vld [tilespmem:s21+$0x13C00];
	[tilespmem:s18+$0xFFFFFE20] =	vst v15  }
0x37c: {  	[tilespmem:s18+$0xFFFFFF20] =	vst v16;
	v15 =	vmax.f32 v2, v0  }
0x37d: {  	v0 =	vand.u32 $0x7F, v35;
	[tilespmem:s18+$0x20] =	vst v18  }
0x37e: {  	v12 =	vand.u32 $0x7F, v8;
	v13 =	vand.u32 $0x7F, v28;
	v2 =	vand.u32 $0x7F, v7;
	[tilespmem:s18+$0x120] =	vst v22  }
0x37f: {  	v16 =	vand.u32 $0x7F, v29;
	v18 =	vand.u32 $0x7F, v4;
	v22 =	vand.u32 $0x7F, v6;
	[tilespmem:s18+$0xFFFFFE30] =	vst v23  }
0x380: {  	v10 =	vshll.u32 v35, $0x3;
	v23 =	vand.u32 $0x7F, v17;
	v35 =	vld [tilespmem:s21+$0x148A0];
	v36 =	vand.u32 $0x7F, v27;
	[tilespmem:s18+$0xFFFFFF30] =	vst v26  }
0x381: {  	v10 =	vand.u32 $0xFFFFFC00, v10;
	v37 =	vshll.u32 v7, $0x3;
	v7 =	vshll.u32 v8, $0x3;
	v38 =	vld [tilespmem:s21+$0x148B0];
	[tilespmem:s18+$0x30] =	vst v31  }
0x382: {  	v31 =	vor.u32 v0, v10;
	v0 =	vand.u32 $0xFFFFFC00, v7;
	v7 =	vshll.u32 v28, $0x3;
	v10 =	vld [tilespmem:s21+$0x148C0];
	[tilespmem:s18+$0x130] =	vst v33  }
0x383: {  	v28 =	vor.u32 v12, v0;
	v0 =	vand.u32 $0xFFFFFC00, v7;
	v7 =	vshll.u32 v29, $0x3;
	v12 =	vld [tilespmem:s21+$0x148D0];
	[tilespmem:s18+$0xFFFFFE40] =	vst v5  }
0x384: {  	v4 =	vshll.u32 v4, $0x3;
	v33 =	vor.u32 v13, v0;
	v0 =	vand.u32 $0xFFFFFC00, v7;
	v26 =	vld [tilespmem:s21+$0x148E0];
	[tilespmem:s18+$0xFFFFFF40] =	vst v32  }
0x385: {  	v13 =	vor.u32 v16, v0;
	v0 =	vand.u32 $0xFFFFFC00, v4;
	v4 =	vshll.u32 v6, $0x3;
	v7 =	vld [tilespmem:s21+$0x148F0];
	[tilespmem:s18+$0x40] =	vst v34  }
0x386: {  	v29 =	vor.u32 v18, v0;
	v0 =	vand.u32 $0xFFFFFC00, v4;
	v4 =	vshll.u32 v17, $0x3;
	v6 =	vld [tilespmem:s21+$0x14900];
	[tilespmem:s18+$0x140] =	vst v24  }
0x387: {  	v5 =	vshll.u32 v27, $0x3;
	v8 =	vor.u32 v22, v0;
	v0 =	vand.u32 $0xFFFFFC00, v4;
	v16 =	vld.idx.msk [tilespmem:v31+s4+$0x0], $0xffff;
	[tilespmem:s18+$0xFFFFFE50] =	vst v3  }
0x388: {  	v3 =	vand.u32 $0xFFFFFC00, v37;
	v4 =	vor.u32 v23, v0;
	v0 =	vand.u32 $0xFFFFFC00, v5;
	v17 =	vld.idx.msk [tilespmem:v28+s4+$0x0], $0xffff;
	[tilespmem:s18+$0xFFFFFF50] =	vst v21  }
0x389: {  	v18 =	vor.u32 v2, v3;
	v2 =	vor.u32 v36, v0;
	v21 =	vld.idx.msk [tilespmem:v33+s4+$0x0], $0xffff;
	[tilespmem:s18+$0x50] =	vst v9  }
0x38a: {  	v9 =	vor.u32 $0x200, v18;
	v23 =	vld.idx.msk [tilespmem:v13+s4+$0x0], $0xffff;
	[tilespmem:s18+$0x150] =	vst v11  }
0x38b: {  	v11 =	vor.u32 $0x80, v31;
	v5 =	vld.idx.msk [tilespmem:v29+s4+$0x0], $0xffff;
	[tilespmem:s18+$0xFFFFFE60] =	vst v1  }
0x38c: {  	v22 =	vor.u32 $0x280, v18;
	v3 =	vld.idx.msk [tilespmem:v8+s4+$0x0], $0xffff;
	[tilespmem:s18+$0xFFFFFF60] =	vst v20  }
0x38d: {  	v20 =	vor.u32 $0x100, v31;
	v1 =	vld.idx.msk [tilespmem:v4+s4+$0x0], $0xffff;
	[tilespmem:s18+$0x60] =	vst v19  }
0x38e: {  	v24 =	vshll.u32 v35, $0x3;
	v19 =	vor.u32 $0x300, v18;
	v0 =	vld.idx.msk [tilespmem:v2+s4+$0x0], $0xffff;
	[tilespmem:s18+$0x160] =	vst v30  }
0x38f: {  	v27 =	vor.u32 $0x180, v31;
	v24 =	vand.u32 $0xFFFFFC00, v24;
	v30 =	vand.u32 $0x7F, v35;
	v9 =	vld.idx.msk [tilespmem:v9+s4+$0x0], $0xffff;
	[tilespmem:s18+$0xFFFFFE70] =	vst v25  }
0x390: {  	v18 =	vor.u32 $0x380, v18;
	v24 =	vor.u32 v30, v24;
	v11 =	vld.idx.msk [tilespmem:v11+s4+$0x0], $0xffff;
	[tilespmem:s18+$0xFFFFFF70] =	vst v14  }
0x391: {  	v14 =	vld.idx.msk [tilespmem:v22+s4+$0x0], $0xffff;
	v22 =	vor.u32 $0x200, v24;
	[tilespmem:s18+$0x70] =	vst v15  }
0x392: {  	v15 =	vld.idx.msk [tilespmem:v20+s4+$0x0], $0xffff;
	v20 =	vor.u32 $0x80, v28  }
0x393: {  	v25 =	vor.u32 $0x280, v24;
	v19 =	vld.idx.msk [tilespmem:v19+s4+$0x0], $0xffff  }
0x394: {  	v30 =	vor.u32 $0x100, v28;
	v27 =	vld.idx.msk [tilespmem:v27+s4+$0x0], $0xffff  }
0x395: {  	v32 =	vshll.u32 v38, $0x3;
	v31 =	vor.u32 $0x300, v24;
	v9 =	vadd.f32 v9, v16;
	v18 =	vld.idx.msk [tilespmem:v18+s4+$0x0], $0xffff  }
0x396: {  	v32 =	vand.u32 $0xFFFFFC00, v32;
	v16 =	vld.idx.msk [tilespmem:v22+s4+$0x0], $0xffff;
	v22 =	vor.u32 $0x180, v28;
	v28 =	vand.u32 $0x7F, v38  }
0x397: {  	v24 =	vor.u32 $0x380, v24;
	v11 =	vadd.f32 v14, v11;
	v20 =	vld.idx.msk [tilespmem:v20+s4+$0x0], $0xffff;
	v28 =	vor.u32 v28, v32  }
0x398: {  	v32 =	vmul.f32 $2.000000030e-01, v9;
	v14 =	vld.idx.msk [tilespmem:v25+s4+$0x0], $0xffff;
	v25 =	vor.u32 $0x200, v28  }
0x399: {  	v34 =	vor.u32 $0x80, v33;
	v35 =	vmul.f32 $2.000000030e-01, v11;
	v15 =	vadd.f32 v19, v15;
	v30 =	vld.idx.msk [tilespmem:v30+s4+$0x0], $0xffff  }
0x39a: {  	v9 =	vmax.f32 v9, v32;
	v19 =	vld.idx.msk [tilespmem:v31+s4+$0x0], $0xffff;
	v31 =	vor.u32 $0x280, v28  }
0x39b: {  	v32 =	vor.u32 $0x100, v33;
	v36 =	vmul.f32 $2.000000030e-01, v15;
	v27 =	vadd.f32 v18, v27;
	v22 =	vld.idx.msk [tilespmem:v22+s4+$0x0], $0xffff  }
0x39c: {  	v37 =	vor.u32 $0x300, v28;
	v38 =	vadd.f32 v16, v17;
	v18 =	vld.idx.msk [tilespmem:v24+s4+$0x0], $0xffff;
	v24 =	vshll.u32 v10, $0x3  }
0x39d: {  	v33 =	vor.u32 $0x180, v33;
	v10 =	vand.u32 $0x7F, v10;
	v16 =	vld.idx.msk [tilespmem:v25+s4+$0x0], $0xffff;
	v17 =	vand.u32 $0xFFFFFC00, v24  }
0x39e: {  	v39 =	vor.u32 $0x380, v28;
	v34 =	vld.idx.msk [tilespmem:v34+s4+$0x0], $0xffff;
	v40 =	vor.u32 v10, v17;
	v17 =	vadd.f32 v14, v20  }
0x39f: {  	v41 =	vmul.f32 $2.000000030e-01, v27;
	v42 =	vmul.f32 $2.000000030e-01, v38;
	v20 =	vld.idx.msk [tilespmem:v31+s4+$0x0], $0xffff;
	v31 =	vor.u32 $0x200, v40  }
0x3a0: {  	v43 =	vor.u32 $0x80, v13;
	v24 =	vadd.f32 v19, v30;
	v32 =	vld.idx.msk [tilespmem:v32+s4+$0x0], $0xffff;
	v25 =	vmul.f32 $2.000000030e-01, v17  }
0x3a1: {  	v11 =	vmax.f32 v11, v35;
	v10 =	vmax.f32 v15, v36;
	v19 =	vor.u32 $0x280, v40;
	v30 =	vld.idx.msk [tilespmem:v37+s4+$0x0], $0xffff  }
0x3a2: {  	v28 =	vmul.f32 $2.000000030e-01, v24;
	v14 =	vadd.f32 v18, v22;
	v35 =	vld.idx.msk [tilespmem:v33+s4+$0x0], $0xffff;
	v33 =	vor.u32 $0x100, v13  }
0x3a3: {  	v36 =	vor.u32 $0x300, v40;
	v18 =	vshll.u32 v12, $0x3;
	v15 =	vadd.f32 v16, v21;
	v22 =	vld.idx.msk [tilespmem:v39+s4+$0x0], $0xffff  }
0x3a4: {  	v12 =	vand.u32 $0x7F, v12;
	v39 =	vor.u32 $0x180, v13;
	v13 =	vand.u32 $0xFFFFFC00, v18;
	v37 =	vld.idx.msk [tilespmem:v31+s4+$0x0], $0xffff  }
0x3a5: {  	v40 =	vor.u32 $0x380, v40;
	v44 =	vor.u32 v12, v13;
	v16 =	vadd.f32 v20, v34;
	v43 =	vld.idx.msk [tilespmem:v43+s4+$0x0], $0xffff  }
0x3a6: {  	v21 =	vmul.f32 $2.000000030e-01, v14;
	v20 =	vmul.f32 $2.000000030e-01, v15;
	v46 =	vor.u32 $0x200, v44;
	v45 =	vld.idx.msk [tilespmem:v19+s4+$0x0], $0xffff  }
0x3a7: {  	v47 =	vor.u32 $0x80, v29;
	v19 =	vmul.f32 $2.000000030e-01, v16;
	v18 =	vadd.f32 v30, v32;
	v31 =	vld.idx.msk [tilespmem:v33+s4+$0x0], $0xffff  }
0x3a8: {  	v13 =	vmax.f32 v27, v41;
	v12 =	vmax.f32 v38, v42;
	v30 =	vor.u32 $0x280, v44;
	v34 =	vld.idx.msk [tilespmem:v36+s4+$0x0], $0xffff  }
.Ltmp12:
0x3a9: {  	v27 =	vmul.f32 $2.000000030e-01, v18;
	v22 =	vadd.f32 v22, v35;
	v33 =	vld.idx.msk [tilespmem:v39+s4+$0x0], $0xffff;
	v39 =	vor.u32 $0x100, v29;
	(pc) =	sbr.rel @p2 .LBB2_27-.Ltmp12, $4  }
0x3aa: {  	v32 =	vshll.u32 v26, $0x3;
	v23 =	vadd.f32 v37, v23;
	v36 =	vld.idx.msk [tilespmem:v40+s4+$0x0], $0xffff;
	v40 =	vor.u32 $0x300, v44  }
0x3ab: {  	v41 =	vor.u32 $0x180, v29;
	v26 =	vand.u32 $0x7F, v26;
	v29 =	vand.u32 $0xFFFFFC00, v32;
	v37 =	vld.idx.msk [tilespmem:v46+s4+$0x0], $0xffff  }
0x3ac: {  	v42 =	vor.u32 $0x380, v44;
	v38 =	vor.u32 v26, v29;
	v26 =	vadd.f32 v45, v43;
	v32 =	vld.idx.msk [tilespmem:v47+s4+$0x0], $0xffff  }
0x3ad: {  	s20 =	sadd.s32 $0x400, s20;
	v43 =	vor.u32 $0x200, v38;
	v29 =	vmul.f32 $2.000000030e-01, v23;
	v35 =	vld.idx.msk [tilespmem:v30+s4+$0x0], $0xffff;
	v30 =	vmul.f32 $2.000000030e-01, v22  }
0x3ae: {  	_ =	sdelay $0x3  }
0x3af: {  	v39 =	vld.idx.msk [tilespmem:v39+s4+$0x0], $0xffff;
	v44 =	vor.u32 $0x80, v8  }
0x3b0: {  	v40 =	vld.idx.msk [tilespmem:v40+s4+$0x0], $0xffff;
	v45 =	vor.u32 $0x280, v38  }
0x3b1: {  	v41 =	vld.idx.msk [tilespmem:v41+s4+$0x0], $0xffff;
	v46 =	vor.u32 $0x100, v8  }
0x3b2: {  	v42 =	vld.idx.msk [tilespmem:v42+s4+$0x0], $0xffff;
	v47 =	vor.u32 $0x300, v38  }
0x3b3: {  	v43 =	vld.idx.msk [tilespmem:v43+s4+$0x0], $0xffff;
	v56 =	vor.u32 $0x180, v8  }
0x3b4: {  	v58 =	vor.u32 $0x380, v38;
	v44 =	vld.idx.msk [tilespmem:v44+s4+$0x0], $0xffff  }
0x3b5: {  	v61 =	vor.u32 $0x180, v2;
	v45 =	vld.idx.msk [tilespmem:v45+s4+$0x0], $0xffff  }
0x3b6: {  	v48 =	vshll.u32 v7, $0x3;
	v51 =	vor.u32 $0x80, v4;
	v46 =	vld.idx.msk [tilespmem:v46+s4+$0x0], $0xffff  }
0x3b7: {  	v57 =	vand.u32 $0x7F, v7;
	v59 =	vshll.u32 v6, $0x3;
	v53 =	vor.u32 $0x100, v4;
	v47 =	vld.idx.msk [tilespmem:v47+s4+$0x0], $0xffff  }
0x3b8: {  	v60 =	vand.u32 $0x7F, v6;
	v62 =	vor.u32 $0x180, v4;
	v48 =	vand.u32 $0xFFFFFC00, v48;
	v8 =	vld.idx.msk [tilespmem:v56+s4+$0x0], $0xffff  }
0x3b9: {  	v63 =	vor.u32 $0x100, v2;
	v7 =	vor.u32 v57, v48;
	v48 =	vand.u32 $0xFFFFFC00, v59;
	v38 =	vld.idx.msk [tilespmem:v58+s4+$0x0], $0xffff  }
0x3ba: {  	v49 =	vor.u32 $0x200, v7;
	v6 =	vor.u32 v60, v48;
	v48 =	vld.idx.msk [tilespmem:v61+s4+$0x0], $0xffff  }
0x3bb: {  	v52 =	vor.u32 $0x280, v7;
	v51 =	vld.idx.msk [tilespmem:v51+s4+$0x0], $0xffff  }
0x3bc: {  	v54 =	vor.u32 $0x300, v7;
	v53 =	vld.idx.msk [tilespmem:v53+s4+$0x0], $0xffff  }
0x3bd: {  	v7 =	vor.u32 $0x380, v7;
	v4 =	vld.idx.msk [tilespmem:v62+s4+$0x0], $0xffff  }
0x3be: {  	v50 =	vor.u32 $0x380, v6;
	v56 =	vor.u32 $0x80, v2;
	v2 =	vld.idx.msk [tilespmem:v63+s4+$0x0], $0xffff  }
0x3bf: {  	v55 =	vor.u32 $0x200, v6;
	v49 =	vld.idx.msk [tilespmem:v49+s4+$0x0], $0xffff  }
0x3c0: {  	v57 =	vor.u32 $0x280, v6;
	v52 =	vld.idx.msk [tilespmem:v52+s4+$0x0], $0xffff  }
0x3c1: {  	v6 =	vor.u32 $0x300, v6;
	v54 =	vld.idx.msk [tilespmem:v54+s4+$0x0], $0xffff  }
0x3c2: {  	v7 =	vld.idx.msk [tilespmem:v7+s4+$0x0], $0xffff  }
0x3c3: {  	v50 =	vld.idx.msk [tilespmem:v50+s4+$0x0], $0xffff  }
0x3c4: {  	v60 =	vld.idx.msk [tilespmem:v55+s4+$0x0], $0xffff  }
0x3c5: {  	v57 =	vld.idx.msk [tilespmem:v57+s4+$0x0], $0xffff  }
0x3c6: {  	s18 =	sadd.s32 $0x400, s18;
	v6 =	vld.idx.msk [tilespmem:v6+s4+$0x0], $0xffff  }
0x3c7: {  	v61 =	vld.idx.msk [tilespmem:v56+s4+$0x0], $0xffff;
	[tilespmem:s18+$0xFFFFFE00] =	vst v9  }
0x3c8: {  	[tilespmem:s18+$0xFFFFFF00] =	vst v11  }
0x3c9: {  	[tilespmem:s18+$0x0] =	vst v10  }
0x3ca: {  	[tilespmem:s18+$0x100] =	vst v13  }
0x3cb: {  	v63 =	vmax.f32 v17, v25;
	[tilespmem:s18+$0xFFFFFE10] =	vst v12  }
0x3cc: {  	v14 =	vmax.f32 v14, v21;
	v5 =	vadd.f32 v37, v5;
	[tilespmem:s18+$0xFFFFFF10] =	vst v63  }
0x3cd: {  	v17 =	vmax.f32 v15, v20;
	[tilespmem:s18+$0x110] =	vst v14  }
0x3ce: {  	v32 =	vadd.f32 v35, v32;
	v35 =	vmul.f32 $2.000000030e-01, v5;
	v20 =	vmax.f32 v16, v19;
	[tilespmem:s18+$0xFFFFFE20] =	vst v17  }
0x3cf: {  	v21 =	vadd.f32 v34, v31;
	v31 =	vmax.f32 v23, v29;
	[tilespmem:s18+$0xFFFFFF20] =	vst v20  }
0x3d0: {  	v5 =	vmax.f32 v5, v35;
	[tilespmem:s18+$0xFFFFFE30] =	vst v31  }
0x3d1: {  	v34 =	vadd.f32 v40, v39;
	v13 =	vmax.f32 v24, v28;
	[tilespmem:s18+$0xFFFFFE40] =	vst v5  }
0x3d2: {  	v25 =	vmul.f32 $2.000000030e-01, v26;
	v3 =	vadd.f32 v43, v3;
	v24 =	vmax.f32 v18, v27;
	[tilespmem:s18+$0x10] =	vst v13  }
0x3d3: {  	v37 =	vmul.f32 $2.000000030e-01, v32;
	v39 =	vmul.f32 $2.000000030e-01, v34;
	v28 =	vmax.f32 v22, v30;
	[tilespmem:s18+$0x20] =	vst v24  }
0x3d4: {  	v27 =	vadd.f32 v36, v33;
	v30 =	vmul.f32 $2.000000030e-01, v21;
	v9 =	vmax.f32 v26, v25;
	[tilespmem:s18+$0x120] =	vst v28  }
0x3d5: {  	v36 =	vadd.f32 v42, v41;
	v11 =	vmax.f32 v32, v37;
	v42 =	vmul.f32 $2.000000030e-01, v3;
	[tilespmem:s18+$0xFFFFFF30] =	vst v9  }
0x3d6: {  	v41 =	vadd.f32 v45, v44;
	v43 =	vadd.f32 v47, v46;
	[tilespmem:s18+$0xFFFFFF40] =	vst v11;
	v10 =	vmax.f32 v21, v30  }
0x3d7: {  	v8 =	vadd.f32 v38, v8;
	v33 =	vmul.f32 $2.000000030e-01, v27;
	v3 =	vmax.f32 v3, v42;
	[tilespmem:s18+$0x30] =	vst v10  }
0x3d8: {  	v40 =	vmul.f32 $2.000000030e-01, v36;
	v44 =	vmul.f32 $2.000000030e-01, v41;
	v10 =	vmax.f32 v34, v39;
	[tilespmem:s18+$0xFFFFFE50] =	vst v3  }
0x3d9: {  	v45 =	vmul.f32 $2.000000030e-01, v43;
	v46 =	vmul.f32 $2.000000030e-01, v8;
	v12 =	vmax.f32 v27, v33;
	[tilespmem:s18+$0x40] =	vst v10  }
0x3da: {  	v1 =	vadd.f32 v49, v1;
	v47 =	vadd.f32 v52, v51;
	v9 =	vmax.f32 v36, v40;
	[tilespmem:s18+$0x130] =	vst v12  }
0x3db: {  	v49 =	vadd.f32 v54, v53;
	v4 =	vadd.f32 v7, v4;
	v11 =	vmax.f32 v41, v44;
	[tilespmem:s18+$0x140] =	vst v9  }
0x3dc: {  	v48 =	vadd.f32 v50, v48;
	v10 =	vmax.f32 v43, v45;
	[tilespmem:s18+$0xFFFFFF50] =	vst v11;
	v51 =	vmul.f32 $2.000000030e-01, v47  }
0x3dd: {  	v5 =	vmax.f32 v8, v46;
	v0 =	vadd.f32 v60, v0;
	[tilespmem:s18+$0x50] =	vst v10;
	v52 =	vmul.f32 $2.000000030e-01, v49  }
0x3de: {  	v2 =	vadd.f32 v6, v2;
	[tilespmem:s18+$0x150] =	vst v5;
	v54 =	vmul.f32 $2.000000030e-01, v4;
	v53 =	vmax.f32 v47, v51  }
0x3df: {  	v56 =	vadd.f32 v57, v61;
	v62 =	vmul.f32 $2.000000030e-01, v48;
	v57 =	vmax.f32 v49, v52;
	[tilespmem:s18+$0xFFFFFF60] =	vst v53  }
0x3e0: {  	v58 =	vmul.f32 $2.000000030e-01, v0;
	v59 =	vmax.f32 v4, v54;
	[tilespmem:s18+$0x60] =	vst v57  }
0x3e1: {  	v61 =	vmul.f32 $2.000000030e-01, v2;
	v48 =	vmax.f32 v48, v62;
	[tilespmem:s18+$0x160] =	vst v59  }
0x3e2: {  	v60 =	vmul.f32 $2.000000030e-01, v56;
	v0 =	vmax.f32 v0, v58;
	[tilespmem:s18+$0x170] =	vst v48  }
0x3e3: {  	v63 =	vmax.f32 v2, v61;
	v48 =	vmul.f32 $2.000000030e-01, v1;
	[tilespmem:s18+$0xFFFFFE70] =	vst v0  }
0x3e4: {  	v62 =	vmax.f32 v56, v60;
	[tilespmem:s18+$0x70] =	vst v63  }
0x3e5: {  	s17 =	sadd.s32 s17, s31;
	s20 =	simm.s32 $0x15680;
	[tilespmem:s18+$0xFFFFFF70] =	vst v62;
	v1 =	vmax.f32 v1, v48  }
0x3e6: {  	s21 =	simm.s32 $0x15780;
	s22 =	sadd.s32 $0x0, s17;
	[tilespmem:s18+$0xFFFFFE60] =	vst v1;
	s18 =	simm.s32 $0x10  }
.LBB2_29:
0x3e7: {  	[hbm4b:s22+s4] =	stream.linear.scatter [tilespmem:s20], [sflag:$0x5], $0x80, $0x38;
	[tilespmem:$0x18D00] =	vst v63  }
0x3e8: {  	s22 =	smov.u32 s18;
	s20 =	smov.u32 s21;
	p2 =	sne.s32 s18, $0x330  }
.Ltmp13:
0x3e9: {  	s18 =	sadd.s32 $0x10, s18;
	(pc) =	sbr.rel @p2 .LBB2_29-.Ltmp13, $2  }
0x3ea: {  	_ =	sdelay $0x2  }
0x3eb: {  	s21 =	sadd.s32 $0x100, s21;
	s22 =	sadd.s32 s22, s17  }
0x3ec: {  	[hbm4b:s22+s4] =	stream.linear.scatter [tilespmem:s20], [sflag:$0x5], $0x80, $0x38;
	[tilespmem:$0x18D00] =	vst v63  }
0x3ed: {  	s17 =	sshll.u32 @!p1 s19, $0x5  }
0x3ee: {  	s17 =	sand.u32 @!p1 $0x1FFFFFE0, s17  }
0x3ef: {  	s17 =	sadd.s32 @!p1 s1, s17  }
0x3f0: {  	s18 =	simm.s32 @!p1 $0x0;
	s20 =	simm.s32 @!p1 $0x13C80;
	s19 =	sadd.s32 @!p1 $0x4E0, s17  }
0x3f1: {  	[tilespmem:s20], [sflag:$0x3] =	stream.linear.gather @!p1 [hbm4b:s19+s18], $0x80, $0x38;
	[tilespmem:$0x18D00] =	vst v63  }
0x3f2: {  	s19 =	sadd.s32 @!p1 $0x500, s17;
	s20 =	simm.s32 @!p1 $0x13D80  }
0x3f3: {  	[tilespmem:s20], [sflag:$0x3] =	stream.linear.gather @!p1 [hbm4b:s19+s18], $0x80, $0x38;
	[tilespmem:$0x18D00] =	vst v63  }
0x3f4: {  	s19 =	sadd.s32 @!p1 $0x520, s17;
	s20 =	simm.s32 @!p1 $0x13E80  }
0x3f5: {  	[tilespmem:s20], [sflag:$0x3] =	stream.linear.gather @!p1 [hbm4b:s19+s18], $0x80, $0x38;
	[tilespmem:$0x18D00] =	vst v63  }
0x3f6: {  	s19 =	sadd.s32 @!p1 $0x540, s17;
	s20 =	simm.s32 @!p1 $0x13F80  }
0x3f7: {  	[tilespmem:s20], [sflag:$0x3] =	stream.linear.gather @!p1 [hbm4b:s19+s18], $0x80, $0x38;
	[tilespmem:$0x18D00] =	vst v63  }
0x3f8: {  	s19 =	sadd.s32 @!p1 $0x560, s17;
	s20 =	simm.s32 @!p1 $0x14080  }
0x3f9: {  	[tilespmem:s20], [sflag:$0x3] =	stream.linear.gather @!p1 [hbm4b:s19+s18], $0x80, $0x38;
	[tilespmem:$0x18D00] =	vst v63  }
0x3fa: {  	s19 =	sadd.s32 @!p1 $0x580, s17;
	s20 =	simm.s32 @!p1 $0x14180  }
0x3fb: {  	[tilespmem:s20], [sflag:$0x3] =	stream.linear.gather @!p1 [hbm4b:s19+s18], $0x80, $0x38;
	[tilespmem:$0x18D00] =	vst v63  }
0x3fc: {  	s19 =	sadd.s32 @!p1 $0x5A0, s17;
	s20 =	simm.s32 @!p1 $0x14280  }
0x3fd: {  	[tilespmem:s20], [sflag:$0x3] =	stream.linear.gather @!p1 [hbm4b:s19+s18], $0x80, $0x38;
	[tilespmem:$0x18D00] =	vst v63  }
0x3fe: {  	s19 =	sadd.s32 @!p1 $0x5C0, s17;
	s20 =	simm.s32 @!p1 $0x14380  }
0x3ff: {  	[tilespmem:s20], [sflag:$0x3] =	stream.linear.gather @!p1 [hbm4b:s19+s18], $0x80, $0x38;
	[tilespmem:$0x18D00] =	vst v63  }
0x400: {  	s19 =	sadd.s32 @!p1 $0x5E0, s17;
	s20 =	simm.s32 @!p1 $0x14480  }
0x401: {  	[tilespmem:s20], [sflag:$0x3] =	stream.linear.gather @!p1 [hbm4b:s19+s18], $0x80, $0x38;
	[tilespmem:$0x18D00] =	vst v63  }
0x402: {  	s19 =	sadd.s32 @!p1 $0x600, s17;
	s20 =	simm.s32 @!p1 $0x14580  }
0x403: {  	[tilespmem:s20], [sflag:$0x3] =	stream.linear.gather @!p1 [hbm4b:s19+s18], $0x80, $0x38;
	[tilespmem:$0x18D00] =	vst v63  }
0x404: {  	s19 =	sadd.s32 @!p1 $0x620, s17;
	s20 =	simm.s32 @!p1 $0x14680  }
0x405: {  	[tilespmem:s20], [sflag:$0x3] =	stream.linear.gather @!p1 [hbm4b:s19+s18], $0x80, $0x38;
	[tilespmem:$0x18D00] =	vst v63  }
0x406: {  	s19 =	sadd.s32 @!p1 $0x640, s17;
	s20 =	simm.s32 @!p1 $0x14780  }
0x407: {  	[tilespmem:s20], [sflag:$0x3] =	stream.linear.gather @!p1 [hbm4b:s19+s18], $0x80, $0x38;
	[tilespmem:$0x18D00] =	vst v63  }
0x408: {  	s19 =	sadd.s32 @!p1 $0x660, s17;
	s20 =	simm.s32 @!p1 $0x14880  }
0x409: {  	[tilespmem:s20], [sflag:$0x3] =	stream.linear.gather @!p1 [hbm4b:s19+s18], $0x80, $0x38;
	[tilespmem:$0x18D00] =	vst v63  }
0x40a: {  	s19 =	sadd.s32 @!p1 $0x4F0, s17;
	s20 =	simm.s32 @!p1 $0x14980  }
0x40b: {  	[tilespmem:s20], [sflag:$0x3] =	stream.linear.gather @!p1 [hbm4b:s19+s18], $0x80, $0x38;
	[tilespmem:$0x18D00] =	vst v63  }
0x40c: {  	s19 =	sadd.s32 @!p1 $0x510, s17;
	s20 =	simm.s32 @!p1 $0x14A80  }
0x40d: {  	[tilespmem:s20], [sflag:$0x3] =	stream.linear.gather @!p1 [hbm4b:s19+s18], $0x80, $0x38;
	[tilespmem:$0x18D00] =	vst v63  }
0x40e: {  	s19 =	sadd.s32 @!p1 $0x530, s17;
	s20 =	simm.s32 @!p1 $0x14B80  }
0x40f: {  	[tilespmem:s20], [sflag:$0x3] =	stream.linear.gather @!p1 [hbm4b:s19+s18], $0x80, $0x38;
	[tilespmem:$0x18D00] =	vst v63  }
0x410: {  	s19 =	sadd.s32 @!p1 $0x550, s17;
	s20 =	simm.s32 @!p1 $0x14C80  }
0x411: {  	[tilespmem:s20], [sflag:$0x3] =	stream.linear.gather @!p1 [hbm4b:s19+s18], $0x80, $0x38;
	[tilespmem:$0x18D00] =	vst v63  }
0x412: {  	s19 =	sadd.s32 @!p1 $0x570, s17;
	s20 =	simm.s32 @!p1 $0x14D80  }
0x413: {  	[tilespmem:s20], [sflag:$0x3] =	stream.linear.gather @!p1 [hbm4b:s19+s18], $0x80, $0x38;
	[tilespmem:$0x18D00] =	vst v63  }
0x414: {  	s19 =	sadd.s32 @!p1 $0x590, s17;
	s20 =	simm.s32 @!p1 $0x14E80  }
0x415: {  	[tilespmem:s20], [sflag:$0x3] =	stream.linear.gather @!p1 [hbm4b:s19+s18], $0x80, $0x38;
	[tilespmem:$0x18D00] =	vst v63  }
0x416: {  	s19 =	sadd.s32 @!p1 $0x5B0, s17;
	s20 =	simm.s32 @!p1 $0x14F80  }
0x417: {  	[tilespmem:s20], [sflag:$0x3] =	stream.linear.gather @!p1 [hbm4b:s19+s18], $0x80, $0x38;
	[tilespmem:$0x18D00] =	vst v63  }
0x418: {  	s19 =	sadd.s32 @!p1 $0x5D0, s17;
	s20 =	simm.s32 @!p1 $0x15080  }
0x419: {  	[tilespmem:s20], [sflag:$0x3] =	stream.linear.gather @!p1 [hbm4b:s19+s18], $0x80, $0x38;
	[tilespmem:$0x18D00] =	vst v63  }
0x41a: {  	s19 =	sadd.s32 @!p1 $0x5F0, s17;
	s20 =	simm.s32 @!p1 $0x15180  }
0x41b: {  	[tilespmem:s20], [sflag:$0x3] =	stream.linear.gather @!p1 [hbm4b:s19+s18], $0x80, $0x38;
	[tilespmem:$0x18D00] =	vst v63  }
0x41c: {  	s19 =	sadd.s32 @!p1 $0x610, s17;
	s20 =	simm.s32 @!p1 $0x15280  }
0x41d: {  	[tilespmem:s20], [sflag:$0x3] =	stream.linear.gather @!p1 [hbm4b:s19+s18], $0x80, $0x38;
	[tilespmem:$0x18D00] =	vst v63  }
0x41e: {  	s19 =	sadd.s32 @!p1 $0x630, s17;
	s20 =	simm.s32 @!p1 $0x15380  }
0x41f: {  	[tilespmem:s20], [sflag:$0x3] =	stream.linear.gather @!p1 [hbm4b:s19+s18], $0x80, $0x38;
	[tilespmem:$0x18D00] =	vst v63  }
0x420: {  	s19 =	sadd.s32 @!p1 $0x650, s17;
	s20 =	simm.s32 @!p1 $0x15480  }
0x421: {  	[tilespmem:s20], [sflag:$0x3] =	stream.linear.gather @!p1 [hbm4b:s19+s18], $0x80, $0x38;
	[tilespmem:$0x18D00] =	vst v63  }
0x422: {  	p2 =	sne.s32 @!p1 s2, $0x3;
	s17 =	sadd.s32 @!p1 $0x670, s17;
	s19 =	simm.s32 @!p1 $0x15580  }
0x423: {  	[tilespmem:s19], [sflag:$0x3] =	stream.linear.gather @!p1 [hbm4b:s17+s18], $0x80, $0x38;
	[tilespmem:$0x18D00] =	vst v63  }
0x424: {  	p1 =	por p1, !p2  }
.Ltmp14:
0x425: {  	_ = 	snop;
	(pc) =	sbr.rel @!p1 .LBB2_20-.Ltmp14, $1  }
0x426: {  	_ =	sdelay $0x3  }
0x427: {  	s2 =	simm.s32 $0x4  }
0x428: {  	_ =	swait.ge [sflag:s2], $0x1A00  }
0x429: {  	[sflag:s2] =	ssyncset.done $0x0  }
0x42a: {  	s23 =	simm.s32 $0x5;
	[sflag:s2] =	ssyncadd.s32 $0xFFFFE600  }
0x42b: {  	_ =	swait.ge [sflag:s23], $0x1A00  }
0x42c: {  	[sflag:s23] =	ssyncset.done $0x0  }
0x42d: {  	s2 =	simm.s32 @!p0 $0x7;
	[sflag:s23] =	ssyncadd.s32 $0xFFFFE600  }
0x42e: {  	_ =	swait.ge @!p0 [sflag:s2], $0x200  }
0x42f: {  	s18 =	rddreg [dreg:$0x10]  }
0x430: {  	s17 =	rddreg [dreg:$0x8];
	s18 =	sadd.s32 $0x1, s18  }
0x431: {  	p1 =	sne.s32 s18, s17  }
.Ltmp15:
0x432: {  	_ = 	snop;
	(pc) =	sbr.rel @p1 .LBB2_1-.Ltmp15, $3  }
0x433: {  	_ =	sdelay $0x1  }
0x434: {  	[sflag:s2] =	ssyncset.done @!p0 $0x0  }
0x435: {  	[sflag:s2] =	ssyncadd.s32 @!p0 $0xFFFFFE00  }
0x436: {  	_ =	sfence.sel $0x180000  }
0x437: {  	[bflag:$0x0] =	sbarrier.arrive $0xFFFF  }
0x438: {  	_ =	strace $0x90000047  }
0x439: {  	s0 =	stileid.u32;
	[bflag:$0x2] =	sbarrier.arrive $0xFFFF  }
0x43a: {  	p0 =	sne.s32 s0, $0x0;
	s0 =	rddreg [dreg:$0x3]  }
0x43b: {  	s0 =	sadd.s32 @!p0 $0x100000, s0  }
0x43c: {  	[sflag:s0] =	ssyncadd.tile.s32 @!p0 $0x1;
	_ =	shalt  }
.Lfunc_end2:
_tile_overlayer_lowered:
.L_overlay_start_2:
0x43d: {  	(tag) =	ssettag $0x2  }
0x43e: {  	s0 =	rddreg [dreg:$0x0];
	s2 =	stileid.u32  }
0x43f: {  	s1 =	rddreg [dreg:$0x1];
	p0 =	sne.s32 s2, $0x0  }
0x440: {  	s3 =	rddreg [dreg:$0x2];
	[bflag:$0x3] =	sbarrier.arrive $0xFFFF;
	s2 =	simm.s32 @!p0 $0x1C08  }
0x441: {  	[timem:s3], [sflag:s2] =	dma.local @!p0 [hbm:s0], s1  }
0x442: {  	s0 =	simm.s32 @!p0 $0x8  }
0x443: {  	_ =	swait.ge @!p0 [sflag:s0], s1  }
0x444: {  	s1 =	ssub.s32 @!p0 $0x0, s1;
	[sflag:s0] =	ssyncset.done @!p0 $0x0  }
0x445: {  	[sflag:s0] =	ssyncadd.s32 @!p0 s1  }
0x446: {  	[bflag:$0x3] =	sbarrier.arrive $0xFFFF  }
0x447: {  	_ =	shalt  }

</sc_bundles>
